<compile_context>
chip_gen: v7x
topology: tpu7x:2x2x1
jax: 0.10.2.dev20260603
libtpu: 0.0.44.dev20260713+nightly
codegen_flags: <defaults>
</compile_context>

<pallas_src>
import jax
import jax.numpy as jnp
from jax.experimental import pallas as pl
from jax.experimental.pallas import tpu as pltpu

_B = 32
_P = 8732
_NOBJ = 16
_NCLS = 81
_ROWS = 72
_LANES = 128
_PPAD = _ROWS * _LANES
_THRESH = 0.5
_NEG_RATIO = 3.0
_NTILES = 69


def _rmax(x):
    return jnp.max(jnp.max(x, axis=1, keepdims=True), axis=0, keepdims=True)


def _rmin(x):
    return jnp.min(jnp.min(x, axis=1, keepdims=True), axis=0, keepdims=True)


def _rsum(x):
    return jnp.sum(jnp.sum(x, axis=1, keepdims=True), axis=0, keepdims=True)


def _mbl_kernel(boxes_ref, labels_ref, pcxcy_ref, plocs_ref, scores_ref,
                out_ref):
    ridx = jax.lax.broadcasted_iota(jnp.int32, (_ROWS, _LANES), 0)
    cidx = jax.lax.broadcasted_iota(jnp.int32, (_ROWS, _LANES), 1)
    pidx_i = ridx * _LANES + 2 * (cidx % 64) + cidx // 64
    pidx = pidx_i.astype(jnp.float32)
    valid = pidx < float(_P)

    pcx = pcxcy_ref[0]
    pcy = pcxcy_ref[1]
    pw = pcxcy_ref[2]
    ph = pcxcy_ref[3]
    px0 = pcx - pw * 0.5
    py0 = pcy - ph * 0.5
    px1 = pcx + pw * 0.5
    py1 = pcy + ph * 0.5
    parea = pw * ph

    zero = jnp.zeros((_ROWS, _LANES), jnp.float32)
    ove_m = jnp.full((_ROWS, _LANES), -1.0, jnp.float32)
    lbl_m = zero
    bx0_m = zero
    by0_m = zero
    bx1_m = zero
    by1_m = zero
    forced = zero
    lbl_f = zero
    bx0_f = zero
    by0_f = zero
    bx1_f = zero
    by1_f = zero

    for o in range(_NOBJ):
        bx0 = boxes_ref[0, o, 0]
        by0 = boxes_ref[0, o, 1]
        bx1 = boxes_ref[0, o, 2]
        by1 = boxes_ref[0, o, 3]
        lbl_o = labels_ref[0, 0, o].astype(jnp.float32)
        barea = (bx1 - bx0) * (by1 - by0)
        iw = jnp.maximum(jnp.minimum(px1, bx1) - jnp.maximum(px0, bx0), 0.0)
        ih = jnp.maximum(jnp.minimum(py1, by1) - jnp.maximum(py0, by0), 0.0)
        inter = iw * ih
        iou = inter / (parea + barea - inter)
        row = jnp.where(valid, iou, -1.0)
        upd = row > ove_m
        ove_m = jnp.where(upd, row, ove_m)
        lbl_m = jnp.where(upd, lbl_o, lbl_m)
        bx0_m = jnp.where(upd, bx0, bx0_m)
        by0_m = jnp.where(upd, by0, by0_m)
        bx1_m = jnp.where(upd, bx1, bx1_m)
        by1_m = jnp.where(upd, by1, by1_m)
        rmax = _rmax(row)
        p_o = _rmin(jnp.where(row == rmax, pidx, 1e9))
        fmask = pidx == p_o
        forced = jnp.where(fmask, 1.0, forced)
        lbl_f = jnp.where(fmask, lbl_o, lbl_f)
        bx0_f = jnp.where(fmask, bx0, bx0_f)
        by0_f = jnp.where(fmask, by0, by0_f)
        bx1_f = jnp.where(fmask, bx1, bx1_f)
        by1_f = jnp.where(fmask, by1, by1_f)

    isf = forced > 0.0
    ove = jnp.where(isf, 1.0, ove_m)
    lbl = jnp.where(isf, lbl_f, lbl_m)
    gx0 = jnp.where(isf, bx0_f, bx0_m)
    gy0 = jnp.where(isf, by0_f, by0_m)
    gx1 = jnp.where(isf, bx1_f, bx1_m)
    gy1 = jnp.where(isf, by1_f, by1_m)
    lbl = jnp.where(ove < _THRESH, 0.0, lbl)
    positive = lbl > 0.0

    cx = (gx0 + gx1) * 0.5
    cy = (gy0 + gy1) * 0.5
    w = gx1 - gx0
    h = gy1 - gy0
    t0 = (cx - pcx) / (pw * 0.1)
    t1 = (cy - pcy) / (ph * 0.1)
    t2 = jnp.log(w / pw) * 5.0
    t3 = jnp.log(h / ph) * 5.0
    la = (jnp.abs(plocs_ref[0, 0] - t0) + jnp.abs(plocs_ref[0, 1] - t1) +
          jnp.abs(plocs_ref[0, 2] - t2) + jnp.abs(plocs_ref[0, 3] - t3))
    loc_sum = _rsum(jnp.where(positive, la, 0.0))
    n_posf = _rsum(jnp.where(positive, 1.0, 0.0))

    ciota = jax.lax.broadcasted_iota(jnp.int32, (_NCLS, _LANES), 0)
    ce_rows = []
    for r in range(_NTILES):
        qbase = r * 64 if r < 68 else _P // 2 - 64
        q = scores_ref[0, qbase:qbase + 64, :]
        nat = jnp.concatenate([q[:, :_NCLS], q[:, _NCLS:]], axis=0)
        t = jnp.transpose(nat)
        mrow = jnp.max(t, axis=0, keepdims=True)
        arow = jnp.sum(jnp.exp(t - mrow), axis=0, keepdims=True)
        lrow = lbl[r:r + 1, :].astype(jnp.int32)
        if r == 68:
            lrow = pltpu.roll(lrow, 50, axis=1)
        srow = jnp.sum(jnp.where(ciota == lrow, t, 0.0), axis=0,
                       keepdims=True)
        crow = mrow + jnp.log(arow) - srow
        if r == 68:
            crow = pltpu.roll(crow, 78, axis=1)
        ce_rows.append(crow)
    ce_rows.append(jnp.zeros((3, _LANES), jnp.float32))
    ce = jnp.concatenate(ce_rows, axis=0)
    pos_sum = _rsum(jnp.where(positive, ce, 0.0))
    vneg = jnp.where(jnp.logical_and(valid, jnp.logical_not(positive)), ce,
                     zero)
    vneg = jnp.maximum(vneg, 0.0)

    u = jax.lax.bitcast_convert_type(vneg, jnp.int32)
    k = jnp.minimum(_NEG_RATIO * n_posf, float(_P))
    prefix = jnp.zeros((1, 1), jnp.int32)
    for b in range(29, -1, -2):
        c01 = prefix | jnp.int32(1 << b)
        c10 = prefix | jnp.int32(2 << b)
        c11 = prefix | jnp.int32(3 << b)
        n01 = _rsum(jnp.where(u >= c01, 1.0, 0.0))
        n10 = _rsum(jnp.where(u >= c10, 1.0, 0.0))
        n11 = _rsum(jnp.where(u >= c11, 1.0, 0.0))
        prefix = jnp.where(n11 >= k, c11,
                           jnp.where(n10 >= k, c10,
                                     jnp.where(n01 >= k, c01, prefix)))
    cand0 = prefix | jnp.int32(1)
    cnt0 = _rsum(jnp.where(u >= cand0, 1.0, 0.0))
    prefix = jnp.where(cnt0 >= k, cand0, prefix)
    tval = jax.lax.bitcast_convert_type(prefix, jnp.float32)
    gt = u > prefix
    cnt_gt = _rsum(jnp.where(gt, 1.0, 0.0))
    sum_gt = _rsum(jnp.where(gt, vneg, 0.0))
    hard_sum = sum_gt + (k - cnt_gt) * tval

    loss = (hard_sum + pos_sum) / n_posf + loc_sum / (n_posf * 4.0)
    out_ref[0] = jnp.broadcast_to(loss, (8, _LANES))


def _plane_perm():
    i = jnp.arange(_PPAD, dtype=jnp.int32)
    r = i // _LANES
    c = i % _LANES
    p = r * _LANES + 2 * (c % 64) + c // 64
    return jnp.minimum(p, _P - 1)


def kernel(predicted_locs, predicted_scores, boxes, labels, priors_cxcy):
    perm = _plane_perm()
    pc = jnp.take(jnp.transpose(priors_cxcy), perm, axis=1)
    pc = pc.reshape(4, _ROWS, _LANES)
    pl_t = jnp.take(jnp.transpose(predicted_locs, (0, 2, 1)), perm, axis=2)
    pl_t = pl_t.reshape(_B, 4, _ROWS, _LANES)
    sc2 = predicted_scores.reshape(_B, _P // 2, 2 * _NCLS)
    labels32 = labels.astype(jnp.int32).reshape(_B, 1, _NOBJ)

    out = pl.pallas_call(
        _mbl_kernel,
        grid=(_B,),
        in_specs=[
            pl.BlockSpec((1, _NOBJ, 4), lambda b: (b, 0, 0),
                         memory_space=pltpu.SMEM),
            pl.BlockSpec((1, 1, _NOBJ), lambda b: (b, 0, 0),
                         memory_space=pltpu.SMEM),
            pl.BlockSpec((4, _ROWS, _LANES), lambda b: (0, 0, 0)),
            pl.BlockSpec((1, 4, _ROWS, _LANES), lambda b: (b, 0, 0, 0)),
            pl.BlockSpec((1, _P // 2, 2 * _NCLS), lambda b: (b, 0, 0)),
        ],
        out_specs=pl.BlockSpec((1, 8, _LANES), lambda b: (b, 0, 0)),
        out_shape=jax.ShapeDtypeStruct((_B, 8, _LANES), jnp.float32),
    )(boxes, labels32, pc, pl_t, sc2)
    return out[:, 0, 0]

# --- scband reference (transcript-rebuilt; emitter-appended) ---
"""Pipeline reference for scband-multi-box-loss-472446403240 (READ-ONLY COPY).

The authoritative reference and input builder live on the scoring server;
editing this copy changes nothing except your own understanding.
"""

import jax, jax.numpy as jnp
import numpy as np

B = 32
P = 8732
N_OBJ = 16
N_CLASSES = 81
THRESHOLD = 0.5
NEG_POS_RATIO = 3
ALPHA = 1.0


def cxcy_to_xy(cxcy):
    return jnp.concatenate([cxcy[..., :2] - cxcy[..., 2:] / 2.0,
                            cxcy[..., :2] + cxcy[..., 2:] / 2.0], axis=-1)


def xy_to_cxcy(xy):
    return jnp.concatenate([(xy[..., :2] + xy[..., 2:]) / 2.0,
                            xy[..., 2:] - xy[..., :2]], axis=-1)


def cxcy_to_gcxgcy(cxcy, priors_cxcy):
    return jnp.concatenate([(cxcy[..., :2] - priors_cxcy[..., :2]) / (priors_cxcy[..., 2:] / 10.0),
                            jnp.log(cxcy[..., 2:] / priors_cxcy[..., 2:]) * 5.0], axis=-1)


def find_jaccard_overlap(set1, set2):
    lower = jnp.maximum(set1[:, None, :2], set2[None, :, :2])
    upper = jnp.minimum(set1[:, None, 2:], set2[None, :, 2:])
    inter = jnp.prod(jnp.clip(upper - lower, 0.0, None), axis=-1)
    area1 = jnp.prod(set1[:, 2:] - set1[:, :2], axis=-1)
    area2 = jnp.prod(set2[:, 2:] - set2[:, :2], axis=-1)
    union = area1[:, None] + area2[None, :] - inter
    return inter / union


def _multibox_loss(predicted_locs, predicted_scores, boxes, labels, priors_cxcy):
    priors_xy = cxcy_to_xy(priors_cxcy)

    def per_image(boxes_i, labels_i):
        overlap = find_jaccard_overlap(boxes_i, priors_xy)  # [N_OBJ, P]
        overlap_for_each_prior = overlap.max(axis=0)
        object_for_each_prior = jnp.argmax(overlap, axis=0)
        prior_for_each_object = jnp.argmax(overlap, axis=1)
        object_for_each_prior = object_for_each_prior.at[prior_for_each_object].set(jnp.arange(N_OBJ))
        overlap_for_each_prior = overlap_for_each_prior.at[prior_for_each_object].set(1.0)
        label_for_each_prior = labels_i[object_for_each_prior]
        label_for_each_prior = jnp.where(overlap_for_each_prior < THRESHOLD, 0, label_for_each_prior)
        true_locs_i = cxcy_to_gcxgcy(xy_to_cxcy(boxes_i[object_for_each_prior]), priors_cxcy)
        return label_for_each_prior, true_locs_i

    true_classes, true_locs = jax.vmap(per_image)(boxes, labels)  # [B,P], [B,P,4]

    positive = true_classes != 0
    posf = positive.astype(jnp.float32)
    n_pos = positive.sum(axis=1)
    n_posf = n_pos.astype(jnp.float32)

    # localization loss: L1 mean over positive priors (n_pos * 4 elements)
    loc_abs = jnp.abs(predicted_locs - true_locs).sum(axis=-1)  # [B,P]
    loc_loss = (loc_abs * posf).sum(axis=1) / (n_posf * 4.0)

    # confidence loss, unreduced cross-entropy
    logp = jax.nn.log_softmax(predicted_scores, axis=-1)
    conf_loss_all = -jnp.take_along_axis(logp, true_classes[..., None], axis=-1)[..., 0]  # [B,P]

    conf_loss_pos = (conf_loss_all * posf).sum(axis=1)

    conf_loss_neg = jnp.where(positive, 0.0, conf_loss_all)
    conf_loss_neg = -jnp.sort(-conf_loss_neg, axis=1)  # descending
    n_hard_negatives = NEG_POS_RATIO * n_pos
    hardness_ranks = jnp.arange(P)[None, :]
    hard_negatives = hardness_ranks < n_hard_negatives[:, None]
    conf_loss_hard_neg = (conf_loss_neg * hard_negatives.astype(jnp.float32)).sum(axis=1)

    conf_loss = (conf_loss_hard_neg + conf_loss_pos) / n_posf
    return conf_loss + ALPHA * loc_loss


def setup_inputs(seed: int = 0):
    key = jax.random.key(seed)
    ks = jax.random.split(key, 8)
    predicted_locs = jax.random.normal(ks[0], (B, P, 4), dtype=jnp.float32)
    predicted_scores = jax.random.normal(ks[1], (B, P, N_CLASSES), dtype=jnp.float32)
    centers = jax.random.uniform(ks[2], (B, N_OBJ, 2), minval=0.2, maxval=0.8, dtype=jnp.float32)
    sizes = jax.random.uniform(ks[3], (B, N_OBJ, 2), minval=0.05, maxval=0.3, dtype=jnp.float32)
    boxes = jnp.concatenate([centers - sizes / 2.0, centers + sizes / 2.0], axis=-1)
    labels = jax.random.randint(ks[4], (B, N_OBJ), 1, N_CLASSES)  # object classes are 1..C-1 (0 = background)
    p_xy = jax.random.uniform(ks[5], (P, 2), minval=0.0, maxval=1.0, dtype=jnp.float32)
    p_wh = jax.random.uniform(ks[6], (P, 2), minval=0.05, maxval=0.5, dtype=jnp.float32)
    priors_cxcy = jnp.concatenate([p_xy, p_wh], axis=-1)
    return {"predicted_locs": predicted_locs, "predicted_scores": predicted_scores,
            "boxes": boxes, "labels": labels, "priors_cxcy": priors_cxcy}


def reference(predicted_locs, predicted_scores, boxes, labels, priors_cxcy):
    return _multibox_loss(predicted_locs, predicted_scores, boxes, labels, priors_cxcy)

if __name__ == "__main__":
    import jax
    _d = setup_inputs()
    print(jax.jit(kernel)(*tuple(_d.values())))

</pallas_src>

<mosaic_0001>
module attributes {stable_mosaic.version = 14 : i64} {
  func.func @_mbl_kernel(%arg0: i32, %arg1: memref<1x16x4xf32, #tpu.memory_space<smem>>, %arg2: memref<1x1x16xi32, #tpu.memory_space<smem>>, %arg3: memref<4x72x128xf32, #tpu.memory_space<vmem>>, %arg4: memref<1x4x72x128xf32, #tpu.memory_space<vmem>>, %arg5: memref<1x4366x162xf32, #tpu.memory_space<vmem>>, %arg6: memref<1x8x128xf32, #tpu.memory_space<vmem>>) attributes {dimension_semantics = [#tpu.dimension_semantics<arbitrary>], iteration_bounds = array<i64: 32>, scalar_prefetch = 0 : i64, scratch_operands = 0 : i64, tpu.core_type = #tpu.core_type<tc>, window_params = [{transform_indices = @transform_0, window_bounds = array<i64: 1, 16, 4>}, {transform_indices = @transform_1, window_bounds = array<i64: 1, 1, 16>}, {pipeline_mode = #tpu.pipeline_mode<synchronous>, transform_indices = @transform_2, window_bounds = array<i64: 4, 72, 128>}, {transform_indices = @transform_3, window_bounds = array<i64: 1, 4, 72, 128>}, {transform_indices = @transform_4, window_bounds = array<i64: 1, 4366, 162>}, {transform_indices = @transform_5, window_bounds = array<i64: 1, 8, 128>}]} {
    %iota3A = tpu.iota {dimensions = array<i32: 0>} : vector<72x128xi32>
    %iota3A_0 = tpu.iota {dimensions = array<i32: 1>} : vector<72x128xi32>
    %mul3A = arith.constant 128 : i32
    %mul3A_1 = vector.broadcast %mul3A : i32 to vector<72x128xi32>
    %mul3A_2 = arith.muli %iota3A, %mul3A_1 : vector<72x128xi32>
    %jit3A = arith.constant 64 : i32
    %eq3A = arith.constant 0 : i32
    %eq3A_3 = arith.cmpi eq, %jit3A, %eq3A : i32
    %jit3A_4 = arith.constant 1 : i32
    %select_n3A = arith.select %eq3A_3, %jit3A_4, %jit3A : i32
    %rem3A = vector.broadcast %select_n3A : i32 to vector<72x128xi32>
    %rem3A_5 = arith.remsi %iota3A_0, %rem3A : vector<72x128xi32>
    %ne3A = arith.constant 0 : i32
    %ne3A_6 = vector.broadcast %ne3A : i32 to vector<72x128xi32>
    %ne3A_7 = arith.cmpi ne, %rem3A_5, %ne3A_6 : vector<72x128xi32>
    %lt3A = arith.constant 0 : i32
    %lt3A_8 = vector.broadcast %lt3A : i32 to vector<72x128xi32>
    %lt3A_9 = arith.cmpi slt, %rem3A_5, %lt3A_8 : vector<72x128xi32>
    %lt3A_10 = arith.constant 0 : i32
    %lt3A_11 = arith.cmpi slt, %select_n3A, %lt3A_10 : i32
    %ne3A_12 = vector.broadcast %lt3A_11 : i1 to vector<72x128xi1>
    %ne3A_13 = vector.broadcast %ne3A_12 : vector<72x128xi1> to vector<72x128xi1>
    %ne3A_14 = arith.xori %lt3A_9, %ne3A_13 : vector<72x128xi1>
    %and3A = arith.andi %ne3A_14, %ne3A_7 : vector<72x128xi1>
    %add3A = vector.broadcast %select_n3A : i32 to vector<72x128xi32>
    %add3A_15 = arith.addi %rem3A_5, %add3A : vector<72x128xi32>
    %select_n3A_16 = arith.select %and3A, %add3A_15, %rem3A_5 : vector<72x128xi1>, vector<72x128xi32>
    %mul3A_17 = arith.constant 2 : i32
    %mul3A_18 = vector.broadcast %mul3A_17 : i32 to vector<72x128xi32>
    %mul3A_19 = arith.muli %mul3A_18, %select_n3A_16 : vector<72x128xi32>
    %add3A_20 = arith.addi %mul3A_2, %mul3A_19 : vector<72x128xi32>
    %jit3A_21 = arith.constant 64 : i32
    %div3A = vector.broadcast %jit3A_21 : i32 to vector<72x128xi32>
    %div3A_22 = arith.divsi %iota3A_0, %div3A : vector<72x128xi32>
    %sign3A = arith.constant 0 : i32
    %sign3A_23 = vector.broadcast %sign3A : i32 to vector<72x128xi32>
    %sign3A_24 = arith.cmpi sgt, %iota3A_0, %sign3A_23 : vector<72x128xi32>
    %sign3A_25 = arith.extui %sign3A_24 : vector<72x128xi1> to vector<72x128xi32>
    %sign3A_26 = arith.constant 0 : i32
    %sign3A_27 = vector.broadcast %sign3A_26 : i32 to vector<72x128xi32>
    %sign3A_28 = arith.cmpi slt, %iota3A_0, %sign3A_27 : vector<72x128xi32>
    %sign3A_29 = arith.extui %sign3A_28 : vector<72x128xi1> to vector<72x128xi32>
    %sign3A_30 = arith.subi %sign3A_25, %sign3A_29 : vector<72x128xi32>
    %sign3A_31 = arith.constant 0 : i32
    %sign3A_32 = arith.cmpi sgt, %jit3A_21, %sign3A_31 : i32
    %sign3A_33 = arith.extui %sign3A_32 : i1 to i32
    %sign3A_34 = arith.constant 0 : i32
    %sign3A_35 = arith.cmpi slt, %jit3A_21, %sign3A_34 : i32
    %sign3A_36 = arith.extui %sign3A_35 : i1 to i32
    %sign3A_37 = arith.subi %sign3A_33, %sign3A_36 : i32
    %ne3A_38 = vector.broadcast %sign3A_37 : i32 to vector<72x128xi32>
    %ne3A_39 = arith.cmpi ne, %sign3A_30, %ne3A_38 : vector<72x128xi32>
    %rem3A_40 = vector.broadcast %jit3A_21 : i32 to vector<72x128xi32>
    %rem3A_41 = arith.remsi %iota3A_0, %rem3A_40 : vector<72x128xi32>
    %ne3A_42 = arith.constant 0 : i32
    %ne3A_43 = vector.broadcast %ne3A_42 : i32 to vector<72x128xi32>
    %ne3A_44 = arith.cmpi ne, %rem3A_41, %ne3A_43 : vector<72x128xi32>
    %and3A_45 = arith.andi %ne3A_39, %ne3A_44 : vector<72x128xi1>
    %sub3A = arith.constant 1 : i32
    %sub3A_46 = vector.broadcast %sub3A : i32 to vector<72x128xi32>
    %sub3A_47 = arith.subi %div3A_22, %sub3A_46 : vector<72x128xi32>
    %select_n3A_48 = arith.select %and3A_45, %sub3A_47, %div3A_22 : vector<72x128xi1>, vector<72x128xi32>
    %add3A_49 = arith.addi %add3A_20, %select_n3A_48 : vector<72x128xi32>
    %convert_element_type3A = arith.sitofp %add3A_49 : vector<72x128xi32> to vector<72x128xf32>
    %lt3A_50 = arith.constant 8.732000e+03 : f32
    %lt3A_51 = vector.broadcast %lt3A_50 : f32 to vector<72x128xf32>
    %lt3A_52 = arith.cmpf olt, %convert_element_type3A, %lt3A_51 : vector<72x128xf32>
    %get3A = arith.constant 0 : index
    %get3A_53 = arith.constant 0 : index
    %get3A_54 = arith.constant 0 : index
    %get3A_55 = vector.load %arg3[%get3A, %get3A_53, %get3A_54] : memref<4x72x128xf32, #tpu.memory_space<vmem>>, vector<1x72x128xf32>
    %get3A_56 = vector.shape_cast %get3A_55 : vector<1x72x128xf32> to vector<72x128xf32>
    %get3A_57 = arith.constant 1 : index
    %get3A_58 = arith.constant 0 : index
    %get3A_59 = arith.constant 0 : index
    %get3A_60 = vector.load %arg3[%get3A_57, %get3A_58, %get3A_59] : memref<4x72x128xf32, #tpu.memory_space<vmem>>, vector<1x72x128xf32>
    %get3A_61 = vector.shape_cast %get3A_60 : vector<1x72x128xf32> to vector<72x128xf32>
    %get3A_62 = arith.constant 2 : index
    %get3A_63 = arith.constant 0 : index
    %get3A_64 = arith.constant 0 : index
    %get3A_65 = vector.load %arg3[%get3A_62, %get3A_63, %get3A_64] : memref<4x72x128xf32, #tpu.memory_space<vmem>>, vector<1x72x128xf32>
    %get3A_66 = vector.shape_cast %get3A_65 : vector<1x72x128xf32> to vector<72x128xf32>
    %get3A_67 = arith.constant 3 : index
    %get3A_68 = arith.constant 0 : index
    %get3A_69 = arith.constant 0 : index
    %get3A_70 = vector.load %arg3[%get3A_67, %get3A_68, %get3A_69] : memref<4x72x128xf32, #tpu.memory_space<vmem>>, vector<1x72x128xf32>
    %get3A_71 = vector.shape_cast %get3A_70 : vector<1x72x128xf32> to vector<72x128xf32>
    %mul3A_72 = arith.constant 5.000000e-01 : f32
    %mul3A_73 = vector.broadcast %mul3A_72 : f32 to vector<72x128xf32>
    %mul3A_74 = arith.mulf %get3A_66, %mul3A_73 : vector<72x128xf32>
    %sub3A_75 = arith.subf %get3A_56, %mul3A_74 : vector<72x128xf32>
    %mul3A_76 = arith.constant 5.000000e-01 : f32
    %mul3A_77 = vector.broadcast %mul3A_76 : f32 to vector<72x128xf32>
    %mul3A_78 = arith.mulf %get3A_71, %mul3A_77 : vector<72x128xf32>
    %sub3A_79 = arith.subf %get3A_61, %mul3A_78 : vector<72x128xf32>
    %mul3A_80 = arith.constant 5.000000e-01 : f32
    %mul3A_81 = vector.broadcast %mul3A_80 : f32 to vector<72x128xf32>
    %mul3A_82 = arith.mulf %get3A_66, %mul3A_81 : vector<72x128xf32>
    %add3A_83 = arith.addf %get3A_56, %mul3A_82 : vector<72x128xf32>
    %mul3A_84 = arith.constant 5.000000e-01 : f32
    %mul3A_85 = vector.broadcast %mul3A_84 : f32 to vector<72x128xf32>
    %mul3A_86 = arith.mulf %get3A_71, %mul3A_85 : vector<72x128xf32>
    %add3A_87 = arith.addf %get3A_61, %mul3A_86 : vector<72x128xf32>
    %mul3A_88 = arith.mulf %get3A_66, %get3A_71 : vector<72x128xf32>
    %broadcast_in_dim3A = arith.constant 0.000000e+00 : f32
    %broadcast_in_dim3A_89 = vector.broadcast %broadcast_in_dim3A : f32 to vector<72x128xf32>
    %broadcast_in_dim3A_90 = arith.constant -1.000000e+00 : f32
    %broadcast_in_dim3A_91 = vector.broadcast %broadcast_in_dim3A_90 : f32 to vector<72x128xf32>
    %get3A_92 = arith.constant 0 : index
    %get3A_93 = arith.constant 0 : index
    %get3A_94 = arith.constant 0 : index
    %get3A_95 = memref.load %arg1[%get3A_92, %get3A_93, %get3A_94] : memref<1x16x4xf32, #tpu.memory_space<smem>>
    %get3A_96 = arith.constant 0 : index
    %get3A_97 = arith.constant 0 : index
    %get3A_98 = arith.constant 1 : index
    %get3A_99 = memref.load %arg1[%get3A_96, %get3A_97, %get3A_98] : memref<1x16x4xf32, #tpu.memory_space<smem>>
    %get3A_100 = arith.constant 0 : index
    %get3A_101 = arith.constant 0 : index
    %get3A_102 = arith.constant 2 : index
    %get3A_103 = memref.load %arg1[%get3A_100, %get3A_101, %get3A_102] : memref<1x16x4xf32, #tpu.memory_space<smem>>
    %get3A_104 = arith.constant 0 : index
    %get3A_105 = arith.constant 0 : index
    %get3A_106 = arith.constant 3 : index
    %get3A_107 = memref.load %arg1[%get3A_104, %get3A_105, %get3A_106] : memref<1x16x4xf32, #tpu.memory_space<smem>>
    %get3A_108 = arith.constant 0 : index
    %get3A_109 = arith.constant 0 : index
    %get3A_110 = arith.constant 0 : index
    %get3A_111 = memref.load %arg2[%get3A_108, %get3A_109, %get3A_110] : memref<1x1x16xi32, #tpu.memory_space<smem>>
    %convert_element_type3A_112 = arith.sitofp %get3A_111 : i32 to f32
    %sub3A_113 = arith.subf %get3A_103, %get3A_95 : f32
    %sub3A_114 = arith.subf %get3A_107, %get3A_99 : f32
    %mul3A_115 = arith.mulf %sub3A_113, %sub3A_114 : f32
    %min3A = vector.broadcast %get3A_103 : f32 to vector<72x128xf32>
    %min3A_116 = arith.minimumf %add3A_83, %min3A : vector<72x128xf32>
    %max3A = vector.broadcast %get3A_95 : f32 to vector<72x128xf32>
    %max3A_117 = arith.maximumf %sub3A_75, %max3A : vector<72x128xf32>
    %sub3A_118 = arith.subf %min3A_116, %max3A_117 : vector<72x128xf32>
    %max3A_119 = arith.constant 0.000000e+00 : f32
    %max3A_120 = vector.broadcast %max3A_119 : f32 to vector<72x128xf32>
    %max3A_121 = arith.maximumf %sub3A_118, %max3A_120 : vector<72x128xf32>
    %min3A_122 = vector.broadcast %get3A_107 : f32 to vector<72x128xf32>
    %min3A_123 = arith.minimumf %add3A_87, %min3A_122 : vector<72x128xf32>
    %max3A_124 = vector.broadcast %get3A_99 : f32 to vector<72x128xf32>
    %max3A_125 = arith.maximumf %sub3A_79, %max3A_124 : vector<72x128xf32>
    %sub3A_126 = arith.subf %min3A_123, %max3A_125 : vector<72x128xf32>
    %max3A_127 = arith.constant 0.000000e+00 : f32
    %max3A_128 = vector.broadcast %max3A_127 : f32 to vector<72x128xf32>
    %max3A_129 = arith.maximumf %sub3A_126, %max3A_128 : vector<72x128xf32>
    %mul3A_130 = arith.mulf %max3A_121, %max3A_129 : vector<72x128xf32>
    %add3A_131 = vector.broadcast %mul3A_115 : f32 to vector<72x128xf32>
    %add3A_132 = arith.addf %mul3A_88, %add3A_131 : vector<72x128xf32>
    %sub3A_133 = arith.subf %add3A_132, %mul3A_130 : vector<72x128xf32>
    %div3A_134 = arith.divf %mul3A_130, %sub3A_133 : vector<72x128xf32>
    %jit3A_135 = arith.constant -1.000000e+00 : f32
    %broadcast_in_dim3A_136 = vector.broadcast %jit3A_135 : f32 to vector<72x128xf32>
    %select_n3A_137 = arith.select %lt3A_52, %div3A_134, %broadcast_in_dim3A_136 : vector<72x128xi1>, vector<72x128xf32>
    %gt3A = arith.cmpf ogt, %select_n3A_137, %broadcast_in_dim3A_91 : vector<72x128xf32>
    %select_n3A_138 = arith.select %gt3A, %select_n3A_137, %broadcast_in_dim3A_91 : vector<72x128xi1>, vector<72x128xf32>
    %broadcast_in_dim3A_139 = vector.broadcast %convert_element_type3A_112 : f32 to vector<72x128xf32>
    %select_n3A_140 = arith.select %gt3A, %broadcast_in_dim3A_139, %broadcast_in_dim3A_89 : vector<72x128xi1>, vector<72x128xf32>
    %broadcast_in_dim3A_141 = vector.broadcast %get3A_95 : f32 to vector<72x128xf32>
    %select_n3A_142 = arith.select %gt3A, %broadcast_in_dim3A_141, %broadcast_in_dim3A_89 : vector<72x128xi1>, vector<72x128xf32>
    %broadcast_in_dim3A_143 = vector.broadcast %get3A_99 : f32 to vector<72x128xf32>
    %select_n3A_144 = arith.select %gt3A, %broadcast_in_dim3A_143, %broadcast_in_dim3A_89 : vector<72x128xi1>, vector<72x128xf32>
    %broadcast_in_dim3A_145 = vector.broadcast %get3A_103 : f32 to vector<72x128xf32>
    %select_n3A_146 = arith.select %gt3A, %broadcast_in_dim3A_145, %broadcast_in_dim3A_89 : vector<72x128xi1>, vector<72x128xf32>
    %broadcast_in_dim3A_147 = vector.broadcast %get3A_107 : f32 to vector<72x128xf32>
    %select_n3A_148 = arith.select %gt3A, %broadcast_in_dim3A_147, %broadcast_in_dim3A_89 : vector<72x128xi1>, vector<72x128xf32>
    %reduce_max3A = arith.constant dense<0xFF800000> : vector<72xf32>
    %reduce_max3A_149 = vector.multi_reduction <maximumf>, %select_n3A_137, %reduce_max3A [1] : vector<72x128xf32> to vector<72xf32>
    %broadcast_in_dim3A_150 = vector.shape_cast %reduce_max3A_149 : vector<72xf32> to vector<72x1xf32>
    %reduce_max3A_151 = arith.constant dense<0xFF800000> : vector<1xf32>
    %reduce_max3A_152 = vector.multi_reduction <maximumf>, %broadcast_in_dim3A_150, %reduce_max3A_151 [0] : vector<72x1xf32> to vector<1xf32>
    %broadcast_in_dim3A_153 = vector.shape_cast %reduce_max3A_152 : vector<1xf32> to vector<1x1xf32>
    %eq3A_154 = vector.broadcast %broadcast_in_dim3A_153 : vector<1x1xf32> to vector<72x128xf32>
    %eq3A_155 = arith.cmpf oeq, %select_n3A_137, %eq3A_154 : vector<72x128xf32>
    %jit3A_156 = arith.constant 1.000000e+09 : f32
    %broadcast_in_dim3A_157 = vector.broadcast %jit3A_156 : f32 to vector<72x128xf32>
    %select_n3A_158 = arith.select %eq3A_155, %convert_element_type3A, %broadcast_in_dim3A_157 : vector<72x128xi1>, vector<72x128xf32>
    %reduce_min3A = arith.constant dense<0x7F800000> : vector<72xf32>
    %reduce_min3A_159 = vector.multi_reduction <minimumf>, %select_n3A_158, %reduce_min3A [1] : vector<72x128xf32> to vector<72xf32>
    %broadcast_in_dim3A_160 = vector.shape_cast %reduce_min3A_159 : vector<72xf32> to vector<72x1xf32>
    %reduce_min3A_161 = arith.constant dense<0x7F800000> : vector<1xf32>
    %reduce_min3A_162 = vector.multi_reduction <minimumf>, %broadcast_in_dim3A_160, %reduce_min3A_161 [0] : vector<72x1xf32> to vector<1xf32>
    %broadcast_in_dim3A_163 = vector.shape_cast %reduce_min3A_162 : vector<1xf32> to vector<1x1xf32>
    %eq3A_164 = vector.broadcast %broadcast_in_dim3A_163 : vector<1x1xf32> to vector<72x128xf32>
    %eq3A_165 = arith.cmpf oeq, %convert_element_type3A, %eq3A_164 : vector<72x128xf32>
    %jit3A_166 = arith.constant 1.000000e+00 : f32
    %broadcast_in_dim3A_167 = vector.broadcast %jit3A_166 : f32 to vector<72x128xf32>
    %select_n3A_168 = arith.select %eq3A_165, %broadcast_in_dim3A_167, %broadcast_in_dim3A_89 : vector<72x128xi1>, vector<72x128xf32>
    %broadcast_in_dim3A_169 = vector.broadcast %convert_element_type3A_112 : f32 to vector<72x128xf32>
    %select_n3A_170 = arith.select %eq3A_165, %broadcast_in_dim3A_169, %broadcast_in_dim3A_89 : vector<72x128xi1>, vector<72x128xf32>
    %broadcast_in_dim3A_171 = vector.broadcast %get3A_95 : f32 to vector<72x128xf32>
    %select_n3A_172 = arith.select %eq3A_165, %broadcast_in_dim3A_171, %broadcast_in_dim3A_89 : vector<72x128xi1>, vector<72x128xf32>
    %broadcast_in_dim3A_173 = vector.broadcast %get3A_99 : f32 to vector<72x128xf32>
    %select_n3A_174 = arith.select %eq3A_165, %broadcast_in_dim3A_173, %broadcast_in_dim3A_89 : vector<72x128xi1>, vector<72x128xf32>
    %broadcast_in_dim3A_175 = vector.broadcast %get3A_103 : f32 to vector<72x128xf32>
    %select_n3A_176 = arith.select %eq3A_165, %broadcast_in_dim3A_175, %broadcast_in_dim3A_89 : vector<72x128xi1>, vector<72x128xf32>
    %broadcast_in_dim3A_177 = vector.broadcast %get3A_107 : f32 to vector<72x128xf32>
    %select_n3A_178 = arith.select %eq3A_165, %broadcast_in_dim3A_177, %broadcast_in_dim3A_89 : vector<72x128xi1>, vector<72x128xf32>
    %get3A_179 = arith.constant 0 : index
    %get3A_180 = arith.constant 1 : index
    %get3A_181 = arith.constant 0 : index
    %get3A_182 = memref.load %arg1[%get3A_179, %get3A_180, %get3A_181] : memref<1x16x4xf32, #tpu.memory_space<smem>>
    %get3A_183 = arith.constant 0 : index
    %get3A_184 = arith.constant 1 : index
    %get3A_185 = arith.constant 1 : index
    %get3A_186 = memref.load %arg1[%get3A_183, %get3A_184, %get3A_185] : memref<1x16x4xf32, #tpu.memory_space<smem>>
    %get3A_187 = arith.constant 0 : index
    %get3A_188 = arith.constant 1 : index
    %get3A_189 = arith.constant 2 : index
    %get3A_190 = memref.load %arg1[%get3A_187, %get3A_188, %get3A_189] : memref<1x16x4xf32, #tpu.memory_space<smem>>
    %get3A_191 = arith.constant 0 : index
    %get3A_192 = arith.constant 1 : index
    %get3A_193 = arith.constant 3 : index
    %get3A_194 = memref.load %arg1[%get3A_191, %get3A_192, %get3A_193] : memref<1x16x4xf32, #tpu.memory_space<smem>>
    %get3A_195 = arith.constant 0 : index
    %get3A_196 = arith.constant 0 : index
    %get3A_197 = arith.constant 1 : index
    %get3A_198 = memref.load %arg2[%get3A_195, %get3A_196, %get3A_197] : memref<1x1x16xi32, #tpu.memory_space<smem>>
    %convert_element_type3A_199 = arith.sitofp %get3A_198 : i32 to f32
    %sub3A_200 = arith.subf %get3A_190, %get3A_182 : f32
    %sub3A_201 = arith.subf %get3A_194, %get3A_186 : f32
    %mul3A_202 = arith.mulf %sub3A_200, %sub3A_201 : f32
    %min3A_203 = vector.broadcast %get3A_190 : f32 to vector<72x128xf32>
    %min3A_204 = arith.minimumf %add3A_83, %min3A_203 : vector<72x128xf32>
    %max3A_205 = vector.broadcast %get3A_182 : f32 to vector<72x128xf32>
    %max3A_206 = arith.maximumf %sub3A_75, %max3A_205 : vector<72x128xf32>
    %sub3A_207 = arith.subf %min3A_204, %max3A_206 : vector<72x128xf32>
    %max3A_208 = arith.constant 0.000000e+00 : f32
    %max3A_209 = vector.broadcast %max3A_208 : f32 to vector<72x128xf32>
    %max3A_210 = arith.maximumf %sub3A_207, %max3A_209 : vector<72x128xf32>
    %min3A_211 = vector.broadcast %get3A_194 : f32 to vector<72x128xf32>
    %min3A_212 = arith.minimumf %add3A_87, %min3A_211 : vector<72x128xf32>
    %max3A_213 = vector.broadcast %get3A_186 : f32 to vector<72x128xf32>
    %max3A_214 = arith.maximumf %sub3A_79, %max3A_213 : vector<72x128xf32>
    %sub3A_215 = arith.subf %min3A_212, %max3A_214 : vector<72x128xf32>
    %max3A_216 = arith.constant 0.000000e+00 : f32
    %max3A_217 = vector.broadcast %max3A_216 : f32 to vector<72x128xf32>
    %max3A_218 = arith.maximumf %sub3A_215, %max3A_217 : vector<72x128xf32>
    %mul3A_219 = arith.mulf %max3A_210, %max3A_218 : vector<72x128xf32>
    %add3A_220 = vector.broadcast %mul3A_202 : f32 to vector<72x128xf32>
    %add3A_221 = arith.addf %mul3A_88, %add3A_220 : vector<72x128xf32>
    %sub3A_222 = arith.subf %add3A_221, %mul3A_219 : vector<72x128xf32>
    %div3A_223 = arith.divf %mul3A_219, %sub3A_222 : vector<72x128xf32>
    %jit3A_224 = arith.constant -1.000000e+00 : f32
    %broadcast_in_dim3A_225 = vector.broadcast %jit3A_224 : f32 to vector<72x128xf32>
    %select_n3A_226 = arith.select %lt3A_52, %div3A_223, %broadcast_in_dim3A_225 : vector<72x128xi1>, vector<72x128xf32>
    %gt3A_227 = arith.cmpf ogt, %select_n3A_226, %select_n3A_138 : vector<72x128xf32>
    %select_n3A_228 = arith.select %gt3A_227, %select_n3A_226, %select_n3A_138 : vector<72x128xi1>, vector<72x128xf32>
    %broadcast_in_dim3A_229 = vector.broadcast %convert_element_type3A_199 : f32 to vector<72x128xf32>
    %select_n3A_230 = arith.select %gt3A_227, %broadcast_in_dim3A_229, %select_n3A_140 : vector<72x128xi1>, vector<72x128xf32>
    %broadcast_in_dim3A_231 = vector.broadcast %get3A_182 : f32 to vector<72x128xf32>
    %select_n3A_232 = arith.select %gt3A_227, %broadcast_in_dim3A_231, %select_n3A_142 : vector<72x128xi1>, vector<72x128xf32>
    %broadcast_in_dim3A_233 = vector.broadcast %get3A_186 : f32 to vector<72x128xf32>
    %select_n3A_234 = arith.select %gt3A_227, %broadcast_in_dim3A_233, %select_n3A_144 : vector<72x128xi1>, vector<72x128xf32>
    %broadcast_in_dim3A_235 = vector.broadcast %get3A_190 : f32 to vector<72x128xf32>
    %select_n3A_236 = arith.select %gt3A_227, %broadcast_in_dim3A_235, %select_n3A_146 : vector<72x128xi1>, vector<72x128xf32>
    %broadcast_in_dim3A_237 = vector.broadcast %get3A_194 : f32 to vector<72x128xf32>
    %select_n3A_238 = arith.select %gt3A_227, %broadcast_in_dim3A_237, %select_n3A_148 : vector<72x128xi1>, vector<72x128xf32>
    %reduce_max3A_239 = arith.constant dense<0xFF800000> : vector<72xf32>
    %reduce_max3A_240 = vector.multi_reduction <maximumf>, %select_n3A_226, %reduce_max3A_239 [1] : vector<72x128xf32> to vector<72xf32>
    %broadcast_in_dim3A_241 = vector.shape_cast %reduce_max3A_240 : vector<72xf32> to vector<72x1xf32>
    %reduce_max3A_242 = arith.constant dense<0xFF800000> : vector<1xf32>
    %reduce_max3A_243 = vector.multi_reduction <maximumf>, %broadcast_in_dim3A_241, %reduce_max3A_242 [0] : vector<72x1xf32> to vector<1xf32>
    %broadcast_in_dim3A_244 = vector.shape_cast %reduce_max3A_243 : vector<1xf32> to vector<1x1xf32>
    %eq3A_245 = vector.broadcast %broadcast_in_dim3A_244 : vector<1x1xf32> to vector<72x128xf32>
    %eq3A_246 = arith.cmpf oeq, %select_n3A_226, %eq3A_245 : vector<72x128xf32>
    %jit3A_247 = arith.constant 1.000000e+09 : f32
    %broadcast_in_dim3A_248 = vector.broadcast %jit3A_247 : f32 to vector<72x128xf32>
    %select_n3A_249 = arith.select %eq3A_246, %convert_element_type3A, %broadcast_in_dim3A_248 : vector<72x128xi1>, vector<72x128xf32>
    %reduce_min3A_250 = arith.constant dense<0x7F800000> : vector<72xf32>
    %reduce_min3A_251 = vector.multi_reduction <minimumf>, %select_n3A_249, %reduce_min3A_250 [1] : vector<72x128xf32> to vector<72xf32>
    %broadcast_in_dim3A_252 = vector.shape_cast %reduce_min3A_251 : vector<72xf32> to vector<72x1xf32>
    %reduce_min3A_253 = arith.constant dense<0x7F800000> : vector<1xf32>
    %reduce_min3A_254 = vector.multi_reduction <minimumf>, %broadcast_in_dim3A_252, %reduce_min3A_253 [0] : vector<72x1xf32> to vector<1xf32>
    %broadcast_in_dim3A_255 = vector.shape_cast %reduce_min3A_254 : vector<1xf32> to vector<1x1xf32>
    %eq3A_256 = vector.broadcast %broadcast_in_dim3A_255 : vector<1x1xf32> to vector<72x128xf32>
    %eq3A_257 = arith.cmpf oeq, %convert_element_type3A, %eq3A_256 : vector<72x128xf32>
    %jit3A_258 = arith.constant 1.000000e+00 : f32
    %broadcast_in_dim3A_259 = vector.broadcast %jit3A_258 : f32 to vector<72x128xf32>
    %select_n3A_260 = arith.select %eq3A_257, %broadcast_in_dim3A_259, %select_n3A_168 : vector<72x128xi1>, vector<72x128xf32>
    %broadcast_in_dim3A_261 = vector.broadcast %convert_element_type3A_199 : f32 to vector<72x128xf32>
    %select_n3A_262 = arith.select %eq3A_257, %broadcast_in_dim3A_261, %select_n3A_170 : vector<72x128xi1>, vector<72x128xf32>
    %broadcast_in_dim3A_263 = vector.broadcast %get3A_182 : f32 to vector<72x128xf32>
    %select_n3A_264 = arith.select %eq3A_257, %broadcast_in_dim3A_263, %select_n3A_172 : vector<72x128xi1>, vector<72x128xf32>
    %broadcast_in_dim3A_265 = vector.broadcast %get3A_186 : f32 to vector<72x128xf32>
    %select_n3A_266 = arith.select %eq3A_257, %broadcast_in_dim3A_265, %select_n3A_174 : vector<72x128xi1>, vector<72x128xf32>
    %broadcast_in_dim3A_267 = vector.broadcast %get3A_190 : f32 to vector<72x128xf32>
    %select_n3A_268 = arith.select %eq3A_257, %broadcast_in_dim3A_267, %select_n3A_176 : vector<72x128xi1>, vector<72x128xf32>
    %broadcast_in_dim3A_269 = vector.broadcast %get3A_194 : f32 to vector<72x128xf32>
    %select_n3A_270 = arith.select %eq3A_257, %broadcast_in_dim3A_269, %select_n3A_178 : vector<72x128xi1>, vector<72x128xf32>
    %get3A_271 = arith.constant 0 : index
    %get3A_272 = arith.constant 2 : index
    %get3A_273 = arith.constant 0 : index
    %get3A_274 = memref.load %arg1[%get3A_271, %get3A_272, %get3A_273] : memref<1x16x4xf32, #tpu.memory_space<smem>>
    %get3A_275 = arith.constant 0 : index
    %get3A_276 = arith.constant 2 : index
    %get3A_277 = arith.constant 1 : index
    %get3A_278 = memref.load %arg1[%get3A_275, %get3A_276, %get3A_277] : memref<1x16x4xf32, #tpu.memory_space<smem>>
    %get3A_279 = arith.constant 0 : index
    %get3A_280 = arith.constant 2 : index
    %get3A_281 = arith.constant 2 : index
    %get3A_282 = memref.load %arg1[%get3A_279, %get3A_280, %get3A_281] : memref<1x16x4xf32, #tpu.memory_space<smem>>
    %get3A_283 = arith.constant 0 : index
    %get3A_284 = arith.constant 2 : index
    %get3A_285 = arith.constant 3 : index
    %get3A_286 = memref.load %arg1[%get3A_283, %get3A_284, %get3A_285] : memref<1x16x4xf32, #tpu.memory_space<smem>>
    %get3A_287 = arith.constant 0 : index
    %get3A_288 = arith.constant 0 : index
    %get3A_289 = arith.constant 2 : index
    %get3A_290 = memref.load %arg2[%get3A_287, %get3A_288, %get3A_289] : memref<1x1x16xi32, #tpu.memory_space<smem>>
    %convert_element_type3A_291 = arith.sitofp %get3A_290 : i32 to f32
    %sub3A_292 = arith.subf %get3A_282, %get3A_274 : f32
    %sub3A_293 = arith.subf %get3A_286, %get3A_278 : f32
    %mul3A_294 = arith.mulf %sub3A_292, %sub3A_293 : f32
    %min3A_295 = vector.broadcast %get3A_282 : f32 to vector<72x128xf32>
    %min3A_296 = arith.minimumf %add3A_83, %min3A_295 : vector<72x128xf32>
    %max3A_297 = vector.broadcast %get3A_274 : f32 to vector<72x128xf32>
    %max3A_298 = arith.maximumf %sub3A_75, %max3A_297 : vector<72x128xf32>
    %sub3A_299 = arith.subf %min3A_296, %max3A_298 : vector<72x128xf32>
    %max3A_300 = arith.constant 0.000000e+00 : f32
    %max3A_301 = vector.broadcast %max3A_300 : f32 to vector<72x128xf32>
    %max3A_302 = arith.maximumf %sub3A_299, %max3A_301 : vector<72x128xf32>
    %min3A_303 = vector.broadcast %get3A_286 : f32 to vector<72x128xf32>
    %min3A_304 = arith.minimumf %add3A_87, %min3A_303 : vector<72x128xf32>
    %max3A_305 = vector.broadcast %get3A_278 : f32 to vector<72x128xf32>
    %max3A_306 = arith.maximumf %sub3A_79, %max3A_305 : vector<72x128xf32>
    %sub3A_307 = arith.subf %min3A_304, %max3A_306 : vector<72x128xf32>
    %max3A_308 = arith.constant 0.000000e+00 : f32
    %max3A_309 = vector.broadcast %max3A_308 : f32 to vector<72x128xf32>
    %max3A_310 = arith.maximumf %sub3A_307, %max3A_309 : vector<72x128xf32>
    %mul3A_311 = arith.mulf %max3A_302, %max3A_310 : vector<72x128xf32>
    %add3A_312 = vector.broadcast %mul3A_294 : f32 to vector<72x128xf32>
    %add3A_313 = arith.addf %mul3A_88, %add3A_312 : vector<72x128xf32>
    %sub3A_314 = arith.subf %add3A_313, %mul3A_311 : vector<72x128xf32>
    %div3A_315 = arith.divf %mul3A_311, %sub3A_314 : vector<72x128xf32>
    %jit3A_316 = arith.constant -1.000000e+00 : f32
    %broadcast_in_dim3A_317 = vector.broadcast %jit3A_316 : f32 to vector<72x128xf32>
    %select_n3A_318 = arith.select %lt3A_52, %div3A_315, %broadcast_in_dim3A_317 : vector<72x128xi1>, vector<72x128xf32>
    %gt3A_319 = arith.cmpf ogt, %select_n3A_318, %select_n3A_228 : vector<72x128xf32>
    %select_n3A_320 = arith.select %gt3A_319, %select_n3A_318, %select_n3A_228 : vector<72x128xi1>, vector<72x128xf32>
    %broadcast_in_dim3A_321 = vector.broadcast %convert_element_type3A_291 : f32 to vector<72x128xf32>
    %select_n3A_322 = arith.select %gt3A_319, %broadcast_in_dim3A_321, %select_n3A_230 : vector<72x128xi1>, vector<72x128xf32>
    %broadcast_in_dim3A_323 = vector.broadcast %get3A_274 : f32 to vector<72x128xf32>
    %select_n3A_324 = arith.select %gt3A_319, %broadcast_in_dim3A_323, %select_n3A_232 : vector<72x128xi1>, vector<72x128xf32>
    %broadcast_in_dim3A_325 = vector.broadcast %get3A_278 : f32 to vector<72x128xf32>
    %select_n3A_326 = arith.select %gt3A_319, %broadcast_in_dim3A_325, %select_n3A_234 : vector<72x128xi1>, vector<72x128xf32>
    %broadcast_in_dim3A_327 = vector.broadcast %get3A_282 : f32 to vector<72x128xf32>
    %select_n3A_328 = arith.select %gt3A_319, %broadcast_in_dim3A_327, %select_n3A_236 : vector<72x128xi1>, vector<72x128xf32>
    %broadcast_in_dim3A_329 = vector.broadcast %get3A_286 : f32 to vector<72x128xf32>
    %select_n3A_330 = arith.select %gt3A_319, %broadcast_in_dim3A_329, %select_n3A_238 : vector<72x128xi1>, vector<72x128xf32>
    %reduce_max3A_331 = arith.constant dense<0xFF800000> : vector<72xf32>
    %reduce_max3A_332 = vector.multi_reduction <maximumf>, %select_n3A_318, %reduce_max3A_331 [1] : vector<72x128xf32> to vector<72xf32>
    %broadcast_in_dim3A_333 = vector.shape_cast %reduce_max3A_332 : vector<72xf32> to vector<72x1xf32>
    %reduce_max3A_334 = arith.constant dense<0xFF800000> : vector<1xf32>
    %reduce_max3A_335 = vector.multi_reduction <maximumf>, %broadcast_in_dim3A_333, %reduce_max3A_334 [0] : vector<72x1xf32> to vector<1xf32>
    %broadcast_in_dim3A_336 = vector.shape_cast %reduce_max3A_335 : vector<1xf32> to vector<1x1xf32>
    %eq3A_337 = vector.broadcast %broadcast_in_dim3A_336 : vector<1x1xf32> to vector<72x128xf32>
    %eq3A_338 = arith.cmpf oeq, %select_n3A_318, %eq3A_337 : vector<72x128xf32>
    %jit3A_339 = arith.constant 1.000000e+09 : f32
    %broadcast_in_dim3A_340 = vector.broadcast %jit3A_339 : f32 to vector<72x128xf32>
    %select_n3A_341 = arith.select %eq3A_338, %convert_element_type3A, %broadcast_in_dim3A_340 : vector<72x128xi1>, vector<72x128xf32>
    %reduce_min3A_342 = arith.constant dense<0x7F800000> : vector<72xf32>
    %reduce_min3A_343 = vector.multi_reduction <minimumf>, %select_n3A_341, %reduce_min3A_342 [1] : vector<72x128xf32> to vector<72xf32>
    %broadcast_in_dim3A_344 = vector.shape_cast %reduce_min3A_343 : vector<72xf32> to vector<72x1xf32>
    %reduce_min3A_345 = arith.constant dense<0x7F800000> : vector<1xf32>
    %reduce_min3A_346 = vector.multi_reduction <minimumf>, %broadcast_in_dim3A_344, %reduce_min3A_345 [0] : vector<72x1xf32> to vector<1xf32>
    %broadcast_in_dim3A_347 = vector.shape_cast %reduce_min3A_346 : vector<1xf32> to vector<1x1xf32>
    %eq3A_348 = vector.broadcast %broadcast_in_dim3A_347 : vector<1x1xf32> to vector<72x128xf32>
    %eq3A_349 = arith.cmpf oeq, %convert_element_type3A, %eq3A_348 : vector<72x128xf32>
    %jit3A_350 = arith.constant 1.000000e+00 : f32
    %broadcast_in_dim3A_351 = vector.broadcast %jit3A_350 : f32 to vector<72x128xf32>
    %select_n3A_352 = arith.select %eq3A_349, %broadcast_in_dim3A_351, %select_n3A_260 : vector<72x128xi1>, vector<72x128xf32>
    %broadcast_in_dim3A_353 = vector.broadcast %convert_element_type3A_291 : f32 to vector<72x128xf32>
    %select_n3A_354 = arith.select %eq3A_349, %broadcast_in_dim3A_353, %select_n3A_262 : vector<72x128xi1>, vector<72x128xf32>
    %broadcast_in_dim3A_355 = vector.broadcast %get3A_274 : f32 to vector<72x128xf32>
    %select_n3A_356 = arith.select %eq3A_349, %broadcast_in_dim3A_355, %select_n3A_264 : vector<72x128xi1>, vector<72x128xf32>
    %broadcast_in_dim3A_357 = vector.broadcast %get3A_278 : f32 to vector<72x128xf32>
    %select_n3A_358 = arith.select %eq3A_349, %broadcast_in_dim3A_357, %select_n3A_266 : vector<72x128xi1>, vector<72x128xf32>
    %broadcast_in_dim3A_359 = vector.broadcast %get3A_282 : f32 to vector<72x128xf32>
    %select_n3A_360 = arith.select %eq3A_349, %broadcast_in_dim3A_359, %select_n3A_268 : vector<72x128xi1>, vector<72x128xf32>
    %broadcast_in_dim3A_361 = vector.broadcast %get3A_286 : f32 to vector<72x128xf32>
    %select_n3A_362 = arith.select %eq3A_349, %broadcast_in_dim3A_361, %select_n3A_270 : vector<72x128xi1>, vector<72x128xf32>
    %get3A_363 = arith.constant 0 : index
    %get3A_364 = arith.constant 3 : index
    %get3A_365 = arith.constant 0 : index
    %get3A_366 = memref.load %arg1[%get3A_363, %get3A_364, %get3A_365] : memref<1x16x4xf32, #tpu.memory_space<smem>>
    %get3A_367 = arith.constant 0 : index
    %get3A_368 = arith.constant 3 : index
    %get3A_369 = arith.constant 1 : index
    %get3A_370 = memref.load %arg1[%get3A_367, %get3A_368, %get3A_369] : memref<1x16x4xf32, #tpu.memory_space<smem>>
    %get3A_371 = arith.constant 0 : index
    %get3A_372 = arith.constant 3 : index
    %get3A_373 = arith.constant 2 : index
    %get3A_374 = memref.load %arg1[%get3A_371, %get3A_372, %get3A_373] : memref<1x16x4xf32, #tpu.memory_space<smem>>
    %get3A_375 = arith.constant 0 : index
    %get3A_376 = arith.constant 3 : index
    %get3A_377 = arith.constant 3 : index
    %get3A_378 = memref.load %arg1[%get3A_375, %get3A_376, %get3A_377] : memref<1x16x4xf32, #tpu.memory_space<smem>>
    %get3A_379 = arith.constant 0 : index
    %get3A_380 = arith.constant 0 : index
    %get3A_381 = arith.constant 3 : index
    %get3A_382 = memref.load %arg2[%get3A_379, %get3A_380, %get3A_381] : memref<1x1x16xi32, #tpu.memory_space<smem>>
    %convert_element_type3A_383 = arith.sitofp %get3A_382 : i32 to f32
    %sub3A_384 = arith.subf %get3A_374, %get3A_366 : f32
    %sub3A_385 = arith.subf %get3A_378, %get3A_370 : f32
    %mul3A_386 = arith.mulf %sub3A_384, %sub3A_385 : f32
    %min3A_387 = vector.broadcast %get3A_374 : f32 to vector<72x128xf32>
    %min3A_388 = arith.minimumf %add3A_83, %min3A_387 : vector<72x128xf32>
    %max3A_389 = vector.broadcast %get3A_366 : f32 to vector<72x128xf32>
    %max3A_390 = arith.maximumf %sub3A_75, %max3A_389 : vector<72x128xf32>
    %sub3A_391 = arith.subf %min3A_388, %max3A_390 : vector<72x128xf32>
    %max3A_392 = arith.constant 0.000000e+00 : f32
    %max3A_393 = vector.broadcast %max3A_392 : f32 to vector<72x128xf32>
    %max3A_394 = arith.maximumf %sub3A_391, %max3A_393 : vector<72x128xf32>
    %min3A_395 = vector.broadcast %get3A_378 : f32 to vector<72x128xf32>
    %min3A_396 = arith.minimumf %add3A_87, %min3A_395 : vector<72x128xf32>
    %max3A_397 = vector.broadcast %get3A_370 : f32 to vector<72x128xf32>
    %max3A_398 = arith.maximumf %sub3A_79, %max3A_397 : vector<72x128xf32>
    %sub3A_399 = arith.subf %min3A_396, %max3A_398 : vector<72x128xf32>
    %max3A_400 = arith.constant 0.000000e+00 : f32
    %max3A_401 = vector.broadcast %max3A_400 : f32 to vector<72x128xf32>
    %max3A_402 = arith.maximumf %sub3A_399, %max3A_401 : vector<72x128xf32>
    %mul3A_403 = arith.mulf %max3A_394, %max3A_402 : vector<72x128xf32>
    %add3A_404 = vector.broadcast %mul3A_386 : f32 to vector<72x128xf32>
    %add3A_405 = arith.addf %mul3A_88, %add3A_404 : vector<72x128xf32>
    %sub3A_406 = arith.subf %add3A_405, %mul3A_403 : vector<72x128xf32>
    %div3A_407 = arith.divf %mul3A_403, %sub3A_406 : vector<72x128xf32>
    %jit3A_408 = arith.constant -1.000000e+00 : f32
    %broadcast_in_dim3A_409 = vector.broadcast %jit3A_408 : f32 to vector<72x128xf32>
    %select_n3A_410 = arith.select %lt3A_52, %div3A_407, %broadcast_in_dim3A_409 : vector<72x128xi1>, vector<72x128xf32>
    %gt3A_411 = arith.cmpf ogt, %select_n3A_410, %select_n3A_320 : vector<72x128xf32>
    %select_n3A_412 = arith.select %gt3A_411, %select_n3A_410, %select_n3A_320 : vector<72x128xi1>, vector<72x128xf32>
    %broadcast_in_dim3A_413 = vector.broadcast %convert_element_type3A_383 : f32 to vector<72x128xf32>
    %select_n3A_414 = arith.select %gt3A_411, %broadcast_in_dim3A_413, %select_n3A_322 : vector<72x128xi1>, vector<72x128xf32>
    %broadcast_in_dim3A_415 = vector.broadcast %get3A_366 : f32 to vector<72x128xf32>
    %select_n3A_416 = arith.select %gt3A_411, %broadcast_in_dim3A_415, %select_n3A_324 : vector<72x128xi1>, vector<72x128xf32>
    %broadcast_in_dim3A_417 = vector.broadcast %get3A_370 : f32 to vector<72x128xf32>
    %select_n3A_418 = arith.select %gt3A_411, %broadcast_in_dim3A_417, %select_n3A_326 : vector<72x128xi1>, vector<72x128xf32>
    %broadcast_in_dim3A_419 = vector.broadcast %get3A_374 : f32 to vector<72x128xf32>
    %select_n3A_420 = arith.select %gt3A_411, %broadcast_in_dim3A_419, %select_n3A_328 : vector<72x128xi1>, vector<72x128xf32>
    %broadcast_in_dim3A_421 = vector.broadcast %get3A_378 : f32 to vector<72x128xf32>
    %select_n3A_422 = arith.select %gt3A_411, %broadcast_in_dim3A_421, %select_n3A_330 : vector<72x128xi1>, vector<72x128xf32>
    %reduce_max3A_423 = arith.constant dense<0xFF800000> : vector<72xf32>
    %reduce_max3A_424 = vector.multi_reduction <maximumf>, %select_n3A_410, %reduce_max3A_423 [1] : vector<72x128xf32> to vector<72xf32>
    %broadcast_in_dim3A_425 = vector.shape_cast %reduce_max3A_424 : vector<72xf32> to vector<72x1xf32>
    %reduce_max3A_426 = arith.constant dense<0xFF800000> : vector<1xf32>
    %reduce_max3A_427 = vector.multi_reduction <maximumf>, %broadcast_in_dim3A_425, %reduce_max3A_426 [0] : vector<72x1xf32> to vector<1xf32>
    %broadcast_in_dim3A_428 = vector.shape_cast %reduce_max3A_427 : vector<1xf32> to vector<1x1xf32>
    %eq3A_429 = vector.broadcast %broadcast_in_dim3A_428 : vector<1x1xf32> to vector<72x128xf32>
    %eq3A_430 = arith.cmpf oeq, %select_n3A_410, %eq3A_429 : vector<72x128xf32>
    %jit3A_431 = arith.constant 1.000000e+09 : f32
    %broadcast_in_dim3A_432 = vector.broadcast %jit3A_431 : f32 to vector<72x128xf32>
    %select_n3A_433 = arith.select %eq3A_430, %convert_element_type3A, %broadcast_in_dim3A_432 : vector<72x128xi1>, vector<72x128xf32>
    %reduce_min3A_434 = arith.constant dense<0x7F800000> : vector<72xf32>
    %reduce_min3A_435 = vector.multi_reduction <minimumf>, %select_n3A_433, %reduce_min3A_434 [1] : vector<72x128xf32> to vector<72xf32>
    %broadcast_in_dim3A_436 = vector.shape_cast %reduce_min3A_435 : vector<72xf32> to vector<72x1xf32>
    %reduce_min3A_437 = arith.constant dense<0x7F800000> : vector<1xf32>
    %reduce_min3A_438 = vector.multi_reduction <minimumf>, %broadcast_in_dim3A_436, %reduce_min3A_437 [0] : vector<72x1xf32> to vector<1xf32>
    %broadcast_in_dim3A_439 = vector.shape_cast %reduce_min3A_438 : vector<1xf32> to vector<1x1xf32>
    %eq3A_440 = vector.broadcast %broadcast_in_dim3A_439 : vector<1x1xf32> to vector<72x128xf32>
    %eq3A_441 = arith.cmpf oeq, %convert_element_type3A, %eq3A_440 : vector<72x128xf32>
    %jit3A_442 = arith.constant 1.000000e+00 : f32
    %broadcast_in_dim3A_443 = vector.broadcast %jit3A_442 : f32 to vector<72x128xf32>
    %select_n3A_444 = arith.select %eq3A_441, %broadcast_in_dim3A_443, %select_n3A_352 : vector<72x128xi1>, vector<72x128xf32>
    %broadcast_in_dim3A_445 = vector.broadcast %convert_element_type3A_383 : f32 to vector<72x128xf32>
    %select_n3A_446 = arith.select %eq3A_441, %broadcast_in_dim3A_445, %select_n3A_354 : vector<72x128xi1>, vector<72x128xf32>
    %broadcast_in_dim3A_447 = vector.broadcast %get3A_366 : f32 to vector<72x128xf32>
    %select_n3A_448 = arith.select %eq3A_441, %broadcast_in_dim3A_447, %select_n3A_356 : vector<72x128xi1>, vector<72x128xf32>
    %broadcast_in_dim3A_449 = vector.broadcast %get3A_370 : f32 to vector<72x128xf32>
    %select_n3A_450 = arith.select %eq3A_441, %broadcast_in_dim3A_449, %select_n3A_358 : vector<72x128xi1>, vector<72x128xf32>
    %broadcast_in_dim3A_451 = vector.broadcast %get3A_374 : f32 to vector<72x128xf32>
    %select_n3A_452 = arith.select %eq3A_441, %broadcast_in_dim3A_451, %select_n3A_360 : vector<72x128xi1>, vector<72x128xf32>
    %broadcast_in_dim3A_453 = vector.broadcast %get3A_378 : f32 to vector<72x128xf32>
    %select_n3A_454 = arith.select %eq3A_441, %broadcast_in_dim3A_453, %select_n3A_362 : vector<72x128xi1>, vector<72x128xf32>
    %get3A_455 = arith.constant 0 : index
    %get3A_456 = arith.constant 4 : index
    %get3A_457 = arith.constant 0 : index
    %get3A_458 = memref.load %arg1[%get3A_455, %get3A_456, %get3A_457] : memref<1x16x4xf32, #tpu.memory_space<smem>>
    %get3A_459 = arith.constant 0 : index
    %get3A_460 = arith.constant 4 : index
    %get3A_461 = arith.constant 1 : index
    %get3A_462 = memref.load %arg1[%get3A_459, %get3A_460, %get3A_461] : memref<1x16x4xf32, #tpu.memory_space<smem>>
    %get3A_463 = arith.constant 0 : index
    %get3A_464 = arith.constant 4 : index
    %get3A_465 = arith.constant 2 : index
    %get3A_466 = memref.load %arg1[%get3A_463, %get3A_464, %get3A_465] : memref<1x16x4xf32, #tpu.memory_space<smem>>
    %get3A_467 = arith.constant 0 : index
    %get3A_468 = arith.constant 4 : index
    %get3A_469 = arith.constant 3 : index
    %get3A_470 = memref.load %arg1[%get3A_467, %get3A_468, %get3A_469] : memref<1x16x4xf32, #tpu.memory_space<smem>>
    %get3A_471 = arith.constant 0 : index
    %get3A_472 = arith.constant 0 : index
    %get3A_473 = arith.constant 4 : index
    %get3A_474 = memref.load %arg2[%get3A_471, %get3A_472, %get3A_473] : memref<1x1x16xi32, #tpu.memory_space<smem>>
    %convert_element_type3A_475 = arith.sitofp %get3A_474 : i32 to f32
    %sub3A_476 = arith.subf %get3A_466, %get3A_458 : f32
    %sub3A_477 = arith.subf %get3A_470, %get3A_462 : f32
    %mul3A_478 = arith.mulf %sub3A_476, %sub3A_477 : f32
    %min3A_479 = vector.broadcast %get3A_466 : f32 to vector<72x128xf32>
    %min3A_480 = arith.minimumf %add3A_83, %min3A_479 : vector<72x128xf32>
    %max3A_481 = vector.broadcast %get3A_458 : f32 to vector<72x128xf32>
    %max3A_482 = arith.maximumf %sub3A_75, %max3A_481 : vector<72x128xf32>
    %sub3A_483 = arith.subf %min3A_480, %max3A_482 : vector<72x128xf32>
    %max3A_484 = arith.constant 0.000000e+00 : f32
    %max3A_485 = vector.broadcast %max3A_484 : f32 to vector<72x128xf32>
    %max3A_486 = arith.maximumf %sub3A_483, %max3A_485 : vector<72x128xf32>
    %min3A_487 = vector.broadcast %get3A_470 : f32 to vector<72x128xf32>
    %min3A_488 = arith.minimumf %add3A_87, %min3A_487 : vector<72x128xf32>
    %max3A_489 = vector.broadcast %get3A_462 : f32 to vector<72x128xf32>
    %max3A_490 = arith.maximumf %sub3A_79, %max3A_489 : vector<72x128xf32>
    %sub3A_491 = arith.subf %min3A_488, %max3A_490 : vector<72x128xf32>
    %max3A_492 = arith.constant 0.000000e+00 : f32
    %max3A_493 = vector.broadcast %max3A_492 : f32 to vector<72x128xf32>
    %max3A_494 = arith.maximumf %sub3A_491, %max3A_493 : vector<72x128xf32>
    %mul3A_495 = arith.mulf %max3A_486, %max3A_494 : vector<72x128xf32>
    %add3A_496 = vector.broadcast %mul3A_478 : f32 to vector<72x128xf32>
    %add3A_497 = arith.addf %mul3A_88, %add3A_496 : vector<72x128xf32>
    %sub3A_498 = arith.subf %add3A_497, %mul3A_495 : vector<72x128xf32>
    %div3A_499 = arith.divf %mul3A_495, %sub3A_498 : vector<72x128xf32>
    %jit3A_500 = arith.constant -1.000000e+00 : f32
    %broadcast_in_dim3A_501 = vector.broadcast %jit3A_500 : f32 to vector<72x128xf32>
    %select_n3A_502 = arith.select %lt3A_52, %div3A_499, %broadcast_in_dim3A_501 : vector<72x128xi1>, vector<72x128xf32>
    %gt3A_503 = arith.cmpf ogt, %select_n3A_502, %select_n3A_412 : vector<72x128xf32>
    %select_n3A_504 = arith.select %gt3A_503, %select_n3A_502, %select_n3A_412 : vector<72x128xi1>, vector<72x128xf32>
    %broadcast_in_dim3A_505 = vector.broadcast %convert_element_type3A_475 : f32 to vector<72x128xf32>
    %select_n3A_506 = arith.select %gt3A_503, %broadcast_in_dim3A_505, %select_n3A_414 : vector<72x128xi1>, vector<72x128xf32>
    %broadcast_in_dim3A_507 = vector.broadcast %get3A_458 : f32 to vector<72x128xf32>
    %select_n3A_508 = arith.select %gt3A_503, %broadcast_in_dim3A_507, %select_n3A_416 : vector<72x128xi1>, vector<72x128xf32>
    %broadcast_in_dim3A_509 = vector.broadcast %get3A_462 : f32 to vector<72x128xf32>
    %select_n3A_510 = arith.select %gt3A_503, %broadcast_in_dim3A_509, %select_n3A_418 : vector<72x128xi1>, vector<72x128xf32>
    %broadcast_in_dim3A_511 = vector.broadcast %get3A_466 : f32 to vector<72x128xf32>
    %select_n3A_512 = arith.select %gt3A_503, %broadcast_in_dim3A_511, %select_n3A_420 : vector<72x128xi1>, vector<72x128xf32>
    %broadcast_in_dim3A_513 = vector.broadcast %get3A_470 : f32 to vector<72x128xf32>
    %select_n3A_514 = arith.select %gt3A_503, %broadcast_in_dim3A_513, %select_n3A_422 : vector<72x128xi1>, vector<72x128xf32>
    %reduce_max3A_515 = arith.constant dense<0xFF800000> : vector<72xf32>
    %reduce_max3A_516 = vector.multi_reduction <maximumf>, %select_n3A_502, %reduce_max3A_515 [1] : vector<72x128xf32> to vector<72xf32>
    %broadcast_in_dim3A_517 = vector.shape_cast %reduce_max3A_516 : vector<72xf32> to vector<72x1xf32>
    %reduce_max3A_518 = arith.constant dense<0xFF800000> : vector<1xf32>
    %reduce_max3A_519 = vector.multi_reduction <maximumf>, %broadcast_in_dim3A_517, %reduce_max3A_518 [0] : vector<72x1xf32> to vector<1xf32>
    %broadcast_in_dim3A_520 = vector.shape_cast %reduce_max3A_519 : vector<1xf32> to vector<1x1xf32>
    %eq3A_521 = vector.broadcast %broadcast_in_dim3A_520 : vector<1x1xf32> to vector<72x128xf32>
    %eq3A_522 = arith.cmpf oeq, %select_n3A_502, %eq3A_521 : vector<72x128xf32>
    %jit3A_523 = arith.constant 1.000000e+09 : f32
    %broadcast_in_dim3A_524 = vector.broadcast %jit3A_523 : f32 to vector<72x128xf32>
    %select_n3A_525 = arith.select %eq3A_522, %convert_element_type3A, %broadcast_in_dim3A_524 : vector<72x128xi1>, vector<72x128xf32>
    %reduce_min3A_526 = arith.constant dense<0x7F800000> : vector<72xf32>
    %reduce_min3A_527 = vector.multi_reduction <minimumf>, %select_n3A_525, %reduce_min3A_526 [1] : vector<72x128xf32> to vector<72xf32>
    %broadcast_in_dim3A_528 = vector.shape_cast %reduce_min3A_527 : vector<72xf32> to vector<72x1xf32>
    %reduce_min3A_529 = arith.constant dense<0x7F800000> : vector<1xf32>
    %reduce_min3A_530 = vector.multi_reduction <minimumf>, %broadcast_in_dim3A_528, %reduce_min3A_529 [0] : vector<72x1xf32> to vector<1xf32>
    %broadcast_in_dim3A_531 = vector.shape_cast %reduce_min3A_530 : vector<1xf32> to vector<1x1xf32>
    %eq3A_532 = vector.broadcast %broadcast_in_dim3A_531 : vector<1x1xf32> to vector<72x128xf32>
    %eq3A_533 = arith.cmpf oeq, %convert_element_type3A, %eq3A_532 : vector<72x128xf32>
    %jit3A_534 = arith.constant 1.000000e+00 : f32
    %broadcast_in_dim3A_535 = vector.broadcast %jit3A_534 : f32 to vector<72x128xf32>
    %select_n3A_536 = arith.select %eq3A_533, %broadcast_in_dim3A_535, %select_n3A_444 : vector<72x128xi1>, vector<72x128xf32>
    %broadcast_in_dim3A_537 = vector.broadcast %convert_element_type3A_475 : f32 to vector<72x128xf32>
    %select_n3A_538 = arith.select %eq3A_533, %broadcast_in_dim3A_537, %select_n3A_446 : vector<72x128xi1>, vector<72x128xf32>
    %broadcast_in_dim3A_539 = vector.broadcast %get3A_458 : f32 to vector<72x128xf32>
    %select_n3A_540 = arith.select %eq3A_533, %broadcast_in_dim3A_539, %select_n3A_448 : vector<72x128xi1>, vector<72x128xf32>
    %broadcast_in_dim3A_541 = vector.broadcast %get3A_462 : f32 to vector<72x128xf32>
    %select_n3A_542 = arith.select %eq3A_533, %broadcast_in_dim3A_541, %select_n3A_450 : vector<72x128xi1>, vector<72x128xf32>
    %broadcast_in_dim3A_543 = vector.broadcast %get3A_466 : f32 to vector<72x128xf32>
    %select_n3A_544 = arith.select %eq3A_533, %broadcast_in_dim3A_543, %select_n3A_452 : vector<72x128xi1>, vector<72x128xf32>
    %broadcast_in_dim3A_545 = vector.broadcast %get3A_470 : f32 to vector<72x128xf32>
    %select_n3A_546 = arith.select %eq3A_533, %broadcast_in_dim3A_545, %select_n3A_454 : vector<72x128xi1>, vector<72x128xf32>
    %get3A_547 = arith.constant 0 : index
    %get3A_548 = arith.constant 5 : index
    %get3A_549 = arith.constant 0 : index
    %get3A_550 = memref.load %arg1[%get3A_547, %get3A_548, %get3A_549] : memref<1x16x4xf32, #tpu.memory_space<smem>>
    %get3A_551 = arith.constant 0 : index
    %get3A_552 = arith.constant 5 : index
    %get3A_553 = arith.constant 1 : index
    %get3A_554 = memref.load %arg1[%get3A_551, %get3A_552, %get3A_553] : memref<1x16x4xf32, #tpu.memory_space<smem>>
    %get3A_555 = arith.constant 0 : index
    %get3A_556 = arith.constant 5 : index
    %get3A_557 = arith.constant 2 : index
    %get3A_558 = memref.load %arg1[%get3A_555, %get3A_556, %get3A_557] : memref<1x16x4xf32, #tpu.memory_space<smem>>
    %get3A_559 = arith.constant 0 : index
    %get3A_560 = arith.constant 5 : index
    %get3A_561 = arith.constant 3 : index
    %get3A_562 = memref.load %arg1[%get3A_559, %get3A_560, %get3A_561] : memref<1x16x4xf32, #tpu.memory_space<smem>>
    %get3A_563 = arith.constant 0 : index
    %get3A_564 = arith.constant 0 : index
    %get3A_565 = arith.constant 5 : index
    %get3A_566 = memref.load %arg2[%get3A_563, %get3A_564, %get3A_565] : memref<1x1x16xi32, #tpu.memory_space<smem>>
    %convert_element_type3A_567 = arith.sitofp %get3A_566 : i32 to f32
    %sub3A_568 = arith.subf %get3A_558, %get3A_550 : f32
    %sub3A_569 = arith.subf %get3A_562, %get3A_554 : f32
    %mul3A_570 = arith.mulf %sub3A_568, %sub3A_569 : f32
    %min3A_571 = vector.broadcast %get3A_558 : f32 to vector<72x128xf32>
    %min3A_572 = arith.minimumf %add3A_83, %min3A_571 : vector<72x128xf32>
    %max3A_573 = vector.broadcast %get3A_550 : f32 to vector<72x128xf32>
    %max3A_574 = arith.maximumf %sub3A_75, %max3A_573 : vector<72x128xf32>
    %sub3A_575 = arith.subf %min3A_572, %max3A_574 : vector<72x128xf32>
    %max3A_576 = arith.constant 0.000000e+00 : f32
    %max3A_577 = vector.broadcast %max3A_576 : f32 to vector<72x128xf32>
    %max3A_578 = arith.maximumf %sub3A_575, %max3A_577 : vector<72x128xf32>
    %min3A_579 = vector.broadcast %get3A_562 : f32 to vector<72x128xf32>
    %min3A_580 = arith.minimumf %add3A_87, %min3A_579 : vector<72x128xf32>
    %max3A_581 = vector.broadcast %get3A_554 : f32 to vector<72x128xf32>
    %max3A_582 = arith.maximumf %sub3A_79, %max3A_581 : vector<72x128xf32>
    %sub3A_583 = arith.subf %min3A_580, %max3A_582 : vector<72x128xf32>
    %max3A_584 = arith.constant 0.000000e+00 : f32
    %max3A_585 = vector.broadcast %max3A_584 : f32 to vector<72x128xf32>
    %max3A_586 = arith.maximumf %sub3A_583, %max3A_585 : vector<72x128xf32>
    %mul3A_587 = arith.mulf %max3A_578, %max3A_586 : vector<72x128xf32>
    %add3A_588 = vector.broadcast %mul3A_570 : f32 to vector<72x128xf32>
    %add3A_589 = arith.addf %mul3A_88, %add3A_588 : vector<72x128xf32>
    %sub3A_590 = arith.subf %add3A_589, %mul3A_587 : vector<72x128xf32>
    %div3A_591 = arith.divf %mul3A_587, %sub3A_590 : vector<72x128xf32>
    %jit3A_592 = arith.constant -1.000000e+00 : f32
    %broadcast_in_dim3A_593 = vector.broadcast %jit3A_592 : f32 to vector<72x128xf32>
    %select_n3A_594 = arith.select %lt3A_52, %div3A_591, %broadcast_in_dim3A_593 : vector<72x128xi1>, vector<72x128xf32>
    %gt3A_595 = arith.cmpf ogt, %select_n3A_594, %select_n3A_504 : vector<72x128xf32>
    %select_n3A_596 = arith.select %gt3A_595, %select_n3A_594, %select_n3A_504 : vector<72x128xi1>, vector<72x128xf32>
    %broadcast_in_dim3A_597 = vector.broadcast %convert_element_type3A_567 : f32 to vector<72x128xf32>
    %select_n3A_598 = arith.select %gt3A_595, %broadcast_in_dim3A_597, %select_n3A_506 : vector<72x128xi1>, vector<72x128xf32>
    %broadcast_in_dim3A_599 = vector.broadcast %get3A_550 : f32 to vector<72x128xf32>
    %select_n3A_600 = arith.select %gt3A_595, %broadcast_in_dim3A_599, %select_n3A_508 : vector<72x128xi1>, vector<72x128xf32>
    %broadcast_in_dim3A_601 = vector.broadcast %get3A_554 : f32 to vector<72x128xf32>
    %select_n3A_602 = arith.select %gt3A_595, %broadcast_in_dim3A_601, %select_n3A_510 : vector<72x128xi1>, vector<72x128xf32>
    %broadcast_in_dim3A_603 = vector.broadcast %get3A_558 : f32 to vector<72x128xf32>
    %select_n3A_604 = arith.select %gt3A_595, %broadcast_in_dim3A_603, %select_n3A_512 : vector<72x128xi1>, vector<72x128xf32>
    %broadcast_in_dim3A_605 = vector.broadcast %get3A_562 : f32 to vector<72x128xf32>
    %select_n3A_606 = arith.select %gt3A_595, %broadcast_in_dim3A_605, %select_n3A_514 : vector<72x128xi1>, vector<72x128xf32>
    %reduce_max3A_607 = arith.constant dense<0xFF800000> : vector<72xf32>
    %reduce_max3A_608 = vector.multi_reduction <maximumf>, %select_n3A_594, %reduce_max3A_607 [1] : vector<72x128xf32> to vector<72xf32>
    %broadcast_in_dim3A_609 = vector.shape_cast %reduce_max3A_608 : vector<72xf32> to vector<72x1xf32>
    %reduce_max3A_610 = arith.constant dense<0xFF800000> : vector<1xf32>
    %reduce_max3A_611 = vector.multi_reduction <maximumf>, %broadcast_in_dim3A_609, %reduce_max3A_610 [0] : vector<72x1xf32> to vector<1xf32>
    %broadcast_in_dim3A_612 = vector.shape_cast %reduce_max3A_611 : vector<1xf32> to vector<1x1xf32>
    %eq3A_613 = vector.broadcast %broadcast_in_dim3A_612 : vector<1x1xf32> to vector<72x128xf32>
    %eq3A_614 = arith.cmpf oeq, %select_n3A_594, %eq3A_613 : vector<72x128xf32>
    %jit3A_615 = arith.constant 1.000000e+09 : f32
    %broadcast_in_dim3A_616 = vector.broadcast %jit3A_615 : f32 to vector<72x128xf32>
    %select_n3A_617 = arith.select %eq3A_614, %convert_element_type3A, %broadcast_in_dim3A_616 : vector<72x128xi1>, vector<72x128xf32>
    %reduce_min3A_618 = arith.constant dense<0x7F800000> : vector<72xf32>
    %reduce_min3A_619 = vector.multi_reduction <minimumf>, %select_n3A_617, %reduce_min3A_618 [1] : vector<72x128xf32> to vector<72xf32>
    %broadcast_in_dim3A_620 = vector.shape_cast %reduce_min3A_619 : vector<72xf32> to vector<72x1xf32>
    %reduce_min3A_621 = arith.constant dense<0x7F800000> : vector<1xf32>
    %reduce_min3A_622 = vector.multi_reduction <minimumf>, %broadcast_in_dim3A_620, %reduce_min3A_621 [0] : vector<72x1xf32> to vector<1xf32>
    %broadcast_in_dim3A_623 = vector.shape_cast %reduce_min3A_622 : vector<1xf32> to vector<1x1xf32>
    %eq3A_624 = vector.broadcast %broadcast_in_dim3A_623 : vector<1x1xf32> to vector<72x128xf32>
    %eq3A_625 = arith.cmpf oeq, %convert_element_type3A, %eq3A_624 : vector<72x128xf32>
    %jit3A_626 = arith.constant 1.000000e+00 : f32
    %broadcast_in_dim3A_627 = vector.broadcast %jit3A_626 : f32 to vector<72x128xf32>
    %select_n3A_628 = arith.select %eq3A_625, %broadcast_in_dim3A_627, %select_n3A_536 : vector<72x128xi1>, vector<72x128xf32>
    %broadcast_in_dim3A_629 = vector.broadcast %convert_element_type3A_567 : f32 to vector<72x128xf32>
    %select_n3A_630 = arith.select %eq3A_625, %broadcast_in_dim3A_629, %select_n3A_538 : vector<72x128xi1>, vector<72x128xf32>
    %broadcast_in_dim3A_631 = vector.broadcast %get3A_550 : f32 to vector<72x128xf32>
    %select_n3A_632 = arith.select %eq3A_625, %broadcast_in_dim3A_631, %select_n3A_540 : vector<72x128xi1>, vector<72x128xf32>
    %broadcast_in_dim3A_633 = vector.broadcast %get3A_554 : f32 to vector<72x128xf32>
    %select_n3A_634 = arith.select %eq3A_625, %broadcast_in_dim3A_633, %select_n3A_542 : vector<72x128xi1>, vector<72x128xf32>
    %broadcast_in_dim3A_635 = vector.broadcast %get3A_558 : f32 to vector<72x128xf32>
    %select_n3A_636 = arith.select %eq3A_625, %broadcast_in_dim3A_635, %select_n3A_544 : vector<72x128xi1>, vector<72x128xf32>
    %broadcast_in_dim3A_637 = vector.broadcast %get3A_562 : f32 to vector<72x128xf32>
    %select_n3A_638 = arith.select %eq3A_625, %broadcast_in_dim3A_637, %select_n3A_546 : vector<72x128xi1>, vector<72x128xf32>
    %get3A_639 = arith.constant 0 : index
    %get3A_640 = arith.constant 6 : index
    %get3A_641 = arith.constant 0 : index
    %get3A_642 = memref.load %arg1[%get3A_639, %get3A_640, %get3A_641] : memref<1x16x4xf32, #tpu.memory_space<smem>>
    %get3A_643 = arith.constant 0 : index
    %get3A_644 = arith.constant 6 : index
    %get3A_645 = arith.constant 1 : index
    %get3A_646 = memref.load %arg1[%get3A_643, %get3A_644, %get3A_645] : memref<1x16x4xf32, #tpu.memory_space<smem>>
    %get3A_647 = arith.constant 0 : index
    %get3A_648 = arith.constant 6 : index
    %get3A_649 = arith.constant 2 : index
    %get3A_650 = memref.load %arg1[%get3A_647, %get3A_648, %get3A_649] : memref<1x16x4xf32, #tpu.memory_space<smem>>
    %get3A_651 = arith.constant 0 : index
    %get3A_652 = arith.constant 6 : index
    %get3A_653 = arith.constant 3 : index
    %get3A_654 = memref.load %arg1[%get3A_651, %get3A_652, %get3A_653] : memref<1x16x4xf32, #tpu.memory_space<smem>>
    %get3A_655 = arith.constant 0 : index
    %get3A_656 = arith.constant 0 : index
    %get3A_657 = arith.constant 6 : index
    %get3A_658 = memref.load %arg2[%get3A_655, %get3A_656, %get3A_657] : memref<1x1x16xi32, #tpu.memory_space<smem>>
    %convert_element_type3A_659 = arith.sitofp %get3A_658 : i32 to f32
    %sub3A_660 = arith.subf %get3A_650, %get3A_642 : f32
    %sub3A_661 = arith.subf %get3A_654, %get3A_646 : f32
    %mul3A_662 = arith.mulf %sub3A_660, %sub3A_661 : f32
    %min3A_663 = vector.broadcast %get3A_650 : f32 to vector<72x128xf32>
    %min3A_664 = arith.minimumf %add3A_83, %min3A_663 : vector<72x128xf32>
    %max3A_665 = vector.broadcast %get3A_642 : f32 to vector<72x128xf32>
    %max3A_666 = arith.maximumf %sub3A_75, %max3A_665 : vector<72x128xf32>
    %sub3A_667 = arith.subf %min3A_664, %max3A_666 : vector<72x128xf32>
    %max3A_668 = arith.constant 0.000000e+00 : f32
    %max3A_669 = vector.broadcast %max3A_668 : f32 to vector<72x128xf32>
    %max3A_670 = arith.maximumf %sub3A_667, %max3A_669 : vector<72x128xf32>
    %min3A_671 = vector.broadcast %get3A_654 : f32 to vector<72x128xf32>
    %min3A_672 = arith.minimumf %add3A_87, %min3A_671 : vector<72x128xf32>
    %max3A_673 = vector.broadcast %get3A_646 : f32 to vector<72x128xf32>
    %max3A_674 = arith.maximumf %sub3A_79, %max3A_673 : vector<72x128xf32>
    %sub3A_675 = arith.subf %min3A_672, %max3A_674 : vector<72x128xf32>
    %max3A_676 = arith.constant 0.000000e+00 : f32
    %max3A_677 = vector.broadcast %max3A_676 : f32 to vector<72x128xf32>
    %max3A_678 = arith.maximumf %sub3A_675, %max3A_677 : vector<72x128xf32>
    %mul3A_679 = arith.mulf %max3A_670, %max3A_678 : vector<72x128xf32>
    %add3A_680 = vector.broadcast %mul3A_662 : f32 to vector<72x128xf32>
    %add3A_681 = arith.addf %mul3A_88, %add3A_680 : vector<72x128xf32>
    %sub3A_682 = arith.subf %add3A_681, %mul3A_679 : vector<72x128xf32>
    %div3A_683 = arith.divf %mul3A_679, %sub3A_682 : vector<72x128xf32>
    %jit3A_684 = arith.constant -1.000000e+00 : f32
    %broadcast_in_dim3A_685 = vector.broadcast %jit3A_684 : f32 to vector<72x128xf32>
    %select_n3A_686 = arith.select %lt3A_52, %div3A_683, %broadcast_in_dim3A_685 : vector<72x128xi1>, vector<72x128xf32>
    %gt3A_687 = arith.cmpf ogt, %select_n3A_686, %select_n3A_596 : vector<72x128xf32>
    %select_n3A_688 = arith.select %gt3A_687, %select_n3A_686, %select_n3A_596 : vector<72x128xi1>, vector<72x128xf32>
    %broadcast_in_dim3A_689 = vector.broadcast %convert_element_type3A_659 : f32 to vector<72x128xf32>
    %select_n3A_690 = arith.select %gt3A_687, %broadcast_in_dim3A_689, %select_n3A_598 : vector<72x128xi1>, vector<72x128xf32>
    %broadcast_in_dim3A_691 = vector.broadcast %get3A_642 : f32 to vector<72x128xf32>
    %select_n3A_692 = arith.select %gt3A_687, %broadcast_in_dim3A_691, %select_n3A_600 : vector<72x128xi1>, vector<72x128xf32>
    %broadcast_in_dim3A_693 = vector.broadcast %get3A_646 : f32 to vector<72x128xf32>
    %select_n3A_694 = arith.select %gt3A_687, %broadcast_in_dim3A_693, %select_n3A_602 : vector<72x128xi1>, vector<72x128xf32>
    %broadcast_in_dim3A_695 = vector.broadcast %get3A_650 : f32 to vector<72x128xf32>
    %select_n3A_696 = arith.select %gt3A_687, %broadcast_in_dim3A_695, %select_n3A_604 : vector<72x128xi1>, vector<72x128xf32>
    %broadcast_in_dim3A_697 = vector.broadcast %get3A_654 : f32 to vector<72x128xf32>
    %select_n3A_698 = arith.select %gt3A_687, %broadcast_in_dim3A_697, %select_n3A_606 : vector<72x128xi1>, vector<72x128xf32>
    %reduce_max3A_699 = arith.constant dense<0xFF800000> : vector<72xf32>
    %reduce_max3A_700 = vector.multi_reduction <maximumf>, %select_n3A_686, %reduce_max3A_699 [1] : vector<72x128xf32> to vector<72xf32>
    %broadcast_in_dim3A_701 = vector.shape_cast %reduce_max3A_700 : vector<72xf32> to vector<72x1xf32>
    %reduce_max3A_702 = arith.constant dense<0xFF800000> : vector<1xf32>
    %reduce_max3A_703 = vector.multi_reduction <maximumf>, %broadcast_in_dim3A_701, %reduce_max3A_702 [0] : vector<72x1xf32> to vector<1xf32>
    %broadcast_in_dim3A_704 = vector.shape_cast %reduce_max3A_703 : vector<1xf32> to vector<1x1xf32>
    %eq3A_705 = vector.broadcast %broadcast_in_dim3A_704 : vector<1x1xf32> to vector<72x128xf32>
    %eq3A_706 = arith.cmpf oeq, %select_n3A_686, %eq3A_705 : vector<72x128xf32>
    %jit3A_707 = arith.constant 1.000000e+09 : f32
    %broadcast_in_dim3A_708 = vector.broadcast %jit3A_707 : f32 to vector<72x128xf32>
    %select_n3A_709 = arith.select %eq3A_706, %convert_element_type3A, %broadcast_in_dim3A_708 : vector<72x128xi1>, vector<72x128xf32>
    %reduce_min3A_710 = arith.constant dense<0x7F800000> : vector<72xf32>
    %reduce_min3A_711 = vector.multi_reduction <minimumf>, %select_n3A_709, %reduce_min3A_710 [1] : vector<72x128xf32> to vector<72xf32>
    %broadcast_in_dim3A_712 = vector.shape_cast %reduce_min3A_711 : vector<72xf32> to vector<72x1xf32>
    %reduce_min3A_713 = arith.constant dense<0x7F800000> : vector<1xf32>
    %reduce_min3A_714 = vector.multi_reduction <minimumf>, %broadcast_in_dim3A_712, %reduce_min3A_713 [0] : vector<72x1xf32> to vector<1xf32>
    %broadcast_in_dim3A_715 = vector.shape_cast %reduce_min3A_714 : vector<1xf32> to vector<1x1xf32>
    %eq3A_716 = vector.broadcast %broadcast_in_dim3A_715 : vector<1x1xf32> to vector<72x128xf32>
    %eq3A_717 = arith.cmpf oeq, %convert_element_type3A, %eq3A_716 : vector<72x128xf32>
    %jit3A_718 = arith.constant 1.000000e+00 : f32
    %broadcast_in_dim3A_719 = vector.broadcast %jit3A_718 : f32 to vector<72x128xf32>
    %select_n3A_720 = arith.select %eq3A_717, %broadcast_in_dim3A_719, %select_n3A_628 : vector<72x128xi1>, vector<72x128xf32>
    %broadcast_in_dim3A_721 = vector.broadcast %convert_element_type3A_659 : f32 to vector<72x128xf32>
    %select_n3A_722 = arith.select %eq3A_717, %broadcast_in_dim3A_721, %select_n3A_630 : vector<72x128xi1>, vector<72x128xf32>
    %broadcast_in_dim3A_723 = vector.broadcast %get3A_642 : f32 to vector<72x128xf32>
    %select_n3A_724 = arith.select %eq3A_717, %broadcast_in_dim3A_723, %select_n3A_632 : vector<72x128xi1>, vector<72x128xf32>
    %broadcast_in_dim3A_725 = vector.broadcast %get3A_646 : f32 to vector<72x128xf32>
    %select_n3A_726 = arith.select %eq3A_717, %broadcast_in_dim3A_725, %select_n3A_634 : vector<72x128xi1>, vector<72x128xf32>
    %broadcast_in_dim3A_727 = vector.broadcast %get3A_650 : f32 to vector<72x128xf32>
    %select_n3A_728 = arith.select %eq3A_717, %broadcast_in_dim3A_727, %select_n3A_636 : vector<72x128xi1>, vector<72x128xf32>
    %broadcast_in_dim3A_729 = vector.broadcast %get3A_654 : f32 to vector<72x128xf32>
    %select_n3A_730 = arith.select %eq3A_717, %broadcast_in_dim3A_729, %select_n3A_638 : vector<72x128xi1>, vector<72x128xf32>
    %get3A_731 = arith.constant 0 : index
    %get3A_732 = arith.constant 7 : index
    %get3A_733 = arith.constant 0 : index
    %get3A_734 = memref.load %arg1[%get3A_731, %get3A_732, %get3A_733] : memref<1x16x4xf32, #tpu.memory_space<smem>>
    %get3A_735 = arith.constant 0 : index
    %get3A_736 = arith.constant 7 : index
    %get3A_737 = arith.constant 1 : index
    %get3A_738 = memref.load %arg1[%get3A_735, %get3A_736, %get3A_737] : memref<1x16x4xf32, #tpu.memory_space<smem>>
    %get3A_739 = arith.constant 0 : index
    %get3A_740 = arith.constant 7 : index
    %get3A_741 = arith.constant 2 : index
    %get3A_742 = memref.load %arg1[%get3A_739, %get3A_740, %get3A_741] : memref<1x16x4xf32, #tpu.memory_space<smem>>
    %get3A_743 = arith.constant 0 : index
    %get3A_744 = arith.constant 7 : index
    %get3A_745 = arith.constant 3 : index
    %get3A_746 = memref.load %arg1[%get3A_743, %get3A_744, %get3A_745] : memref<1x16x4xf32, #tpu.memory_space<smem>>
    %get3A_747 = arith.constant 0 : index
    %get3A_748 = arith.constant 0 : index
    %get3A_749 = arith.constant 7 : index
    %get3A_750 = memref.load %arg2[%get3A_747, %get3A_748, %get3A_749] : memref<1x1x16xi32, #tpu.memory_space<smem>>
    %convert_element_type3A_751 = arith.sitofp %get3A_750 : i32 to f32
    %sub3A_752 = arith.subf %get3A_742, %get3A_734 : f32
    %sub3A_753 = arith.subf %get3A_746, %get3A_738 : f32
    %mul3A_754 = arith.mulf %sub3A_752, %sub3A_753 : f32
    %min3A_755 = vector.broadcast %get3A_742 : f32 to vector<72x128xf32>
    %min3A_756 = arith.minimumf %add3A_83, %min3A_755 : vector<72x128xf32>
    %max3A_757 = vector.broadcast %get3A_734 : f32 to vector<72x128xf32>
    %max3A_758 = arith.maximumf %sub3A_75, %max3A_757 : vector<72x128xf32>
    %sub3A_759 = arith.subf %min3A_756, %max3A_758 : vector<72x128xf32>
    %max3A_760 = arith.constant 0.000000e+00 : f32
    %max3A_761 = vector.broadcast %max3A_760 : f32 to vector<72x128xf32>
    %max3A_762 = arith.maximumf %sub3A_759, %max3A_761 : vector<72x128xf32>
    %min3A_763 = vector.broadcast %get3A_746 : f32 to vector<72x128xf32>
    %min3A_764 = arith.minimumf %add3A_87, %min3A_763 : vector<72x128xf32>
    %max3A_765 = vector.broadcast %get3A_738 : f32 to vector<72x128xf32>
    %max3A_766 = arith.maximumf %sub3A_79, %max3A_765 : vector<72x128xf32>
    %sub3A_767 = arith.subf %min3A_764, %max3A_766 : vector<72x128xf32>
    %max3A_768 = arith.constant 0.000000e+00 : f32
    %max3A_769 = vector.broadcast %max3A_768 : f32 to vector<72x128xf32>
    %max3A_770 = arith.maximumf %sub3A_767, %max3A_769 : vector<72x128xf32>
    %mul3A_771 = arith.mulf %max3A_762, %max3A_770 : vector<72x128xf32>
    %add3A_772 = vector.broadcast %mul3A_754 : f32 to vector<72x128xf32>
    %add3A_773 = arith.addf %mul3A_88, %add3A_772 : vector<72x128xf32>
    %sub3A_774 = arith.subf %add3A_773, %mul3A_771 : vector<72x128xf32>
    %div3A_775 = arith.divf %mul3A_771, %sub3A_774 : vector<72x128xf32>
    %jit3A_776 = arith.constant -1.000000e+00 : f32
    %broadcast_in_dim3A_777 = vector.broadcast %jit3A_776 : f32 to vector<72x128xf32>
    %select_n3A_778 = arith.select %lt3A_52, %div3A_775, %broadcast_in_dim3A_777 : vector<72x128xi1>, vector<72x128xf32>
    %gt3A_779 = arith.cmpf ogt, %select_n3A_778, %select_n3A_688 : vector<72x128xf32>
    %select_n3A_780 = arith.select %gt3A_779, %select_n3A_778, %select_n3A_688 : vector<72x128xi1>, vector<72x128xf32>
    %broadcast_in_dim3A_781 = vector.broadcast %convert_element_type3A_751 : f32 to vector<72x128xf32>
    %select_n3A_782 = arith.select %gt3A_779, %broadcast_in_dim3A_781, %select_n3A_690 : vector<72x128xi1>, vector<72x128xf32>
    %broadcast_in_dim3A_783 = vector.broadcast %get3A_734 : f32 to vector<72x128xf32>
    %select_n3A_784 = arith.select %gt3A_779, %broadcast_in_dim3A_783, %select_n3A_692 : vector<72x128xi1>, vector<72x128xf32>
    %broadcast_in_dim3A_785 = vector.broadcast %get3A_738 : f32 to vector<72x128xf32>
    %select_n3A_786 = arith.select %gt3A_779, %broadcast_in_dim3A_785, %select_n3A_694 : vector<72x128xi1>, vector<72x128xf32>
    %broadcast_in_dim3A_787 = vector.broadcast %get3A_742 : f32 to vector<72x128xf32>
    %select_n3A_788 = arith.select %gt3A_779, %broadcast_in_dim3A_787, %select_n3A_696 : vector<72x128xi1>, vector<72x128xf32>
    %broadcast_in_dim3A_789 = vector.broadcast %get3A_746 : f32 to vector<72x128xf32>
    %select_n3A_790 = arith.select %gt3A_779, %broadcast_in_dim3A_789, %select_n3A_698 : vector<72x128xi1>, vector<72x128xf32>
    %reduce_max3A_791 = arith.constant dense<0xFF800000> : vector<72xf32>
    %reduce_max3A_792 = vector.multi_reduction <maximumf>, %select_n3A_778, %reduce_max3A_791 [1] : vector<72x128xf32> to vector<72xf32>
    %broadcast_in_dim3A_793 = vector.shape_cast %reduce_max3A_792 : vector<72xf32> to vector<72x1xf32>
    %reduce_max3A_794 = arith.constant dense<0xFF800000> : vector<1xf32>
    %reduce_max3A_795 = vector.multi_reduction <maximumf>, %broadcast_in_dim3A_793, %reduce_max3A_794 [0] : vector<72x1xf32> to vector<1xf32>
    %broadcast_in_dim3A_796 = vector.shape_cast %reduce_max3A_795 : vector<1xf32> to vector<1x1xf32>
    %eq3A_797 = vector.broadcast %broadcast_in_dim3A_796 : vector<1x1xf32> to vector<72x128xf32>
    %eq3A_798 = arith.cmpf oeq, %select_n3A_778, %eq3A_797 : vector<72x128xf32>
    %jit3A_799 = arith.constant 1.000000e+09 : f32
    %broadcast_in_dim3A_800 = vector.broadcast %jit3A_799 : f32 to vector<72x128xf32>
    %select_n3A_801 = arith.select %eq3A_798, %convert_element_type3A, %broadcast_in_dim3A_800 : vector<72x128xi1>, vector<72x128xf32>
    %reduce_min3A_802 = arith.constant dense<0x7F800000> : vector<72xf32>
    %reduce_min3A_803 = vector.multi_reduction <minimumf>, %select_n3A_801, %reduce_min3A_802 [1] : vector<72x128xf32> to vector<72xf32>
    %broadcast_in_dim3A_804 = vector.shape_cast %reduce_min3A_803 : vector<72xf32> to vector<72x1xf32>
    %reduce_min3A_805 = arith.constant dense<0x7F800000> : vector<1xf32>
    %reduce_min3A_806 = vector.multi_reduction <minimumf>, %broadcast_in_dim3A_804, %reduce_min3A_805 [0] : vector<72x1xf32> to vector<1xf32>
    %broadcast_in_dim3A_807 = vector.shape_cast %reduce_min3A_806 : vector<1xf32> to vector<1x1xf32>
    %eq3A_808 = vector.broadcast %broadcast_in_dim3A_807 : vector<1x1xf32> to vector<72x128xf32>
    %eq3A_809 = arith.cmpf oeq, %convert_element_type3A, %eq3A_808 : vector<72x128xf32>
    %jit3A_810 = arith.constant 1.000000e+00 : f32
    %broadcast_in_dim3A_811 = vector.broadcast %jit3A_810 : f32 to vector<72x128xf32>
    %select_n3A_812 = arith.select %eq3A_809, %broadcast_in_dim3A_811, %select_n3A_720 : vector<72x128xi1>, vector<72x128xf32>
    %broadcast_in_dim3A_813 = vector.broadcast %convert_element_type3A_751 : f32 to vector<72x128xf32>
    %select_n3A_814 = arith.select %eq3A_809, %broadcast_in_dim3A_813, %select_n3A_722 : vector<72x128xi1>, vector<72x128xf32>
    %broadcast_in_dim3A_815 = vector.broadcast %get3A_734 : f32 to vector<72x128xf32>
    %select_n3A_816 = arith.select %eq3A_809, %broadcast_in_dim3A_815, %select_n3A_724 : vector<72x128xi1>, vector<72x128xf32>
    %broadcast_in_dim3A_817 = vector.broadcast %get3A_738 : f32 to vector<72x128xf32>
    %select_n3A_818 = arith.select %eq3A_809, %broadcast_in_dim3A_817, %select_n3A_726 : vector<72x128xi1>, vector<72x128xf32>
    %broadcast_in_dim3A_819 = vector.broadcast %get3A_742 : f32 to vector<72x128xf32>
    %select_n3A_820 = arith.select %eq3A_809, %broadcast_in_dim3A_819, %select_n3A_728 : vector<72x128xi1>, vector<72x128xf32>
    %broadcast_in_dim3A_821 = vector.broadcast %get3A_746 : f32 to vector<72x128xf32>
    %select_n3A_822 = arith.select %eq3A_809, %broadcast_in_dim3A_821, %select_n3A_730 : vector<72x128xi1>, vector<72x128xf32>
    %get3A_823 = arith.constant 0 : index
    %get3A_824 = arith.constant 8 : index
    %get3A_825 = arith.constant 0 : index
    %get3A_826 = memref.load %arg1[%get3A_823, %get3A_824, %get3A_825] : memref<1x16x4xf32, #tpu.memory_space<smem>>
    %get3A_827 = arith.constant 0 : index
    %get3A_828 = arith.constant 8 : index
    %get3A_829 = arith.constant 1 : index
    %get3A_830 = memref.load %arg1[%get3A_827, %get3A_828, %get3A_829] : memref<1x16x4xf32, #tpu.memory_space<smem>>
    %get3A_831 = arith.constant 0 : index
    %get3A_832 = arith.constant 8 : index
    %get3A_833 = arith.constant 2 : index
    %get3A_834 = memref.load %arg1[%get3A_831, %get3A_832, %get3A_833] : memref<1x16x4xf32, #tpu.memory_space<smem>>
    %get3A_835 = arith.constant 0 : index
    %get3A_836 = arith.constant 8 : index
    %get3A_837 = arith.constant 3 : index
    %get3A_838 = memref.load %arg1[%get3A_835, %get3A_836, %get3A_837] : memref<1x16x4xf32, #tpu.memory_space<smem>>
    %get3A_839 = arith.constant 0 : index
    %get3A_840 = arith.constant 0 : index
    %get3A_841 = arith.constant 8 : index
    %get3A_842 = memref.load %arg2[%get3A_839, %get3A_840, %get3A_841] : memref<1x1x16xi32, #tpu.memory_space<smem>>
    %convert_element_type3A_843 = arith.sitofp %get3A_842 : i32 to f32
    %sub3A_844 = arith.subf %get3A_834, %get3A_826 : f32
    %sub3A_845 = arith.subf %get3A_838, %get3A_830 : f32
    %mul3A_846 = arith.mulf %sub3A_844, %sub3A_845 : f32
    %min3A_847 = vector.broadcast %get3A_834 : f32 to vector<72x128xf32>
    %min3A_848 = arith.minimumf %add3A_83, %min3A_847 : vector<72x128xf32>
    %max3A_849 = vector.broadcast %get3A_826 : f32 to vector<72x128xf32>
    %max3A_850 = arith.maximumf %sub3A_75, %max3A_849 : vector<72x128xf32>
    %sub3A_851 = arith.subf %min3A_848, %max3A_850 : vector<72x128xf32>
    %max3A_852 = arith.constant 0.000000e+00 : f32
    %max3A_853 = vector.broadcast %max3A_852 : f32 to vector<72x128xf32>
    %max3A_854 = arith.maximumf %sub3A_851, %max3A_853 : vector<72x128xf32>
    %min3A_855 = vector.broadcast %get3A_838 : f32 to vector<72x128xf32>
    %min3A_856 = arith.minimumf %add3A_87, %min3A_855 : vector<72x128xf32>
    %max3A_857 = vector.broadcast %get3A_830 : f32 to vector<72x128xf32>
    %max3A_858 = arith.maximumf %sub3A_79, %max3A_857 : vector<72x128xf32>
    %sub3A_859 = arith.subf %min3A_856, %max3A_858 : vector<72x128xf32>
    %max3A_860 = arith.constant 0.000000e+00 : f32
    %max3A_861 = vector.broadcast %max3A_860 : f32 to vector<72x128xf32>
    %max3A_862 = arith.maximumf %sub3A_859, %max3A_861 : vector<72x128xf32>
    %mul3A_863 = arith.mulf %max3A_854, %max3A_862 : vector<72x128xf32>
    %add3A_864 = vector.broadcast %mul3A_846 : f32 to vector<72x128xf32>
    %add3A_865 = arith.addf %mul3A_88, %add3A_864 : vector<72x128xf32>
    %sub3A_866 = arith.subf %add3A_865, %mul3A_863 : vector<72x128xf32>
    %div3A_867 = arith.divf %mul3A_863, %sub3A_866 : vector<72x128xf32>
    %jit3A_868 = arith.constant -1.000000e+00 : f32
    %broadcast_in_dim3A_869 = vector.broadcast %jit3A_868 : f32 to vector<72x128xf32>
    %select_n3A_870 = arith.select %lt3A_52, %div3A_867, %broadcast_in_dim3A_869 : vector<72x128xi1>, vector<72x128xf32>
    %gt3A_871 = arith.cmpf ogt, %select_n3A_870, %select_n3A_780 : vector<72x128xf32>
    %select_n3A_872 = arith.select %gt3A_871, %select_n3A_870, %select_n3A_780 : vector<72x128xi1>, vector<72x128xf32>
    %broadcast_in_dim3A_873 = vector.broadcast %convert_element_type3A_843 : f32 to vector<72x128xf32>
    %select_n3A_874 = arith.select %gt3A_871, %broadcast_in_dim3A_873, %select_n3A_782 : vector<72x128xi1>, vector<72x128xf32>
    %broadcast_in_dim3A_875 = vector.broadcast %get3A_826 : f32 to vector<72x128xf32>
    %select_n3A_876 = arith.select %gt3A_871, %broadcast_in_dim3A_875, %select_n3A_784 : vector<72x128xi1>, vector<72x128xf32>
    %broadcast_in_dim3A_877 = vector.broadcast %get3A_830 : f32 to vector<72x128xf32>
    %select_n3A_878 = arith.select %gt3A_871, %broadcast_in_dim3A_877, %select_n3A_786 : vector<72x128xi1>, vector<72x128xf32>
    %broadcast_in_dim3A_879 = vector.broadcast %get3A_834 : f32 to vector<72x128xf32>
    %select_n3A_880 = arith.select %gt3A_871, %broadcast_in_dim3A_879, %select_n3A_788 : vector<72x128xi1>, vector<72x128xf32>
    %broadcast_in_dim3A_881 = vector.broadcast %get3A_838 : f32 to vector<72x128xf32>
    %select_n3A_882 = arith.select %gt3A_871, %broadcast_in_dim3A_881, %select_n3A_790 : vector<72x128xi1>, vector<72x128xf32>
    %reduce_max3A_883 = arith.constant dense<0xFF800000> : vector<72xf32>
    %reduce_max3A_884 = vector.multi_reduction <maximumf>, %select_n3A_870, %reduce_max3A_883 [1] : vector<72x128xf32> to vector<72xf32>
    %broadcast_in_dim3A_885 = vector.shape_cast %reduce_max3A_884 : vector<72xf32> to vector<72x1xf32>
    %reduce_max3A_886 = arith.constant dense<0xFF800000> : vector<1xf32>
    %reduce_max3A_887 = vector.multi_reduction <maximumf>, %broadcast_in_dim3A_885, %reduce_max3A_886 [0] : vector<72x1xf32> to vector<1xf32>
    %broadcast_in_dim3A_888 = vector.shape_cast %reduce_max3A_887 : vector<1xf32> to vector<1x1xf32>
    %eq3A_889 = vector.broadcast %broadcast_in_dim3A_888 : vector<1x1xf32> to vector<72x128xf32>
    %eq3A_890 = arith.cmpf oeq, %select_n3A_870, %eq3A_889 : vector<72x128xf32>
    %jit3A_891 = arith.constant 1.000000e+09 : f32
    %broadcast_in_dim3A_892 = vector.broadcast %jit3A_891 : f32 to vector<72x128xf32>
    %select_n3A_893 = arith.select %eq3A_890, %convert_element_type3A, %broadcast_in_dim3A_892 : vector<72x128xi1>, vector<72x128xf32>
    %reduce_min3A_894 = arith.constant dense<0x7F800000> : vector<72xf32>
    %reduce_min3A_895 = vector.multi_reduction <minimumf>, %select_n3A_893, %reduce_min3A_894 [1] : vector<72x128xf32> to vector<72xf32>
    %broadcast_in_dim3A_896 = vector.shape_cast %reduce_min3A_895 : vector<72xf32> to vector<72x1xf32>
    %reduce_min3A_897 = arith.constant dense<0x7F800000> : vector<1xf32>
    %reduce_min3A_898 = vector.multi_reduction <minimumf>, %broadcast_in_dim3A_896, %reduce_min3A_897 [0] : vector<72x1xf32> to vector<1xf32>
    %broadcast_in_dim3A_899 = vector.shape_cast %reduce_min3A_898 : vector<1xf32> to vector<1x1xf32>
    %eq3A_900 = vector.broadcast %broadcast_in_dim3A_899 : vector<1x1xf32> to vector<72x128xf32>
    %eq3A_901 = arith.cmpf oeq, %convert_element_type3A, %eq3A_900 : vector<72x128xf32>
    %jit3A_902 = arith.constant 1.000000e+00 : f32
    %broadcast_in_dim3A_903 = vector.broadcast %jit3A_902 : f32 to vector<72x128xf32>
    %select_n3A_904 = arith.select %eq3A_901, %broadcast_in_dim3A_903, %select_n3A_812 : vector<72x128xi1>, vector<72x128xf32>
    %broadcast_in_dim3A_905 = vector.broadcast %convert_element_type3A_843 : f32 to vector<72x128xf32>
    %select_n3A_906 = arith.select %eq3A_901, %broadcast_in_dim3A_905, %select_n3A_814 : vector<72x128xi1>, vector<72x128xf32>
    %broadcast_in_dim3A_907 = vector.broadcast %get3A_826 : f32 to vector<72x128xf32>
    %select_n3A_908 = arith.select %eq3A_901, %broadcast_in_dim3A_907, %select_n3A_816 : vector<72x128xi1>, vector<72x128xf32>
    %broadcast_in_dim3A_909 = vector.broadcast %get3A_830 : f32 to vector<72x128xf32>
    %select_n3A_910 = arith.select %eq3A_901, %broadcast_in_dim3A_909, %select_n3A_818 : vector<72x128xi1>, vector<72x128xf32>
    %broadcast_in_dim3A_911 = vector.broadcast %get3A_834 : f32 to vector<72x128xf32>
    %select_n3A_912 = arith.select %eq3A_901, %broadcast_in_dim3A_911, %select_n3A_820 : vector<72x128xi1>, vector<72x128xf32>
    %broadcast_in_dim3A_913 = vector.broadcast %get3A_838 : f32 to vector<72x128xf32>
    %select_n3A_914 = arith.select %eq3A_901, %broadcast_in_dim3A_913, %select_n3A_822 : vector<72x128xi1>, vector<72x128xf32>
    %get3A_915 = arith.constant 0 : index
    %get3A_916 = arith.constant 9 : index
    %get3A_917 = arith.constant 0 : index
    %get3A_918 = memref.load %arg1[%get3A_915, %get3A_916, %get3A_917] : memref<1x16x4xf32, #tpu.memory_space<smem>>
    %get3A_919 = arith.constant 0 : index
    %get3A_920 = arith.constant 9 : index
    %get3A_921 = arith.constant 1 : index
    %get3A_922 = memref.load %arg1[%get3A_919, %get3A_920, %get3A_921] : memref<1x16x4xf32, #tpu.memory_space<smem>>
    %get3A_923 = arith.constant 0 : index
    %get3A_924 = arith.constant 9 : index
    %get3A_925 = arith.constant 2 : index
    %get3A_926 = memref.load %arg1[%get3A_923, %get3A_924, %get3A_925] : memref<1x16x4xf32, #tpu.memory_space<smem>>
    %get3A_927 = arith.constant 0 : index
    %get3A_928 = arith.constant 9 : index
    %get3A_929 = arith.constant 3 : index
    %get3A_930 = memref.load %arg1[%get3A_927, %get3A_928, %get3A_929] : memref<1x16x4xf32, #tpu.memory_space<smem>>
    %get3A_931 = arith.constant 0 : index
    %get3A_932 = arith.constant 0 : index
    %get3A_933 = arith.constant 9 : index
    %get3A_934 = memref.load %arg2[%get3A_931, %get3A_932, %get3A_933] : memref<1x1x16xi32, #tpu.memory_space<smem>>
    %convert_element_type3A_935 = arith.sitofp %get3A_934 : i32 to f32
    %sub3A_936 = arith.subf %get3A_926, %get3A_918 : f32
    %sub3A_937 = arith.subf %get3A_930, %get3A_922 : f32
    %mul3A_938 = arith.mulf %sub3A_936, %sub3A_937 : f32
    %min3A_939 = vector.broadcast %get3A_926 : f32 to vector<72x128xf32>
    %min3A_940 = arith.minimumf %add3A_83, %min3A_939 : vector<72x128xf32>
    %max3A_941 = vector.broadcast %get3A_918 : f32 to vector<72x128xf32>
    %max3A_942 = arith.maximumf %sub3A_75, %max3A_941 : vector<72x128xf32>
    %sub3A_943 = arith.subf %min3A_940, %max3A_942 : vector<72x128xf32>
    %max3A_944 = arith.constant 0.000000e+00 : f32
    %max3A_945 = vector.broadcast %max3A_944 : f32 to vector<72x128xf32>
    %max3A_946 = arith.maximumf %sub3A_943, %max3A_945 : vector<72x128xf32>
    %min3A_947 = vector.broadcast %get3A_930 : f32 to vector<72x128xf32>
    %min3A_948 = arith.minimumf %add3A_87, %min3A_947 : vector<72x128xf32>
    %max3A_949 = vector.broadcast %get3A_922 : f32 to vector<72x128xf32>
    %max3A_950 = arith.maximumf %sub3A_79, %max3A_949 : vector<72x128xf32>
    %sub3A_951 = arith.subf %min3A_948, %max3A_950 : vector<72x128xf32>
    %max3A_952 = arith.constant 0.000000e+00 : f32
    %max3A_953 = vector.broadcast %max3A_952 : f32 to vector<72x128xf32>
    %max3A_954 = arith.maximumf %sub3A_951, %max3A_953 : vector<72x128xf32>
    %mul3A_955 = arith.mulf %max3A_946, %max3A_954 : vector<72x128xf32>
    %add3A_956 = vector.broadcast %mul3A_938 : f32 to vector<72x128xf32>
    %add3A_957 = arith.addf %mul3A_88, %add3A_956 : vector<72x128xf32>
    %sub3A_958 = arith.subf %add3A_957, %mul3A_955 : vector<72x128xf32>
    %div3A_959 = arith.divf %mul3A_955, %sub3A_958 : vector<72x128xf32>
    %jit3A_960 = arith.constant -1.000000e+00 : f32
    %broadcast_in_dim3A_961 = vector.broadcast %jit3A_960 : f32 to vector<72x128xf32>
    %select_n3A_962 = arith.select %lt3A_52, %div3A_959, %broadcast_in_dim3A_961 : vector<72x128xi1>, vector<72x128xf32>
    %gt3A_963 = arith.cmpf ogt, %select_n3A_962, %select_n3A_872 : vector<72x128xf32>
    %select_n3A_964 = arith.select %gt3A_963, %select_n3A_962, %select_n3A_872 : vector<72x128xi1>, vector<72x128xf32>
    %broadcast_in_dim3A_965 = vector.broadcast %convert_element_type3A_935 : f32 to vector<72x128xf32>
    %select_n3A_966 = arith.select %gt3A_963, %broadcast_in_dim3A_965, %select_n3A_874 : vector<72x128xi1>, vector<72x128xf32>
    %broadcast_in_dim3A_967 = vector.broadcast %get3A_918 : f32 to vector<72x128xf32>
    %select_n3A_968 = arith.select %gt3A_963, %broadcast_in_dim3A_967, %select_n3A_876 : vector<72x128xi1>, vector<72x128xf32>
    %broadcast_in_dim3A_969 = vector.broadcast %get3A_922 : f32 to vector<72x128xf32>
    %select_n3A_970 = arith.select %gt3A_963, %broadcast_in_dim3A_969, %select_n3A_878 : vector<72x128xi1>, vector<72x128xf32>
    %broadcast_in_dim3A_971 = vector.broadcast %get3A_926 : f32 to vector<72x128xf32>
    %select_n3A_972 = arith.select %gt3A_963, %broadcast_in_dim3A_971, %select_n3A_880 : vector<72x128xi1>, vector<72x128xf32>
    %broadcast_in_dim3A_973 = vector.broadcast %get3A_930 : f32 to vector<72x128xf32>
    %select_n3A_974 = arith.select %gt3A_963, %broadcast_in_dim3A_973, %select_n3A_882 : vector<72x128xi1>, vector<72x128xf32>
    %reduce_max3A_975 = arith.constant dense<0xFF800000> : vector<72xf32>
    %reduce_max3A_976 = vector.multi_reduction <maximumf>, %select_n3A_962, %reduce_max3A_975 [1] : vector<72x128xf32> to vector<72xf32>
    %broadcast_in_dim3A_977 = vector.shape_cast %reduce_max3A_976 : vector<72xf32> to vector<72x1xf32>
    %reduce_max3A_978 = arith.constant dense<0xFF800000> : vector<1xf32>
    %reduce_max3A_979 = vector.multi_reduction <maximumf>, %broadcast_in_dim3A_977, %reduce_max3A_978 [0] : vector<72x1xf32> to vector<1xf32>
    %broadcast_in_dim3A_980 = vector.shape_cast %reduce_max3A_979 : vector<1xf32> to vector<1x1xf32>
    %eq3A_981 = vector.broadcast %broadcast_in_dim3A_980 : vector<1x1xf32> to vector<72x128xf32>
    %eq3A_982 = arith.cmpf oeq, %select_n3A_962, %eq3A_981 : vector<72x128xf32>
    %jit3A_983 = arith.constant 1.000000e+09 : f32
    %broadcast_in_dim3A_984 = vector.broadcast %jit3A_983 : f32 to vector<72x128xf32>
    %select_n3A_985 = arith.select %eq3A_982, %convert_element_type3A, %broadcast_in_dim3A_984 : vector<72x128xi1>, vector<72x128xf32>
    %reduce_min3A_986 = arith.constant dense<0x7F800000> : vector<72xf32>
    %reduce_min3A_987 = vector.multi_reduction <minimumf>, %select_n3A_985, %reduce_min3A_986 [1] : vector<72x128xf32> to vector<72xf32>
    %broadcast_in_dim3A_988 = vector.shape_cast %reduce_min3A_987 : vector<72xf32> to vector<72x1xf32>
    %reduce_min3A_989 = arith.constant dense<0x7F800000> : vector<1xf32>
    %reduce_min3A_990 = vector.multi_reduction <minimumf>, %broadcast_in_dim3A_988, %reduce_min3A_989 [0] : vector<72x1xf32> to vector<1xf32>
    %broadcast_in_dim3A_991 = vector.shape_cast %reduce_min3A_990 : vector<1xf32> to vector<1x1xf32>
    %eq3A_992 = vector.broadcast %broadcast_in_dim3A_991 : vector<1x1xf32> to vector<72x128xf32>
    %eq3A_993 = arith.cmpf oeq, %convert_element_type3A, %eq3A_992 : vector<72x128xf32>
    %jit3A_994 = arith.constant 1.000000e+00 : f32
    %broadcast_in_dim3A_995 = vector.broadcast %jit3A_994 : f32 to vector<72x128xf32>
    %select_n3A_996 = arith.select %eq3A_993, %broadcast_in_dim3A_995, %select_n3A_904 : vector<72x128xi1>, vector<72x128xf32>
    %broadcast_in_dim3A_997 = vector.broadcast %convert_element_type3A_935 : f32 to vector<72x128xf32>
    %select_n3A_998 = arith.select %eq3A_993, %broadcast_in_dim3A_997, %select_n3A_906 : vector<72x128xi1>, vector<72x128xf32>
    %broadcast_in_dim3A_999 = vector.broadcast %get3A_918 : f32 to vector<72x128xf32>
    %select_n3A_1000 = arith.select %eq3A_993, %broadcast_in_dim3A_999, %select_n3A_908 : vector<72x128xi1>, vector<72x128xf32>
    %broadcast_in_dim3A_1001 = vector.broadcast %get3A_922 : f32 to vector<72x128xf32>
    %select_n3A_1002 = arith.select %eq3A_993, %broadcast_in_dim3A_1001, %select_n3A_910 : vector<72x128xi1>, vector<72x128xf32>
    %broadcast_in_dim3A_1003 = vector.broadcast %get3A_926 : f32 to vector<72x128xf32>
    %select_n3A_1004 = arith.select %eq3A_993, %broadcast_in_dim3A_1003, %select_n3A_912 : vector<72x128xi1>, vector<72x128xf32>
    %broadcast_in_dim3A_1005 = vector.broadcast %get3A_930 : f32 to vector<72x128xf32>
    %select_n3A_1006 = arith.select %eq3A_993, %broadcast_in_dim3A_1005, %select_n3A_914 : vector<72x128xi1>, vector<72x128xf32>
    %get3A_1007 = arith.constant 0 : index
    %get3A_1008 = arith.constant 10 : index
    %get3A_1009 = arith.constant 0 : index
    %get3A_1010 = memref.load %arg1[%get3A_1007, %get3A_1008, %get3A_1009] : memref<1x16x4xf32, #tpu.memory_space<smem>>
    %get3A_1011 = arith.constant 0 : index
    %get3A_1012 = arith.constant 10 : index
    %get3A_1013 = arith.constant 1 : index
    %get3A_1014 = memref.load %arg1[%get3A_1011, %get3A_1012, %get3A_1013] : memref<1x16x4xf32, #tpu.memory_space<smem>>
    %get3A_1015 = arith.constant 0 : index
    %get3A_1016 = arith.constant 10 : index
    %get3A_1017 = arith.constant 2 : index
    %get3A_1018 = memref.load %arg1[%get3A_1015, %get3A_1016, %get3A_1017] : memref<1x16x4xf32, #tpu.memory_space<smem>>
    %get3A_1019 = arith.constant 0 : index
    %get3A_1020 = arith.constant 10 : index
    %get3A_1021 = arith.constant 3 : index
    %get3A_1022 = memref.load %arg1[%get3A_1019, %get3A_1020, %get3A_1021] : memref<1x16x4xf32, #tpu.memory_space<smem>>
    %get3A_1023 = arith.constant 0 : index
    %get3A_1024 = arith.constant 0 : index
    %get3A_1025 = arith.constant 10 : index
    %get3A_1026 = memref.load %arg2[%get3A_1023, %get3A_1024, %get3A_1025] : memref<1x1x16xi32, #tpu.memory_space<smem>>
    %convert_element_type3A_1027 = arith.sitofp %get3A_1026 : i32 to f32
    %sub3A_1028 = arith.subf %get3A_1018, %get3A_1010 : f32
    %sub3A_1029 = arith.subf %get3A_1022, %get3A_1014 : f32
    %mul3A_1030 = arith.mulf %sub3A_1028, %sub3A_1029 : f32
    %min3A_1031 = vector.broadcast %get3A_1018 : f32 to vector<72x128xf32>
    %min3A_1032 = arith.minimumf %add3A_83, %min3A_1031 : vector<72x128xf32>
    %max3A_1033 = vector.broadcast %get3A_1010 : f32 to vector<72x128xf32>
    %max3A_1034 = arith.maximumf %sub3A_75, %max3A_1033 : vector<72x128xf32>
    %sub3A_1035 = arith.subf %min3A_1032, %max3A_1034 : vector<72x128xf32>
    %max3A_1036 = arith.constant 0.000000e+00 : f32
    %max3A_1037 = vector.broadcast %max3A_1036 : f32 to vector<72x128xf32>
    %max3A_1038 = arith.maximumf %sub3A_1035, %max3A_1037 : vector<72x128xf32>
    %min3A_1039 = vector.broadcast %get3A_1022 : f32 to vector<72x128xf32>
    %min3A_1040 = arith.minimumf %add3A_87, %min3A_1039 : vector<72x128xf32>
    %max3A_1041 = vector.broadcast %get3A_1014 : f32 to vector<72x128xf32>
    %max3A_1042 = arith.maximumf %sub3A_79, %max3A_1041 : vector<72x128xf32>
    %sub3A_1043 = arith.subf %min3A_1040, %max3A_1042 : vector<72x128xf32>
    %max3A_1044 = arith.constant 0.000000e+00 : f32
    %max3A_1045 = vector.broadcast %max3A_1044 : f32 to vector<72x128xf32>
    %max3A_1046 = arith.maximumf %sub3A_1043, %max3A_1045 : vector<72x128xf32>
    %mul3A_1047 = arith.mulf %max3A_1038, %max3A_1046 : vector<72x128xf32>
    %add3A_1048 = vector.broadcast %mul3A_1030 : f32 to vector<72x128xf32>
    %add3A_1049 = arith.addf %mul3A_88, %add3A_1048 : vector<72x128xf32>
    %sub3A_1050 = arith.subf %add3A_1049, %mul3A_1047 : vector<72x128xf32>
    %div3A_1051 = arith.divf %mul3A_1047, %sub3A_1050 : vector<72x128xf32>
    %jit3A_1052 = arith.constant -1.000000e+00 : f32
    %broadcast_in_dim3A_1053 = vector.broadcast %jit3A_1052 : f32 to vector<72x128xf32>
    %select_n3A_1054 = arith.select %lt3A_52, %div3A_1051, %broadcast_in_dim3A_1053 : vector<72x128xi1>, vector<72x128xf32>
    %gt3A_1055 = arith.cmpf ogt, %select_n3A_1054, %select_n3A_964 : vector<72x128xf32>
    %select_n3A_1056 = arith.select %gt3A_1055, %select_n3A_1054, %select_n3A_964 : vector<72x128xi1>, vector<72x128xf32>
    %broadcast_in_dim3A_1057 = vector.broadcast %convert_element_type3A_1027 : f32 to vector<72x128xf32>
    %select_n3A_1058 = arith.select %gt3A_1055, %broadcast_in_dim3A_1057, %select_n3A_966 : vector<72x128xi1>, vector<72x128xf32>
    %broadcast_in_dim3A_1059 = vector.broadcast %get3A_1010 : f32 to vector<72x128xf32>
    %select_n3A_1060 = arith.select %gt3A_1055, %broadcast_in_dim3A_1059, %select_n3A_968 : vector<72x128xi1>, vector<72x128xf32>
    %broadcast_in_dim3A_1061 = vector.broadcast %get3A_1014 : f32 to vector<72x128xf32>
    %select_n3A_1062 = arith.select %gt3A_1055, %broadcast_in_dim3A_1061, %select_n3A_970 : vector<72x128xi1>, vector<72x128xf32>
    %broadcast_in_dim3A_1063 = vector.broadcast %get3A_1018 : f32 to vector<72x128xf32>
    %select_n3A_1064 = arith.select %gt3A_1055, %broadcast_in_dim3A_1063, %select_n3A_972 : vector<72x128xi1>, vector<72x128xf32>
    %broadcast_in_dim3A_1065 = vector.broadcast %get3A_1022 : f32 to vector<72x128xf32>
    %select_n3A_1066 = arith.select %gt3A_1055, %broadcast_in_dim3A_1065, %select_n3A_974 : vector<72x128xi1>, vector<72x128xf32>
    %reduce_max3A_1067 = arith.constant dense<0xFF800000> : vector<72xf32>
    %reduce_max3A_1068 = vector.multi_reduction <maximumf>, %select_n3A_1054, %reduce_max3A_1067 [1] : vector<72x128xf32> to vector<72xf32>
    %broadcast_in_dim3A_1069 = vector.shape_cast %reduce_max3A_1068 : vector<72xf32> to vector<72x1xf32>
    %reduce_max3A_1070 = arith.constant dense<0xFF800000> : vector<1xf32>
    %reduce_max3A_1071 = vector.multi_reduction <maximumf>, %broadcast_in_dim3A_1069, %reduce_max3A_1070 [0] : vector<72x1xf32> to vector<1xf32>
    %broadcast_in_dim3A_1072 = vector.shape_cast %reduce_max3A_1071 : vector<1xf32> to vector<1x1xf32>
    %eq3A_1073 = vector.broadcast %broadcast_in_dim3A_1072 : vector<1x1xf32> to vector<72x128xf32>
    %eq3A_1074 = arith.cmpf oeq, %select_n3A_1054, %eq3A_1073 : vector<72x128xf32>
    %jit3A_1075 = arith.constant 1.000000e+09 : f32
    %broadcast_in_dim3A_1076 = vector.broadcast %jit3A_1075 : f32 to vector<72x128xf32>
    %select_n3A_1077 = arith.select %eq3A_1074, %convert_element_type3A, %broadcast_in_dim3A_1076 : vector<72x128xi1>, vector<72x128xf32>
    %reduce_min3A_1078 = arith.constant dense<0x7F800000> : vector<72xf32>
    %reduce_min3A_1079 = vector.multi_reduction <minimumf>, %select_n3A_1077, %reduce_min3A_1078 [1] : vector<72x128xf32> to vector<72xf32>
    %broadcast_in_dim3A_1080 = vector.shape_cast %reduce_min3A_1079 : vector<72xf32> to vector<72x1xf32>
    %reduce_min3A_1081 = arith.constant dense<0x7F800000> : vector<1xf32>
    %reduce_min3A_1082 = vector.multi_reduction <minimumf>, %broadcast_in_dim3A_1080, %reduce_min3A_1081 [0] : vector<72x1xf32> to vector<1xf32>
    %broadcast_in_dim3A_1083 = vector.shape_cast %reduce_min3A_1082 : vector<1xf32> to vector<1x1xf32>
    %eq3A_1084 = vector.broadcast %broadcast_in_dim3A_1083 : vector<1x1xf32> to vector<72x128xf32>
    %eq3A_1085 = arith.cmpf oeq, %convert_element_type3A, %eq3A_1084 : vector<72x128xf32>
    %jit3A_1086 = arith.constant 1.000000e+00 : f32
    %broadcast_in_dim3A_1087 = vector.broadcast %jit3A_1086 : f32 to vector<72x128xf32>
    %select_n3A_1088 = arith.select %eq3A_1085, %broadcast_in_dim3A_1087, %select_n3A_996 : vector<72x128xi1>, vector<72x128xf32>
    %broadcast_in_dim3A_1089 = vector.broadcast %convert_element_type3A_1027 : f32 to vector<72x128xf32>
    %select_n3A_1090 = arith.select %eq3A_1085, %broadcast_in_dim3A_1089, %select_n3A_998 : vector<72x128xi1>, vector<72x128xf32>
    %broadcast_in_dim3A_1091 = vector.broadcast %get3A_1010 : f32 to vector<72x128xf32>
    %select_n3A_1092 = arith.select %eq3A_1085, %broadcast_in_dim3A_1091, %select_n3A_1000 : vector<72x128xi1>, vector<72x128xf32>
    %broadcast_in_dim3A_1093 = vector.broadcast %get3A_1014 : f32 to vector<72x128xf32>
    %select_n3A_1094 = arith.select %eq3A_1085, %broadcast_in_dim3A_1093, %select_n3A_1002 : vector<72x128xi1>, vector<72x128xf32>
    %broadcast_in_dim3A_1095 = vector.broadcast %get3A_1018 : f32 to vector<72x128xf32>
    %select_n3A_1096 = arith.select %eq3A_1085, %broadcast_in_dim3A_1095, %select_n3A_1004 : vector<72x128xi1>, vector<72x128xf32>
    %broadcast_in_dim3A_1097 = vector.broadcast %get3A_1022 : f32 to vector<72x128xf32>
    %select_n3A_1098 = arith.select %eq3A_1085, %broadcast_in_dim3A_1097, %select_n3A_1006 : vector<72x128xi1>, vector<72x128xf32>
    %get3A_1099 = arith.constant 0 : index
    %get3A_1100 = arith.constant 11 : index
    %get3A_1101 = arith.constant 0 : index
    %get3A_1102 = memref.load %arg1[%get3A_1099, %get3A_1100, %get3A_1101] : memref<1x16x4xf32, #tpu.memory_space<smem>>
    %get3A_1103 = arith.constant 0 : index
    %get3A_1104 = arith.constant 11 : index
    %get3A_1105 = arith.constant 1 : index
    %get3A_1106 = memref.load %arg1[%get3A_1103, %get3A_1104, %get3A_1105] : memref<1x16x4xf32, #tpu.memory_space<smem>>
    %get3A_1107 = arith.constant 0 : index
    %get3A_1108 = arith.constant 11 : index
    %get3A_1109 = arith.constant 2 : index
    %get3A_1110 = memref.load %arg1[%get3A_1107, %get3A_1108, %get3A_1109] : memref<1x16x4xf32, #tpu.memory_space<smem>>
    %get3A_1111 = arith.constant 0 : index
    %get3A_1112 = arith.constant 11 : index
    %get3A_1113 = arith.constant 3 : index
    %get3A_1114 = memref.load %arg1[%get3A_1111, %get3A_1112, %get3A_1113] : memref<1x16x4xf32, #tpu.memory_space<smem>>
    %get3A_1115 = arith.constant 0 : index
    %get3A_1116 = arith.constant 0 : index
    %get3A_1117 = arith.constant 11 : index
    %get3A_1118 = memref.load %arg2[%get3A_1115, %get3A_1116, %get3A_1117] : memref<1x1x16xi32, #tpu.memory_space<smem>>
    %convert_element_type3A_1119 = arith.sitofp %get3A_1118 : i32 to f32
    %sub3A_1120 = arith.subf %get3A_1110, %get3A_1102 : f32
    %sub3A_1121 = arith.subf %get3A_1114, %get3A_1106 : f32
    %mul3A_1122 = arith.mulf %sub3A_1120, %sub3A_1121 : f32
    %min3A_1123 = vector.broadcast %get3A_1110 : f32 to vector<72x128xf32>
    %min3A_1124 = arith.minimumf %add3A_83, %min3A_1123 : vector<72x128xf32>
    %max3A_1125 = vector.broadcast %get3A_1102 : f32 to vector<72x128xf32>
    %max3A_1126 = arith.maximumf %sub3A_75, %max3A_1125 : vector<72x128xf32>
    %sub3A_1127 = arith.subf %min3A_1124, %max3A_1126 : vector<72x128xf32>
    %max3A_1128 = arith.constant 0.000000e+00 : f32
    %max3A_1129 = vector.broadcast %max3A_1128 : f32 to vector<72x128xf32>
    %max3A_1130 = arith.maximumf %sub3A_1127, %max3A_1129 : vector<72x128xf32>
    %min3A_1131 = vector.broadcast %get3A_1114 : f32 to vector<72x128xf32>
    %min3A_1132 = arith.minimumf %add3A_87, %min3A_1131 : vector<72x128xf32>
    %max3A_1133 = vector.broadcast %get3A_1106 : f32 to vector<72x128xf32>
    %max3A_1134 = arith.maximumf %sub3A_79, %max3A_1133 : vector<72x128xf32>
    %sub3A_1135 = arith.subf %min3A_1132, %max3A_1134 : vector<72x128xf32>
    %max3A_1136 = arith.constant 0.000000e+00 : f32
    %max3A_1137 = vector.broadcast %max3A_1136 : f32 to vector<72x128xf32>
    %max3A_1138 = arith.maximumf %sub3A_1135, %max3A_1137 : vector<72x128xf32>
    %mul3A_1139 = arith.mulf %max3A_1130, %max3A_1138 : vector<72x128xf32>
    %add3A_1140 = vector.broadcast %mul3A_1122 : f32 to vector<72x128xf32>
    %add3A_1141 = arith.addf %mul3A_88, %add3A_1140 : vector<72x128xf32>
    %sub3A_1142 = arith.subf %add3A_1141, %mul3A_1139 : vector<72x128xf32>
    %div3A_1143 = arith.divf %mul3A_1139, %sub3A_1142 : vector<72x128xf32>
    %jit3A_1144 = arith.constant -1.000000e+00 : f32
    %broadcast_in_dim3A_1145 = vector.broadcast %jit3A_1144 : f32 to vector<72x128xf32>
    %select_n3A_1146 = arith.select %lt3A_52, %div3A_1143, %broadcast_in_dim3A_1145 : vector<72x128xi1>, vector<72x128xf32>
    %gt3A_1147 = arith.cmpf ogt, %select_n3A_1146, %select_n3A_1056 : vector<72x128xf32>
    %select_n3A_1148 = arith.select %gt3A_1147, %select_n3A_1146, %select_n3A_1056 : vector<72x128xi1>, vector<72x128xf32>
    %broadcast_in_dim3A_1149 = vector.broadcast %convert_element_type3A_1119 : f32 to vector<72x128xf32>
    %select_n3A_1150 = arith.select %gt3A_1147, %broadcast_in_dim3A_1149, %select_n3A_1058 : vector<72x128xi1>, vector<72x128xf32>
    %broadcast_in_dim3A_1151 = vector.broadcast %get3A_1102 : f32 to vector<72x128xf32>
    %select_n3A_1152 = arith.select %gt3A_1147, %broadcast_in_dim3A_1151, %select_n3A_1060 : vector<72x128xi1>, vector<72x128xf32>
    %broadcast_in_dim3A_1153 = vector.broadcast %get3A_1106 : f32 to vector<72x128xf32>
    %select_n3A_1154 = arith.select %gt3A_1147, %broadcast_in_dim3A_1153, %select_n3A_1062 : vector<72x128xi1>, vector<72x128xf32>
    %broadcast_in_dim3A_1155 = vector.broadcast %get3A_1110 : f32 to vector<72x128xf32>
    %select_n3A_1156 = arith.select %gt3A_1147, %broadcast_in_dim3A_1155, %select_n3A_1064 : vector<72x128xi1>, vector<72x128xf32>
    %broadcast_in_dim3A_1157 = vector.broadcast %get3A_1114 : f32 to vector<72x128xf32>
    %select_n3A_1158 = arith.select %gt3A_1147, %broadcast_in_dim3A_1157, %select_n3A_1066 : vector<72x128xi1>, vector<72x128xf32>
    %reduce_max3A_1159 = arith.constant dense<0xFF800000> : vector<72xf32>
    %reduce_max3A_1160 = vector.multi_reduction <maximumf>, %select_n3A_1146, %reduce_max3A_1159 [1] : vector<72x128xf32> to vector<72xf32>
    %broadcast_in_dim3A_1161 = vector.shape_cast %reduce_max3A_1160 : vector<72xf32> to vector<72x1xf32>
    %reduce_max3A_1162 = arith.constant dense<0xFF800000> : vector<1xf32>
    %reduce_max3A_1163 = vector.multi_reduction <maximumf>, %broadcast_in_dim3A_1161, %reduce_max3A_1162 [0] : vector<72x1xf32> to vector<1xf32>
    %broadcast_in_dim3A_1164 = vector.shape_cast %reduce_max3A_1163 : vector<1xf32> to vector<1x1xf32>
    %eq3A_1165 = vector.broadcast %broadcast_in_dim3A_1164 : vector<1x1xf32> to vector<72x128xf32>
    %eq3A_1166 = arith.cmpf oeq, %select_n3A_1146, %eq3A_1165 : vector<72x128xf32>
    %jit3A_1167 = arith.constant 1.000000e+09 : f32
    %broadcast_in_dim3A_1168 = vector.broadcast %jit3A_1167 : f32 to vector<72x128xf32>
    %select_n3A_1169 = arith.select %eq3A_1166, %convert_element_type3A, %broadcast_in_dim3A_1168 : vector<72x128xi1>, vector<72x128xf32>
    %reduce_min3A_1170 = arith.constant dense<0x7F800000> : vector<72xf32>
    %reduce_min3A_1171 = vector.multi_reduction <minimumf>, %select_n3A_1169, %reduce_min3A_1170 [1] : vector<72x128xf32> to vector<72xf32>
    %broadcast_in_dim3A_1172 = vector.shape_cast %reduce_min3A_1171 : vector<72xf32> to vector<72x1xf32>
    %reduce_min3A_1173 = arith.constant dense<0x7F800000> : vector<1xf32>
    %reduce_min3A_1174 = vector.multi_reduction <minimumf>, %broadcast_in_dim3A_1172, %reduce_min3A_1173 [0] : vector<72x1xf32> to vector<1xf32>
    %broadcast_in_dim3A_1175 = vector.shape_cast %reduce_min3A_1174 : vector<1xf32> to vector<1x1xf32>
    %eq3A_1176 = vector.broadcast %broadcast_in_dim3A_1175 : vector<1x1xf32> to vector<72x128xf32>
    %eq3A_1177 = arith.cmpf oeq, %convert_element_type3A, %eq3A_1176 : vector<72x128xf32>
    %jit3A_1178 = arith.constant 1.000000e+00 : f32
    %broadcast_in_dim3A_1179 = vector.broadcast %jit3A_1178 : f32 to vector<72x128xf32>
    %select_n3A_1180 = arith.select %eq3A_1177, %broadcast_in_dim3A_1179, %select_n3A_1088 : vector<72x128xi1>, vector<72x128xf32>
    %broadcast_in_dim3A_1181 = vector.broadcast %convert_element_type3A_1119 : f32 to vector<72x128xf32>
    %select_n3A_1182 = arith.select %eq3A_1177, %broadcast_in_dim3A_1181, %select_n3A_1090 : vector<72x128xi1>, vector<72x128xf32>
    %broadcast_in_dim3A_1183 = vector.broadcast %get3A_1102 : f32 to vector<72x128xf32>
    %select_n3A_1184 = arith.select %eq3A_1177, %broadcast_in_dim3A_1183, %select_n3A_1092 : vector<72x128xi1>, vector<72x128xf32>
    %broadcast_in_dim3A_1185 = vector.broadcast %get3A_1106 : f32 to vector<72x128xf32>
    %select_n3A_1186 = arith.select %eq3A_1177, %broadcast_in_dim3A_1185, %select_n3A_1094 : vector<72x128xi1>, vector<72x128xf32>
    %broadcast_in_dim3A_1187 = vector.broadcast %get3A_1110 : f32 to vector<72x128xf32>
    %select_n3A_1188 = arith.select %eq3A_1177, %broadcast_in_dim3A_1187, %select_n3A_1096 : vector<72x128xi1>, vector<72x128xf32>
    %broadcast_in_dim3A_1189 = vector.broadcast %get3A_1114 : f32 to vector<72x128xf32>
    %select_n3A_1190 = arith.select %eq3A_1177, %broadcast_in_dim3A_1189, %select_n3A_1098 : vector<72x128xi1>, vector<72x128xf32>
    %get3A_1191 = arith.constant 0 : index
    %get3A_1192 = arith.constant 12 : index
    %get3A_1193 = arith.constant 0 : index
    %get3A_1194 = memref.load %arg1[%get3A_1191, %get3A_1192, %get3A_1193] : memref<1x16x4xf32, #tpu.memory_space<smem>>
    %get3A_1195 = arith.constant 0 : index
    %get3A_1196 = arith.constant 12 : index
    %get3A_1197 = arith.constant 1 : index
    %get3A_1198 = memref.load %arg1[%get3A_1195, %get3A_1196, %get3A_1197] : memref<1x16x4xf32, #tpu.memory_space<smem>>
    %get3A_1199 = arith.constant 0 : index
    %get3A_1200 = arith.constant 12 : index
    %get3A_1201 = arith.constant 2 : index
    %get3A_1202 = memref.load %arg1[%get3A_1199, %get3A_1200, %get3A_1201] : memref<1x16x4xf32, #tpu.memory_space<smem>>
    %get3A_1203 = arith.constant 0 : index
    %get3A_1204 = arith.constant 12 : index
    %get3A_1205 = arith.constant 3 : index
    %get3A_1206 = memref.load %arg1[%get3A_1203, %get3A_1204, %get3A_1205] : memref<1x16x4xf32, #tpu.memory_space<smem>>
    %get3A_1207 = arith.constant 0 : index
    %get3A_1208 = arith.constant 0 : index
    %get3A_1209 = arith.constant 12 : index
    %get3A_1210 = memref.load %arg2[%get3A_1207, %get3A_1208, %get3A_1209] : memref<1x1x16xi32, #tpu.memory_space<smem>>
    %convert_element_type3A_1211 = arith.sitofp %get3A_1210 : i32 to f32
    %sub3A_1212 = arith.subf %get3A_1202, %get3A_1194 : f32
    %sub3A_1213 = arith.subf %get3A_1206, %get3A_1198 : f32
    %mul3A_1214 = arith.mulf %sub3A_1212, %sub3A_1213 : f32
    %min3A_1215 = vector.broadcast %get3A_1202 : f32 to vector<72x128xf32>
    %min3A_1216 = arith.minimumf %add3A_83, %min3A_1215 : vector<72x128xf32>
    %max3A_1217 = vector.broadcast %get3A_1194 : f32 to vector<72x128xf32>
    %max3A_1218 = arith.maximumf %sub3A_75, %max3A_1217 : vector<72x128xf32>
    %sub3A_1219 = arith.subf %min3A_1216, %max3A_1218 : vector<72x128xf32>
    %max3A_1220 = arith.constant 0.000000e+00 : f32
    %max3A_1221 = vector.broadcast %max3A_1220 : f32 to vector<72x128xf32>
    %max3A_1222 = arith.maximumf %sub3A_1219, %max3A_1221 : vector<72x128xf32>
    %min3A_1223 = vector.broadcast %get3A_1206 : f32 to vector<72x128xf32>
    %min3A_1224 = arith.minimumf %add3A_87, %min3A_1223 : vector<72x128xf32>
    %max3A_1225 = vector.broadcast %get3A_1198 : f32 to vector<72x128xf32>
    %max3A_1226 = arith.maximumf %sub3A_79, %max3A_1225 : vector<72x128xf32>
    %sub3A_1227 = arith.subf %min3A_1224, %max3A_1226 : vector<72x128xf32>
    %max3A_1228 = arith.constant 0.000000e+00 : f32
    %max3A_1229 = vector.broadcast %max3A_1228 : f32 to vector<72x128xf32>
    %max3A_1230 = arith.maximumf %sub3A_1227, %max3A_1229 : vector<72x128xf32>
    %mul3A_1231 = arith.mulf %max3A_1222, %max3A_1230 : vector<72x128xf32>
    %add3A_1232 = vector.broadcast %mul3A_1214 : f32 to vector<72x128xf32>
    %add3A_1233 = arith.addf %mul3A_88, %add3A_1232 : vector<72x128xf32>
    %sub3A_1234 = arith.subf %add3A_1233, %mul3A_1231 : vector<72x128xf32>
    %div3A_1235 = arith.divf %mul3A_1231, %sub3A_1234 : vector<72x128xf32>
    %jit3A_1236 = arith.constant -1.000000e+00 : f32
    %broadcast_in_dim3A_1237 = vector.broadcast %jit3A_1236 : f32 to vector<72x128xf32>
    %select_n3A_1238 = arith.select %lt3A_52, %div3A_1235, %broadcast_in_dim3A_1237 : vector<72x128xi1>, vector<72x128xf32>
    %gt3A_1239 = arith.cmpf ogt, %select_n3A_1238, %select_n3A_1148 : vector<72x128xf32>
    %select_n3A_1240 = arith.select %gt3A_1239, %select_n3A_1238, %select_n3A_1148 : vector<72x128xi1>, vector<72x128xf32>
    %broadcast_in_dim3A_1241 = vector.broadcast %convert_element_type3A_1211 : f32 to vector<72x128xf32>
    %select_n3A_1242 = arith.select %gt3A_1239, %broadcast_in_dim3A_1241, %select_n3A_1150 : vector<72x128xi1>, vector<72x128xf32>
    %broadcast_in_dim3A_1243 = vector.broadcast %get3A_1194 : f32 to vector<72x128xf32>
    %select_n3A_1244 = arith.select %gt3A_1239, %broadcast_in_dim3A_1243, %select_n3A_1152 : vector<72x128xi1>, vector<72x128xf32>
    %broadcast_in_dim3A_1245 = vector.broadcast %get3A_1198 : f32 to vector<72x128xf32>
    %select_n3A_1246 = arith.select %gt3A_1239, %broadcast_in_dim3A_1245, %select_n3A_1154 : vector<72x128xi1>, vector<72x128xf32>
    %broadcast_in_dim3A_1247 = vector.broadcast %get3A_1202 : f32 to vector<72x128xf32>
    %select_n3A_1248 = arith.select %gt3A_1239, %broadcast_in_dim3A_1247, %select_n3A_1156 : vector<72x128xi1>, vector<72x128xf32>
    %broadcast_in_dim3A_1249 = vector.broadcast %get3A_1206 : f32 to vector<72x128xf32>
    %select_n3A_1250 = arith.select %gt3A_1239, %broadcast_in_dim3A_1249, %select_n3A_1158 : vector<72x128xi1>, vector<72x128xf32>
    %reduce_max3A_1251 = arith.constant dense<0xFF800000> : vector<72xf32>
    %reduce_max3A_1252 = vector.multi_reduction <maximumf>, %select_n3A_1238, %reduce_max3A_1251 [1] : vector<72x128xf32> to vector<72xf32>
    %broadcast_in_dim3A_1253 = vector.shape_cast %reduce_max3A_1252 : vector<72xf32> to vector<72x1xf32>
    %reduce_max3A_1254 = arith.constant dense<0xFF800000> : vector<1xf32>
    %reduce_max3A_1255 = vector.multi_reduction <maximumf>, %broadcast_in_dim3A_1253, %reduce_max3A_1254 [0] : vector<72x1xf32> to vector<1xf32>
    %broadcast_in_dim3A_1256 = vector.shape_cast %reduce_max3A_1255 : vector<1xf32> to vector<1x1xf32>
    %eq3A_1257 = vector.broadcast %broadcast_in_dim3A_1256 : vector<1x1xf32> to vector<72x128xf32>
    %eq3A_1258 = arith.cmpf oeq, %select_n3A_1238, %eq3A_1257 : vector<72x128xf32>
    %jit3A_1259 = arith.constant 1.000000e+09 : f32
    %broadcast_in_dim3A_1260 = vector.broadcast %jit3A_1259 : f32 to vector<72x128xf32>
    %select_n3A_1261 = arith.select %eq3A_1258, %convert_element_type3A, %broadcast_in_dim3A_1260 : vector<72x128xi1>, vector<72x128xf32>
    %reduce_min3A_1262 = arith.constant dense<0x7F800000> : vector<72xf32>
    %reduce_min3A_1263 = vector.multi_reduction <minimumf>, %select_n3A_1261, %reduce_min3A_1262 [1] : vector<72x128xf32> to vector<72xf32>
    %broadcast_in_dim3A_1264 = vector.shape_cast %reduce_min3A_1263 : vector<72xf32> to vector<72x1xf32>
    %reduce_min3A_1265 = arith.constant dense<0x7F800000> : vector<1xf32>
    %reduce_min3A_1266 = vector.multi_reduction <minimumf>, %broadcast_in_dim3A_1264, %reduce_min3A_1265 [0] : vector<72x1xf32> to vector<1xf32>
    %broadcast_in_dim3A_1267 = vector.shape_cast %reduce_min3A_1266 : vector<1xf32> to vector<1x1xf32>
    %eq3A_1268 = vector.broadcast %broadcast_in_dim3A_1267 : vector<1x1xf32> to vector<72x128xf32>
    %eq3A_1269 = arith.cmpf oeq, %convert_element_type3A, %eq3A_1268 : vector<72x128xf32>
    %jit3A_1270 = arith.constant 1.000000e+00 : f32
    %broadcast_in_dim3A_1271 = vector.broadcast %jit3A_1270 : f32 to vector<72x128xf32>
    %select_n3A_1272 = arith.select %eq3A_1269, %broadcast_in_dim3A_1271, %select_n3A_1180 : vector<72x128xi1>, vector<72x128xf32>
    %broadcast_in_dim3A_1273 = vector.broadcast %convert_element_type3A_1211 : f32 to vector<72x128xf32>
    %select_n3A_1274 = arith.select %eq3A_1269, %broadcast_in_dim3A_1273, %select_n3A_1182 : vector<72x128xi1>, vector<72x128xf32>
    %broadcast_in_dim3A_1275 = vector.broadcast %get3A_1194 : f32 to vector<72x128xf32>
    %select_n3A_1276 = arith.select %eq3A_1269, %broadcast_in_dim3A_1275, %select_n3A_1184 : vector<72x128xi1>, vector<72x128xf32>
    %broadcast_in_dim3A_1277 = vector.broadcast %get3A_1198 : f32 to vector<72x128xf32>
    %select_n3A_1278 = arith.select %eq3A_1269, %broadcast_in_dim3A_1277, %select_n3A_1186 : vector<72x128xi1>, vector<72x128xf32>
    %broadcast_in_dim3A_1279 = vector.broadcast %get3A_1202 : f32 to vector<72x128xf32>
    %select_n3A_1280 = arith.select %eq3A_1269, %broadcast_in_dim3A_1279, %select_n3A_1188 : vector<72x128xi1>, vector<72x128xf32>
    %broadcast_in_dim3A_1281 = vector.broadcast %get3A_1206 : f32 to vector<72x128xf32>
    %select_n3A_1282 = arith.select %eq3A_1269, %broadcast_in_dim3A_1281, %select_n3A_1190 : vector<72x128xi1>, vector<72x128xf32>
    %get3A_1283 = arith.constant 0 : index
    %get3A_1284 = arith.constant 13 : index
    %get3A_1285 = arith.constant 0 : index
    %get3A_1286 = memref.load %arg1[%get3A_1283, %get3A_1284, %get3A_1285] : memref<1x16x4xf32, #tpu.memory_space<smem>>
    %get3A_1287 = arith.constant 0 : index
    %get3A_1288 = arith.constant 13 : index
    %get3A_1289 = arith.constant 1 : index
    %get3A_1290 = memref.load %arg1[%get3A_1287, %get3A_1288, %get3A_1289] : memref<1x16x4xf32, #tpu.memory_space<smem>>
    %get3A_1291 = arith.constant 0 : index
    %get3A_1292 = arith.constant 13 : index
    %get3A_1293 = arith.constant 2 : index
    %get3A_1294 = memref.load %arg1[%get3A_1291, %get3A_1292, %get3A_1293] : memref<1x16x4xf32, #tpu.memory_space<smem>>
    %get3A_1295 = arith.constant 0 : index
    %get3A_1296 = arith.constant 13 : index
    %get3A_1297 = arith.constant 3 : index
    %get3A_1298 = memref.load %arg1[%get3A_1295, %get3A_1296, %get3A_1297] : memref<1x16x4xf32, #tpu.memory_space<smem>>
    %get3A_1299 = arith.constant 0 : index
    %get3A_1300 = arith.constant 0 : index
    %get3A_1301 = arith.constant 13 : index
    %get3A_1302 = memref.load %arg2[%get3A_1299, %get3A_1300, %get3A_1301] : memref<1x1x16xi32, #tpu.memory_space<smem>>
    %convert_element_type3A_1303 = arith.sitofp %get3A_1302 : i32 to f32
    %sub3A_1304 = arith.subf %get3A_1294, %get3A_1286 : f32
    %sub3A_1305 = arith.subf %get3A_1298, %get3A_1290 : f32
    %mul3A_1306 = arith.mulf %sub3A_1304, %sub3A_1305 : f32
    %min3A_1307 = vector.broadcast %get3A_1294 : f32 to vector<72x128xf32>
    %min3A_1308 = arith.minimumf %add3A_83, %min3A_1307 : vector<72x128xf32>
    %max3A_1309 = vector.broadcast %get3A_1286 : f32 to vector<72x128xf32>
    %max3A_1310 = arith.maximumf %sub3A_75, %max3A_1309 : vector<72x128xf32>
    %sub3A_1311 = arith.subf %min3A_1308, %max3A_1310 : vector<72x128xf32>
    %max3A_1312 = arith.constant 0.000000e+00 : f32
    %max3A_1313 = vector.broadcast %max3A_1312 : f32 to vector<72x128xf32>
    %max3A_1314 = arith.maximumf %sub3A_1311, %max3A_1313 : vector<72x128xf32>
    %min3A_1315 = vector.broadcast %get3A_1298 : f32 to vector<72x128xf32>
    %min3A_1316 = arith.minimumf %add3A_87, %min3A_1315 : vector<72x128xf32>
    %max3A_1317 = vector.broadcast %get3A_1290 : f32 to vector<72x128xf32>
    %max3A_1318 = arith.maximumf %sub3A_79, %max3A_1317 : vector<72x128xf32>
    %sub3A_1319 = arith.subf %min3A_1316, %max3A_1318 : vector<72x128xf32>
    %max3A_1320 = arith.constant 0.000000e+00 : f32
    %max3A_1321 = vector.broadcast %max3A_1320 : f32 to vector<72x128xf32>
    %max3A_1322 = arith.maximumf %sub3A_1319, %max3A_1321 : vector<72x128xf32>
    %mul3A_1323 = arith.mulf %max3A_1314, %max3A_1322 : vector<72x128xf32>
    %add3A_1324 = vector.broadcast %mul3A_1306 : f32 to vector<72x128xf32>
    %add3A_1325 = arith.addf %mul3A_88, %add3A_1324 : vector<72x128xf32>
    %sub3A_1326 = arith.subf %add3A_1325, %mul3A_1323 : vector<72x128xf32>
    %div3A_1327 = arith.divf %mul3A_1323, %sub3A_1326 : vector<72x128xf32>
    %jit3A_1328 = arith.constant -1.000000e+00 : f32
    %broadcast_in_dim3A_1329 = vector.broadcast %jit3A_1328 : f32 to vector<72x128xf32>
    %select_n3A_1330 = arith.select %lt3A_52, %div3A_1327, %broadcast_in_dim3A_1329 : vector<72x128xi1>, vector<72x128xf32>
    %gt3A_1331 = arith.cmpf ogt, %select_n3A_1330, %select_n3A_1240 : vector<72x128xf32>
    %select_n3A_1332 = arith.select %gt3A_1331, %select_n3A_1330, %select_n3A_1240 : vector<72x128xi1>, vector<72x128xf32>
    %broadcast_in_dim3A_1333 = vector.broadcast %convert_element_type3A_1303 : f32 to vector<72x128xf32>
    %select_n3A_1334 = arith.select %gt3A_1331, %broadcast_in_dim3A_1333, %select_n3A_1242 : vector<72x128xi1>, vector<72x128xf32>
    %broadcast_in_dim3A_1335 = vector.broadcast %get3A_1286 : f32 to vector<72x128xf32>
    %select_n3A_1336 = arith.select %gt3A_1331, %broadcast_in_dim3A_1335, %select_n3A_1244 : vector<72x128xi1>, vector<72x128xf32>
    %broadcast_in_dim3A_1337 = vector.broadcast %get3A_1290 : f32 to vector<72x128xf32>
    %select_n3A_1338 = arith.select %gt3A_1331, %broadcast_in_dim3A_1337, %select_n3A_1246 : vector<72x128xi1>, vector<72x128xf32>
    %broadcast_in_dim3A_1339 = vector.broadcast %get3A_1294 : f32 to vector<72x128xf32>
    %select_n3A_1340 = arith.select %gt3A_1331, %broadcast_in_dim3A_1339, %select_n3A_1248 : vector<72x128xi1>, vector<72x128xf32>
    %broadcast_in_dim3A_1341 = vector.broadcast %get3A_1298 : f32 to vector<72x128xf32>
    %select_n3A_1342 = arith.select %gt3A_1331, %broadcast_in_dim3A_1341, %select_n3A_1250 : vector<72x128xi1>, vector<72x128xf32>
    %reduce_max3A_1343 = arith.constant dense<0xFF800000> : vector<72xf32>
    %reduce_max3A_1344 = vector.multi_reduction <maximumf>, %select_n3A_1330, %reduce_max3A_1343 [1] : vector<72x128xf32> to vector<72xf32>
    %broadcast_in_dim3A_1345 = vector.shape_cast %reduce_max3A_1344 : vector<72xf32> to vector<72x1xf32>
    %reduce_max3A_1346 = arith.constant dense<0xFF800000> : vector<1xf32>
    %reduce_max3A_1347 = vector.multi_reduction <maximumf>, %broadcast_in_dim3A_1345, %reduce_max3A_1346 [0] : vector<72x1xf32> to vector<1xf32>
    %broadcast_in_dim3A_1348 = vector.shape_cast %reduce_max3A_1347 : vector<1xf32> to vector<1x1xf32>
    %eq3A_1349 = vector.broadcast %broadcast_in_dim3A_1348 : vector<1x1xf32> to vector<72x128xf32>
    %eq3A_1350 = arith.cmpf oeq, %select_n3A_1330, %eq3A_1349 : vector<72x128xf32>
    %jit3A_1351 = arith.constant 1.000000e+09 : f32
    %broadcast_in_dim3A_1352 = vector.broadcast %jit3A_1351 : f32 to vector<72x128xf32>
    %select_n3A_1353 = arith.select %eq3A_1350, %convert_element_type3A, %broadcast_in_dim3A_1352 : vector<72x128xi1>, vector<72x128xf32>
    %reduce_min3A_1354 = arith.constant dense<0x7F800000> : vector<72xf32>
    %reduce_min3A_1355 = vector.multi_reduction <minimumf>, %select_n3A_1353, %reduce_min3A_1354 [1] : vector<72x128xf32> to vector<72xf32>
    %broadcast_in_dim3A_1356 = vector.shape_cast %reduce_min3A_1355 : vector<72xf32> to vector<72x1xf32>
    %reduce_min3A_1357 = arith.constant dense<0x7F800000> : vector<1xf32>
    %reduce_min3A_1358 = vector.multi_reduction <minimumf>, %broadcast_in_dim3A_1356, %reduce_min3A_1357 [0] : vector<72x1xf32> to vector<1xf32>
    %broadcast_in_dim3A_1359 = vector.shape_cast %reduce_min3A_1358 : vector<1xf32> to vector<1x1xf32>
    %eq3A_1360 = vector.broadcast %broadcast_in_dim3A_1359 : vector<1x1xf32> to vector<72x128xf32>
    %eq3A_1361 = arith.cmpf oeq, %convert_element_type3A, %eq3A_1360 : vector<72x128xf32>
    %jit3A_1362 = arith.constant 1.000000e+00 : f32
    %broadcast_in_dim3A_1363 = vector.broadcast %jit3A_1362 : f32 to vector<72x128xf32>
    %select_n3A_1364 = arith.select %eq3A_1361, %broadcast_in_dim3A_1363, %select_n3A_1272 : vector<72x128xi1>, vector<72x128xf32>
    %broadcast_in_dim3A_1365 = vector.broadcast %convert_element_type3A_1303 : f32 to vector<72x128xf32>
    %select_n3A_1366 = arith.select %eq3A_1361, %broadcast_in_dim3A_1365, %select_n3A_1274 : vector<72x128xi1>, vector<72x128xf32>
    %broadcast_in_dim3A_1367 = vector.broadcast %get3A_1286 : f32 to vector<72x128xf32>
    %select_n3A_1368 = arith.select %eq3A_1361, %broadcast_in_dim3A_1367, %select_n3A_1276 : vector<72x128xi1>, vector<72x128xf32>
    %broadcast_in_dim3A_1369 = vector.broadcast %get3A_1290 : f32 to vector<72x128xf32>
    %select_n3A_1370 = arith.select %eq3A_1361, %broadcast_in_dim3A_1369, %select_n3A_1278 : vector<72x128xi1>, vector<72x128xf32>
    %broadcast_in_dim3A_1371 = vector.broadcast %get3A_1294 : f32 to vector<72x128xf32>
    %select_n3A_1372 = arith.select %eq3A_1361, %broadcast_in_dim3A_1371, %select_n3A_1280 : vector<72x128xi1>, vector<72x128xf32>
    %broadcast_in_dim3A_1373 = vector.broadcast %get3A_1298 : f32 to vector<72x128xf32>
    %select_n3A_1374 = arith.select %eq3A_1361, %broadcast_in_dim3A_1373, %select_n3A_1282 : vector<72x128xi1>, vector<72x128xf32>
    %get3A_1375 = arith.constant 0 : index
    %get3A_1376 = arith.constant 14 : index
    %get3A_1377 = arith.constant 0 : index
    %get3A_1378 = memref.load %arg1[%get3A_1375, %get3A_1376, %get3A_1377] : memref<1x16x4xf32, #tpu.memory_space<smem>>
    %get3A_1379 = arith.constant 0 : index
    %get3A_1380 = arith.constant 14 : index
    %get3A_1381 = arith.constant 1 : index
    %get3A_1382 = memref.load %arg1[%get3A_1379, %get3A_1380, %get3A_1381] : memref<1x16x4xf32, #tpu.memory_space<smem>>
    %get3A_1383 = arith.constant 0 : index
    %get3A_1384 = arith.constant 14 : index
    %get3A_1385 = arith.constant 2 : index
    %get3A_1386 = memref.load %arg1[%get3A_1383, %get3A_1384, %get3A_1385] : memref<1x16x4xf32, #tpu.memory_space<smem>>
    %get3A_1387 = arith.constant 0 : index
    %get3A_1388 = arith.constant 14 : index
    %get3A_1389 = arith.constant 3 : index
    %get3A_1390 = memref.load %arg1[%get3A_1387, %get3A_1388, %get3A_1389] : memref<1x16x4xf32, #tpu.memory_space<smem>>
    %get3A_1391 = arith.constant 0 : index
    %get3A_1392 = arith.constant 0 : index
    %get3A_1393 = arith.constant 14 : index
    %get3A_1394 = memref.load %arg2[%get3A_1391, %get3A_1392, %get3A_1393] : memref<1x1x16xi32, #tpu.memory_space<smem>>
    %convert_element_type3A_1395 = arith.sitofp %get3A_1394 : i32 to f32
    %sub3A_1396 = arith.subf %get3A_1386, %get3A_1378 : f32
    %sub3A_1397 = arith.subf %get3A_1390, %get3A_1382 : f32
    %mul3A_1398 = arith.mulf %sub3A_1396, %sub3A_1397 : f32
    %min3A_1399 = vector.broadcast %get3A_1386 : f32 to vector<72x128xf32>
    %min3A_1400 = arith.minimumf %add3A_83, %min3A_1399 : vector<72x128xf32>
    %max3A_1401 = vector.broadcast %get3A_1378 : f32 to vector<72x128xf32>
    %max3A_1402 = arith.maximumf %sub3A_75, %max3A_1401 : vector<72x128xf32>
    %sub3A_1403 = arith.subf %min3A_1400, %max3A_1402 : vector<72x128xf32>
    %max3A_1404 = arith.constant 0.000000e+00 : f32
    %max3A_1405 = vector.broadcast %max3A_1404 : f32 to vector<72x128xf32>
    %max3A_1406 = arith.maximumf %sub3A_1403, %max3A_1405 : vector<72x128xf32>
    %min3A_1407 = vector.broadcast %get3A_1390 : f32 to vector<72x128xf32>
    %min3A_1408 = arith.minimumf %add3A_87, %min3A_1407 : vector<72x128xf32>
    %max3A_1409 = vector.broadcast %get3A_1382 : f32 to vector<72x128xf32>
    %max3A_1410 = arith.maximumf %sub3A_79, %max3A_1409 : vector<72x128xf32>
    %sub3A_1411 = arith.subf %min3A_1408, %max3A_1410 : vector<72x128xf32>
    %max3A_1412 = arith.constant 0.000000e+00 : f32
    %max3A_1413 = vector.broadcast %max3A_1412 : f32 to vector<72x128xf32>
    %max3A_1414 = arith.maximumf %sub3A_1411, %max3A_1413 : vector<72x128xf32>
    %mul3A_1415 = arith.mulf %max3A_1406, %max3A_1414 : vector<72x128xf32>
    %add3A_1416 = vector.broadcast %mul3A_1398 : f32 to vector<72x128xf32>
    %add3A_1417 = arith.addf %mul3A_88, %add3A_1416 : vector<72x128xf32>
    %sub3A_1418 = arith.subf %add3A_1417, %mul3A_1415 : vector<72x128xf32>
    %div3A_1419 = arith.divf %mul3A_1415, %sub3A_1418 : vector<72x128xf32>
    %jit3A_1420 = arith.constant -1.000000e+00 : f32
    %broadcast_in_dim3A_1421 = vector.broadcast %jit3A_1420 : f32 to vector<72x128xf32>
    %select_n3A_1422 = arith.select %lt3A_52, %div3A_1419, %broadcast_in_dim3A_1421 : vector<72x128xi1>, vector<72x128xf32>
    %gt3A_1423 = arith.cmpf ogt, %select_n3A_1422, %select_n3A_1332 : vector<72x128xf32>
    %select_n3A_1424 = arith.select %gt3A_1423, %select_n3A_1422, %select_n3A_1332 : vector<72x128xi1>, vector<72x128xf32>
    %broadcast_in_dim3A_1425 = vector.broadcast %convert_element_type3A_1395 : f32 to vector<72x128xf32>
    %select_n3A_1426 = arith.select %gt3A_1423, %broadcast_in_dim3A_1425, %select_n3A_1334 : vector<72x128xi1>, vector<72x128xf32>
    %broadcast_in_dim3A_1427 = vector.broadcast %get3A_1378 : f32 to vector<72x128xf32>
    %select_n3A_1428 = arith.select %gt3A_1423, %broadcast_in_dim3A_1427, %select_n3A_1336 : vector<72x128xi1>, vector<72x128xf32>
    %broadcast_in_dim3A_1429 = vector.broadcast %get3A_1382 : f32 to vector<72x128xf32>
    %select_n3A_1430 = arith.select %gt3A_1423, %broadcast_in_dim3A_1429, %select_n3A_1338 : vector<72x128xi1>, vector<72x128xf32>
    %broadcast_in_dim3A_1431 = vector.broadcast %get3A_1386 : f32 to vector<72x128xf32>
    %select_n3A_1432 = arith.select %gt3A_1423, %broadcast_in_dim3A_1431, %select_n3A_1340 : vector<72x128xi1>, vector<72x128xf32>
    %broadcast_in_dim3A_1433 = vector.broadcast %get3A_1390 : f32 to vector<72x128xf32>
    %select_n3A_1434 = arith.select %gt3A_1423, %broadcast_in_dim3A_1433, %select_n3A_1342 : vector<72x128xi1>, vector<72x128xf32>
    %reduce_max3A_1435 = arith.constant dense<0xFF800000> : vector<72xf32>
    %reduce_max3A_1436 = vector.multi_reduction <maximumf>, %select_n3A_1422, %reduce_max3A_1435 [1] : vector<72x128xf32> to vector<72xf32>
    %broadcast_in_dim3A_1437 = vector.shape_cast %reduce_max3A_1436 : vector<72xf32> to vector<72x1xf32>
    %reduce_max3A_1438 = arith.constant dense<0xFF800000> : vector<1xf32>
    %reduce_max3A_1439 = vector.multi_reduction <maximumf>, %broadcast_in_dim3A_1437, %reduce_max3A_1438 [0] : vector<72x1xf32> to vector<1xf32>
    %broadcast_in_dim3A_1440 = vector.shape_cast %reduce_max3A_1439 : vector<1xf32> to vector<1x1xf32>
    %eq3A_1441 = vector.broadcast %broadcast_in_dim3A_1440 : vector<1x1xf32> to vector<72x128xf32>
    %eq3A_1442 = arith.cmpf oeq, %select_n3A_1422, %eq3A_1441 : vector<72x128xf32>
    %jit3A_1443 = arith.constant 1.000000e+09 : f32
    %broadcast_in_dim3A_1444 = vector.broadcast %jit3A_1443 : f32 to vector<72x128xf32>
    %select_n3A_1445 = arith.select %eq3A_1442, %convert_element_type3A, %broadcast_in_dim3A_1444 : vector<72x128xi1>, vector<72x128xf32>
    %reduce_min3A_1446 = arith.constant dense<0x7F800000> : vector<72xf32>
    %reduce_min3A_1447 = vector.multi_reduction <minimumf>, %select_n3A_1445, %reduce_min3A_1446 [1] : vector<72x128xf32> to vector<72xf32>
    %broadcast_in_dim3A_1448 = vector.shape_cast %reduce_min3A_1447 : vector<72xf32> to vector<72x1xf32>
    %reduce_min3A_1449 = arith.constant dense<0x7F800000> : vector<1xf32>
    %reduce_min3A_1450 = vector.multi_reduction <minimumf>, %broadcast_in_dim3A_1448, %reduce_min3A_1449 [0] : vector<72x1xf32> to vector<1xf32>
    %broadcast_in_dim3A_1451 = vector.shape_cast %reduce_min3A_1450 : vector<1xf32> to vector<1x1xf32>
    %eq3A_1452 = vector.broadcast %broadcast_in_dim3A_1451 : vector<1x1xf32> to vector<72x128xf32>
    %eq3A_1453 = arith.cmpf oeq, %convert_element_type3A, %eq3A_1452 : vector<72x128xf32>
    %jit3A_1454 = arith.constant 1.000000e+00 : f32
    %broadcast_in_dim3A_1455 = vector.broadcast %jit3A_1454 : f32 to vector<72x128xf32>
    %select_n3A_1456 = arith.select %eq3A_1453, %broadcast_in_dim3A_1455, %select_n3A_1364 : vector<72x128xi1>, vector<72x128xf32>
    %broadcast_in_dim3A_1457 = vector.broadcast %convert_element_type3A_1395 : f32 to vector<72x128xf32>
    %select_n3A_1458 = arith.select %eq3A_1453, %broadcast_in_dim3A_1457, %select_n3A_1366 : vector<72x128xi1>, vector<72x128xf32>
    %broadcast_in_dim3A_1459 = vector.broadcast %get3A_1378 : f32 to vector<72x128xf32>
    %select_n3A_1460 = arith.select %eq3A_1453, %broadcast_in_dim3A_1459, %select_n3A_1368 : vector<72x128xi1>, vector<72x128xf32>
    %broadcast_in_dim3A_1461 = vector.broadcast %get3A_1382 : f32 to vector<72x128xf32>
    %select_n3A_1462 = arith.select %eq3A_1453, %broadcast_in_dim3A_1461, %select_n3A_1370 : vector<72x128xi1>, vector<72x128xf32>
    %broadcast_in_dim3A_1463 = vector.broadcast %get3A_1386 : f32 to vector<72x128xf32>
    %select_n3A_1464 = arith.select %eq3A_1453, %broadcast_in_dim3A_1463, %select_n3A_1372 : vector<72x128xi1>, vector<72x128xf32>
    %broadcast_in_dim3A_1465 = vector.broadcast %get3A_1390 : f32 to vector<72x128xf32>
    %select_n3A_1466 = arith.select %eq3A_1453, %broadcast_in_dim3A_1465, %select_n3A_1374 : vector<72x128xi1>, vector<72x128xf32>
    %get3A_1467 = arith.constant 0 : index
    %get3A_1468 = arith.constant 15 : index
    %get3A_1469 = arith.constant 0 : index
    %get3A_1470 = memref.load %arg1[%get3A_1467, %get3A_1468, %get3A_1469] : memref<1x16x4xf32, #tpu.memory_space<smem>>
    %get3A_1471 = arith.constant 0 : index
    %get3A_1472 = arith.constant 15 : index
    %get3A_1473 = arith.constant 1 : index
    %get3A_1474 = memref.load %arg1[%get3A_1471, %get3A_1472, %get3A_1473] : memref<1x16x4xf32, #tpu.memory_space<smem>>
    %get3A_1475 = arith.constant 0 : index
    %get3A_1476 = arith.constant 15 : index
    %get3A_1477 = arith.constant 2 : index
    %get3A_1478 = memref.load %arg1[%get3A_1475, %get3A_1476, %get3A_1477] : memref<1x16x4xf32, #tpu.memory_space<smem>>
    %get3A_1479 = arith.constant 0 : index
    %get3A_1480 = arith.constant 15 : index
    %get3A_1481 = arith.constant 3 : index
    %get3A_1482 = memref.load %arg1[%get3A_1479, %get3A_1480, %get3A_1481] : memref<1x16x4xf32, #tpu.memory_space<smem>>
    %get3A_1483 = arith.constant 0 : index
    %get3A_1484 = arith.constant 0 : index
    %get3A_1485 = arith.constant 15 : index
    %get3A_1486 = memref.load %arg2[%get3A_1483, %get3A_1484, %get3A_1485] : memref<1x1x16xi32, #tpu.memory_space<smem>>
    %convert_element_type3A_1487 = arith.sitofp %get3A_1486 : i32 to f32
    %sub3A_1488 = arith.subf %get3A_1478, %get3A_1470 : f32
    %sub3A_1489 = arith.subf %get3A_1482, %get3A_1474 : f32
    %mul3A_1490 = arith.mulf %sub3A_1488, %sub3A_1489 : f32
    %min3A_1491 = vector.broadcast %get3A_1478 : f32 to vector<72x128xf32>
    %min3A_1492 = arith.minimumf %add3A_83, %min3A_1491 : vector<72x128xf32>
    %max3A_1493 = vector.broadcast %get3A_1470 : f32 to vector<72x128xf32>
    %max3A_1494 = arith.maximumf %sub3A_75, %max3A_1493 : vector<72x128xf32>
    %sub3A_1495 = arith.subf %min3A_1492, %max3A_1494 : vector<72x128xf32>
    %max3A_1496 = arith.constant 0.000000e+00 : f32
    %max3A_1497 = vector.broadcast %max3A_1496 : f32 to vector<72x128xf32>
    %max3A_1498 = arith.maximumf %sub3A_1495, %max3A_1497 : vector<72x128xf32>
    %min3A_1499 = vector.broadcast %get3A_1482 : f32 to vector<72x128xf32>
    %min3A_1500 = arith.minimumf %add3A_87, %min3A_1499 : vector<72x128xf32>
    %max3A_1501 = vector.broadcast %get3A_1474 : f32 to vector<72x128xf32>
    %max3A_1502 = arith.maximumf %sub3A_79, %max3A_1501 : vector<72x128xf32>
    %sub3A_1503 = arith.subf %min3A_1500, %max3A_1502 : vector<72x128xf32>
    %max3A_1504 = arith.constant 0.000000e+00 : f32
    %max3A_1505 = vector.broadcast %max3A_1504 : f32 to vector<72x128xf32>
    %max3A_1506 = arith.maximumf %sub3A_1503, %max3A_1505 : vector<72x128xf32>
    %mul3A_1507 = arith.mulf %max3A_1498, %max3A_1506 : vector<72x128xf32>
    %add3A_1508 = vector.broadcast %mul3A_1490 : f32 to vector<72x128xf32>
    %add3A_1509 = arith.addf %mul3A_88, %add3A_1508 : vector<72x128xf32>
    %sub3A_1510 = arith.subf %add3A_1509, %mul3A_1507 : vector<72x128xf32>
    %div3A_1511 = arith.divf %mul3A_1507, %sub3A_1510 : vector<72x128xf32>
    %jit3A_1512 = arith.constant -1.000000e+00 : f32
    %broadcast_in_dim3A_1513 = vector.broadcast %jit3A_1512 : f32 to vector<72x128xf32>
    %select_n3A_1514 = arith.select %lt3A_52, %div3A_1511, %broadcast_in_dim3A_1513 : vector<72x128xi1>, vector<72x128xf32>
    %gt3A_1515 = arith.cmpf ogt, %select_n3A_1514, %select_n3A_1424 : vector<72x128xf32>
    %select_n3A_1516 = arith.select %gt3A_1515, %select_n3A_1514, %select_n3A_1424 : vector<72x128xi1>, vector<72x128xf32>
    %broadcast_in_dim3A_1517 = vector.broadcast %convert_element_type3A_1487 : f32 to vector<72x128xf32>
    %select_n3A_1518 = arith.select %gt3A_1515, %broadcast_in_dim3A_1517, %select_n3A_1426 : vector<72x128xi1>, vector<72x128xf32>
    %broadcast_in_dim3A_1519 = vector.broadcast %get3A_1470 : f32 to vector<72x128xf32>
    %select_n3A_1520 = arith.select %gt3A_1515, %broadcast_in_dim3A_1519, %select_n3A_1428 : vector<72x128xi1>, vector<72x128xf32>
    %broadcast_in_dim3A_1521 = vector.broadcast %get3A_1474 : f32 to vector<72x128xf32>
    %select_n3A_1522 = arith.select %gt3A_1515, %broadcast_in_dim3A_1521, %select_n3A_1430 : vector<72x128xi1>, vector<72x128xf32>
    %broadcast_in_dim3A_1523 = vector.broadcast %get3A_1478 : f32 to vector<72x128xf32>
    %select_n3A_1524 = arith.select %gt3A_1515, %broadcast_in_dim3A_1523, %select_n3A_1432 : vector<72x128xi1>, vector<72x128xf32>
    %broadcast_in_dim3A_1525 = vector.broadcast %get3A_1482 : f32 to vector<72x128xf32>
    %select_n3A_1526 = arith.select %gt3A_1515, %broadcast_in_dim3A_1525, %select_n3A_1434 : vector<72x128xi1>, vector<72x128xf32>
    %reduce_max3A_1527 = arith.constant dense<0xFF800000> : vector<72xf32>
    %reduce_max3A_1528 = vector.multi_reduction <maximumf>, %select_n3A_1514, %reduce_max3A_1527 [1] : vector<72x128xf32> to vector<72xf32>
    %broadcast_in_dim3A_1529 = vector.shape_cast %reduce_max3A_1528 : vector<72xf32> to vector<72x1xf32>
    %reduce_max3A_1530 = arith.constant dense<0xFF800000> : vector<1xf32>
    %reduce_max3A_1531 = vector.multi_reduction <maximumf>, %broadcast_in_dim3A_1529, %reduce_max3A_1530 [0] : vector<72x1xf32> to vector<1xf32>
    %broadcast_in_dim3A_1532 = vector.shape_cast %reduce_max3A_1531 : vector<1xf32> to vector<1x1xf32>
    %eq3A_1533 = vector.broadcast %broadcast_in_dim3A_1532 : vector<1x1xf32> to vector<72x128xf32>
    %eq3A_1534 = arith.cmpf oeq, %select_n3A_1514, %eq3A_1533 : vector<72x128xf32>
    %jit3A_1535 = arith.constant 1.000000e+09 : f32
    %broadcast_in_dim3A_1536 = vector.broadcast %jit3A_1535 : f32 to vector<72x128xf32>
    %select_n3A_1537 = arith.select %eq3A_1534, %convert_element_type3A, %broadcast_in_dim3A_1536 : vector<72x128xi1>, vector<72x128xf32>
    %reduce_min3A_1538 = arith.constant dense<0x7F800000> : vector<72xf32>
    %reduce_min3A_1539 = vector.multi_reduction <minimumf>, %select_n3A_1537, %reduce_min3A_1538 [1] : vector<72x128xf32> to vector<72xf32>
    %broadcast_in_dim3A_1540 = vector.shape_cast %reduce_min3A_1539 : vector<72xf32> to vector<72x1xf32>
    %reduce_min3A_1541 = arith.constant dense<0x7F800000> : vector<1xf32>
    %reduce_min3A_1542 = vector.multi_reduction <minimumf>, %broadcast_in_dim3A_1540, %reduce_min3A_1541 [0] : vector<72x1xf32> to vector<1xf32>
    %broadcast_in_dim3A_1543 = vector.shape_cast %reduce_min3A_1542 : vector<1xf32> to vector<1x1xf32>
    %eq3A_1544 = vector.broadcast %broadcast_in_dim3A_1543 : vector<1x1xf32> to vector<72x128xf32>
    %eq3A_1545 = arith.cmpf oeq, %convert_element_type3A, %eq3A_1544 : vector<72x128xf32>
    %jit3A_1546 = arith.constant 1.000000e+00 : f32
    %broadcast_in_dim3A_1547 = vector.broadcast %jit3A_1546 : f32 to vector<72x128xf32>
    %select_n3A_1548 = arith.select %eq3A_1545, %broadcast_in_dim3A_1547, %select_n3A_1456 : vector<72x128xi1>, vector<72x128xf32>
    %broadcast_in_dim3A_1549 = vector.broadcast %convert_element_type3A_1487 : f32 to vector<72x128xf32>
    %select_n3A_1550 = arith.select %eq3A_1545, %broadcast_in_dim3A_1549, %select_n3A_1458 : vector<72x128xi1>, vector<72x128xf32>
    %broadcast_in_dim3A_1551 = vector.broadcast %get3A_1470 : f32 to vector<72x128xf32>
    %select_n3A_1552 = arith.select %eq3A_1545, %broadcast_in_dim3A_1551, %select_n3A_1460 : vector<72x128xi1>, vector<72x128xf32>
    %broadcast_in_dim3A_1553 = vector.broadcast %get3A_1474 : f32 to vector<72x128xf32>
    %select_n3A_1554 = arith.select %eq3A_1545, %broadcast_in_dim3A_1553, %select_n3A_1462 : vector<72x128xi1>, vector<72x128xf32>
    %broadcast_in_dim3A_1555 = vector.broadcast %get3A_1478 : f32 to vector<72x128xf32>
    %select_n3A_1556 = arith.select %eq3A_1545, %broadcast_in_dim3A_1555, %select_n3A_1464 : vector<72x128xi1>, vector<72x128xf32>
    %broadcast_in_dim3A_1557 = vector.broadcast %get3A_1482 : f32 to vector<72x128xf32>
    %select_n3A_1558 = arith.select %eq3A_1545, %broadcast_in_dim3A_1557, %select_n3A_1466 : vector<72x128xi1>, vector<72x128xf32>
    %gt3A_1559 = arith.constant 0.000000e+00 : f32
    %gt3A_1560 = vector.broadcast %gt3A_1559 : f32 to vector<72x128xf32>
    %gt3A_1561 = arith.cmpf ogt, %select_n3A_1548, %gt3A_1560 : vector<72x128xf32>
    %jit3A_1562 = arith.constant 1.000000e+00 : f32
    %broadcast_in_dim3A_1563 = vector.broadcast %jit3A_1562 : f32 to vector<72x128xf32>
    %select_n3A_1564 = arith.select %gt3A_1561, %broadcast_in_dim3A_1563, %select_n3A_1516 : vector<72x128xi1>, vector<72x128xf32>
    %select_n3A_1565 = arith.select %gt3A_1561, %select_n3A_1550, %select_n3A_1518 : vector<72x128xi1>, vector<72x128xf32>
    %select_n3A_1566 = arith.select %gt3A_1561, %select_n3A_1552, %select_n3A_1520 : vector<72x128xi1>, vector<72x128xf32>
    %select_n3A_1567 = arith.select %gt3A_1561, %select_n3A_1554, %select_n3A_1522 : vector<72x128xi1>, vector<72x128xf32>
    %select_n3A_1568 = arith.select %gt3A_1561, %select_n3A_1556, %select_n3A_1524 : vector<72x128xi1>, vector<72x128xf32>
    %select_n3A_1569 = arith.select %gt3A_1561, %select_n3A_1558, %select_n3A_1526 : vector<72x128xi1>, vector<72x128xf32>
    %lt3A_1570 = arith.constant 5.000000e-01 : f32
    %lt3A_1571 = vector.broadcast %lt3A_1570 : f32 to vector<72x128xf32>
    %lt3A_1572 = arith.cmpf olt, %select_n3A_1564, %lt3A_1571 : vector<72x128xf32>
    %jit3A_1573 = arith.constant 0.000000e+00 : f32
    %broadcast_in_dim3A_1574 = vector.broadcast %jit3A_1573 : f32 to vector<72x128xf32>
    %select_n3A_1575 = arith.select %lt3A_1572, %broadcast_in_dim3A_1574, %select_n3A_1565 : vector<72x128xi1>, vector<72x128xf32>
    %gt3A_1576 = arith.constant 0.000000e+00 : f32
    %gt3A_1577 = vector.broadcast %gt3A_1576 : f32 to vector<72x128xf32>
    %gt3A_1578 = arith.cmpf ogt, %select_n3A_1575, %gt3A_1577 : vector<72x128xf32>
    %add3A_1579 = arith.addf %select_n3A_1566, %select_n3A_1568 : vector<72x128xf32>
    %mul3A_1580 = arith.constant 5.000000e-01 : f32
    %mul3A_1581 = vector.broadcast %mul3A_1580 : f32 to vector<72x128xf32>
    %mul3A_1582 = arith.mulf %add3A_1579, %mul3A_1581 : vector<72x128xf32>
    %add3A_1583 = arith.addf %select_n3A_1567, %select_n3A_1569 : vector<72x128xf32>
    %mul3A_1584 = arith.constant 5.000000e-01 : f32
    %mul3A_1585 = vector.broadcast %mul3A_1584 : f32 to vector<72x128xf32>
    %mul3A_1586 = arith.mulf %add3A_1583, %mul3A_1585 : vector<72x128xf32>
    %sub3A_1587 = arith.subf %select_n3A_1568, %select_n3A_1566 : vector<72x128xf32>
    %sub3A_1588 = arith.subf %select_n3A_1569, %select_n3A_1567 : vector<72x128xf32>
    %sub3A_1589 = arith.subf %mul3A_1582, %get3A_56 : vector<72x128xf32>
    %mul3A_1590 = arith.constant 1.000000e-01 : f32
    %mul3A_1591 = vector.broadcast %mul3A_1590 : f32 to vector<72x128xf32>
    %mul3A_1592 = arith.mulf %get3A_66, %mul3A_1591 : vector<72x128xf32>
    %div3A_1593 = arith.divf %sub3A_1589, %mul3A_1592 : vector<72x128xf32>
    %sub3A_1594 = arith.subf %mul3A_1586, %get3A_61 : vector<72x128xf32>
    %mul3A_1595 = arith.constant 1.000000e-01 : f32
    %mul3A_1596 = vector.broadcast %mul3A_1595 : f32 to vector<72x128xf32>
    %mul3A_1597 = arith.mulf %get3A_71, %mul3A_1596 : vector<72x128xf32>
    %div3A_1598 = arith.divf %sub3A_1594, %mul3A_1597 : vector<72x128xf32>
    %div3A_1599 = arith.divf %sub3A_1587, %get3A_66 : vector<72x128xf32>
    %log3A = math.log %div3A_1599 : vector<72x128xf32>
    %mul3A_1600 = arith.constant 5.000000e+00 : f32
    %mul3A_1601 = vector.broadcast %mul3A_1600 : f32 to vector<72x128xf32>
    %mul3A_1602 = arith.mulf %log3A, %mul3A_1601 : vector<72x128xf32>
    %div3A_1603 = arith.divf %sub3A_1588, %get3A_71 : vector<72x128xf32>
    %log3A_1604 = math.log %div3A_1603 : vector<72x128xf32>
    %mul3A_1605 = arith.constant 5.000000e+00 : f32
    %mul3A_1606 = vector.broadcast %mul3A_1605 : f32 to vector<72x128xf32>
    %mul3A_1607 = arith.mulf %log3A_1604, %mul3A_1606 : vector<72x128xf32>
    %get3A_1608 = arith.constant 0 : index
    %get3A_1609 = arith.constant 0 : index
    %get3A_1610 = arith.constant 0 : index
    %get3A_1611 = arith.constant 0 : index
    %get3A_1612 = vector.load %arg4[%get3A_1608, %get3A_1609, %get3A_1610, %get3A_1611] : memref<1x4x72x128xf32, #tpu.memory_space<vmem>>, vector<1x1x72x128xf32>
    %get3A_1613 = vector.shape_cast %get3A_1612 : vector<1x1x72x128xf32> to vector<72x128xf32>
    %sub3A_1614 = arith.subf %get3A_1613, %div3A_1593 : vector<72x128xf32>
    %abs3A = math.absf %sub3A_1614 : vector<72x128xf32>
    %get3A_1615 = arith.constant 0 : index
    %get3A_1616 = arith.constant 1 : index
    %get3A_1617 = arith.constant 0 : index
    %get3A_1618 = arith.constant 0 : index
    %get3A_1619 = vector.load %arg4[%get3A_1615, %get3A_1616, %get3A_1617, %get3A_1618] : memref<1x4x72x128xf32, #tpu.memory_space<vmem>>, vector<1x1x72x128xf32>
    %get3A_1620 = vector.shape_cast %get3A_1619 : vector<1x1x72x128xf32> to vector<72x128xf32>
    %sub3A_1621 = arith.subf %get3A_1620, %div3A_1598 : vector<72x128xf32>
    %abs3A_1622 = math.absf %sub3A_1621 : vector<72x128xf32>
    %add3A_1623 = arith.addf %abs3A, %abs3A_1622 : vector<72x128xf32>
    %get3A_1624 = arith.constant 0 : index
    %get3A_1625 = arith.constant 2 : index
    %get3A_1626 = arith.constant 0 : index
    %get3A_1627 = arith.constant 0 : index
    %get3A_1628 = vector.load %arg4[%get3A_1624, %get3A_1625, %get3A_1626, %get3A_1627] : memref<1x4x72x128xf32, #tpu.memory_space<vmem>>, vector<1x1x72x128xf32>
    %get3A_1629 = vector.shape_cast %get3A_1628 : vector<1x1x72x128xf32> to vector<72x128xf32>
    %sub3A_1630 = arith.subf %get3A_1629, %mul3A_1602 : vector<72x128xf32>
    %abs3A_1631 = math.absf %sub3A_1630 : vector<72x128xf32>
    %add3A_1632 = arith.addf %add3A_1623, %abs3A_1631 : vector<72x128xf32>
    %get3A_1633 = arith.constant 0 : index
    %get3A_1634 = arith.constant 3 : index
    %get3A_1635 = arith.constant 0 : index
    %get3A_1636 = arith.constant 0 : index
    %get3A_1637 = vector.load %arg4[%get3A_1633, %get3A_1634, %get3A_1635, %get3A_1636] : memref<1x4x72x128xf32, #tpu.memory_space<vmem>>, vector<1x1x72x128xf32>
    %get3A_1638 = vector.shape_cast %get3A_1637 : vector<1x1x72x128xf32> to vector<72x128xf32>
    %sub3A_1639 = arith.subf %get3A_1638, %mul3A_1607 : vector<72x128xf32>
    %abs3A_1640 = math.absf %sub3A_1639 : vector<72x128xf32>
    %add3A_1641 = arith.addf %add3A_1632, %abs3A_1640 : vector<72x128xf32>
    %jit3A_1642 = arith.constant 0.000000e+00 : f32
    %broadcast_in_dim3A_1643 = vector.broadcast %jit3A_1642 : f32 to vector<72x128xf32>
    %select_n3A_1644 = arith.select %gt3A_1578, %add3A_1641, %broadcast_in_dim3A_1643 : vector<72x128xi1>, vector<72x128xf32>
    %reduce_sum3A = arith.constant dense<0.000000e+00> : vector<72xf32>
    %reduce_sum3A_1645 = vector.multi_reduction <add>, %select_n3A_1644, %reduce_sum3A [1] : vector<72x128xf32> to vector<72xf32>
    %broadcast_in_dim3A_1646 = vector.shape_cast %reduce_sum3A_1645 : vector<72xf32> to vector<72x1xf32>
    %reduce_sum3A_1647 = arith.constant dense<0.000000e+00> : vector<1xf32>
    %reduce_sum3A_1648 = vector.multi_reduction <add>, %broadcast_in_dim3A_1646, %reduce_sum3A_1647 [0] : vector<72x1xf32> to vector<1xf32>
    %broadcast_in_dim3A_1649 = vector.shape_cast %reduce_sum3A_1648 : vector<1xf32> to vector<1x1xf32>
    %jit3A_1650 = arith.constant 1.000000e+00 : f32
    %jit3A_1651 = arith.constant 0.000000e+00 : f32
    %broadcast_in_dim3A_1652 = vector.broadcast %jit3A_1650 : f32 to vector<72x128xf32>
    %broadcast_in_dim3A_1653 = vector.broadcast %jit3A_1651 : f32 to vector<72x128xf32>
    %select_n3A_1654 = arith.select %gt3A_1578, %broadcast_in_dim3A_1652, %broadcast_in_dim3A_1653 : vector<72x128xi1>, vector<72x128xf32>
    %reduce_sum3A_1655 = arith.constant dense<0.000000e+00> : vector<72xf32>
    %reduce_sum3A_1656 = vector.multi_reduction <add>, %select_n3A_1654, %reduce_sum3A_1655 [1] : vector<72x128xf32> to vector<72xf32>
    %broadcast_in_dim3A_1657 = vector.shape_cast %reduce_sum3A_1656 : vector<72xf32> to vector<72x1xf32>
    %reduce_sum3A_1658 = arith.constant dense<0.000000e+00> : vector<1xf32>
    %reduce_sum3A_1659 = vector.multi_reduction <add>, %broadcast_in_dim3A_1657, %reduce_sum3A_1658 [0] : vector<72x1xf32> to vector<1xf32>
    %broadcast_in_dim3A_1660 = vector.shape_cast %reduce_sum3A_1659 : vector<1xf32> to vector<1x1xf32>
    %iota3A_1661 = tpu.iota {dimensions = array<i32: 0>} : vector<81x128xi32>
    %get3A_1662 = arith.constant 0 : index
    %get3A_1663 = arith.constant 0 : index
    %get3A_1664 = arith.constant 0 : index
    %get3A_1665 = vector.load %arg5[%get3A_1662, %get3A_1663, %get3A_1664] : memref<1x4366x162xf32, #tpu.memory_space<vmem>>, vector<1x64x162xf32>
    %get3A_1666 = vector.shape_cast %get3A_1665 : vector<1x64x162xf32> to vector<64x162xf32>
    %slice3A = vector.extract_strided_slice %get3A_1666 {offsets = [0, 0], sizes = [64, 81], strides = [1, 1]} : vector<64x162xf32> to vector<64x81xf32>
    %slice3A_1667 = vector.extract_strided_slice %get3A_1666 {offsets = [0, 81], sizes = [64, 81], strides = [1, 1]} : vector<64x162xf32> to vector<64x81xf32>
    %concatenate3A = tpu.concatenate %slice3A, %slice3A_1667 in 0 : vector<64x81xf32>, vector<64x81xf32> -> vector<128x81xf32>
    %transpose3A = tpu.transpose %concatenate3A, [1, 0] : vector<128x81xf32> -> vector<81x128xf32>
    %reduce_max3A_1668 = arith.constant dense<0xFF800000> : vector<128xf32>
    %reduce_max3A_1669 = vector.multi_reduction <maximumf>, %transpose3A, %reduce_max3A_1668 [0] : vector<81x128xf32> to vector<128xf32>
    %broadcast_in_dim3A_1670 = vector.shape_cast %reduce_max3A_1669 : vector<128xf32> to vector<1x128xf32>
    %sub3A_1671 = vector.broadcast %broadcast_in_dim3A_1670 : vector<1x128xf32> to vector<81x128xf32>
    %sub3A_1672 = arith.subf %transpose3A, %sub3A_1671 : vector<81x128xf32>
    %exp3A = math.exp %sub3A_1672 : vector<81x128xf32>
    %reduce_sum3A_1673 = arith.constant dense<0.000000e+00> : vector<128xf32>
    %reduce_sum3A_1674 = vector.multi_reduction <add>, %exp3A, %reduce_sum3A_1673 [0] : vector<81x128xf32> to vector<128xf32>
    %broadcast_in_dim3A_1675 = vector.shape_cast %reduce_sum3A_1674 : vector<128xf32> to vector<1x128xf32>
    %slice3A_1676 = vector.extract_strided_slice %select_n3A_1575 {offsets = [0, 0], sizes = [1, 128], strides = [1, 1]} : vector<72x128xf32> to vector<1x128xf32>
    %convert_element_type3A_1677 = arith.fptosi %slice3A_1676 : vector<1x128xf32> to vector<1x128xi32>
    %eq3A_1678 = vector.broadcast %convert_element_type3A_1677 : vector<1x128xi32> to vector<81x128xi32>
    %eq3A_1679 = arith.cmpi eq, %iota3A_1661, %eq3A_1678 : vector<81x128xi32>
    %jit3A_1680 = arith.constant 0.000000e+00 : f32
    %broadcast_in_dim3A_1681 = vector.broadcast %jit3A_1680 : f32 to vector<81x128xf32>
    %select_n3A_1682 = arith.select %eq3A_1679, %transpose3A, %broadcast_in_dim3A_1681 : vector<81x128xi1>, vector<81x128xf32>
    %reduce_sum3A_1683 = arith.constant dense<0.000000e+00> : vector<128xf32>
    %reduce_sum3A_1684 = vector.multi_reduction <add>, %select_n3A_1682, %reduce_sum3A_1683 [0] : vector<81x128xf32> to vector<128xf32>
    %broadcast_in_dim3A_1685 = vector.shape_cast %reduce_sum3A_1684 : vector<128xf32> to vector<1x128xf32>
    %log3A_1686 = math.log %broadcast_in_dim3A_1675 : vector<1x128xf32>
    %add3A_1687 = arith.addf %broadcast_in_dim3A_1670, %log3A_1686 : vector<1x128xf32>
    %sub3A_1688 = arith.subf %add3A_1687, %broadcast_in_dim3A_1685 : vector<1x128xf32>
    %get3A_1689 = arith.constant 0 : index
    %get3A_1690 = arith.constant 64 : index
    %get3A_1691 = arith.constant 0 : index
    %get3A_1692 = vector.load %arg5[%get3A_1689, %get3A_1690, %get3A_1691] : memref<1x4366x162xf32, #tpu.memory_space<vmem>>, vector<1x64x162xf32>
    %get3A_1693 = vector.shape_cast %get3A_1692 : vector<1x64x162xf32> to vector<64x162xf32>
    %slice3A_1694 = vector.extract_strided_slice %get3A_1693 {offsets = [0, 0], sizes = [64, 81], strides = [1, 1]} : vector<64x162xf32> to vector<64x81xf32>
    %slice3A_1695 = vector.extract_strided_slice %get3A_1693 {offsets = [0, 81], sizes = [64, 81], strides = [1, 1]} : vector<64x162xf32> to vector<64x81xf32>
    %concatenate3A_1696 = tpu.concatenate %slice3A_1694, %slice3A_1695 in 0 : vector<64x81xf32>, vector<64x81xf32> -> vector<128x81xf32>
    %transpose3A_1697 = tpu.transpose %concatenate3A_1696, [1, 0] : vector<128x81xf32> -> vector<81x128xf32>
    %reduce_max3A_1698 = arith.constant dense<0xFF800000> : vector<128xf32>
    %reduce_max3A_1699 = vector.multi_reduction <maximumf>, %transpose3A_1697, %reduce_max3A_1698 [0] : vector<81x128xf32> to vector<128xf32>
    %broadcast_in_dim3A_1700 = vector.shape_cast %reduce_max3A_1699 : vector<128xf32> to vector<1x128xf32>
    %sub3A_1701 = vector.broadcast %broadcast_in_dim3A_1700 : vector<1x128xf32> to vector<81x128xf32>
    %sub3A_1702 = arith.subf %transpose3A_1697, %sub3A_1701 : vector<81x128xf32>
    %exp3A_1703 = math.exp %sub3A_1702 : vector<81x128xf32>
    %reduce_sum3A_1704 = arith.constant dense<0.000000e+00> : vector<128xf32>
    %reduce_sum3A_1705 = vector.multi_reduction <add>, %exp3A_1703, %reduce_sum3A_1704 [0] : vector<81x128xf32> to vector<128xf32>
    %broadcast_in_dim3A_1706 = vector.shape_cast %reduce_sum3A_1705 : vector<128xf32> to vector<1x128xf32>
    %slice3A_1707 = vector.extract_strided_slice %select_n3A_1575 {offsets = [1, 0], sizes = [1, 128], strides = [1, 1]} : vector<72x128xf32> to vector<1x128xf32>
    %convert_element_type3A_1708 = arith.fptosi %slice3A_1707 : vector<1x128xf32> to vector<1x128xi32>
    %eq3A_1709 = vector.broadcast %convert_element_type3A_1708 : vector<1x128xi32> to vector<81x128xi32>
    %eq3A_1710 = arith.cmpi eq, %iota3A_1661, %eq3A_1709 : vector<81x128xi32>
    %jit3A_1711 = arith.constant 0.000000e+00 : f32
    %broadcast_in_dim3A_1712 = vector.broadcast %jit3A_1711 : f32 to vector<81x128xf32>
    %select_n3A_1713 = arith.select %eq3A_1710, %transpose3A_1697, %broadcast_in_dim3A_1712 : vector<81x128xi1>, vector<81x128xf32>
    %reduce_sum3A_1714 = arith.constant dense<0.000000e+00> : vector<128xf32>
    %reduce_sum3A_1715 = vector.multi_reduction <add>, %select_n3A_1713, %reduce_sum3A_1714 [0] : vector<81x128xf32> to vector<128xf32>
    %broadcast_in_dim3A_1716 = vector.shape_cast %reduce_sum3A_1715 : vector<128xf32> to vector<1x128xf32>
    %log3A_1717 = math.log %broadcast_in_dim3A_1706 : vector<1x128xf32>
    %add3A_1718 = arith.addf %broadcast_in_dim3A_1700, %log3A_1717 : vector<1x128xf32>
    %sub3A_1719 = arith.subf %add3A_1718, %broadcast_in_dim3A_1716 : vector<1x128xf32>
    %get3A_1720 = arith.constant 0 : index
    %get3A_1721 = arith.constant 128 : index
    %get3A_1722 = arith.constant 0 : index
    %get3A_1723 = vector.load %arg5[%get3A_1720, %get3A_1721, %get3A_1722] : memref<1x4366x162xf32, #tpu.memory_space<vmem>>, vector<1x64x162xf32>
    %get3A_1724 = vector.shape_cast %get3A_1723 : vector<1x64x162xf32> to vector<64x162xf32>
    %slice3A_1725 = vector.extract_strided_slice %get3A_1724 {offsets = [0, 0], sizes = [64, 81], strides = [1, 1]} : vector<64x162xf32> to vector<64x81xf32>
    %slice3A_1726 = vector.extract_strided_slice %get3A_1724 {offsets = [0, 81], sizes = [64, 81], strides = [1, 1]} : vector<64x162xf32> to vector<64x81xf32>
    %concatenate3A_1727 = tpu.concatenate %slice3A_1725, %slice3A_1726 in 0 : vector<64x81xf32>, vector<64x81xf32> -> vector<128x81xf32>
    %transpose3A_1728 = tpu.transpose %concatenate3A_1727, [1, 0] : vector<128x81xf32> -> vector<81x128xf32>
    %reduce_max3A_1729 = arith.constant dense<0xFF800000> : vector<128xf32>
    %reduce_max3A_1730 = vector.multi_reduction <maximumf>, %transpose3A_1728, %reduce_max3A_1729 [0] : vector<81x128xf32> to vector<128xf32>
    %broadcast_in_dim3A_1731 = vector.shape_cast %reduce_max3A_1730 : vector<128xf32> to vector<1x128xf32>
    %sub3A_1732 = vector.broadcast %broadcast_in_dim3A_1731 : vector<1x128xf32> to vector<81x128xf32>
    %sub3A_1733 = arith.subf %transpose3A_1728, %sub3A_1732 : vector<81x128xf32>
    %exp3A_1734 = math.exp %sub3A_1733 : vector<81x128xf32>
    %reduce_sum3A_1735 = arith.constant dense<0.000000e+00> : vector<128xf32>
    %reduce_sum3A_1736 = vector.multi_reduction <add>, %exp3A_1734, %reduce_sum3A_1735 [0] : vector<81x128xf32> to vector<128xf32>
    %broadcast_in_dim3A_1737 = vector.shape_cast %reduce_sum3A_1736 : vector<128xf32> to vector<1x128xf32>
    %slice3A_1738 = vector.extract_strided_slice %select_n3A_1575 {offsets = [2, 0], sizes = [1, 128], strides = [1, 1]} : vector<72x128xf32> to vector<1x128xf32>
    %convert_element_type3A_1739 = arith.fptosi %slice3A_1738 : vector<1x128xf32> to vector<1x128xi32>
    %eq3A_1740 = vector.broadcast %convert_element_type3A_1739 : vector<1x128xi32> to vector<81x128xi32>
    %eq3A_1741 = arith.cmpi eq, %iota3A_1661, %eq3A_1740 : vector<81x128xi32>
    %jit3A_1742 = arith.constant 0.000000e+00 : f32
    %broadcast_in_dim3A_1743 = vector.broadcast %jit3A_1742 : f32 to vector<81x128xf32>
    %select_n3A_1744 = arith.select %eq3A_1741, %transpose3A_1728, %broadcast_in_dim3A_1743 : vector<81x128xi1>, vector<81x128xf32>
    %reduce_sum3A_1745 = arith.constant dense<0.000000e+00> : vector<128xf32>
    %reduce_sum3A_1746 = vector.multi_reduction <add>, %select_n3A_1744, %reduce_sum3A_1745 [0] : vector<81x128xf32> to vector<128xf32>
    %broadcast_in_dim3A_1747 = vector.shape_cast %reduce_sum3A_1746 : vector<128xf32> to vector<1x128xf32>
    %log3A_1748 = math.log %broadcast_in_dim3A_1737 : vector<1x128xf32>
    %add3A_1749 = arith.addf %broadcast_in_dim3A_1731, %log3A_1748 : vector<1x128xf32>
    %sub3A_1750 = arith.subf %add3A_1749, %broadcast_in_dim3A_1747 : vector<1x128xf32>
    %get3A_1751 = arith.constant 0 : index
    %get3A_1752 = arith.constant 192 : index
    %get3A_1753 = arith.constant 0 : index
    %get3A_1754 = vector.load %arg5[%get3A_1751, %get3A_1752, %get3A_1753] : memref<1x4366x162xf32, #tpu.memory_space<vmem>>, vector<1x64x162xf32>
    %get3A_1755 = vector.shape_cast %get3A_1754 : vector<1x64x162xf32> to vector<64x162xf32>
    %slice3A_1756 = vector.extract_strided_slice %get3A_1755 {offsets = [0, 0], sizes = [64, 81], strides = [1, 1]} : vector<64x162xf32> to vector<64x81xf32>
    %slice3A_1757 = vector.extract_strided_slice %get3A_1755 {offsets = [0, 81], sizes = [64, 81], strides = [1, 1]} : vector<64x162xf32> to vector<64x81xf32>
    %concatenate3A_1758 = tpu.concatenate %slice3A_1756, %slice3A_1757 in 0 : vector<64x81xf32>, vector<64x81xf32> -> vector<128x81xf32>
    %transpose3A_1759 = tpu.transpose %concatenate3A_1758, [1, 0] : vector<128x81xf32> -> vector<81x128xf32>
    %reduce_max3A_1760 = arith.constant dense<0xFF800000> : vector<128xf32>
    %reduce_max3A_1761 = vector.multi_reduction <maximumf>, %transpose3A_1759, %reduce_max3A_1760 [0] : vector<81x128xf32> to vector<128xf32>
    %broadcast_in_dim3A_1762 = vector.shape_cast %reduce_max3A_1761 : vector<128xf32> to vector<1x128xf32>
    %sub3A_1763 = vector.broadcast %broadcast_in_dim3A_1762 : vector<1x128xf32> to vector<81x128xf32>
    %sub3A_1764 = arith.subf %transpose3A_1759, %sub3A_1763 : vector<81x128xf32>
    %exp3A_1765 = math.exp %sub3A_1764 : vector<81x128xf32>
    %reduce_sum3A_1766 = arith.constant dense<0.000000e+00> : vector<128xf32>
    %reduce_sum3A_1767 = vector.multi_reduction <add>, %exp3A_1765, %reduce_sum3A_1766 [0] : vector<81x128xf32> to vector<128xf32>
    %broadcast_in_dim3A_1768 = vector.shape_cast %reduce_sum3A_1767 : vector<128xf32> to vector<1x128xf32>
    %slice3A_1769 = vector.extract_strided_slice %select_n3A_1575 {offsets = [3, 0], sizes = [1, 128], strides = [1, 1]} : vector<72x128xf32> to vector<1x128xf32>
    %convert_element_type3A_1770 = arith.fptosi %slice3A_1769 : vector<1x128xf32> to vector<1x128xi32>
    %eq3A_1771 = vector.broadcast %convert_element_type3A_1770 : vector<1x128xi32> to vector<81x128xi32>
    %eq3A_1772 = arith.cmpi eq, %iota3A_1661, %eq3A_1771 : vector<81x128xi32>
    %jit3A_1773 = arith.constant 0.000000e+00 : f32
    %broadcast_in_dim3A_1774 = vector.broadcast %jit3A_1773 : f32 to vector<81x128xf32>
    %select_n3A_1775 = arith.select %eq3A_1772, %transpose3A_1759, %broadcast_in_dim3A_1774 : vector<81x128xi1>, vector<81x128xf32>
    %reduce_sum3A_1776 = arith.constant dense<0.000000e+00> : vector<128xf32>
    %reduce_sum3A_1777 = vector.multi_reduction <add>, %select_n3A_1775, %reduce_sum3A_1776 [0] : vector<81x128xf32> to vector<128xf32>
    %broadcast_in_dim3A_1778 = vector.shape_cast %reduce_sum3A_1777 : vector<128xf32> to vector<1x128xf32>
    %log3A_1779 = math.log %broadcast_in_dim3A_1768 : vector<1x128xf32>
    %add3A_1780 = arith.addf %broadcast_in_dim3A_1762, %log3A_1779 : vector<1x128xf32>
    %sub3A_1781 = arith.subf %add3A_1780, %broadcast_in_dim3A_1778 : vector<1x128xf32>
    %get3A_1782 = arith.constant 0 : index
    %get3A_1783 = arith.constant 256 : index
    %get3A_1784 = arith.constant 0 : index
    %get3A_1785 = vector.load %arg5[%get3A_1782, %get3A_1783, %get3A_1784] : memref<1x4366x162xf32, #tpu.memory_space<vmem>>, vector<1x64x162xf32>
    %get3A_1786 = vector.shape_cast %get3A_1785 : vector<1x64x162xf32> to vector<64x162xf32>
    %slice3A_1787 = vector.extract_strided_slice %get3A_1786 {offsets = [0, 0], sizes = [64, 81], strides = [1, 1]} : vector<64x162xf32> to vector<64x81xf32>
    %slice3A_1788 = vector.extract_strided_slice %get3A_1786 {offsets = [0, 81], sizes = [64, 81], strides = [1, 1]} : vector<64x162xf32> to vector<64x81xf32>
    %concatenate3A_1789 = tpu.concatenate %slice3A_1787, %slice3A_1788 in 0 : vector<64x81xf32>, vector<64x81xf32> -> vector<128x81xf32>
    %transpose3A_1790 = tpu.transpose %concatenate3A_1789, [1, 0] : vector<128x81xf32> -> vector<81x128xf32>
    %reduce_max3A_1791 = arith.constant dense<0xFF800000> : vector<128xf32>
    %reduce_max3A_1792 = vector.multi_reduction <maximumf>, %transpose3A_1790, %reduce_max3A_1791 [0] : vector<81x128xf32> to vector<128xf32>
    %broadcast_in_dim3A_1793 = vector.shape_cast %reduce_max3A_1792 : vector<128xf32> to vector<1x128xf32>
    %sub3A_1794 = vector.broadcast %broadcast_in_dim3A_1793 : vector<1x128xf32> to vector<81x128xf32>
    %sub3A_1795 = arith.subf %transpose3A_1790, %sub3A_1794 : vector<81x128xf32>
    %exp3A_1796 = math.exp %sub3A_1795 : vector<81x128xf32>
    %reduce_sum3A_1797 = arith.constant dense<0.000000e+00> : vector<128xf32>
    %reduce_sum3A_1798 = vector.multi_reduction <add>, %exp3A_1796, %reduce_sum3A_1797 [0] : vector<81x128xf32> to vector<128xf32>
    %broadcast_in_dim3A_1799 = vector.shape_cast %reduce_sum3A_1798 : vector<128xf32> to vector<1x128xf32>
    %slice3A_1800 = vector.extract_strided_slice %select_n3A_1575 {offsets = [4, 0], sizes = [1, 128], strides = [1, 1]} : vector<72x128xf32> to vector<1x128xf32>
    %convert_element_type3A_1801 = arith.fptosi %slice3A_1800 : vector<1x128xf32> to vector<1x128xi32>
    %eq3A_1802 = vector.broadcast %convert_element_type3A_1801 : vector<1x128xi32> to vector<81x128xi32>
    %eq3A_1803 = arith.cmpi eq, %iota3A_1661, %eq3A_1802 : vector<81x128xi32>
    %jit3A_1804 = arith.constant 0.000000e+00 : f32
    %broadcast_in_dim3A_1805 = vector.broadcast %jit3A_1804 : f32 to vector<81x128xf32>
    %select_n3A_1806 = arith.select %eq3A_1803, %transpose3A_1790, %broadcast_in_dim3A_1805 : vector<81x128xi1>, vector<81x128xf32>
    %reduce_sum3A_1807 = arith.constant dense<0.000000e+00> : vector<128xf32>
    %reduce_sum3A_1808 = vector.multi_reduction <add>, %select_n3A_1806, %reduce_sum3A_1807 [0] : vector<81x128xf32> to vector<128xf32>
    %broadcast_in_dim3A_1809 = vector.shape_cast %reduce_sum3A_1808 : vector<128xf32> to vector<1x128xf32>
    %log3A_1810 = math.log %broadcast_in_dim3A_1799 : vector<1x128xf32>
    %add3A_1811 = arith.addf %broadcast_in_dim3A_1793, %log3A_1810 : vector<1x128xf32>
    %sub3A_1812 = arith.subf %add3A_1811, %broadcast_in_dim3A_1809 : vector<1x128xf32>
    %get3A_1813 = arith.constant 0 : index
    %get3A_1814 = arith.constant 320 : index
    %get3A_1815 = arith.constant 0 : index
    %get3A_1816 = vector.load %arg5[%get3A_1813, %get3A_1814, %get3A_1815] : memref<1x4366x162xf32, #tpu.memory_space<vmem>>, vector<1x64x162xf32>
    %get3A_1817 = vector.shape_cast %get3A_1816 : vector<1x64x162xf32> to vector<64x162xf32>
    %slice3A_1818 = vector.extract_strided_slice %get3A_1817 {offsets = [0, 0], sizes = [64, 81], strides = [1, 1]} : vector<64x162xf32> to vector<64x81xf32>
    %slice3A_1819 = vector.extract_strided_slice %get3A_1817 {offsets = [0, 81], sizes = [64, 81], strides = [1, 1]} : vector<64x162xf32> to vector<64x81xf32>
    %concatenate3A_1820 = tpu.concatenate %slice3A_1818, %slice3A_1819 in 0 : vector<64x81xf32>, vector<64x81xf32> -> vector<128x81xf32>
    %transpose3A_1821 = tpu.transpose %concatenate3A_1820, [1, 0] : vector<128x81xf32> -> vector<81x128xf32>
    %reduce_max3A_1822 = arith.constant dense<0xFF800000> : vector<128xf32>
    %reduce_max3A_1823 = vector.multi_reduction <maximumf>, %transpose3A_1821, %reduce_max3A_1822 [0] : vector<81x128xf32> to vector<128xf32>
    %broadcast_in_dim3A_1824 = vector.shape_cast %reduce_max3A_1823 : vector<128xf32> to vector<1x128xf32>
    %sub3A_1825 = vector.broadcast %broadcast_in_dim3A_1824 : vector<1x128xf32> to vector<81x128xf32>
    %sub3A_1826 = arith.subf %transpose3A_1821, %sub3A_1825 : vector<81x128xf32>
    %exp3A_1827 = math.exp %sub3A_1826 : vector<81x128xf32>
    %reduce_sum3A_1828 = arith.constant dense<0.000000e+00> : vector<128xf32>
    %reduce_sum3A_1829 = vector.multi_reduction <add>, %exp3A_1827, %reduce_sum3A_1828 [0] : vector<81x128xf32> to vector<128xf32>
    %broadcast_in_dim3A_1830 = vector.shape_cast %reduce_sum3A_1829 : vector<128xf32> to vector<1x128xf32>
    %slice3A_1831 = vector.extract_strided_slice %select_n3A_1575 {offsets = [5, 0], sizes = [1, 128], strides = [1, 1]} : vector<72x128xf32> to vector<1x128xf32>
    %convert_element_type3A_1832 = arith.fptosi %slice3A_1831 : vector<1x128xf32> to vector<1x128xi32>
    %eq3A_1833 = vector.broadcast %convert_element_type3A_1832 : vector<1x128xi32> to vector<81x128xi32>
    %eq3A_1834 = arith.cmpi eq, %iota3A_1661, %eq3A_1833 : vector<81x128xi32>
    %jit3A_1835 = arith.constant 0.000000e+00 : f32
    %broadcast_in_dim3A_1836 = vector.broadcast %jit3A_1835 : f32 to vector<81x128xf32>
    %select_n3A_1837 = arith.select %eq3A_1834, %transpose3A_1821, %broadcast_in_dim3A_1836 : vector<81x128xi1>, vector<81x128xf32>
    %reduce_sum3A_1838 = arith.constant dense<0.000000e+00> : vector<128xf32>
    %reduce_sum3A_1839 = vector.multi_reduction <add>, %select_n3A_1837, %reduce_sum3A_1838 [0] : vector<81x128xf32> to vector<128xf32>
    %broadcast_in_dim3A_1840 = vector.shape_cast %reduce_sum3A_1839 : vector<128xf32> to vector<1x128xf32>
    %log3A_1841 = math.log %broadcast_in_dim3A_1830 : vector<1x128xf32>
    %add3A_1842 = arith.addf %broadcast_in_dim3A_1824, %log3A_1841 : vector<1x128xf32>
    %sub3A_1843 = arith.subf %add3A_1842, %broadcast_in_dim3A_1840 : vector<1x128xf32>
    %get3A_1844 = arith.constant 0 : index
    %get3A_1845 = arith.constant 384 : index
    %get3A_1846 = arith.constant 0 : index
    %get3A_1847 = vector.load %arg5[%get3A_1844, %get3A_1845, %get3A_1846] : memref<1x4366x162xf32, #tpu.memory_space<vmem>>, vector<1x64x162xf32>
    %get3A_1848 = vector.shape_cast %get3A_1847 : vector<1x64x162xf32> to vector<64x162xf32>
    %slice3A_1849 = vector.extract_strided_slice %get3A_1848 {offsets = [0, 0], sizes = [64, 81], strides = [1, 1]} : vector<64x162xf32> to vector<64x81xf32>
    %slice3A_1850 = vector.extract_strided_slice %get3A_1848 {offsets = [0, 81], sizes = [64, 81], strides = [1, 1]} : vector<64x162xf32> to vector<64x81xf32>
    %concatenate3A_1851 = tpu.concatenate %slice3A_1849, %slice3A_1850 in 0 : vector<64x81xf32>, vector<64x81xf32> -> vector<128x81xf32>
    %transpose3A_1852 = tpu.transpose %concatenate3A_1851, [1, 0] : vector<128x81xf32> -> vector<81x128xf32>
    %reduce_max3A_1853 = arith.constant dense<0xFF800000> : vector<128xf32>
    %reduce_max3A_1854 = vector.multi_reduction <maximumf>, %transpose3A_1852, %reduce_max3A_1853 [0] : vector<81x128xf32> to vector<128xf32>
    %broadcast_in_dim3A_1855 = vector.shape_cast %reduce_max3A_1854 : vector<128xf32> to vector<1x128xf32>
    %sub3A_1856 = vector.broadcast %broadcast_in_dim3A_1855 : vector<1x128xf32> to vector<81x128xf32>
    %sub3A_1857 = arith.subf %transpose3A_1852, %sub3A_1856 : vector<81x128xf32>
    %exp3A_1858 = math.exp %sub3A_1857 : vector<81x128xf32>
    %reduce_sum3A_1859 = arith.constant dense<0.000000e+00> : vector<128xf32>
    %reduce_sum3A_1860 = vector.multi_reduction <add>, %exp3A_1858, %reduce_sum3A_1859 [0] : vector<81x128xf32> to vector<128xf32>
    %broadcast_in_dim3A_1861 = vector.shape_cast %reduce_sum3A_1860 : vector<128xf32> to vector<1x128xf32>
    %slice3A_1862 = vector.extract_strided_slice %select_n3A_1575 {offsets = [6, 0], sizes = [1, 128], strides = [1, 1]} : vector<72x128xf32> to vector<1x128xf32>
    %convert_element_type3A_1863 = arith.fptosi %slice3A_1862 : vector<1x128xf32> to vector<1x128xi32>
    %eq3A_1864 = vector.broadcast %convert_element_type3A_1863 : vector<1x128xi32> to vector<81x128xi32>
    %eq3A_1865 = arith.cmpi eq, %iota3A_1661, %eq3A_1864 : vector<81x128xi32>
    %jit3A_1866 = arith.constant 0.000000e+00 : f32
    %broadcast_in_dim3A_1867 = vector.broadcast %jit3A_1866 : f32 to vector<81x128xf32>
    %select_n3A_1868 = arith.select %eq3A_1865, %transpose3A_1852, %broadcast_in_dim3A_1867 : vector<81x128xi1>, vector<81x128xf32>
    %reduce_sum3A_1869 = arith.constant dense<0.000000e+00> : vector<128xf32>
    %reduce_sum3A_1870 = vector.multi_reduction <add>, %select_n3A_1868, %reduce_sum3A_1869 [0] : vector<81x128xf32> to vector<128xf32>
    %broadcast_in_dim3A_1871 = vector.shape_cast %reduce_sum3A_1870 : vector<128xf32> to vector<1x128xf32>
    %log3A_1872 = math.log %broadcast_in_dim3A_1861 : vector<1x128xf32>
    %add3A_1873 = arith.addf %broadcast_in_dim3A_1855, %log3A_1872 : vector<1x128xf32>
    %sub3A_1874 = arith.subf %add3A_1873, %broadcast_in_dim3A_1871 : vector<1x128xf32>
    %get3A_1875 = arith.constant 0 : index
    %get3A_1876 = arith.constant 448 : index
    %get3A_1877 = arith.constant 0 : index
    %get3A_1878 = vector.load %arg5[%get3A_1875, %get3A_1876, %get3A_1877] : memref<1x4366x162xf32, #tpu.memory_space<vmem>>, vector<1x64x162xf32>
    %get3A_1879 = vector.shape_cast %get3A_1878 : vector<1x64x162xf32> to vector<64x162xf32>
    %slice3A_1880 = vector.extract_strided_slice %get3A_1879 {offsets = [0, 0], sizes = [64, 81], strides = [1, 1]} : vector<64x162xf32> to vector<64x81xf32>
    %slice3A_1881 = vector.extract_strided_slice %get3A_1879 {offsets = [0, 81], sizes = [64, 81], strides = [1, 1]} : vector<64x162xf32> to vector<64x81xf32>
    %concatenate3A_1882 = tpu.concatenate %slice3A_1880, %slice3A_1881 in 0 : vector<64x81xf32>, vector<64x81xf32> -> vector<128x81xf32>
    %transpose3A_1883 = tpu.transpose %concatenate3A_1882, [1, 0] : vector<128x81xf32> -> vector<81x128xf32>
    %reduce_max3A_1884 = arith.constant dense<0xFF800000> : vector<128xf32>
    %reduce_max3A_1885 = vector.multi_reduction <maximumf>, %transpose3A_1883, %reduce_max3A_1884 [0] : vector<81x128xf32> to vector<128xf32>
    %broadcast_in_dim3A_1886 = vector.shape_cast %reduce_max3A_1885 : vector<128xf32> to vector<1x128xf32>
    %sub3A_1887 = vector.broadcast %broadcast_in_dim3A_1886 : vector<1x128xf32> to vector<81x128xf32>
    %sub3A_1888 = arith.subf %transpose3A_1883, %sub3A_1887 : vector<81x128xf32>
    %exp3A_1889 = math.exp %sub3A_1888 : vector<81x128xf32>
    %reduce_sum3A_1890 = arith.constant dense<0.000000e+00> : vector<128xf32>
    %reduce_sum3A_1891 = vector.multi_reduction <add>, %exp3A_1889, %reduce_sum3A_1890 [0] : vector<81x128xf32> to vector<128xf32>
    %broadcast_in_dim3A_1892 = vector.shape_cast %reduce_sum3A_1891 : vector<128xf32> to vector<1x128xf32>
    %slice3A_1893 = vector.extract_strided_slice %select_n3A_1575 {offsets = [7, 0], sizes = [1, 128], strides = [1, 1]} : vector<72x128xf32> to vector<1x128xf32>
    %convert_element_type3A_1894 = arith.fptosi %slice3A_1893 : vector<1x128xf32> to vector<1x128xi32>
    %eq3A_1895 = vector.broadcast %convert_element_type3A_1894 : vector<1x128xi32> to vector<81x128xi32>
    %eq3A_1896 = arith.cmpi eq, %iota3A_1661, %eq3A_1895 : vector<81x128xi32>
    %jit3A_1897 = arith.constant 0.000000e+00 : f32
    %broadcast_in_dim3A_1898 = vector.broadcast %jit3A_1897 : f32 to vector<81x128xf32>
    %select_n3A_1899 = arith.select %eq3A_1896, %transpose3A_1883, %broadcast_in_dim3A_1898 : vector<81x128xi1>, vector<81x128xf32>
    %reduce_sum3A_1900 = arith.constant dense<0.000000e+00> : vector<128xf32>
    %reduce_sum3A_1901 = vector.multi_reduction <add>, %select_n3A_1899, %reduce_sum3A_1900 [0] : vector<81x128xf32> to vector<128xf32>
    %broadcast_in_dim3A_1902 = vector.shape_cast %reduce_sum3A_1901 : vector<128xf32> to vector<1x128xf32>
    %log3A_1903 = math.log %broadcast_in_dim3A_1892 : vector<1x128xf32>
    %add3A_1904 = arith.addf %broadcast_in_dim3A_1886, %log3A_1903 : vector<1x128xf32>
    %sub3A_1905 = arith.subf %add3A_1904, %broadcast_in_dim3A_1902 : vector<1x128xf32>
    %get3A_1906 = arith.constant 0 : index
    %get3A_1907 = arith.constant 512 : index
    %get3A_1908 = arith.constant 0 : index
    %get3A_1909 = vector.load %arg5[%get3A_1906, %get3A_1907, %get3A_1908] : memref<1x4366x162xf32, #tpu.memory_space<vmem>>, vector<1x64x162xf32>
    %get3A_1910 = vector.shape_cast %get3A_1909 : vector<1x64x162xf32> to vector<64x162xf32>
    %slice3A_1911 = vector.extract_strided_slice %get3A_1910 {offsets = [0, 0], sizes = [64, 81], strides = [1, 1]} : vector<64x162xf32> to vector<64x81xf32>
    %slice3A_1912 = vector.extract_strided_slice %get3A_1910 {offsets = [0, 81], sizes = [64, 81], strides = [1, 1]} : vector<64x162xf32> to vector<64x81xf32>
    %concatenate3A_1913 = tpu.concatenate %slice3A_1911, %slice3A_1912 in 0 : vector<64x81xf32>, vector<64x81xf32> -> vector<128x81xf32>
    %transpose3A_1914 = tpu.transpose %concatenate3A_1913, [1, 0] : vector<128x81xf32> -> vector<81x128xf32>
    %reduce_max3A_1915 = arith.constant dense<0xFF800000> : vector<128xf32>
    %reduce_max3A_1916 = vector.multi_reduction <maximumf>, %transpose3A_1914, %reduce_max3A_1915 [0] : vector<81x128xf32> to vector<128xf32>
    %broadcast_in_dim3A_1917 = vector.shape_cast %reduce_max3A_1916 : vector<128xf32> to vector<1x128xf32>
    %sub3A_1918 = vector.broadcast %broadcast_in_dim3A_1917 : vector<1x128xf32> to vector<81x128xf32>
    %sub3A_1919 = arith.subf %transpose3A_1914, %sub3A_1918 : vector<81x128xf32>
    %exp3A_1920 = math.exp %sub3A_1919 : vector<81x128xf32>
    %reduce_sum3A_1921 = arith.constant dense<0.000000e+00> : vector<128xf32>
    %reduce_sum3A_1922 = vector.multi_reduction <add>, %exp3A_1920, %reduce_sum3A_1921 [0] : vector<81x128xf32> to vector<128xf32>
    %broadcast_in_dim3A_1923 = vector.shape_cast %reduce_sum3A_1922 : vector<128xf32> to vector<1x128xf32>
    %slice3A_1924 = vector.extract_strided_slice %select_n3A_1575 {offsets = [8, 0], sizes = [1, 128], strides = [1, 1]} : vector<72x128xf32> to vector<1x128xf32>
    %convert_element_type3A_1925 = arith.fptosi %slice3A_1924 : vector<1x128xf32> to vector<1x128xi32>
    %eq3A_1926 = vector.broadcast %convert_element_type3A_1925 : vector<1x128xi32> to vector<81x128xi32>
    %eq3A_1927 = arith.cmpi eq, %iota3A_1661, %eq3A_1926 : vector<81x128xi32>
    %jit3A_1928 = arith.constant 0.000000e+00 : f32
    %broadcast_in_dim3A_1929 = vector.broadcast %jit3A_1928 : f32 to vector<81x128xf32>
    %select_n3A_1930 = arith.select %eq3A_1927, %transpose3A_1914, %broadcast_in_dim3A_1929 : vector<81x128xi1>, vector<81x128xf32>
    %reduce_sum3A_1931 = arith.constant dense<0.000000e+00> : vector<128xf32>
    %reduce_sum3A_1932 = vector.multi_reduction <add>, %select_n3A_1930, %reduce_sum3A_1931 [0] : vector<81x128xf32> to vector<128xf32>
    %broadcast_in_dim3A_1933 = vector.shape_cast %reduce_sum3A_1932 : vector<128xf32> to vector<1x128xf32>
    %log3A_1934 = math.log %broadcast_in_dim3A_1923 : vector<1x128xf32>
    %add3A_1935 = arith.addf %broadcast_in_dim3A_1917, %log3A_1934 : vector<1x128xf32>
    %sub3A_1936 = arith.subf %add3A_1935, %broadcast_in_dim3A_1933 : vector<1x128xf32>
    %get3A_1937 = arith.constant 0 : index
    %get3A_1938 = arith.constant 576 : index
    %get3A_1939 = arith.constant 0 : index
    %get3A_1940 = vector.load %arg5[%get3A_1937, %get3A_1938, %get3A_1939] : memref<1x4366x162xf32, #tpu.memory_space<vmem>>, vector<1x64x162xf32>
    %get3A_1941 = vector.shape_cast %get3A_1940 : vector<1x64x162xf32> to vector<64x162xf32>
    %slice3A_1942 = vector.extract_strided_slice %get3A_1941 {offsets = [0, 0], sizes = [64, 81], strides = [1, 1]} : vector<64x162xf32> to vector<64x81xf32>
    %slice3A_1943 = vector.extract_strided_slice %get3A_1941 {offsets = [0, 81], sizes = [64, 81], strides = [1, 1]} : vector<64x162xf32> to vector<64x81xf32>
    %concatenate3A_1944 = tpu.concatenate %slice3A_1942, %slice3A_1943 in 0 : vector<64x81xf32>, vector<64x81xf32> -> vector<128x81xf32>
    %transpose3A_1945 = tpu.transpose %concatenate3A_1944, [1, 0] : vector<128x81xf32> -> vector<81x128xf32>
    %reduce_max3A_1946 = arith.constant dense<0xFF800000> : vector<128xf32>
    %reduce_max3A_1947 = vector.multi_reduction <maximumf>, %transpose3A_1945, %reduce_max3A_1946 [0] : vector<81x128xf32> to vector<128xf32>
    %broadcast_in_dim3A_1948 = vector.shape_cast %reduce_max3A_1947 : vector<128xf32> to vector<1x128xf32>
    %sub3A_1949 = vector.broadcast %broadcast_in_dim3A_1948 : vector<1x128xf32> to vector<81x128xf32>
    %sub3A_1950 = arith.subf %transpose3A_1945, %sub3A_1949 : vector<81x128xf32>
    %exp3A_1951 = math.exp %sub3A_1950 : vector<81x128xf32>
    %reduce_sum3A_1952 = arith.constant dense<0.000000e+00> : vector<128xf32>
    %reduce_sum3A_1953 = vector.multi_reduction <add>, %exp3A_1951, %reduce_sum3A_1952 [0] : vector<81x128xf32> to vector<128xf32>
    %broadcast_in_dim3A_1954 = vector.shape_cast %reduce_sum3A_1953 : vector<128xf32> to vector<1x128xf32>
    %slice3A_1955 = vector.extract_strided_slice %select_n3A_1575 {offsets = [9, 0], sizes = [1, 128], strides = [1, 1]} : vector<72x128xf32> to vector<1x128xf32>
    %convert_element_type3A_1956 = arith.fptosi %slice3A_1955 : vector<1x128xf32> to vector<1x128xi32>
    %eq3A_1957 = vector.broadcast %convert_element_type3A_1956 : vector<1x128xi32> to vector<81x128xi32>
    %eq3A_1958 = arith.cmpi eq, %iota3A_1661, %eq3A_1957 : vector<81x128xi32>
    %jit3A_1959 = arith.constant 0.000000e+00 : f32
    %broadcast_in_dim3A_1960 = vector.broadcast %jit3A_1959 : f32 to vector<81x128xf32>
    %select_n3A_1961 = arith.select %eq3A_1958, %transpose3A_1945, %broadcast_in_dim3A_1960 : vector<81x128xi1>, vector<81x128xf32>
    %reduce_sum3A_1962 = arith.constant dense<0.000000e+00> : vector<128xf32>
    %reduce_sum3A_1963 = vector.multi_reduction <add>, %select_n3A_1961, %reduce_sum3A_1962 [0] : vector<81x128xf32> to vector<128xf32>
    %broadcast_in_dim3A_1964 = vector.shape_cast %reduce_sum3A_1963 : vector<128xf32> to vector<1x128xf32>
    %log3A_1965 = math.log %broadcast_in_dim3A_1954 : vector<1x128xf32>
    %add3A_1966 = arith.addf %broadcast_in_dim3A_1948, %log3A_1965 : vector<1x128xf32>
    %sub3A_1967 = arith.subf %add3A_1966, %broadcast_in_dim3A_1964 : vector<1x128xf32>
    %get3A_1968 = arith.constant 0 : index
    %get3A_1969 = arith.constant 640 : index
    %get3A_1970 = arith.constant 0 : index
    %get3A_1971 = vector.load %arg5[%get3A_1968, %get3A_1969, %get3A_1970] : memref<1x4366x162xf32, #tpu.memory_space<vmem>>, vector<1x64x162xf32>
    %get3A_1972 = vector.shape_cast %get3A_1971 : vector<1x64x162xf32> to vector<64x162xf32>
    %slice3A_1973 = vector.extract_strided_slice %get3A_1972 {offsets = [0, 0], sizes = [64, 81], strides = [1, 1]} : vector<64x162xf32> to vector<64x81xf32>
    %slice3A_1974 = vector.extract_strided_slice %get3A_1972 {offsets = [0, 81], sizes = [64, 81], strides = [1, 1]} : vector<64x162xf32> to vector<64x81xf32>
    %concatenate3A_1975 = tpu.concatenate %slice3A_1973, %slice3A_1974 in 0 : vector<64x81xf32>, vector<64x81xf32> -> vector<128x81xf32>
    %transpose3A_1976 = tpu.transpose %concatenate3A_1975, [1, 0] : vector<128x81xf32> -> vector<81x128xf32>
    %reduce_max3A_1977 = arith.constant dense<0xFF800000> : vector<128xf32>
    %reduce_max3A_1978 = vector.multi_reduction <maximumf>, %transpose3A_1976, %reduce_max3A_1977 [0] : vector<81x128xf32> to vector<128xf32>
    %broadcast_in_dim3A_1979 = vector.shape_cast %reduce_max3A_1978 : vector<128xf32> to vector<1x128xf32>
    %sub3A_1980 = vector.broadcast %broadcast_in_dim3A_1979 : vector<1x128xf32> to vector<81x128xf32>
    %sub3A_1981 = arith.subf %transpose3A_1976, %sub3A_1980 : vector<81x128xf32>
    %exp3A_1982 = math.exp %sub3A_1981 : vector<81x128xf32>
    %reduce_sum3A_1983 = arith.constant dense<0.000000e+00> : vector<128xf32>
    %reduce_sum3A_1984 = vector.multi_reduction <add>, %exp3A_1982, %reduce_sum3A_1983 [0] : vector<81x128xf32> to vector<128xf32>
    %broadcast_in_dim3A_1985 = vector.shape_cast %reduce_sum3A_1984 : vector<128xf32> to vector<1x128xf32>
    %slice3A_1986 = vector.extract_strided_slice %select_n3A_1575 {offsets = [10, 0], sizes = [1, 128], strides = [1, 1]} : vector<72x128xf32> to vector<1x128xf32>
    %convert_element_type3A_1987 = arith.fptosi %slice3A_1986 : vector<1x128xf32> to vector<1x128xi32>
    %eq3A_1988 = vector.broadcast %convert_element_type3A_1987 : vector<1x128xi32> to vector<81x128xi32>
    %eq3A_1989 = arith.cmpi eq, %iota3A_1661, %eq3A_1988 : vector<81x128xi32>
    %jit3A_1990 = arith.constant 0.000000e+00 : f32
    %broadcast_in_dim3A_1991 = vector.broadcast %jit3A_1990 : f32 to vector<81x128xf32>
    %select_n3A_1992 = arith.select %eq3A_1989, %transpose3A_1976, %broadcast_in_dim3A_1991 : vector<81x128xi1>, vector<81x128xf32>
    %reduce_sum3A_1993 = arith.constant dense<0.000000e+00> : vector<128xf32>
    %reduce_sum3A_1994 = vector.multi_reduction <add>, %select_n3A_1992, %reduce_sum3A_1993 [0] : vector<81x128xf32> to vector<128xf32>
    %broadcast_in_dim3A_1995 = vector.shape_cast %reduce_sum3A_1994 : vector<128xf32> to vector<1x128xf32>
    %log3A_1996 = math.log %broadcast_in_dim3A_1985 : vector<1x128xf32>
    %add3A_1997 = arith.addf %broadcast_in_dim3A_1979, %log3A_1996 : vector<1x128xf32>
    %sub3A_1998 = arith.subf %add3A_1997, %broadcast_in_dim3A_1995 : vector<1x128xf32>
    %get3A_1999 = arith.constant 0 : index
    %get3A_2000 = arith.constant 704 : index
    %get3A_2001 = arith.constant 0 : index
    %get3A_2002 = vector.load %arg5[%get3A_1999, %get3A_2000, %get3A_2001] : memref<1x4366x162xf32, #tpu.memory_space<vmem>>, vector<1x64x162xf32>
    %get3A_2003 = vector.shape_cast %get3A_2002 : vector<1x64x162xf32> to vector<64x162xf32>
    %slice3A_2004 = vector.extract_strided_slice %get3A_2003 {offsets = [0, 0], sizes = [64, 81], strides = [1, 1]} : vector<64x162xf32> to vector<64x81xf32>
    %slice3A_2005 = vector.extract_strided_slice %get3A_2003 {offsets = [0, 81], sizes = [64, 81], strides = [1, 1]} : vector<64x162xf32> to vector<64x81xf32>
    %concatenate3A_2006 = tpu.concatenate %slice3A_2004, %slice3A_2005 in 0 : vector<64x81xf32>, vector<64x81xf32> -> vector<128x81xf32>
    %transpose3A_2007 = tpu.transpose %concatenate3A_2006, [1, 0] : vector<128x81xf32> -> vector<81x128xf32>
    %reduce_max3A_2008 = arith.constant dense<0xFF800000> : vector<128xf32>
    %reduce_max3A_2009 = vector.multi_reduction <maximumf>, %transpose3A_2007, %reduce_max3A_2008 [0] : vector<81x128xf32> to vector<128xf32>
    %broadcast_in_dim3A_2010 = vector.shape_cast %reduce_max3A_2009 : vector<128xf32> to vector<1x128xf32>
    %sub3A_2011 = vector.broadcast %broadcast_in_dim3A_2010 : vector<1x128xf32> to vector<81x128xf32>
    %sub3A_2012 = arith.subf %transpose3A_2007, %sub3A_2011 : vector<81x128xf32>
    %exp3A_2013 = math.exp %sub3A_2012 : vector<81x128xf32>
    %reduce_sum3A_2014 = arith.constant dense<0.000000e+00> : vector<128xf32>
    %reduce_sum3A_2015 = vector.multi_reduction <add>, %exp3A_2013, %reduce_sum3A_2014 [0] : vector<81x128xf32> to vector<128xf32>
    %broadcast_in_dim3A_2016 = vector.shape_cast %reduce_sum3A_2015 : vector<128xf32> to vector<1x128xf32>
    %slice3A_2017 = vector.extract_strided_slice %select_n3A_1575 {offsets = [11, 0], sizes = [1, 128], strides = [1, 1]} : vector<72x128xf32> to vector<1x128xf32>
    %convert_element_type3A_2018 = arith.fptosi %slice3A_2017 : vector<1x128xf32> to vector<1x128xi32>
    %eq3A_2019 = vector.broadcast %convert_element_type3A_2018 : vector<1x128xi32> to vector<81x128xi32>
    %eq3A_2020 = arith.cmpi eq, %iota3A_1661, %eq3A_2019 : vector<81x128xi32>
    %jit3A_2021 = arith.constant 0.000000e+00 : f32
    %broadcast_in_dim3A_2022 = vector.broadcast %jit3A_2021 : f32 to vector<81x128xf32>
    %select_n3A_2023 = arith.select %eq3A_2020, %transpose3A_2007, %broadcast_in_dim3A_2022 : vector<81x128xi1>, vector<81x128xf32>
    %reduce_sum3A_2024 = arith.constant dense<0.000000e+00> : vector<128xf32>
    %reduce_sum3A_2025 = vector.multi_reduction <add>, %select_n3A_2023, %reduce_sum3A_2024 [0] : vector<81x128xf32> to vector<128xf32>
    %broadcast_in_dim3A_2026 = vector.shape_cast %reduce_sum3A_2025 : vector<128xf32> to vector<1x128xf32>
    %log3A_2027 = math.log %broadcast_in_dim3A_2016 : vector<1x128xf32>
    %add3A_2028 = arith.addf %broadcast_in_dim3A_2010, %log3A_2027 : vector<1x128xf32>
    %sub3A_2029 = arith.subf %add3A_2028, %broadcast_in_dim3A_2026 : vector<1x128xf32>
    %get3A_2030 = arith.constant 0 : index
    %get3A_2031 = arith.constant 768 : index
    %get3A_2032 = arith.constant 0 : index
    %get3A_2033 = vector.load %arg5[%get3A_2030, %get3A_2031, %get3A_2032] : memref<1x4366x162xf32, #tpu.memory_space<vmem>>, vector<1x64x162xf32>
    %get3A_2034 = vector.shape_cast %get3A_2033 : vector<1x64x162xf32> to vector<64x162xf32>
    %slice3A_2035 = vector.extract_strided_slice %get3A_2034 {offsets = [0, 0], sizes = [64, 81], strides = [1, 1]} : vector<64x162xf32> to vector<64x81xf32>
    %slice3A_2036 = vector.extract_strided_slice %get3A_2034 {offsets = [0, 81], sizes = [64, 81], strides = [1, 1]} : vector<64x162xf32> to vector<64x81xf32>
    %concatenate3A_2037 = tpu.concatenate %slice3A_2035, %slice3A_2036 in 0 : vector<64x81xf32>, vector<64x81xf32> -> vector<128x81xf32>
    %transpose3A_2038 = tpu.transpose %concatenate3A_2037, [1, 0] : vector<128x81xf32> -> vector<81x128xf32>
    %reduce_max3A_2039 = arith.constant dense<0xFF800000> : vector<128xf32>
    %reduce_max3A_2040 = vector.multi_reduction <maximumf>, %transpose3A_2038, %reduce_max3A_2039 [0] : vector<81x128xf32> to vector<128xf32>
    %broadcast_in_dim3A_2041 = vector.shape_cast %reduce_max3A_2040 : vector<128xf32> to vector<1x128xf32>
    %sub3A_2042 = vector.broadcast %broadcast_in_dim3A_2041 : vector<1x128xf32> to vector<81x128xf32>
    %sub3A_2043 = arith.subf %transpose3A_2038, %sub3A_2042 : vector<81x128xf32>
    %exp3A_2044 = math.exp %sub3A_2043 : vector<81x128xf32>
    %reduce_sum3A_2045 = arith.constant dense<0.000000e+00> : vector<128xf32>
    %reduce_sum3A_2046 = vector.multi_reduction <add>, %exp3A_2044, %reduce_sum3A_2045 [0] : vector<81x128xf32> to vector<128xf32>
    %broadcast_in_dim3A_2047 = vector.shape_cast %reduce_sum3A_2046 : vector<128xf32> to vector<1x128xf32>
    %slice3A_2048 = vector.extract_strided_slice %select_n3A_1575 {offsets = [12, 0], sizes = [1, 128], strides = [1, 1]} : vector<72x128xf32> to vector<1x128xf32>
    %convert_element_type3A_2049 = arith.fptosi %slice3A_2048 : vector<1x128xf32> to vector<1x128xi32>
    %eq3A_2050 = vector.broadcast %convert_element_type3A_2049 : vector<1x128xi32> to vector<81x128xi32>
    %eq3A_2051 = arith.cmpi eq, %iota3A_1661, %eq3A_2050 : vector<81x128xi32>
    %jit3A_2052 = arith.constant 0.000000e+00 : f32
    %broadcast_in_dim3A_2053 = vector.broadcast %jit3A_2052 : f32 to vector<81x128xf32>
    %select_n3A_2054 = arith.select %eq3A_2051, %transpose3A_2038, %broadcast_in_dim3A_2053 : vector<81x128xi1>, vector<81x128xf32>
    %reduce_sum3A_2055 = arith.constant dense<0.000000e+00> : vector<128xf32>
    %reduce_sum3A_2056 = vector.multi_reduction <add>, %select_n3A_2054, %reduce_sum3A_2055 [0] : vector<81x128xf32> to vector<128xf32>
    %broadcast_in_dim3A_2057 = vector.shape_cast %reduce_sum3A_2056 : vector<128xf32> to vector<1x128xf32>
    %log3A_2058 = math.log %broadcast_in_dim3A_2047 : vector<1x128xf32>
    %add3A_2059 = arith.addf %broadcast_in_dim3A_2041, %log3A_2058 : vector<1x128xf32>
    %sub3A_2060 = arith.subf %add3A_2059, %broadcast_in_dim3A_2057 : vector<1x128xf32>
    %get3A_2061 = arith.constant 0 : index
    %get3A_2062 = arith.constant 832 : index
    %get3A_2063 = arith.constant 0 : index
    %get3A_2064 = vector.load %arg5[%get3A_2061, %get3A_2062, %get3A_2063] : memref<1x4366x162xf32, #tpu.memory_space<vmem>>, vector<1x64x162xf32>
    %get3A_2065 = vector.shape_cast %get3A_2064 : vector<1x64x162xf32> to vector<64x162xf32>
    %slice3A_2066 = vector.extract_strided_slice %get3A_2065 {offsets = [0, 0], sizes = [64, 81], strides = [1, 1]} : vector<64x162xf32> to vector<64x81xf32>
    %slice3A_2067 = vector.extract_strided_slice %get3A_2065 {offsets = [0, 81], sizes = [64, 81], strides = [1, 1]} : vector<64x162xf32> to vector<64x81xf32>
    %concatenate3A_2068 = tpu.concatenate %slice3A_2066, %slice3A_2067 in 0 : vector<64x81xf32>, vector<64x81xf32> -> vector<128x81xf32>
    %transpose3A_2069 = tpu.transpose %concatenate3A_2068, [1, 0] : vector<128x81xf32> -> vector<81x128xf32>
    %reduce_max3A_2070 = arith.constant dense<0xFF800000> : vector<128xf32>
    %reduce_max3A_2071 = vector.multi_reduction <maximumf>, %transpose3A_2069, %reduce_max3A_2070 [0] : vector<81x128xf32> to vector<128xf32>
    %broadcast_in_dim3A_2072 = vector.shape_cast %reduce_max3A_2071 : vector<128xf32> to vector<1x128xf32>
    %sub3A_2073 = vector.broadcast %broadcast_in_dim3A_2072 : vector<1x128xf32> to vector<81x128xf32>
    %sub3A_2074 = arith.subf %transpose3A_2069, %sub3A_2073 : vector<81x128xf32>
    %exp3A_2075 = math.exp %sub3A_2074 : vector<81x128xf32>
    %reduce_sum3A_2076 = arith.constant dense<0.000000e+00> : vector<128xf32>
    %reduce_sum3A_2077 = vector.multi_reduction <add>, %exp3A_2075, %reduce_sum3A_2076 [0] : vector<81x128xf32> to vector<128xf32>
    %broadcast_in_dim3A_2078 = vector.shape_cast %reduce_sum3A_2077 : vector<128xf32> to vector<1x128xf32>
    %slice3A_2079 = vector.extract_strided_slice %select_n3A_1575 {offsets = [13, 0], sizes = [1, 128], strides = [1, 1]} : vector<72x128xf32> to vector<1x128xf32>
    %convert_element_type3A_2080 = arith.fptosi %slice3A_2079 : vector<1x128xf32> to vector<1x128xi32>
    %eq3A_2081 = vector.broadcast %convert_element_type3A_2080 : vector<1x128xi32> to vector<81x128xi32>
    %eq3A_2082 = arith.cmpi eq, %iota3A_1661, %eq3A_2081 : vector<81x128xi32>
    %jit3A_2083 = arith.constant 0.000000e+00 : f32
    %broadcast_in_dim3A_2084 = vector.broadcast %jit3A_2083 : f32 to vector<81x128xf32>
    %select_n3A_2085 = arith.select %eq3A_2082, %transpose3A_2069, %broadcast_in_dim3A_2084 : vector<81x128xi1>, vector<81x128xf32>
    %reduce_sum3A_2086 = arith.constant dense<0.000000e+00> : vector<128xf32>
    %reduce_sum3A_2087 = vector.multi_reduction <add>, %select_n3A_2085, %reduce_sum3A_2086 [0] : vector<81x128xf32> to vector<128xf32>
    %broadcast_in_dim3A_2088 = vector.shape_cast %reduce_sum3A_2087 : vector<128xf32> to vector<1x128xf32>
    %log3A_2089 = math.log %broadcast_in_dim3A_2078 : vector<1x128xf32>
    %add3A_2090 = arith.addf %broadcast_in_dim3A_2072, %log3A_2089 : vector<1x128xf32>
    %sub3A_2091 = arith.subf %add3A_2090, %broadcast_in_dim3A_2088 : vector<1x128xf32>
    %get3A_2092 = arith.constant 0 : index
    %get3A_2093 = arith.constant 896 : index
    %get3A_2094 = arith.constant 0 : index
    %get3A_2095 = vector.load %arg5[%get3A_2092, %get3A_2093, %get3A_2094] : memref<1x4366x162xf32, #tpu.memory_space<vmem>>, vector<1x64x162xf32>
    %get3A_2096 = vector.shape_cast %get3A_2095 : vector<1x64x162xf32> to vector<64x162xf32>
    %slice3A_2097 = vector.extract_strided_slice %get3A_2096 {offsets = [0, 0], sizes = [64, 81], strides = [1, 1]} : vector<64x162xf32> to vector<64x81xf32>
    %slice3A_2098 = vector.extract_strided_slice %get3A_2096 {offsets = [0, 81], sizes = [64, 81], strides = [1, 1]} : vector<64x162xf32> to vector<64x81xf32>
    %concatenate3A_2099 = tpu.concatenate %slice3A_2097, %slice3A_2098 in 0 : vector<64x81xf32>, vector<64x81xf32> -> vector<128x81xf32>
    %transpose3A_2100 = tpu.transpose %concatenate3A_2099, [1, 0] : vector<128x81xf32> -> vector<81x128xf32>
    %reduce_max3A_2101 = arith.constant dense<0xFF800000> : vector<128xf32>
    %reduce_max3A_2102 = vector.multi_reduction <maximumf>, %transpose3A_2100, %reduce_max3A_2101 [0] : vector<81x128xf32> to vector<128xf32>
    %broadcast_in_dim3A_2103 = vector.shape_cast %reduce_max3A_2102 : vector<128xf32> to vector<1x128xf32>
    %sub3A_2104 = vector.broadcast %broadcast_in_dim3A_2103 : vector<1x128xf32> to vector<81x128xf32>
    %sub3A_2105 = arith.subf %transpose3A_2100, %sub3A_2104 : vector<81x128xf32>
    %exp3A_2106 = math.exp %sub3A_2105 : vector<81x128xf32>
    %reduce_sum3A_2107 = arith.constant dense<0.000000e+00> : vector<128xf32>
    %reduce_sum3A_2108 = vector.multi_reduction <add>, %exp3A_2106, %reduce_sum3A_2107 [0] : vector<81x128xf32> to vector<128xf32>
    %broadcast_in_dim3A_2109 = vector.shape_cast %reduce_sum3A_2108 : vector<128xf32> to vector<1x128xf32>
    %slice3A_2110 = vector.extract_strided_slice %select_n3A_1575 {offsets = [14, 0], sizes = [1, 128], strides = [1, 1]} : vector<72x128xf32> to vector<1x128xf32>
    %convert_element_type3A_2111 = arith.fptosi %slice3A_2110 : vector<1x128xf32> to vector<1x128xi32>
    %eq3A_2112 = vector.broadcast %convert_element_type3A_2111 : vector<1x128xi32> to vector<81x128xi32>
    %eq3A_2113 = arith.cmpi eq, %iota3A_1661, %eq3A_2112 : vector<81x128xi32>
    %jit3A_2114 = arith.constant 0.000000e+00 : f32
    %broadcast_in_dim3A_2115 = vector.broadcast %jit3A_2114 : f32 to vector<81x128xf32>
    %select_n3A_2116 = arith.select %eq3A_2113, %transpose3A_2100, %broadcast_in_dim3A_2115 : vector<81x128xi1>, vector<81x128xf32>
    %reduce_sum3A_2117 = arith.constant dense<0.000000e+00> : vector<128xf32>
    %reduce_sum3A_2118 = vector.multi_reduction <add>, %select_n3A_2116, %reduce_sum3A_2117 [0] : vector<81x128xf32> to vector<128xf32>
    %broadcast_in_dim3A_2119 = vector.shape_cast %reduce_sum3A_2118 : vector<128xf32> to vector<1x128xf32>
    %log3A_2120 = math.log %broadcast_in_dim3A_2109 : vector<1x128xf32>
    %add3A_2121 = arith.addf %broadcast_in_dim3A_2103, %log3A_2120 : vector<1x128xf32>
    %sub3A_2122 = arith.subf %add3A_2121, %broadcast_in_dim3A_2119 : vector<1x128xf32>
    %get3A_2123 = arith.constant 0 : index
    %get3A_2124 = arith.constant 960 : index
    %get3A_2125 = arith.constant 0 : index
    %get3A_2126 = vector.load %arg5[%get3A_2123, %get3A_2124, %get3A_2125] : memref<1x4366x162xf32, #tpu.memory_space<vmem>>, vector<1x64x162xf32>
    %get3A_2127 = vector.shape_cast %get3A_2126 : vector<1x64x162xf32> to vector<64x162xf32>
    %slice3A_2128 = vector.extract_strided_slice %get3A_2127 {offsets = [0, 0], sizes = [64, 81], strides = [1, 1]} : vector<64x162xf32> to vector<64x81xf32>
    %slice3A_2129 = vector.extract_strided_slice %get3A_2127 {offsets = [0, 81], sizes = [64, 81], strides = [1, 1]} : vector<64x162xf32> to vector<64x81xf32>
    %concatenate3A_2130 = tpu.concatenate %slice3A_2128, %slice3A_2129 in 0 : vector<64x81xf32>, vector<64x81xf32> -> vector<128x81xf32>
    %transpose3A_2131 = tpu.transpose %concatenate3A_2130, [1, 0] : vector<128x81xf32> -> vector<81x128xf32>
    %reduce_max3A_2132 = arith.constant dense<0xFF800000> : vector<128xf32>
    %reduce_max3A_2133 = vector.multi_reduction <maximumf>, %transpose3A_2131, %reduce_max3A_2132 [0] : vector<81x128xf32> to vector<128xf32>
    %broadcast_in_dim3A_2134 = vector.shape_cast %reduce_max3A_2133 : vector<128xf32> to vector<1x128xf32>
    %sub3A_2135 = vector.broadcast %broadcast_in_dim3A_2134 : vector<1x128xf32> to vector<81x128xf32>
    %sub3A_2136 = arith.subf %transpose3A_2131, %sub3A_2135 : vector<81x128xf32>
    %exp3A_2137 = math.exp %sub3A_2136 : vector<81x128xf32>
    %reduce_sum3A_2138 = arith.constant dense<0.000000e+00> : vector<128xf32>
    %reduce_sum3A_2139 = vector.multi_reduction <add>, %exp3A_2137, %reduce_sum3A_2138 [0] : vector<81x128xf32> to vector<128xf32>
    %broadcast_in_dim3A_2140 = vector.shape_cast %reduce_sum3A_2139 : vector<128xf32> to vector<1x128xf32>
    %slice3A_2141 = vector.extract_strided_slice %select_n3A_1575 {offsets = [15, 0], sizes = [1, 128], strides = [1, 1]} : vector<72x128xf32> to vector<1x128xf32>
    %convert_element_type3A_2142 = arith.fptosi %slice3A_2141 : vector<1x128xf32> to vector<1x128xi32>
    %eq3A_2143 = vector.broadcast %convert_element_type3A_2142 : vector<1x128xi32> to vector<81x128xi32>
    %eq3A_2144 = arith.cmpi eq, %iota3A_1661, %eq3A_2143 : vector<81x128xi32>
    %jit3A_2145 = arith.constant 0.000000e+00 : f32
    %broadcast_in_dim3A_2146 = vector.broadcast %jit3A_2145 : f32 to vector<81x128xf32>
    %select_n3A_2147 = arith.select %eq3A_2144, %transpose3A_2131, %broadcast_in_dim3A_2146 : vector<81x128xi1>, vector<81x128xf32>
    %reduce_sum3A_2148 = arith.constant dense<0.000000e+00> : vector<128xf32>
    %reduce_sum3A_2149 = vector.multi_reduction <add>, %select_n3A_2147, %reduce_sum3A_2148 [0] : vector<81x128xf32> to vector<128xf32>
    %broadcast_in_dim3A_2150 = vector.shape_cast %reduce_sum3A_2149 : vector<128xf32> to vector<1x128xf32>
    %log3A_2151 = math.log %broadcast_in_dim3A_2140 : vector<1x128xf32>
    %add3A_2152 = arith.addf %broadcast_in_dim3A_2134, %log3A_2151 : vector<1x128xf32>
    %sub3A_2153 = arith.subf %add3A_2152, %broadcast_in_dim3A_2150 : vector<1x128xf32>
    %get3A_2154 = arith.constant 0 : index
    %get3A_2155 = arith.constant 1024 : index
    %get3A_2156 = arith.constant 0 : index
    %get3A_2157 = vector.load %arg5[%get3A_2154, %get3A_2155, %get3A_2156] : memref<1x4366x162xf32, #tpu.memory_space<vmem>>, vector<1x64x162xf32>
    %get3A_2158 = vector.shape_cast %get3A_2157 : vector<1x64x162xf32> to vector<64x162xf32>
    %slice3A_2159 = vector.extract_strided_slice %get3A_2158 {offsets = [0, 0], sizes = [64, 81], strides = [1, 1]} : vector<64x162xf32> to vector<64x81xf32>
    %slice3A_2160 = vector.extract_strided_slice %get3A_2158 {offsets = [0, 81], sizes = [64, 81], strides = [1, 1]} : vector<64x162xf32> to vector<64x81xf32>
    %concatenate3A_2161 = tpu.concatenate %slice3A_2159, %slice3A_2160 in 0 : vector<64x81xf32>, vector<64x81xf32> -> vector<128x81xf32>
    %transpose3A_2162 = tpu.transpose %concatenate3A_2161, [1, 0] : vector<128x81xf32> -> vector<81x128xf32>
    %reduce_max3A_2163 = arith.constant dense<0xFF800000> : vector<128xf32>
    %reduce_max3A_2164 = vector.multi_reduction <maximumf>, %transpose3A_2162, %reduce_max3A_2163 [0] : vector<81x128xf32> to vector<128xf32>
    %broadcast_in_dim3A_2165 = vector.shape_cast %reduce_max3A_2164 : vector<128xf32> to vector<1x128xf32>
    %sub3A_2166 = vector.broadcast %broadcast_in_dim3A_2165 : vector<1x128xf32> to vector<81x128xf32>
    %sub3A_2167 = arith.subf %transpose3A_2162, %sub3A_2166 : vector<81x128xf32>
    %exp3A_2168 = math.exp %sub3A_2167 : vector<81x128xf32>
    %reduce_sum3A_2169 = arith.constant dense<0.000000e+00> : vector<128xf32>
    %reduce_sum3A_2170 = vector.multi_reduction <add>, %exp3A_2168, %reduce_sum3A_2169 [0] : vector<81x128xf32> to vector<128xf32>
    %broadcast_in_dim3A_2171 = vector.shape_cast %reduce_sum3A_2170 : vector<128xf32> to vector<1x128xf32>
    %slice3A_2172 = vector.extract_strided_slice %select_n3A_1575 {offsets = [16, 0], sizes = [1, 128], strides = [1, 1]} : vector<72x128xf32> to vector<1x128xf32>
    %convert_element_type3A_2173 = arith.fptosi %slice3A_2172 : vector<1x128xf32> to vector<1x128xi32>
    %eq3A_2174 = vector.broadcast %convert_element_type3A_2173 : vector<1x128xi32> to vector<81x128xi32>
    %eq3A_2175 = arith.cmpi eq, %iota3A_1661, %eq3A_2174 : vector<81x128xi32>
    %jit3A_2176 = arith.constant 0.000000e+00 : f32
    %broadcast_in_dim3A_2177 = vector.broadcast %jit3A_2176 : f32 to vector<81x128xf32>
    %select_n3A_2178 = arith.select %eq3A_2175, %transpose3A_2162, %broadcast_in_dim3A_2177 : vector<81x128xi1>, vector<81x128xf32>
    %reduce_sum3A_2179 = arith.constant dense<0.000000e+00> : vector<128xf32>
    %reduce_sum3A_2180 = vector.multi_reduction <add>, %select_n3A_2178, %reduce_sum3A_2179 [0] : vector<81x128xf32> to vector<128xf32>
    %broadcast_in_dim3A_2181 = vector.shape_cast %reduce_sum3A_2180 : vector<128xf32> to vector<1x128xf32>
    %log3A_2182 = math.log %broadcast_in_dim3A_2171 : vector<1x128xf32>
    %add3A_2183 = arith.addf %broadcast_in_dim3A_2165, %log3A_2182 : vector<1x128xf32>
    %sub3A_2184 = arith.subf %add3A_2183, %broadcast_in_dim3A_2181 : vector<1x128xf32>
    %get3A_2185 = arith.constant 0 : index
    %get3A_2186 = arith.constant 1088 : index
    %get3A_2187 = arith.constant 0 : index
    %get3A_2188 = vector.load %arg5[%get3A_2185, %get3A_2186, %get3A_2187] : memref<1x4366x162xf32, #tpu.memory_space<vmem>>, vector<1x64x162xf32>
    %get3A_2189 = vector.shape_cast %get3A_2188 : vector<1x64x162xf32> to vector<64x162xf32>
    %slice3A_2190 = vector.extract_strided_slice %get3A_2189 {offsets = [0, 0], sizes = [64, 81], strides = [1, 1]} : vector<64x162xf32> to vector<64x81xf32>
    %slice3A_2191 = vector.extract_strided_slice %get3A_2189 {offsets = [0, 81], sizes = [64, 81], strides = [1, 1]} : vector<64x162xf32> to vector<64x81xf32>
    %concatenate3A_2192 = tpu.concatenate %slice3A_2190, %slice3A_2191 in 0 : vector<64x81xf32>, vector<64x81xf32> -> vector<128x81xf32>
    %transpose3A_2193 = tpu.transpose %concatenate3A_2192, [1, 0] : vector<128x81xf32> -> vector<81x128xf32>
    %reduce_max3A_2194 = arith.constant dense<0xFF800000> : vector<128xf32>
    %reduce_max3A_2195 = vector.multi_reduction <maximumf>, %transpose3A_2193, %reduce_max3A_2194 [0] : vector<81x128xf32> to vector<128xf32>
    %broadcast_in_dim3A_2196 = vector.shape_cast %reduce_max3A_2195 : vector<128xf32> to vector<1x128xf32>
    %sub3A_2197 = vector.broadcast %broadcast_in_dim3A_2196 : vector<1x128xf32> to vector<81x128xf32>
    %sub3A_2198 = arith.subf %transpose3A_2193, %sub3A_2197 : vector<81x128xf32>
    %exp3A_2199 = math.exp %sub3A_2198 : vector<81x128xf32>
    %reduce_sum3A_2200 = arith.constant dense<0.000000e+00> : vector<128xf32>
    %reduce_sum3A_2201 = vector.multi_reduction <add>, %exp3A_2199, %reduce_sum3A_2200 [0] : vector<81x128xf32> to vector<128xf32>
    %broadcast_in_dim3A_2202 = vector.shape_cast %reduce_sum3A_2201 : vector<128xf32> to vector<1x128xf32>
    %slice3A_2203 = vector.extract_strided_slice %select_n3A_1575 {offsets = [17, 0], sizes = [1, 128], strides = [1, 1]} : vector<72x128xf32> to vector<1x128xf32>
    %convert_element_type3A_2204 = arith.fptosi %slice3A_2203 : vector<1x128xf32> to vector<1x128xi32>
    %eq3A_2205 = vector.broadcast %convert_element_type3A_2204 : vector<1x128xi32> to vector<81x128xi32>
    %eq3A_2206 = arith.cmpi eq, %iota3A_1661, %eq3A_2205 : vector<81x128xi32>
    %jit3A_2207 = arith.constant 0.000000e+00 : f32
    %broadcast_in_dim3A_2208 = vector.broadcast %jit3A_2207 : f32 to vector<81x128xf32>
    %select_n3A_2209 = arith.select %eq3A_2206, %transpose3A_2193, %broadcast_in_dim3A_2208 : vector<81x128xi1>, vector<81x128xf32>
    %reduce_sum3A_2210 = arith.constant dense<0.000000e+00> : vector<128xf32>
    %reduce_sum3A_2211 = vector.multi_reduction <add>, %select_n3A_2209, %reduce_sum3A_2210 [0] : vector<81x128xf32> to vector<128xf32>
    %broadcast_in_dim3A_2212 = vector.shape_cast %reduce_sum3A_2211 : vector<128xf32> to vector<1x128xf32>
    %log3A_2213 = math.log %broadcast_in_dim3A_2202 : vector<1x128xf32>
    %add3A_2214 = arith.addf %broadcast_in_dim3A_2196, %log3A_2213 : vector<1x128xf32>
    %sub3A_2215 = arith.subf %add3A_2214, %broadcast_in_dim3A_2212 : vector<1x128xf32>
    %get3A_2216 = arith.constant 0 : index
    %get3A_2217 = arith.constant 1152 : index
    %get3A_2218 = arith.constant 0 : index
    %get3A_2219 = vector.load %arg5[%get3A_2216, %get3A_2217, %get3A_2218] : memref<1x4366x162xf32, #tpu.memory_space<vmem>>, vector<1x64x162xf32>
    %get3A_2220 = vector.shape_cast %get3A_2219 : vector<1x64x162xf32> to vector<64x162xf32>
    %slice3A_2221 = vector.extract_strided_slice %get3A_2220 {offsets = [0, 0], sizes = [64, 81], strides = [1, 1]} : vector<64x162xf32> to vector<64x81xf32>
    %slice3A_2222 = vector.extract_strided_slice %get3A_2220 {offsets = [0, 81], sizes = [64, 81], strides = [1, 1]} : vector<64x162xf32> to vector<64x81xf32>
    %concatenate3A_2223 = tpu.concatenate %slice3A_2221, %slice3A_2222 in 0 : vector<64x81xf32>, vector<64x81xf32> -> vector<128x81xf32>
    %transpose3A_2224 = tpu.transpose %concatenate3A_2223, [1, 0] : vector<128x81xf32> -> vector<81x128xf32>
    %reduce_max3A_2225 = arith.constant dense<0xFF800000> : vector<128xf32>
    %reduce_max3A_2226 = vector.multi_reduction <maximumf>, %transpose3A_2224, %reduce_max3A_2225 [0] : vector<81x128xf32> to vector<128xf32>
    %broadcast_in_dim3A_2227 = vector.shape_cast %reduce_max3A_2226 : vector<128xf32> to vector<1x128xf32>
    %sub3A_2228 = vector.broadcast %broadcast_in_dim3A_2227 : vector<1x128xf32> to vector<81x128xf32>
    %sub3A_2229 = arith.subf %transpose3A_2224, %sub3A_2228 : vector<81x128xf32>
    %exp3A_2230 = math.exp %sub3A_2229 : vector<81x128xf32>
    %reduce_sum3A_2231 = arith.constant dense<0.000000e+00> : vector<128xf32>
    %reduce_sum3A_2232 = vector.multi_reduction <add>, %exp3A_2230, %reduce_sum3A_2231 [0] : vector<81x128xf32> to vector<128xf32>
    %broadcast_in_dim3A_2233 = vector.shape_cast %reduce_sum3A_2232 : vector<128xf32> to vector<1x128xf32>
    %slice3A_2234 = vector.extract_strided_slice %select_n3A_1575 {offsets = [18, 0], sizes = [1, 128], strides = [1, 1]} : vector<72x128xf32> to vector<1x128xf32>
    %convert_element_type3A_2235 = arith.fptosi %slice3A_2234 : vector<1x128xf32> to vector<1x128xi32>
    %eq3A_2236 = vector.broadcast %convert_element_type3A_2235 : vector<1x128xi32> to vector<81x128xi32>
    %eq3A_2237 = arith.cmpi eq, %iota3A_1661, %eq3A_2236 : vector<81x128xi32>
    %jit3A_2238 = arith.constant 0.000000e+00 : f32
    %broadcast_in_dim3A_2239 = vector.broadcast %jit3A_2238 : f32 to vector<81x128xf32>
    %select_n3A_2240 = arith.select %eq3A_2237, %transpose3A_2224, %broadcast_in_dim3A_2239 : vector<81x128xi1>, vector<81x128xf32>
    %reduce_sum3A_2241 = arith.constant dense<0.000000e+00> : vector<128xf32>
    %reduce_sum3A_2242 = vector.multi_reduction <add>, %select_n3A_2240, %reduce_sum3A_2241 [0] : vector<81x128xf32> to vector<128xf32>
    %broadcast_in_dim3A_2243 = vector.shape_cast %reduce_sum3A_2242 : vector<128xf32> to vector<1x128xf32>
    %log3A_2244 = math.log %broadcast_in_dim3A_2233 : vector<1x128xf32>
    %add3A_2245 = arith.addf %broadcast_in_dim3A_2227, %log3A_2244 : vector<1x128xf32>
    %sub3A_2246 = arith.subf %add3A_2245, %broadcast_in_dim3A_2243 : vector<1x128xf32>
    %get3A_2247 = arith.constant 0 : index
    %get3A_2248 = arith.constant 1216 : index
    %get3A_2249 = arith.constant 0 : index
    %get3A_2250 = vector.load %arg5[%get3A_2247, %get3A_2248, %get3A_2249] : memref<1x4366x162xf32, #tpu.memory_space<vmem>>, vector<1x64x162xf32>
    %get3A_2251 = vector.shape_cast %get3A_2250 : vector<1x64x162xf32> to vector<64x162xf32>
    %slice3A_2252 = vector.extract_strided_slice %get3A_2251 {offsets = [0, 0], sizes = [64, 81], strides = [1, 1]} : vector<64x162xf32> to vector<64x81xf32>
    %slice3A_2253 = vector.extract_strided_slice %get3A_2251 {offsets = [0, 81], sizes = [64, 81], strides = [1, 1]} : vector<64x162xf32> to vector<64x81xf32>
    %concatenate3A_2254 = tpu.concatenate %slice3A_2252, %slice3A_2253 in 0 : vector<64x81xf32>, vector<64x81xf32> -> vector<128x81xf32>
    %transpose3A_2255 = tpu.transpose %concatenate3A_2254, [1, 0] : vector<128x81xf32> -> vector<81x128xf32>
    %reduce_max3A_2256 = arith.constant dense<0xFF800000> : vector<128xf32>
    %reduce_max3A_2257 = vector.multi_reduction <maximumf>, %transpose3A_2255, %reduce_max3A_2256 [0] : vector<81x128xf32> to vector<128xf32>
    %broadcast_in_dim3A_2258 = vector.shape_cast %reduce_max3A_2257 : vector<128xf32> to vector<1x128xf32>
    %sub3A_2259 = vector.broadcast %broadcast_in_dim3A_2258 : vector<1x128xf32> to vector<81x128xf32>
    %sub3A_2260 = arith.subf %transpose3A_2255, %sub3A_2259 : vector<81x128xf32>
    %exp3A_2261 = math.exp %sub3A_2260 : vector<81x128xf32>
    %reduce_sum3A_2262 = arith.constant dense<0.000000e+00> : vector<128xf32>
    %reduce_sum3A_2263 = vector.multi_reduction <add>, %exp3A_2261, %reduce_sum3A_2262 [0] : vector<81x128xf32> to vector<128xf32>
    %broadcast_in_dim3A_2264 = vector.shape_cast %reduce_sum3A_2263 : vector<128xf32> to vector<1x128xf32>
    %slice3A_2265 = vector.extract_strided_slice %select_n3A_1575 {offsets = [19, 0], sizes = [1, 128], strides = [1, 1]} : vector<72x128xf32> to vector<1x128xf32>
    %convert_element_type3A_2266 = arith.fptosi %slice3A_2265 : vector<1x128xf32> to vector<1x128xi32>
    %eq3A_2267 = vector.broadcast %convert_element_type3A_2266 : vector<1x128xi32> to vector<81x128xi32>
    %eq3A_2268 = arith.cmpi eq, %iota3A_1661, %eq3A_2267 : vector<81x128xi32>
    %jit3A_2269 = arith.constant 0.000000e+00 : f32
    %broadcast_in_dim3A_2270 = vector.broadcast %jit3A_2269 : f32 to vector<81x128xf32>
    %select_n3A_2271 = arith.select %eq3A_2268, %transpose3A_2255, %broadcast_in_dim3A_2270 : vector<81x128xi1>, vector<81x128xf32>
    %reduce_sum3A_2272 = arith.constant dense<0.000000e+00> : vector<128xf32>
    %reduce_sum3A_2273 = vector.multi_reduction <add>, %select_n3A_2271, %reduce_sum3A_2272 [0] : vector<81x128xf32> to vector<128xf32>
    %broadcast_in_dim3A_2274 = vector.shape_cast %reduce_sum3A_2273 : vector<128xf32> to vector<1x128xf32>
    %log3A_2275 = math.log %broadcast_in_dim3A_2264 : vector<1x128xf32>
    %add3A_2276 = arith.addf %broadcast_in_dim3A_2258, %log3A_2275 : vector<1x128xf32>
    %sub3A_2277 = arith.subf %add3A_2276, %broadcast_in_dim3A_2274 : vector<1x128xf32>
    %get3A_2278 = arith.constant 0 : index
    %get3A_2279 = arith.constant 1280 : index
    %get3A_2280 = arith.constant 0 : index
    %get3A_2281 = vector.load %arg5[%get3A_2278, %get3A_2279, %get3A_2280] : memref<1x4366x162xf32, #tpu.memory_space<vmem>>, vector<1x64x162xf32>
    %get3A_2282 = vector.shape_cast %get3A_2281 : vector<1x64x162xf32> to vector<64x162xf32>
    %slice3A_2283 = vector.extract_strided_slice %get3A_2282 {offsets = [0, 0], sizes = [64, 81], strides = [1, 1]} : vector<64x162xf32> to vector<64x81xf32>
    %slice3A_2284 = vector.extract_strided_slice %get3A_2282 {offsets = [0, 81], sizes = [64, 81], strides = [1, 1]} : vector<64x162xf32> to vector<64x81xf32>
    %concatenate3A_2285 = tpu.concatenate %slice3A_2283, %slice3A_2284 in 0 : vector<64x81xf32>, vector<64x81xf32> -> vector<128x81xf32>
    %transpose3A_2286 = tpu.transpose %concatenate3A_2285, [1, 0] : vector<128x81xf32> -> vector<81x128xf32>
    %reduce_max3A_2287 = arith.constant dense<0xFF800000> : vector<128xf32>
    %reduce_max3A_2288 = vector.multi_reduction <maximumf>, %transpose3A_2286, %reduce_max3A_2287 [0] : vector<81x128xf32> to vector<128xf32>
    %broadcast_in_dim3A_2289 = vector.shape_cast %reduce_max3A_2288 : vector<128xf32> to vector<1x128xf32>
    %sub3A_2290 = vector.broadcast %broadcast_in_dim3A_2289 : vector<1x128xf32> to vector<81x128xf32>
    %sub3A_2291 = arith.subf %transpose3A_2286, %sub3A_2290 : vector<81x128xf32>
    %exp3A_2292 = math.exp %sub3A_2291 : vector<81x128xf32>
    %reduce_sum3A_2293 = arith.constant dense<0.000000e+00> : vector<128xf32>
    %reduce_sum3A_2294 = vector.multi_reduction <add>, %exp3A_2292, %reduce_sum3A_2293 [0] : vector<81x128xf32> to vector<128xf32>
    %broadcast_in_dim3A_2295 = vector.shape_cast %reduce_sum3A_2294 : vector<128xf32> to vector<1x128xf32>
    %slice3A_2296 = vector.extract_strided_slice %select_n3A_1575 {offsets = [20, 0], sizes = [1, 128], strides = [1, 1]} : vector<72x128xf32> to vector<1x128xf32>
    %convert_element_type3A_2297 = arith.fptosi %slice3A_2296 : vector<1x128xf32> to vector<1x128xi32>
    %eq3A_2298 = vector.broadcast %convert_element_type3A_2297 : vector<1x128xi32> to vector<81x128xi32>
    %eq3A_2299 = arith.cmpi eq, %iota3A_1661, %eq3A_2298 : vector<81x128xi32>
    %jit3A_2300 = arith.constant 0.000000e+00 : f32
    %broadcast_in_dim3A_2301 = vector.broadcast %jit3A_2300 : f32 to vector<81x128xf32>
    %select_n3A_2302 = arith.select %eq3A_2299, %transpose3A_2286, %broadcast_in_dim3A_2301 : vector<81x128xi1>, vector<81x128xf32>
    %reduce_sum3A_2303 = arith.constant dense<0.000000e+00> : vector<128xf32>
    %reduce_sum3A_2304 = vector.multi_reduction <add>, %select_n3A_2302, %reduce_sum3A_2303 [0] : vector<81x128xf32> to vector<128xf32>
    %broadcast_in_dim3A_2305 = vector.shape_cast %reduce_sum3A_2304 : vector<128xf32> to vector<1x128xf32>
    %log3A_2306 = math.log %broadcast_in_dim3A_2295 : vector<1x128xf32>
    %add3A_2307 = arith.addf %broadcast_in_dim3A_2289, %log3A_2306 : vector<1x128xf32>
    %sub3A_2308 = arith.subf %add3A_2307, %broadcast_in_dim3A_2305 : vector<1x128xf32>
    %get3A_2309 = arith.constant 0 : index
    %get3A_2310 = arith.constant 1344 : index
    %get3A_2311 = arith.constant 0 : index
    %get3A_2312 = vector.load %arg5[%get3A_2309, %get3A_2310, %get3A_2311] : memref<1x4366x162xf32, #tpu.memory_space<vmem>>, vector<1x64x162xf32>
    %get3A_2313 = vector.shape_cast %get3A_2312 : vector<1x64x162xf32> to vector<64x162xf32>
    %slice3A_2314 = vector.extract_strided_slice %get3A_2313 {offsets = [0, 0], sizes = [64, 81], strides = [1, 1]} : vector<64x162xf32> to vector<64x81xf32>
    %slice3A_2315 = vector.extract_strided_slice %get3A_2313 {offsets = [0, 81], sizes = [64, 81], strides = [1, 1]} : vector<64x162xf32> to vector<64x81xf32>
    %concatenate3A_2316 = tpu.concatenate %slice3A_2314, %slice3A_2315 in 0 : vector<64x81xf32>, vector<64x81xf32> -> vector<128x81xf32>
    %transpose3A_2317 = tpu.transpose %concatenate3A_2316, [1, 0] : vector<128x81xf32> -> vector<81x128xf32>
    %reduce_max3A_2318 = arith.constant dense<0xFF800000> : vector<128xf32>
    %reduce_max3A_2319 = vector.multi_reduction <maximumf>, %transpose3A_2317, %reduce_max3A_2318 [0] : vector<81x128xf32> to vector<128xf32>
    %broadcast_in_dim3A_2320 = vector.shape_cast %reduce_max3A_2319 : vector<128xf32> to vector<1x128xf32>
    %sub3A_2321 = vector.broadcast %broadcast_in_dim3A_2320 : vector<1x128xf32> to vector<81x128xf32>
    %sub3A_2322 = arith.subf %transpose3A_2317, %sub3A_2321 : vector<81x128xf32>
    %exp3A_2323 = math.exp %sub3A_2322 : vector<81x128xf32>
    %reduce_sum3A_2324 = arith.constant dense<0.000000e+00> : vector<128xf32>
    %reduce_sum3A_2325 = vector.multi_reduction <add>, %exp3A_2323, %reduce_sum3A_2324 [0] : vector<81x128xf32> to vector<128xf32>
    %broadcast_in_dim3A_2326 = vector.shape_cast %reduce_sum3A_2325 : vector<128xf32> to vector<1x128xf32>
    %slice3A_2327 = vector.extract_strided_slice %select_n3A_1575 {offsets = [21, 0], sizes = [1, 128], strides = [1, 1]} : vector<72x128xf32> to vector<1x128xf32>
    %convert_element_type3A_2328 = arith.fptosi %slice3A_2327 : vector<1x128xf32> to vector<1x128xi32>
    %eq3A_2329 = vector.broadcast %convert_element_type3A_2328 : vector<1x128xi32> to vector<81x128xi32>
    %eq3A_2330 = arith.cmpi eq, %iota3A_1661, %eq3A_2329 : vector<81x128xi32>
    %jit3A_2331 = arith.constant 0.000000e+00 : f32
    %broadcast_in_dim3A_2332 = vector.broadcast %jit3A_2331 : f32 to vector<81x128xf32>
    %select_n3A_2333 = arith.select %eq3A_2330, %transpose3A_2317, %broadcast_in_dim3A_2332 : vector<81x128xi1>, vector<81x128xf32>
    %reduce_sum3A_2334 = arith.constant dense<0.000000e+00> : vector<128xf32>
    %reduce_sum3A_2335 = vector.multi_reduction <add>, %select_n3A_2333, %reduce_sum3A_2334 [0] : vector<81x128xf32> to vector<128xf32>
    %broadcast_in_dim3A_2336 = vector.shape_cast %reduce_sum3A_2335 : vector<128xf32> to vector<1x128xf32>
    %log3A_2337 = math.log %broadcast_in_dim3A_2326 : vector<1x128xf32>
    %add3A_2338 = arith.addf %broadcast_in_dim3A_2320, %log3A_2337 : vector<1x128xf32>
    %sub3A_2339 = arith.subf %add3A_2338, %broadcast_in_dim3A_2336 : vector<1x128xf32>
    %get3A_2340 = arith.constant 0 : index
    %get3A_2341 = arith.constant 1408 : index
    %get3A_2342 = arith.constant 0 : index
    %get3A_2343 = vector.load %arg5[%get3A_2340, %get3A_2341, %get3A_2342] : memref<1x4366x162xf32, #tpu.memory_space<vmem>>, vector<1x64x162xf32>
    %get3A_2344 = vector.shape_cast %get3A_2343 : vector<1x64x162xf32> to vector<64x162xf32>
    %slice3A_2345 = vector.extract_strided_slice %get3A_2344 {offsets = [0, 0], sizes = [64, 81], strides = [1, 1]} : vector<64x162xf32> to vector<64x81xf32>
    %slice3A_2346 = vector.extract_strided_slice %get3A_2344 {offsets = [0, 81], sizes = [64, 81], strides = [1, 1]} : vector<64x162xf32> to vector<64x81xf32>
    %concatenate3A_2347 = tpu.concatenate %slice3A_2345, %slice3A_2346 in 0 : vector<64x81xf32>, vector<64x81xf32> -> vector<128x81xf32>
    %transpose3A_2348 = tpu.transpose %concatenate3A_2347, [1, 0] : vector<128x81xf32> -> vector<81x128xf32>
    %reduce_max3A_2349 = arith.constant dense<0xFF800000> : vector<128xf32>
    %reduce_max3A_2350 = vector.multi_reduction <maximumf>, %transpose3A_2348, %reduce_max3A_2349 [0] : vector<81x128xf32> to vector<128xf32>
    %broadcast_in_dim3A_2351 = vector.shape_cast %reduce_max3A_2350 : vector<128xf32> to vector<1x128xf32>
    %sub3A_2352 = vector.broadcast %broadcast_in_dim3A_2351 : vector<1x128xf32> to vector<81x128xf32>
    %sub3A_2353 = arith.subf %transpose3A_2348, %sub3A_2352 : vector<81x128xf32>
    %exp3A_2354 = math.exp %sub3A_2353 : vector<81x128xf32>
    %reduce_sum3A_2355 = arith.constant dense<0.000000e+00> : vector<128xf32>
    %reduce_sum3A_2356 = vector.multi_reduction <add>, %exp3A_2354, %reduce_sum3A_2355 [0] : vector<81x128xf32> to vector<128xf32>
    %broadcast_in_dim3A_2357 = vector.shape_cast %reduce_sum3A_2356 : vector<128xf32> to vector<1x128xf32>
    %slice3A_2358 = vector.extract_strided_slice %select_n3A_1575 {offsets = [22, 0], sizes = [1, 128], strides = [1, 1]} : vector<72x128xf32> to vector<1x128xf32>
    %convert_element_type3A_2359 = arith.fptosi %slice3A_2358 : vector<1x128xf32> to vector<1x128xi32>
    %eq3A_2360 = vector.broadcast %convert_element_type3A_2359 : vector<1x128xi32> to vector<81x128xi32>
    %eq3A_2361 = arith.cmpi eq, %iota3A_1661, %eq3A_2360 : vector<81x128xi32>
    %jit3A_2362 = arith.constant 0.000000e+00 : f32
    %broadcast_in_dim3A_2363 = vector.broadcast %jit3A_2362 : f32 to vector<81x128xf32>
    %select_n3A_2364 = arith.select %eq3A_2361, %transpose3A_2348, %broadcast_in_dim3A_2363 : vector<81x128xi1>, vector<81x128xf32>
    %reduce_sum3A_2365 = arith.constant dense<0.000000e+00> : vector<128xf32>
    %reduce_sum3A_2366 = vector.multi_reduction <add>, %select_n3A_2364, %reduce_sum3A_2365 [0] : vector<81x128xf32> to vector<128xf32>
    %broadcast_in_dim3A_2367 = vector.shape_cast %reduce_sum3A_2366 : vector<128xf32> to vector<1x128xf32>
    %log3A_2368 = math.log %broadcast_in_dim3A_2357 : vector<1x128xf32>
    %add3A_2369 = arith.addf %broadcast_in_dim3A_2351, %log3A_2368 : vector<1x128xf32>
    %sub3A_2370 = arith.subf %add3A_2369, %broadcast_in_dim3A_2367 : vector<1x128xf32>
    %get3A_2371 = arith.constant 0 : index
    %get3A_2372 = arith.constant 1472 : index
    %get3A_2373 = arith.constant 0 : index
    %get3A_2374 = vector.load %arg5[%get3A_2371, %get3A_2372, %get3A_2373] : memref<1x4366x162xf32, #tpu.memory_space<vmem>>, vector<1x64x162xf32>
    %get3A_2375 = vector.shape_cast %get3A_2374 : vector<1x64x162xf32> to vector<64x162xf32>
    %slice3A_2376 = vector.extract_strided_slice %get3A_2375 {offsets = [0, 0], sizes = [64, 81], strides = [1, 1]} : vector<64x162xf32> to vector<64x81xf32>
    %slice3A_2377 = vector.extract_strided_slice %get3A_2375 {offsets = [0, 81], sizes = [64, 81], strides = [1, 1]} : vector<64x162xf32> to vector<64x81xf32>
    %concatenate3A_2378 = tpu.concatenate %slice3A_2376, %slice3A_2377 in 0 : vector<64x81xf32>, vector<64x81xf32> -> vector<128x81xf32>
    %transpose3A_2379 = tpu.transpose %concatenate3A_2378, [1, 0] : vector<128x81xf32> -> vector<81x128xf32>
    %reduce_max3A_2380 = arith.constant dense<0xFF800000> : vector<128xf32>
    %reduce_max3A_2381 = vector.multi_reduction <maximumf>, %transpose3A_2379, %reduce_max3A_2380 [0] : vector<81x128xf32> to vector<128xf32>
    %broadcast_in_dim3A_2382 = vector.shape_cast %reduce_max3A_2381 : vector<128xf32> to vector<1x128xf32>
    %sub3A_2383 = vector.broadcast %broadcast_in_dim3A_2382 : vector<1x128xf32> to vector<81x128xf32>
    %sub3A_2384 = arith.subf %transpose3A_2379, %sub3A_2383 : vector<81x128xf32>
    %exp3A_2385 = math.exp %sub3A_2384 : vector<81x128xf32>
    %reduce_sum3A_2386 = arith.constant dense<0.000000e+00> : vector<128xf32>
    %reduce_sum3A_2387 = vector.multi_reduction <add>, %exp3A_2385, %reduce_sum3A_2386 [0] : vector<81x128xf32> to vector<128xf32>
    %broadcast_in_dim3A_2388 = vector.shape_cast %reduce_sum3A_2387 : vector<128xf32> to vector<1x128xf32>
    %slice3A_2389 = vector.extract_strided_slice %select_n3A_1575 {offsets = [23, 0], sizes = [1, 128], strides = [1, 1]} : vector<72x128xf32> to vector<1x128xf32>
    %convert_element_type3A_2390 = arith.fptosi %slice3A_2389 : vector<1x128xf32> to vector<1x128xi32>
    %eq3A_2391 = vector.broadcast %convert_element_type3A_2390 : vector<1x128xi32> to vector<81x128xi32>
    %eq3A_2392 = arith.cmpi eq, %iota3A_1661, %eq3A_2391 : vector<81x128xi32>
    %jit3A_2393 = arith.constant 0.000000e+00 : f32
    %broadcast_in_dim3A_2394 = vector.broadcast %jit3A_2393 : f32 to vector<81x128xf32>
    %select_n3A_2395 = arith.select %eq3A_2392, %transpose3A_2379, %broadcast_in_dim3A_2394 : vector<81x128xi1>, vector<81x128xf32>
    %reduce_sum3A_2396 = arith.constant dense<0.000000e+00> : vector<128xf32>
    %reduce_sum3A_2397 = vector.multi_reduction <add>, %select_n3A_2395, %reduce_sum3A_2396 [0] : vector<81x128xf32> to vector<128xf32>
    %broadcast_in_dim3A_2398 = vector.shape_cast %reduce_sum3A_2397 : vector<128xf32> to vector<1x128xf32>
    %log3A_2399 = math.log %broadcast_in_dim3A_2388 : vector<1x128xf32>
    %add3A_2400 = arith.addf %broadcast_in_dim3A_2382, %log3A_2399 : vector<1x128xf32>
    %sub3A_2401 = arith.subf %add3A_2400, %broadcast_in_dim3A_2398 : vector<1x128xf32>
    %get3A_2402 = arith.constant 0 : index
    %get3A_2403 = arith.constant 1536 : index
    %get3A_2404 = arith.constant 0 : index
    %get3A_2405 = vector.load %arg5[%get3A_2402, %get3A_2403, %get3A_2404] : memref<1x4366x162xf32, #tpu.memory_space<vmem>>, vector<1x64x162xf32>
    %get3A_2406 = vector.shape_cast %get3A_2405 : vector<1x64x162xf32> to vector<64x162xf32>
    %slice3A_2407 = vector.extract_strided_slice %get3A_2406 {offsets = [0, 0], sizes = [64, 81], strides = [1, 1]} : vector<64x162xf32> to vector<64x81xf32>
    %slice3A_2408 = vector.extract_strided_slice %get3A_2406 {offsets = [0, 81], sizes = [64, 81], strides = [1, 1]} : vector<64x162xf32> to vector<64x81xf32>
    %concatenate3A_2409 = tpu.concatenate %slice3A_2407, %slice3A_2408 in 0 : vector<64x81xf32>, vector<64x81xf32> -> vector<128x81xf32>
    %transpose3A_2410 = tpu.transpose %concatenate3A_2409, [1, 0] : vector<128x81xf32> -> vector<81x128xf32>
    %reduce_max3A_2411 = arith.constant dense<0xFF800000> : vector<128xf32>
    %reduce_max3A_2412 = vector.multi_reduction <maximumf>, %transpose3A_2410, %reduce_max3A_2411 [0] : vector<81x128xf32> to vector<128xf32>
    %broadcast_in_dim3A_2413 = vector.shape_cast %reduce_max3A_2412 : vector<128xf32> to vector<1x128xf32>
    %sub3A_2414 = vector.broadcast %broadcast_in_dim3A_2413 : vector<1x128xf32> to vector<81x128xf32>
    %sub3A_2415 = arith.subf %transpose3A_2410, %sub3A_2414 : vector<81x128xf32>
    %exp3A_2416 = math.exp %sub3A_2415 : vector<81x128xf32>
    %reduce_sum3A_2417 = arith.constant dense<0.000000e+00> : vector<128xf32>
    %reduce_sum3A_2418 = vector.multi_reduction <add>, %exp3A_2416, %reduce_sum3A_2417 [0] : vector<81x128xf32> to vector<128xf32>
    %broadcast_in_dim3A_2419 = vector.shape_cast %reduce_sum3A_2418 : vector<128xf32> to vector<1x128xf32>
    %slice3A_2420 = vector.extract_strided_slice %select_n3A_1575 {offsets = [24, 0], sizes = [1, 128], strides = [1, 1]} : vector<72x128xf32> to vector<1x128xf32>
    %convert_element_type3A_2421 = arith.fptosi %slice3A_2420 : vector<1x128xf32> to vector<1x128xi32>
    %eq3A_2422 = vector.broadcast %convert_element_type3A_2421 : vector<1x128xi32> to vector<81x128xi32>
    %eq3A_2423 = arith.cmpi eq, %iota3A_1661, %eq3A_2422 : vector<81x128xi32>
    %jit3A_2424 = arith.constant 0.000000e+00 : f32
    %broadcast_in_dim3A_2425 = vector.broadcast %jit3A_2424 : f32 to vector<81x128xf32>
    %select_n3A_2426 = arith.select %eq3A_2423, %transpose3A_2410, %broadcast_in_dim3A_2425 : vector<81x128xi1>, vector<81x128xf32>
    %reduce_sum3A_2427 = arith.constant dense<0.000000e+00> : vector<128xf32>
    %reduce_sum3A_2428 = vector.multi_reduction <add>, %select_n3A_2426, %reduce_sum3A_2427 [0] : vector<81x128xf32> to vector<128xf32>
    %broadcast_in_dim3A_2429 = vector.shape_cast %reduce_sum3A_2428 : vector<128xf32> to vector<1x128xf32>
    %log3A_2430 = math.log %broadcast_in_dim3A_2419 : vector<1x128xf32>
    %add3A_2431 = arith.addf %broadcast_in_dim3A_2413, %log3A_2430 : vector<1x128xf32>
    %sub3A_2432 = arith.subf %add3A_2431, %broadcast_in_dim3A_2429 : vector<1x128xf32>
    %get3A_2433 = arith.constant 0 : index
    %get3A_2434 = arith.constant 1600 : index
    %get3A_2435 = arith.constant 0 : index
    %get3A_2436 = vector.load %arg5[%get3A_2433, %get3A_2434, %get3A_2435] : memref<1x4366x162xf32, #tpu.memory_space<vmem>>, vector<1x64x162xf32>
    %get3A_2437 = vector.shape_cast %get3A_2436 : vector<1x64x162xf32> to vector<64x162xf32>
    %slice3A_2438 = vector.extract_strided_slice %get3A_2437 {offsets = [0, 0], sizes = [64, 81], strides = [1, 1]} : vector<64x162xf32> to vector<64x81xf32>
    %slice3A_2439 = vector.extract_strided_slice %get3A_2437 {offsets = [0, 81], sizes = [64, 81], strides = [1, 1]} : vector<64x162xf32> to vector<64x81xf32>
    %concatenate3A_2440 = tpu.concatenate %slice3A_2438, %slice3A_2439 in 0 : vector<64x81xf32>, vector<64x81xf32> -> vector<128x81xf32>
    %transpose3A_2441 = tpu.transpose %concatenate3A_2440, [1, 0] : vector<128x81xf32> -> vector<81x128xf32>
    %reduce_max3A_2442 = arith.constant dense<0xFF800000> : vector<128xf32>
    %reduce_max3A_2443 = vector.multi_reduction <maximumf>, %transpose3A_2441, %reduce_max3A_2442 [0] : vector<81x128xf32> to vector<128xf32>
    %broadcast_in_dim3A_2444 = vector.shape_cast %reduce_max3A_2443 : vector<128xf32> to vector<1x128xf32>
    %sub3A_2445 = vector.broadcast %broadcast_in_dim3A_2444 : vector<1x128xf32> to vector<81x128xf32>
    %sub3A_2446 = arith.subf %transpose3A_2441, %sub3A_2445 : vector<81x128xf32>
    %exp3A_2447 = math.exp %sub3A_2446 : vector<81x128xf32>
    %reduce_sum3A_2448 = arith.constant dense<0.000000e+00> : vector<128xf32>
    %reduce_sum3A_2449 = vector.multi_reduction <add>, %exp3A_2447, %reduce_sum3A_2448 [0] : vector<81x128xf32> to vector<128xf32>
    %broadcast_in_dim3A_2450 = vector.shape_cast %reduce_sum3A_2449 : vector<128xf32> to vector<1x128xf32>
    %slice3A_2451 = vector.extract_strided_slice %select_n3A_1575 {offsets = [25, 0], sizes = [1, 128], strides = [1, 1]} : vector<72x128xf32> to vector<1x128xf32>
    %convert_element_type3A_2452 = arith.fptosi %slice3A_2451 : vector<1x128xf32> to vector<1x128xi32>
    %eq3A_2453 = vector.broadcast %convert_element_type3A_2452 : vector<1x128xi32> to vector<81x128xi32>
    %eq3A_2454 = arith.cmpi eq, %iota3A_1661, %eq3A_2453 : vector<81x128xi32>
    %jit3A_2455 = arith.constant 0.000000e+00 : f32
    %broadcast_in_dim3A_2456 = vector.broadcast %jit3A_2455 : f32 to vector<81x128xf32>
    %select_n3A_2457 = arith.select %eq3A_2454, %transpose3A_2441, %broadcast_in_dim3A_2456 : vector<81x128xi1>, vector<81x128xf32>
    %reduce_sum3A_2458 = arith.constant dense<0.000000e+00> : vector<128xf32>
    %reduce_sum3A_2459 = vector.multi_reduction <add>, %select_n3A_2457, %reduce_sum3A_2458 [0] : vector<81x128xf32> to vector<128xf32>
    %broadcast_in_dim3A_2460 = vector.shape_cast %reduce_sum3A_2459 : vector<128xf32> to vector<1x128xf32>
    %log3A_2461 = math.log %broadcast_in_dim3A_2450 : vector<1x128xf32>
    %add3A_2462 = arith.addf %broadcast_in_dim3A_2444, %log3A_2461 : vector<1x128xf32>
    %sub3A_2463 = arith.subf %add3A_2462, %broadcast_in_dim3A_2460 : vector<1x128xf32>
    %get3A_2464 = arith.constant 0 : index
    %get3A_2465 = arith.constant 1664 : index
    %get3A_2466 = arith.constant 0 : index
    %get3A_2467 = vector.load %arg5[%get3A_2464, %get3A_2465, %get3A_2466] : memref<1x4366x162xf32, #tpu.memory_space<vmem>>, vector<1x64x162xf32>
    %get3A_2468 = vector.shape_cast %get3A_2467 : vector<1x64x162xf32> to vector<64x162xf32>
    %slice3A_2469 = vector.extract_strided_slice %get3A_2468 {offsets = [0, 0], sizes = [64, 81], strides = [1, 1]} : vector<64x162xf32> to vector<64x81xf32>
    %slice3A_2470 = vector.extract_strided_slice %get3A_2468 {offsets = [0, 81], sizes = [64, 81], strides = [1, 1]} : vector<64x162xf32> to vector<64x81xf32>
    %concatenate3A_2471 = tpu.concatenate %slice3A_2469, %slice3A_2470 in 0 : vector<64x81xf32>, vector<64x81xf32> -> vector<128x81xf32>
    %transpose3A_2472 = tpu.transpose %concatenate3A_2471, [1, 0] : vector<128x81xf32> -> vector<81x128xf32>
    %reduce_max3A_2473 = arith.constant dense<0xFF800000> : vector<128xf32>
    %reduce_max3A_2474 = vector.multi_reduction <maximumf>, %transpose3A_2472, %reduce_max3A_2473 [0] : vector<81x128xf32> to vector<128xf32>
    %broadcast_in_dim3A_2475 = vector.shape_cast %reduce_max3A_2474 : vector<128xf32> to vector<1x128xf32>
    %sub3A_2476 = vector.broadcast %broadcast_in_dim3A_2475 : vector<1x128xf32> to vector<81x128xf32>
    %sub3A_2477 = arith.subf %transpose3A_2472, %sub3A_2476 : vector<81x128xf32>
    %exp3A_2478 = math.exp %sub3A_2477 : vector<81x128xf32>
    %reduce_sum3A_2479 = arith.constant dense<0.000000e+00> : vector<128xf32>
    %reduce_sum3A_2480 = vector.multi_reduction <add>, %exp3A_2478, %reduce_sum3A_2479 [0] : vector<81x128xf32> to vector<128xf32>
    %broadcast_in_dim3A_2481 = vector.shape_cast %reduce_sum3A_2480 : vector<128xf32> to vector<1x128xf32>
    %slice3A_2482 = vector.extract_strided_slice %select_n3A_1575 {offsets = [26, 0], sizes = [1, 128], strides = [1, 1]} : vector<72x128xf32> to vector<1x128xf32>
    %convert_element_type3A_2483 = arith.fptosi %slice3A_2482 : vector<1x128xf32> to vector<1x128xi32>
    %eq3A_2484 = vector.broadcast %convert_element_type3A_2483 : vector<1x128xi32> to vector<81x128xi32>
    %eq3A_2485 = arith.cmpi eq, %iota3A_1661, %eq3A_2484 : vector<81x128xi32>
    %jit3A_2486 = arith.constant 0.000000e+00 : f32
    %broadcast_in_dim3A_2487 = vector.broadcast %jit3A_2486 : f32 to vector<81x128xf32>
    %select_n3A_2488 = arith.select %eq3A_2485, %transpose3A_2472, %broadcast_in_dim3A_2487 : vector<81x128xi1>, vector<81x128xf32>
    %reduce_sum3A_2489 = arith.constant dense<0.000000e+00> : vector<128xf32>
    %reduce_sum3A_2490 = vector.multi_reduction <add>, %select_n3A_2488, %reduce_sum3A_2489 [0] : vector<81x128xf32> to vector<128xf32>
    %broadcast_in_dim3A_2491 = vector.shape_cast %reduce_sum3A_2490 : vector<128xf32> to vector<1x128xf32>
    %log3A_2492 = math.log %broadcast_in_dim3A_2481 : vector<1x128xf32>
    %add3A_2493 = arith.addf %broadcast_in_dim3A_2475, %log3A_2492 : vector<1x128xf32>
    %sub3A_2494 = arith.subf %add3A_2493, %broadcast_in_dim3A_2491 : vector<1x128xf32>
    %get3A_2495 = arith.constant 0 : index
    %get3A_2496 = arith.constant 1728 : index
    %get3A_2497 = arith.constant 0 : index
    %get3A_2498 = vector.load %arg5[%get3A_2495, %get3A_2496, %get3A_2497] : memref<1x4366x162xf32, #tpu.memory_space<vmem>>, vector<1x64x162xf32>
    %get3A_2499 = vector.shape_cast %get3A_2498 : vector<1x64x162xf32> to vector<64x162xf32>
    %slice3A_2500 = vector.extract_strided_slice %get3A_2499 {offsets = [0, 0], sizes = [64, 81], strides = [1, 1]} : vector<64x162xf32> to vector<64x81xf32>
    %slice3A_2501 = vector.extract_strided_slice %get3A_2499 {offsets = [0, 81], sizes = [64, 81], strides = [1, 1]} : vector<64x162xf32> to vector<64x81xf32>
    %concatenate3A_2502 = tpu.concatenate %slice3A_2500, %slice3A_2501 in 0 : vector<64x81xf32>, vector<64x81xf32> -> vector<128x81xf32>
    %transpose3A_2503 = tpu.transpose %concatenate3A_2502, [1, 0] : vector<128x81xf32> -> vector<81x128xf32>
    %reduce_max3A_2504 = arith.constant dense<0xFF800000> : vector<128xf32>
    %reduce_max3A_2505 = vector.multi_reduction <maximumf>, %transpose3A_2503, %reduce_max3A_2504 [0] : vector<81x128xf32> to vector<128xf32>
    %broadcast_in_dim3A_2506 = vector.shape_cast %reduce_max3A_2505 : vector<128xf32> to vector<1x128xf32>
    %sub3A_2507 = vector.broadcast %broadcast_in_dim3A_2506 : vector<1x128xf32> to vector<81x128xf32>
    %sub3A_2508 = arith.subf %transpose3A_2503, %sub3A_2507 : vector<81x128xf32>
    %exp3A_2509 = math.exp %sub3A_2508 : vector<81x128xf32>
    %reduce_sum3A_2510 = arith.constant dense<0.000000e+00> : vector<128xf32>
    %reduce_sum3A_2511 = vector.multi_reduction <add>, %exp3A_2509, %reduce_sum3A_2510 [0] : vector<81x128xf32> to vector<128xf32>
    %broadcast_in_dim3A_2512 = vector.shape_cast %reduce_sum3A_2511 : vector<128xf32> to vector<1x128xf32>
    %slice3A_2513 = vector.extract_strided_slice %select_n3A_1575 {offsets = [27, 0], sizes = [1, 128], strides = [1, 1]} : vector<72x128xf32> to vector<1x128xf32>
    %convert_element_type3A_2514 = arith.fptosi %slice3A_2513 : vector<1x128xf32> to vector<1x128xi32>
    %eq3A_2515 = vector.broadcast %convert_element_type3A_2514 : vector<1x128xi32> to vector<81x128xi32>
    %eq3A_2516 = arith.cmpi eq, %iota3A_1661, %eq3A_2515 : vector<81x128xi32>
    %jit3A_2517 = arith.constant 0.000000e+00 : f32
    %broadcast_in_dim3A_2518 = vector.broadcast %jit3A_2517 : f32 to vector<81x128xf32>
    %select_n3A_2519 = arith.select %eq3A_2516, %transpose3A_2503, %broadcast_in_dim3A_2518 : vector<81x128xi1>, vector<81x128xf32>
    %reduce_sum3A_2520 = arith.constant dense<0.000000e+00> : vector<128xf32>
    %reduce_sum3A_2521 = vector.multi_reduction <add>, %select_n3A_2519, %reduce_sum3A_2520 [0] : vector<81x128xf32> to vector<128xf32>
    %broadcast_in_dim3A_2522 = vector.shape_cast %reduce_sum3A_2521 : vector<128xf32> to vector<1x128xf32>
    %log3A_2523 = math.log %broadcast_in_dim3A_2512 : vector<1x128xf32>
    %add3A_2524 = arith.addf %broadcast_in_dim3A_2506, %log3A_2523 : vector<1x128xf32>
    %sub3A_2525 = arith.subf %add3A_2524, %broadcast_in_dim3A_2522 : vector<1x128xf32>
    %get3A_2526 = arith.constant 0 : index
    %get3A_2527 = arith.constant 1792 : index
    %get3A_2528 = arith.constant 0 : index
    %get3A_2529 = vector.load %arg5[%get3A_2526, %get3A_2527, %get3A_2528] : memref<1x4366x162xf32, #tpu.memory_space<vmem>>, vector<1x64x162xf32>
    %get3A_2530 = vector.shape_cast %get3A_2529 : vector<1x64x162xf32> to vector<64x162xf32>
    %slice3A_2531 = vector.extract_strided_slice %get3A_2530 {offsets = [0, 0], sizes = [64, 81], strides = [1, 1]} : vector<64x162xf32> to vector<64x81xf32>
    %slice3A_2532 = vector.extract_strided_slice %get3A_2530 {offsets = [0, 81], sizes = [64, 81], strides = [1, 1]} : vector<64x162xf32> to vector<64x81xf32>
    %concatenate3A_2533 = tpu.concatenate %slice3A_2531, %slice3A_2532 in 0 : vector<64x81xf32>, vector<64x81xf32> -> vector<128x81xf32>
    %transpose3A_2534 = tpu.transpose %concatenate3A_2533, [1, 0] : vector<128x81xf32> -> vector<81x128xf32>
    %reduce_max3A_2535 = arith.constant dense<0xFF800000> : vector<128xf32>
    %reduce_max3A_2536 = vector.multi_reduction <maximumf>, %transpose3A_2534, %reduce_max3A_2535 [0] : vector<81x128xf32> to vector<128xf32>
    %broadcast_in_dim3A_2537 = vector.shape_cast %reduce_max3A_2536 : vector<128xf32> to vector<1x128xf32>
    %sub3A_2538 = vector.broadcast %broadcast_in_dim3A_2537 : vector<1x128xf32> to vector<81x128xf32>
    %sub3A_2539 = arith.subf %transpose3A_2534, %sub3A_2538 : vector<81x128xf32>
    %exp3A_2540 = math.exp %sub3A_2539 : vector<81x128xf32>
    %reduce_sum3A_2541 = arith.constant dense<0.000000e+00> : vector<128xf32>
    %reduce_sum3A_2542 = vector.multi_reduction <add>, %exp3A_2540, %reduce_sum3A_2541 [0] : vector<81x128xf32> to vector<128xf32>
    %broadcast_in_dim3A_2543 = vector.shape_cast %reduce_sum3A_2542 : vector<128xf32> to vector<1x128xf32>
    %slice3A_2544 = vector.extract_strided_slice %select_n3A_1575 {offsets = [28, 0], sizes = [1, 128], strides = [1, 1]} : vector<72x128xf32> to vector<1x128xf32>
    %convert_element_type3A_2545 = arith.fptosi %slice3A_2544 : vector<1x128xf32> to vector<1x128xi32>
    %eq3A_2546 = vector.broadcast %convert_element_type3A_2545 : vector<1x128xi32> to vector<81x128xi32>
    %eq3A_2547 = arith.cmpi eq, %iota3A_1661, %eq3A_2546 : vector<81x128xi32>
    %jit3A_2548 = arith.constant 0.000000e+00 : f32
    %broadcast_in_dim3A_2549 = vector.broadcast %jit3A_2548 : f32 to vector<81x128xf32>
    %select_n3A_2550 = arith.select %eq3A_2547, %transpose3A_2534, %broadcast_in_dim3A_2549 : vector<81x128xi1>, vector<81x128xf32>
    %reduce_sum3A_2551 = arith.constant dense<0.000000e+00> : vector<128xf32>
    %reduce_sum3A_2552 = vector.multi_reduction <add>, %select_n3A_2550, %reduce_sum3A_2551 [0] : vector<81x128xf32> to vector<128xf32>
    %broadcast_in_dim3A_2553 = vector.shape_cast %reduce_sum3A_2552 : vector<128xf32> to vector<1x128xf32>
    %log3A_2554 = math.log %broadcast_in_dim3A_2543 : vector<1x128xf32>
    %add3A_2555 = arith.addf %broadcast_in_dim3A_2537, %log3A_2554 : vector<1x128xf32>
    %sub3A_2556 = arith.subf %add3A_2555, %broadcast_in_dim3A_2553 : vector<1x128xf32>
    %get3A_2557 = arith.constant 0 : index
    %get3A_2558 = arith.constant 1856 : index
    %get3A_2559 = arith.constant 0 : index
    %get3A_2560 = vector.load %arg5[%get3A_2557, %get3A_2558, %get3A_2559] : memref<1x4366x162xf32, #tpu.memory_space<vmem>>, vector<1x64x162xf32>
    %get3A_2561 = vector.shape_cast %get3A_2560 : vector<1x64x162xf32> to vector<64x162xf32>
    %slice3A_2562 = vector.extract_strided_slice %get3A_2561 {offsets = [0, 0], sizes = [64, 81], strides = [1, 1]} : vector<64x162xf32> to vector<64x81xf32>
    %slice3A_2563 = vector.extract_strided_slice %get3A_2561 {offsets = [0, 81], sizes = [64, 81], strides = [1, 1]} : vector<64x162xf32> to vector<64x81xf32>
    %concatenate3A_2564 = tpu.concatenate %slice3A_2562, %slice3A_2563 in 0 : vector<64x81xf32>, vector<64x81xf32> -> vector<128x81xf32>
    %transpose3A_2565 = tpu.transpose %concatenate3A_2564, [1, 0] : vector<128x81xf32> -> vector<81x128xf32>
    %reduce_max3A_2566 = arith.constant dense<0xFF800000> : vector<128xf32>
    %reduce_max3A_2567 = vector.multi_reduction <maximumf>, %transpose3A_2565, %reduce_max3A_2566 [0] : vector<81x128xf32> to vector<128xf32>
    %broadcast_in_dim3A_2568 = vector.shape_cast %reduce_max3A_2567 : vector<128xf32> to vector<1x128xf32>
    %sub3A_2569 = vector.broadcast %broadcast_in_dim3A_2568 : vector<1x128xf32> to vector<81x128xf32>
    %sub3A_2570 = arith.subf %transpose3A_2565, %sub3A_2569 : vector<81x128xf32>
    %exp3A_2571 = math.exp %sub3A_2570 : vector<81x128xf32>
    %reduce_sum3A_2572 = arith.constant dense<0.000000e+00> : vector<128xf32>
    %reduce_sum3A_2573 = vector.multi_reduction <add>, %exp3A_2571, %reduce_sum3A_2572 [0] : vector<81x128xf32> to vector<128xf32>
    %broadcast_in_dim3A_2574 = vector.shape_cast %reduce_sum3A_2573 : vector<128xf32> to vector<1x128xf32>
    %slice3A_2575 = vector.extract_strided_slice %select_n3A_1575 {offsets = [29, 0], sizes = [1, 128], strides = [1, 1]} : vector<72x128xf32> to vector<1x128xf32>
    %convert_element_type3A_2576 = arith.fptosi %slice3A_2575 : vector<1x128xf32> to vector<1x128xi32>
    %eq3A_2577 = vector.broadcast %convert_element_type3A_2576 : vector<1x128xi32> to vector<81x128xi32>
    %eq3A_2578 = arith.cmpi eq, %iota3A_1661, %eq3A_2577 : vector<81x128xi32>
    %jit3A_2579 = arith.constant 0.000000e+00 : f32
    %broadcast_in_dim3A_2580 = vector.broadcast %jit3A_2579 : f32 to vector<81x128xf32>
    %select_n3A_2581 = arith.select %eq3A_2578, %transpose3A_2565, %broadcast_in_dim3A_2580 : vector<81x128xi1>, vector<81x128xf32>
    %reduce_sum3A_2582 = arith.constant dense<0.000000e+00> : vector<128xf32>
    %reduce_sum3A_2583 = vector.multi_reduction <add>, %select_n3A_2581, %reduce_sum3A_2582 [0] : vector<81x128xf32> to vector<128xf32>
    %broadcast_in_dim3A_2584 = vector.shape_cast %reduce_sum3A_2583 : vector<128xf32> to vector<1x128xf32>
    %log3A_2585 = math.log %broadcast_in_dim3A_2574 : vector<1x128xf32>
    %add3A_2586 = arith.addf %broadcast_in_dim3A_2568, %log3A_2585 : vector<1x128xf32>
    %sub3A_2587 = arith.subf %add3A_2586, %broadcast_in_dim3A_2584 : vector<1x128xf32>
    %get3A_2588 = arith.constant 0 : index
    %get3A_2589 = arith.constant 1920 : index
    %get3A_2590 = arith.constant 0 : index
    %get3A_2591 = vector.load %arg5[%get3A_2588, %get3A_2589, %get3A_2590] : memref<1x4366x162xf32, #tpu.memory_space<vmem>>, vector<1x64x162xf32>
    %get3A_2592 = vector.shape_cast %get3A_2591 : vector<1x64x162xf32> to vector<64x162xf32>
    %slice3A_2593 = vector.extract_strided_slice %get3A_2592 {offsets = [0, 0], sizes = [64, 81], strides = [1, 1]} : vector<64x162xf32> to vector<64x81xf32>
    %slice3A_2594 = vector.extract_strided_slice %get3A_2592 {offsets = [0, 81], sizes = [64, 81], strides = [1, 1]} : vector<64x162xf32> to vector<64x81xf32>
    %concatenate3A_2595 = tpu.concatenate %slice3A_2593, %slice3A_2594 in 0 : vector<64x81xf32>, vector<64x81xf32> -> vector<128x81xf32>
    %transpose3A_2596 = tpu.transpose %concatenate3A_2595, [1, 0] : vector<128x81xf32> -> vector<81x128xf32>
    %reduce_max3A_2597 = arith.constant dense<0xFF800000> : vector<128xf32>
    %reduce_max3A_2598 = vector.multi_reduction <maximumf>, %transpose3A_2596, %reduce_max3A_2597 [0] : vector<81x128xf32> to vector<128xf32>
    %broadcast_in_dim3A_2599 = vector.shape_cast %reduce_max3A_2598 : vector<128xf32> to vector<1x128xf32>
    %sub3A_2600 = vector.broadcast %broadcast_in_dim3A_2599 : vector<1x128xf32> to vector<81x128xf32>
    %sub3A_2601 = arith.subf %transpose3A_2596, %sub3A_2600 : vector<81x128xf32>
    %exp3A_2602 = math.exp %sub3A_2601 : vector<81x128xf32>
    %reduce_sum3A_2603 = arith.constant dense<0.000000e+00> : vector<128xf32>
    %reduce_sum3A_2604 = vector.multi_reduction <add>, %exp3A_2602, %reduce_sum3A_2603 [0] : vector<81x128xf32> to vector<128xf32>
    %broadcast_in_dim3A_2605 = vector.shape_cast %reduce_sum3A_2604 : vector<128xf32> to vector<1x128xf32>
    %slice3A_2606 = vector.extract_strided_slice %select_n3A_1575 {offsets = [30, 0], sizes = [1, 128], strides = [1, 1]} : vector<72x128xf32> to vector<1x128xf32>
    %convert_element_type3A_2607 = arith.fptosi %slice3A_2606 : vector<1x128xf32> to vector<1x128xi32>
    %eq3A_2608 = vector.broadcast %convert_element_type3A_2607 : vector<1x128xi32> to vector<81x128xi32>
    %eq3A_2609 = arith.cmpi eq, %iota3A_1661, %eq3A_2608 : vector<81x128xi32>
    %jit3A_2610 = arith.constant 0.000000e+00 : f32
    %broadcast_in_dim3A_2611 = vector.broadcast %jit3A_2610 : f32 to vector<81x128xf32>
    %select_n3A_2612 = arith.select %eq3A_2609, %transpose3A_2596, %broadcast_in_dim3A_2611 : vector<81x128xi1>, vector<81x128xf32>
    %reduce_sum3A_2613 = arith.constant dense<0.000000e+00> : vector<128xf32>
    %reduce_sum3A_2614 = vector.multi_reduction <add>, %select_n3A_2612, %reduce_sum3A_2613 [0] : vector<81x128xf32> to vector<128xf32>
    %broadcast_in_dim3A_2615 = vector.shape_cast %reduce_sum3A_2614 : vector<128xf32> to vector<1x128xf32>
    %log3A_2616 = math.log %broadcast_in_dim3A_2605 : vector<1x128xf32>
    %add3A_2617 = arith.addf %broadcast_in_dim3A_2599, %log3A_2616 : vector<1x128xf32>
    %sub3A_2618 = arith.subf %add3A_2617, %broadcast_in_dim3A_2615 : vector<1x128xf32>
    %get3A_2619 = arith.constant 0 : index
    %get3A_2620 = arith.constant 1984 : index
    %get3A_2621 = arith.constant 0 : index
    %get3A_2622 = vector.load %arg5[%get3A_2619, %get3A_2620, %get3A_2621] : memref<1x4366x162xf32, #tpu.memory_space<vmem>>, vector<1x64x162xf32>
    %get3A_2623 = vector.shape_cast %get3A_2622 : vector<1x64x162xf32> to vector<64x162xf32>
    %slice3A_2624 = vector.extract_strided_slice %get3A_2623 {offsets = [0, 0], sizes = [64, 81], strides = [1, 1]} : vector<64x162xf32> to vector<64x81xf32>
    %slice3A_2625 = vector.extract_strided_slice %get3A_2623 {offsets = [0, 81], sizes = [64, 81], strides = [1, 1]} : vector<64x162xf32> to vector<64x81xf32>
    %concatenate3A_2626 = tpu.concatenate %slice3A_2624, %slice3A_2625 in 0 : vector<64x81xf32>, vector<64x81xf32> -> vector<128x81xf32>
    %transpose3A_2627 = tpu.transpose %concatenate3A_2626, [1, 0] : vector<128x81xf32> -> vector<81x128xf32>
    %reduce_max3A_2628 = arith.constant dense<0xFF800000> : vector<128xf32>
    %reduce_max3A_2629 = vector.multi_reduction <maximumf>, %transpose3A_2627, %reduce_max3A_2628 [0] : vector<81x128xf32> to vector<128xf32>
    %broadcast_in_dim3A_2630 = vector.shape_cast %reduce_max3A_2629 : vector<128xf32> to vector<1x128xf32>
    %sub3A_2631 = vector.broadcast %broadcast_in_dim3A_2630 : vector<1x128xf32> to vector<81x128xf32>
    %sub3A_2632 = arith.subf %transpose3A_2627, %sub3A_2631 : vector<81x128xf32>
    %exp3A_2633 = math.exp %sub3A_2632 : vector<81x128xf32>
    %reduce_sum3A_2634 = arith.constant dense<0.000000e+00> : vector<128xf32>
    %reduce_sum3A_2635 = vector.multi_reduction <add>, %exp3A_2633, %reduce_sum3A_2634 [0] : vector<81x128xf32> to vector<128xf32>
    %broadcast_in_dim3A_2636 = vector.shape_cast %reduce_sum3A_2635 : vector<128xf32> to vector<1x128xf32>
    %slice3A_2637 = vector.extract_strided_slice %select_n3A_1575 {offsets = [31, 0], sizes = [1, 128], strides = [1, 1]} : vector<72x128xf32> to vector<1x128xf32>
    %convert_element_type3A_2638 = arith.fptosi %slice3A_2637 : vector<1x128xf32> to vector<1x128xi32>
    %eq3A_2639 = vector.broadcast %convert_element_type3A_2638 : vector<1x128xi32> to vector<81x128xi32>
    %eq3A_2640 = arith.cmpi eq, %iota3A_1661, %eq3A_2639 : vector<81x128xi32>
    %jit3A_2641 = arith.constant 0.000000e+00 : f32
    %broadcast_in_dim3A_2642 = vector.broadcast %jit3A_2641 : f32 to vector<81x128xf32>
    %select_n3A_2643 = arith.select %eq3A_2640, %transpose3A_2627, %broadcast_in_dim3A_2642 : vector<81x128xi1>, vector<81x128xf32>
    %reduce_sum3A_2644 = arith.constant dense<0.000000e+00> : vector<128xf32>
    %reduce_sum3A_2645 = vector.multi_reduction <add>, %select_n3A_2643, %reduce_sum3A_2644 [0] : vector<81x128xf32> to vector<128xf32>
    %broadcast_in_dim3A_2646 = vector.shape_cast %reduce_sum3A_2645 : vector<128xf32> to vector<1x128xf32>
    %log3A_2647 = math.log %broadcast_in_dim3A_2636 : vector<1x128xf32>
    %add3A_2648 = arith.addf %broadcast_in_dim3A_2630, %log3A_2647 : vector<1x128xf32>
    %sub3A_2649 = arith.subf %add3A_2648, %broadcast_in_dim3A_2646 : vector<1x128xf32>
    %get3A_2650 = arith.constant 0 : index
    %get3A_2651 = arith.constant 2048 : index
    %get3A_2652 = arith.constant 0 : index
    %get3A_2653 = vector.load %arg5[%get3A_2650, %get3A_2651, %get3A_2652] : memref<1x4366x162xf32, #tpu.memory_space<vmem>>, vector<1x64x162xf32>
    %get3A_2654 = vector.shape_cast %get3A_2653 : vector<1x64x162xf32> to vector<64x162xf32>
    %slice3A_2655 = vector.extract_strided_slice %get3A_2654 {offsets = [0, 0], sizes = [64, 81], strides = [1, 1]} : vector<64x162xf32> to vector<64x81xf32>
    %slice3A_2656 = vector.extract_strided_slice %get3A_2654 {offsets = [0, 81], sizes = [64, 81], strides = [1, 1]} : vector<64x162xf32> to vector<64x81xf32>
    %concatenate3A_2657 = tpu.concatenate %slice3A_2655, %slice3A_2656 in 0 : vector<64x81xf32>, vector<64x81xf32> -> vector<128x81xf32>
    %transpose3A_2658 = tpu.transpose %concatenate3A_2657, [1, 0] : vector<128x81xf32> -> vector<81x128xf32>
    %reduce_max3A_2659 = arith.constant dense<0xFF800000> : vector<128xf32>
    %reduce_max3A_2660 = vector.multi_reduction <maximumf>, %transpose3A_2658, %reduce_max3A_2659 [0] : vector<81x128xf32> to vector<128xf32>
    %broadcast_in_dim3A_2661 = vector.shape_cast %reduce_max3A_2660 : vector<128xf32> to vector<1x128xf32>
    %sub3A_2662 = vector.broadcast %broadcast_in_dim3A_2661 : vector<1x128xf32> to vector<81x128xf32>
    %sub3A_2663 = arith.subf %transpose3A_2658, %sub3A_2662 : vector<81x128xf32>
    %exp3A_2664 = math.exp %sub3A_2663 : vector<81x128xf32>
    %reduce_sum3A_2665 = arith.constant dense<0.000000e+00> : vector<128xf32>
    %reduce_sum3A_2666 = vector.multi_reduction <add>, %exp3A_2664, %reduce_sum3A_2665 [0] : vector<81x128xf32> to vector<128xf32>
    %broadcast_in_dim3A_2667 = vector.shape_cast %reduce_sum3A_2666 : vector<128xf32> to vector<1x128xf32>
    %slice3A_2668 = vector.extract_strided_slice %select_n3A_1575 {offsets = [32, 0], sizes = [1, 128], strides = [1, 1]} : vector<72x128xf32> to vector<1x128xf32>
    %convert_element_type3A_2669 = arith.fptosi %slice3A_2668 : vector<1x128xf32> to vector<1x128xi32>
    %eq3A_2670 = vector.broadcast %convert_element_type3A_2669 : vector<1x128xi32> to vector<81x128xi32>
    %eq3A_2671 = arith.cmpi eq, %iota3A_1661, %eq3A_2670 : vector<81x128xi32>
    %jit3A_2672 = arith.constant 0.000000e+00 : f32
    %broadcast_in_dim3A_2673 = vector.broadcast %jit3A_2672 : f32 to vector<81x128xf32>
    %select_n3A_2674 = arith.select %eq3A_2671, %transpose3A_2658, %broadcast_in_dim3A_2673 : vector<81x128xi1>, vector<81x128xf32>
    %reduce_sum3A_2675 = arith.constant dense<0.000000e+00> : vector<128xf32>
    %reduce_sum3A_2676 = vector.multi_reduction <add>, %select_n3A_2674, %reduce_sum3A_2675 [0] : vector<81x128xf32> to vector<128xf32>
    %broadcast_in_dim3A_2677 = vector.shape_cast %reduce_sum3A_2676 : vector<128xf32> to vector<1x128xf32>
    %log3A_2678 = math.log %broadcast_in_dim3A_2667 : vector<1x128xf32>
    %add3A_2679 = arith.addf %broadcast_in_dim3A_2661, %log3A_2678 : vector<1x128xf32>
    %sub3A_2680 = arith.subf %add3A_2679, %broadcast_in_dim3A_2677 : vector<1x128xf32>
    %get3A_2681 = arith.constant 0 : index
    %get3A_2682 = arith.constant 2112 : index
    %get3A_2683 = arith.constant 0 : index
    %get3A_2684 = vector.load %arg5[%get3A_2681, %get3A_2682, %get3A_2683] : memref<1x4366x162xf32, #tpu.memory_space<vmem>>, vector<1x64x162xf32>
    %get3A_2685 = vector.shape_cast %get3A_2684 : vector<1x64x162xf32> to vector<64x162xf32>
    %slice3A_2686 = vector.extract_strided_slice %get3A_2685 {offsets = [0, 0], sizes = [64, 81], strides = [1, 1]} : vector<64x162xf32> to vector<64x81xf32>
    %slice3A_2687 = vector.extract_strided_slice %get3A_2685 {offsets = [0, 81], sizes = [64, 81], strides = [1, 1]} : vector<64x162xf32> to vector<64x81xf32>
    %concatenate3A_2688 = tpu.concatenate %slice3A_2686, %slice3A_2687 in 0 : vector<64x81xf32>, vector<64x81xf32> -> vector<128x81xf32>
    %transpose3A_2689 = tpu.transpose %concatenate3A_2688, [1, 0] : vector<128x81xf32> -> vector<81x128xf32>
    %reduce_max3A_2690 = arith.constant dense<0xFF800000> : vector<128xf32>
    %reduce_max3A_2691 = vector.multi_reduction <maximumf>, %transpose3A_2689, %reduce_max3A_2690 [0] : vector<81x128xf32> to vector<128xf32>
    %broadcast_in_dim3A_2692 = vector.shape_cast %reduce_max3A_2691 : vector<128xf32> to vector<1x128xf32>
    %sub3A_2693 = vector.broadcast %broadcast_in_dim3A_2692 : vector<1x128xf32> to vector<81x128xf32>
    %sub3A_2694 = arith.subf %transpose3A_2689, %sub3A_2693 : vector<81x128xf32>
    %exp3A_2695 = math.exp %sub3A_2694 : vector<81x128xf32>
    %reduce_sum3A_2696 = arith.constant dense<0.000000e+00> : vector<128xf32>
    %reduce_sum3A_2697 = vector.multi_reduction <add>, %exp3A_2695, %reduce_sum3A_2696 [0] : vector<81x128xf32> to vector<128xf32>
    %broadcast_in_dim3A_2698 = vector.shape_cast %reduce_sum3A_2697 : vector<128xf32> to vector<1x128xf32>
    %slice3A_2699 = vector.extract_strided_slice %select_n3A_1575 {offsets = [33, 0], sizes = [1, 128], strides = [1, 1]} : vector<72x128xf32> to vector<1x128xf32>
    %convert_element_type3A_2700 = arith.fptosi %slice3A_2699 : vector<1x128xf32> to vector<1x128xi32>
    %eq3A_2701 = vector.broadcast %convert_element_type3A_2700 : vector<1x128xi32> to vector<81x128xi32>
    %eq3A_2702 = arith.cmpi eq, %iota3A_1661, %eq3A_2701 : vector<81x128xi32>
    %jit3A_2703 = arith.constant 0.000000e+00 : f32
    %broadcast_in_dim3A_2704 = vector.broadcast %jit3A_2703 : f32 to vector<81x128xf32>
    %select_n3A_2705 = arith.select %eq3A_2702, %transpose3A_2689, %broadcast_in_dim3A_2704 : vector<81x128xi1>, vector<81x128xf32>
    %reduce_sum3A_2706 = arith.constant dense<0.000000e+00> : vector<128xf32>
    %reduce_sum3A_2707 = vector.multi_reduction <add>, %select_n3A_2705, %reduce_sum3A_2706 [0] : vector<81x128xf32> to vector<128xf32>
    %broadcast_in_dim3A_2708 = vector.shape_cast %reduce_sum3A_2707 : vector<128xf32> to vector<1x128xf32>
    %log3A_2709 = math.log %broadcast_in_dim3A_2698 : vector<1x128xf32>
    %add3A_2710 = arith.addf %broadcast_in_dim3A_2692, %log3A_2709 : vector<1x128xf32>
    %sub3A_2711 = arith.subf %add3A_2710, %broadcast_in_dim3A_2708 : vector<1x128xf32>
    %get3A_2712 = arith.constant 0 : index
    %get3A_2713 = arith.constant 2176 : index
    %get3A_2714 = arith.constant 0 : index
    %get3A_2715 = vector.load %arg5[%get3A_2712, %get3A_2713, %get3A_2714] : memref<1x4366x162xf32, #tpu.memory_space<vmem>>, vector<1x64x162xf32>
    %get3A_2716 = vector.shape_cast %get3A_2715 : vector<1x64x162xf32> to vector<64x162xf32>
    %slice3A_2717 = vector.extract_strided_slice %get3A_2716 {offsets = [0, 0], sizes = [64, 81], strides = [1, 1]} : vector<64x162xf32> to vector<64x81xf32>
    %slice3A_2718 = vector.extract_strided_slice %get3A_2716 {offsets = [0, 81], sizes = [64, 81], strides = [1, 1]} : vector<64x162xf32> to vector<64x81xf32>
    %concatenate3A_2719 = tpu.concatenate %slice3A_2717, %slice3A_2718 in 0 : vector<64x81xf32>, vector<64x81xf32> -> vector<128x81xf32>
    %transpose3A_2720 = tpu.transpose %concatenate3A_2719, [1, 0] : vector<128x81xf32> -> vector<81x128xf32>
    %reduce_max3A_2721 = arith.constant dense<0xFF800000> : vector<128xf32>
    %reduce_max3A_2722 = vector.multi_reduction <maximumf>, %transpose3A_2720, %reduce_max3A_2721 [0] : vector<81x128xf32> to vector<128xf32>
    %broadcast_in_dim3A_2723 = vector.shape_cast %reduce_max3A_2722 : vector<128xf32> to vector<1x128xf32>
    %sub3A_2724 = vector.broadcast %broadcast_in_dim3A_2723 : vector<1x128xf32> to vector<81x128xf32>
    %sub3A_2725 = arith.subf %transpose3A_2720, %sub3A_2724 : vector<81x128xf32>
    %exp3A_2726 = math.exp %sub3A_2725 : vector<81x128xf32>
    %reduce_sum3A_2727 = arith.constant dense<0.000000e+00> : vector<128xf32>
    %reduce_sum3A_2728 = vector.multi_reduction <add>, %exp3A_2726, %reduce_sum3A_2727 [0] : vector<81x128xf32> to vector<128xf32>
    %broadcast_in_dim3A_2729 = vector.shape_cast %reduce_sum3A_2728 : vector<128xf32> to vector<1x128xf32>
    %slice3A_2730 = vector.extract_strided_slice %select_n3A_1575 {offsets = [34, 0], sizes = [1, 128], strides = [1, 1]} : vector<72x128xf32> to vector<1x128xf32>
    %convert_element_type3A_2731 = arith.fptosi %slice3A_2730 : vector<1x128xf32> to vector<1x128xi32>
    %eq3A_2732 = vector.broadcast %convert_element_type3A_2731 : vector<1x128xi32> to vector<81x128xi32>
    %eq3A_2733 = arith.cmpi eq, %iota3A_1661, %eq3A_2732 : vector<81x128xi32>
    %jit3A_2734 = arith.constant 0.000000e+00 : f32
    %broadcast_in_dim3A_2735 = vector.broadcast %jit3A_2734 : f32 to vector<81x128xf32>
    %select_n3A_2736 = arith.select %eq3A_2733, %transpose3A_2720, %broadcast_in_dim3A_2735 : vector<81x128xi1>, vector<81x128xf32>
    %reduce_sum3A_2737 = arith.constant dense<0.000000e+00> : vector<128xf32>
    %reduce_sum3A_2738 = vector.multi_reduction <add>, %select_n3A_2736, %reduce_sum3A_2737 [0] : vector<81x128xf32> to vector<128xf32>
    %broadcast_in_dim3A_2739 = vector.shape_cast %reduce_sum3A_2738 : vector<128xf32> to vector<1x128xf32>
    %log3A_2740 = math.log %broadcast_in_dim3A_2729 : vector<1x128xf32>
    %add3A_2741 = arith.addf %broadcast_in_dim3A_2723, %log3A_2740 : vector<1x128xf32>
    %sub3A_2742 = arith.subf %add3A_2741, %broadcast_in_dim3A_2739 : vector<1x128xf32>
    %get3A_2743 = arith.constant 0 : index
    %get3A_2744 = arith.constant 2240 : index
    %get3A_2745 = arith.constant 0 : index
    %get3A_2746 = vector.load %arg5[%get3A_2743, %get3A_2744, %get3A_2745] : memref<1x4366x162xf32, #tpu.memory_space<vmem>>, vector<1x64x162xf32>
    %get3A_2747 = vector.shape_cast %get3A_2746 : vector<1x64x162xf32> to vector<64x162xf32>
    %slice3A_2748 = vector.extract_strided_slice %get3A_2747 {offsets = [0, 0], sizes = [64, 81], strides = [1, 1]} : vector<64x162xf32> to vector<64x81xf32>
    %slice3A_2749 = vector.extract_strided_slice %get3A_2747 {offsets = [0, 81], sizes = [64, 81], strides = [1, 1]} : vector<64x162xf32> to vector<64x81xf32>
    %concatenate3A_2750 = tpu.concatenate %slice3A_2748, %slice3A_2749 in 0 : vector<64x81xf32>, vector<64x81xf32> -> vector<128x81xf32>
    %transpose3A_2751 = tpu.transpose %concatenate3A_2750, [1, 0] : vector<128x81xf32> -> vector<81x128xf32>
    %reduce_max3A_2752 = arith.constant dense<0xFF800000> : vector<128xf32>
    %reduce_max3A_2753 = vector.multi_reduction <maximumf>, %transpose3A_2751, %reduce_max3A_2752 [0] : vector<81x128xf32> to vector<128xf32>
    %broadcast_in_dim3A_2754 = vector.shape_cast %reduce_max3A_2753 : vector<128xf32> to vector<1x128xf32>
    %sub3A_2755 = vector.broadcast %broadcast_in_dim3A_2754 : vector<1x128xf32> to vector<81x128xf32>
    %sub3A_2756 = arith.subf %transpose3A_2751, %sub3A_2755 : vector<81x128xf32>
    %exp3A_2757 = math.exp %sub3A_2756 : vector<81x128xf32>
    %reduce_sum3A_2758 = arith.constant dense<0.000000e+00> : vector<128xf32>
    %reduce_sum3A_2759 = vector.multi_reduction <add>, %exp3A_2757, %reduce_sum3A_2758 [0] : vector<81x128xf32> to vector<128xf32>
    %broadcast_in_dim3A_2760 = vector.shape_cast %reduce_sum3A_2759 : vector<128xf32> to vector<1x128xf32>
    %slice3A_2761 = vector.extract_strided_slice %select_n3A_1575 {offsets = [35, 0], sizes = [1, 128], strides = [1, 1]} : vector<72x128xf32> to vector<1x128xf32>
    %convert_element_type3A_2762 = arith.fptosi %slice3A_2761 : vector<1x128xf32> to vector<1x128xi32>
    %eq3A_2763 = vector.broadcast %convert_element_type3A_2762 : vector<1x128xi32> to vector<81x128xi32>
    %eq3A_2764 = arith.cmpi eq, %iota3A_1661, %eq3A_2763 : vector<81x128xi32>
    %jit3A_2765 = arith.constant 0.000000e+00 : f32
    %broadcast_in_dim3A_2766 = vector.broadcast %jit3A_2765 : f32 to vector<81x128xf32>
    %select_n3A_2767 = arith.select %eq3A_2764, %transpose3A_2751, %broadcast_in_dim3A_2766 : vector<81x128xi1>, vector<81x128xf32>
    %reduce_sum3A_2768 = arith.constant dense<0.000000e+00> : vector<128xf32>
    %reduce_sum3A_2769 = vector.multi_reduction <add>, %select_n3A_2767, %reduce_sum3A_2768 [0] : vector<81x128xf32> to vector<128xf32>
    %broadcast_in_dim3A_2770 = vector.shape_cast %reduce_sum3A_2769 : vector<128xf32> to vector<1x128xf32>
    %log3A_2771 = math.log %broadcast_in_dim3A_2760 : vector<1x128xf32>
    %add3A_2772 = arith.addf %broadcast_in_dim3A_2754, %log3A_2771 : vector<1x128xf32>
    %sub3A_2773 = arith.subf %add3A_2772, %broadcast_in_dim3A_2770 : vector<1x128xf32>
    %get3A_2774 = arith.constant 0 : index
    %get3A_2775 = arith.constant 2304 : index
    %get3A_2776 = arith.constant 0 : index
    %get3A_2777 = vector.load %arg5[%get3A_2774, %get3A_2775, %get3A_2776] : memref<1x4366x162xf32, #tpu.memory_space<vmem>>, vector<1x64x162xf32>
    %get3A_2778 = vector.shape_cast %get3A_2777 : vector<1x64x162xf32> to vector<64x162xf32>
    %slice3A_2779 = vector.extract_strided_slice %get3A_2778 {offsets = [0, 0], sizes = [64, 81], strides = [1, 1]} : vector<64x162xf32> to vector<64x81xf32>
    %slice3A_2780 = vector.extract_strided_slice %get3A_2778 {offsets = [0, 81], sizes = [64, 81], strides = [1, 1]} : vector<64x162xf32> to vector<64x81xf32>
    %concatenate3A_2781 = tpu.concatenate %slice3A_2779, %slice3A_2780 in 0 : vector<64x81xf32>, vector<64x81xf32> -> vector<128x81xf32>
    %transpose3A_2782 = tpu.transpose %concatenate3A_2781, [1, 0] : vector<128x81xf32> -> vector<81x128xf32>
    %reduce_max3A_2783 = arith.constant dense<0xFF800000> : vector<128xf32>
    %reduce_max3A_2784 = vector.multi_reduction <maximumf>, %transpose3A_2782, %reduce_max3A_2783 [0] : vector<81x128xf32> to vector<128xf32>
    %broadcast_in_dim3A_2785 = vector.shape_cast %reduce_max3A_2784 : vector<128xf32> to vector<1x128xf32>
    %sub3A_2786 = vector.broadcast %broadcast_in_dim3A_2785 : vector<1x128xf32> to vector<81x128xf32>
    %sub3A_2787 = arith.subf %transpose3A_2782, %sub3A_2786 : vector<81x128xf32>
    %exp3A_2788 = math.exp %sub3A_2787 : vector<81x128xf32>
    %reduce_sum3A_2789 = arith.constant dense<0.000000e+00> : vector<128xf32>
    %reduce_sum3A_2790 = vector.multi_reduction <add>, %exp3A_2788, %reduce_sum3A_2789 [0] : vector<81x128xf32> to vector<128xf32>
    %broadcast_in_dim3A_2791 = vector.shape_cast %reduce_sum3A_2790 : vector<128xf32> to vector<1x128xf32>
    %slice3A_2792 = vector.extract_strided_slice %select_n3A_1575 {offsets = [36, 0], sizes = [1, 128], strides = [1, 1]} : vector<72x128xf32> to vector<1x128xf32>
    %convert_element_type3A_2793 = arith.fptosi %slice3A_2792 : vector<1x128xf32> to vector<1x128xi32>
    %eq3A_2794 = vector.broadcast %convert_element_type3A_2793 : vector<1x128xi32> to vector<81x128xi32>
    %eq3A_2795 = arith.cmpi eq, %iota3A_1661, %eq3A_2794 : vector<81x128xi32>
    %jit3A_2796 = arith.constant 0.000000e+00 : f32
    %broadcast_in_dim3A_2797 = vector.broadcast %jit3A_2796 : f32 to vector<81x128xf32>
    %select_n3A_2798 = arith.select %eq3A_2795, %transpose3A_2782, %broadcast_in_dim3A_2797 : vector<81x128xi1>, vector<81x128xf32>
    %reduce_sum3A_2799 = arith.constant dense<0.000000e+00> : vector<128xf32>
    %reduce_sum3A_2800 = vector.multi_reduction <add>, %select_n3A_2798, %reduce_sum3A_2799 [0] : vector<81x128xf32> to vector<128xf32>
    %broadcast_in_dim3A_2801 = vector.shape_cast %reduce_sum3A_2800 : vector<128xf32> to vector<1x128xf32>
    %log3A_2802 = math.log %broadcast_in_dim3A_2791 : vector<1x128xf32>
    %add3A_2803 = arith.addf %broadcast_in_dim3A_2785, %log3A_2802 : vector<1x128xf32>
    %sub3A_2804 = arith.subf %add3A_2803, %broadcast_in_dim3A_2801 : vector<1x128xf32>
    %get3A_2805 = arith.constant 0 : index
    %get3A_2806 = arith.constant 2368 : index
    %get3A_2807 = arith.constant 0 : index
    %get3A_2808 = vector.load %arg5[%get3A_2805, %get3A_2806, %get3A_2807] : memref<1x4366x162xf32, #tpu.memory_space<vmem>>, vector<1x64x162xf32>
    %get3A_2809 = vector.shape_cast %get3A_2808 : vector<1x64x162xf32> to vector<64x162xf32>
    %slice3A_2810 = vector.extract_strided_slice %get3A_2809 {offsets = [0, 0], sizes = [64, 81], strides = [1, 1]} : vector<64x162xf32> to vector<64x81xf32>
    %slice3A_2811 = vector.extract_strided_slice %get3A_2809 {offsets = [0, 81], sizes = [64, 81], strides = [1, 1]} : vector<64x162xf32> to vector<64x81xf32>
    %concatenate3A_2812 = tpu.concatenate %slice3A_2810, %slice3A_2811 in 0 : vector<64x81xf32>, vector<64x81xf32> -> vector<128x81xf32>
    %transpose3A_2813 = tpu.transpose %concatenate3A_2812, [1, 0] : vector<128x81xf32> -> vector<81x128xf32>
    %reduce_max3A_2814 = arith.constant dense<0xFF800000> : vector<128xf32>
    %reduce_max3A_2815 = vector.multi_reduction <maximumf>, %transpose3A_2813, %reduce_max3A_2814 [0] : vector<81x128xf32> to vector<128xf32>
    %broadcast_in_dim3A_2816 = vector.shape_cast %reduce_max3A_2815 : vector<128xf32> to vector<1x128xf32>
    %sub3A_2817 = vector.broadcast %broadcast_in_dim3A_2816 : vector<1x128xf32> to vector<81x128xf32>
    %sub3A_2818 = arith.subf %transpose3A_2813, %sub3A_2817 : vector<81x128xf32>
    %exp3A_2819 = math.exp %sub3A_2818 : vector<81x128xf32>
    %reduce_sum3A_2820 = arith.constant dense<0.000000e+00> : vector<128xf32>
    %reduce_sum3A_2821 = vector.multi_reduction <add>, %exp3A_2819, %reduce_sum3A_2820 [0] : vector<81x128xf32> to vector<128xf32>
    %broadcast_in_dim3A_2822 = vector.shape_cast %reduce_sum3A_2821 : vector<128xf32> to vector<1x128xf32>
    %slice3A_2823 = vector.extract_strided_slice %select_n3A_1575 {offsets = [37, 0], sizes = [1, 128], strides = [1, 1]} : vector<72x128xf32> to vector<1x128xf32>
    %convert_element_type3A_2824 = arith.fptosi %slice3A_2823 : vector<1x128xf32> to vector<1x128xi32>
    %eq3A_2825 = vector.broadcast %convert_element_type3A_2824 : vector<1x128xi32> to vector<81x128xi32>
    %eq3A_2826 = arith.cmpi eq, %iota3A_1661, %eq3A_2825 : vector<81x128xi32>
    %jit3A_2827 = arith.constant 0.000000e+00 : f32
    %broadcast_in_dim3A_2828 = vector.broadcast %jit3A_2827 : f32 to vector<81x128xf32>
    %select_n3A_2829 = arith.select %eq3A_2826, %transpose3A_2813, %broadcast_in_dim3A_2828 : vector<81x128xi1>, vector<81x128xf32>
    %reduce_sum3A_2830 = arith.constant dense<0.000000e+00> : vector<128xf32>
    %reduce_sum3A_2831 = vector.multi_reduction <add>, %select_n3A_2829, %reduce_sum3A_2830 [0] : vector<81x128xf32> to vector<128xf32>
    %broadcast_in_dim3A_2832 = vector.shape_cast %reduce_sum3A_2831 : vector<128xf32> to vector<1x128xf32>
    %log3A_2833 = math.log %broadcast_in_dim3A_2822 : vector<1x128xf32>
    %add3A_2834 = arith.addf %broadcast_in_dim3A_2816, %log3A_2833 : vector<1x128xf32>
    %sub3A_2835 = arith.subf %add3A_2834, %broadcast_in_dim3A_2832 : vector<1x128xf32>
    %get3A_2836 = arith.constant 0 : index
    %get3A_2837 = arith.constant 2432 : index
    %get3A_2838 = arith.constant 0 : index
    %get3A_2839 = vector.load %arg5[%get3A_2836, %get3A_2837, %get3A_2838] : memref<1x4366x162xf32, #tpu.memory_space<vmem>>, vector<1x64x162xf32>
    %get3A_2840 = vector.shape_cast %get3A_2839 : vector<1x64x162xf32> to vector<64x162xf32>
    %slice3A_2841 = vector.extract_strided_slice %get3A_2840 {offsets = [0, 0], sizes = [64, 81], strides = [1, 1]} : vector<64x162xf32> to vector<64x81xf32>
    %slice3A_2842 = vector.extract_strided_slice %get3A_2840 {offsets = [0, 81], sizes = [64, 81], strides = [1, 1]} : vector<64x162xf32> to vector<64x81xf32>
    %concatenate3A_2843 = tpu.concatenate %slice3A_2841, %slice3A_2842 in 0 : vector<64x81xf32>, vector<64x81xf32> -> vector<128x81xf32>
    %transpose3A_2844 = tpu.transpose %concatenate3A_2843, [1, 0] : vector<128x81xf32> -> vector<81x128xf32>
    %reduce_max3A_2845 = arith.constant dense<0xFF800000> : vector<128xf32>
    %reduce_max3A_2846 = vector.multi_reduction <maximumf>, %transpose3A_2844, %reduce_max3A_2845 [0] : vector<81x128xf32> to vector<128xf32>
    %broadcast_in_dim3A_2847 = vector.shape_cast %reduce_max3A_2846 : vector<128xf32> to vector<1x128xf32>
    %sub3A_2848 = vector.broadcast %broadcast_in_dim3A_2847 : vector<1x128xf32> to vector<81x128xf32>
    %sub3A_2849 = arith.subf %transpose3A_2844, %sub3A_2848 : vector<81x128xf32>
    %exp3A_2850 = math.exp %sub3A_2849 : vector<81x128xf32>
    %reduce_sum3A_2851 = arith.constant dense<0.000000e+00> : vector<128xf32>
    %reduce_sum3A_2852 = vector.multi_reduction <add>, %exp3A_2850, %reduce_sum3A_2851 [0] : vector<81x128xf32> to vector<128xf32>
    %broadcast_in_dim3A_2853 = vector.shape_cast %reduce_sum3A_2852 : vector<128xf32> to vector<1x128xf32>
    %slice3A_2854 = vector.extract_strided_slice %select_n3A_1575 {offsets = [38, 0], sizes = [1, 128], strides = [1, 1]} : vector<72x128xf32> to vector<1x128xf32>
    %convert_element_type3A_2855 = arith.fptosi %slice3A_2854 : vector<1x128xf32> to vector<1x128xi32>
    %eq3A_2856 = vector.broadcast %convert_element_type3A_2855 : vector<1x128xi32> to vector<81x128xi32>
    %eq3A_2857 = arith.cmpi eq, %iota3A_1661, %eq3A_2856 : vector<81x128xi32>
    %jit3A_2858 = arith.constant 0.000000e+00 : f32
    %broadcast_in_dim3A_2859 = vector.broadcast %jit3A_2858 : f32 to vector<81x128xf32>
    %select_n3A_2860 = arith.select %eq3A_2857, %transpose3A_2844, %broadcast_in_dim3A_2859 : vector<81x128xi1>, vector<81x128xf32>
    %reduce_sum3A_2861 = arith.constant dense<0.000000e+00> : vector<128xf32>
    %reduce_sum3A_2862 = vector.multi_reduction <add>, %select_n3A_2860, %reduce_sum3A_2861 [0] : vector<81x128xf32> to vector<128xf32>
    %broadcast_in_dim3A_2863 = vector.shape_cast %reduce_sum3A_2862 : vector<128xf32> to vector<1x128xf32>
    %log3A_2864 = math.log %broadcast_in_dim3A_2853 : vector<1x128xf32>
    %add3A_2865 = arith.addf %broadcast_in_dim3A_2847, %log3A_2864 : vector<1x128xf32>
    %sub3A_2866 = arith.subf %add3A_2865, %broadcast_in_dim3A_2863 : vector<1x128xf32>
    %get3A_2867 = arith.constant 0 : index
    %get3A_2868 = arith.constant 2496 : index
    %get3A_2869 = arith.constant 0 : index
    %get3A_2870 = vector.load %arg5[%get3A_2867, %get3A_2868, %get3A_2869] : memref<1x4366x162xf32, #tpu.memory_space<vmem>>, vector<1x64x162xf32>
    %get3A_2871 = vector.shape_cast %get3A_2870 : vector<1x64x162xf32> to vector<64x162xf32>
    %slice3A_2872 = vector.extract_strided_slice %get3A_2871 {offsets = [0, 0], sizes = [64, 81], strides = [1, 1]} : vector<64x162xf32> to vector<64x81xf32>
    %slice3A_2873 = vector.extract_strided_slice %get3A_2871 {offsets = [0, 81], sizes = [64, 81], strides = [1, 1]} : vector<64x162xf32> to vector<64x81xf32>
    %concatenate3A_2874 = tpu.concatenate %slice3A_2872, %slice3A_2873 in 0 : vector<64x81xf32>, vector<64x81xf32> -> vector<128x81xf32>
    %transpose3A_2875 = tpu.transpose %concatenate3A_2874, [1, 0] : vector<128x81xf32> -> vector<81x128xf32>
    %reduce_max3A_2876 = arith.constant dense<0xFF800000> : vector<128xf32>
    %reduce_max3A_2877 = vector.multi_reduction <maximumf>, %transpose3A_2875, %reduce_max3A_2876 [0] : vector<81x128xf32> to vector<128xf32>
    %broadcast_in_dim3A_2878 = vector.shape_cast %reduce_max3A_2877 : vector<128xf32> to vector<1x128xf32>
    %sub3A_2879 = vector.broadcast %broadcast_in_dim3A_2878 : vector<1x128xf32> to vector<81x128xf32>
    %sub3A_2880 = arith.subf %transpose3A_2875, %sub3A_2879 : vector<81x128xf32>
    %exp3A_2881 = math.exp %sub3A_2880 : vector<81x128xf32>
    %reduce_sum3A_2882 = arith.constant dense<0.000000e+00> : vector<128xf32>
    %reduce_sum3A_2883 = vector.multi_reduction <add>, %exp3A_2881, %reduce_sum3A_2882 [0] : vector<81x128xf32> to vector<128xf32>
    %broadcast_in_dim3A_2884 = vector.shape_cast %reduce_sum3A_2883 : vector<128xf32> to vector<1x128xf32>
    %slice3A_2885 = vector.extract_strided_slice %select_n3A_1575 {offsets = [39, 0], sizes = [1, 128], strides = [1, 1]} : vector<72x128xf32> to vector<1x128xf32>
    %convert_element_type3A_2886 = arith.fptosi %slice3A_2885 : vector<1x128xf32> to vector<1x128xi32>
    %eq3A_2887 = vector.broadcast %convert_element_type3A_2886 : vector<1x128xi32> to vector<81x128xi32>
    %eq3A_2888 = arith.cmpi eq, %iota3A_1661, %eq3A_2887 : vector<81x128xi32>
    %jit3A_2889 = arith.constant 0.000000e+00 : f32
    %broadcast_in_dim3A_2890 = vector.broadcast %jit3A_2889 : f32 to vector<81x128xf32>
    %select_n3A_2891 = arith.select %eq3A_2888, %transpose3A_2875, %broadcast_in_dim3A_2890 : vector<81x128xi1>, vector<81x128xf32>
    %reduce_sum3A_2892 = arith.constant dense<0.000000e+00> : vector<128xf32>
    %reduce_sum3A_2893 = vector.multi_reduction <add>, %select_n3A_2891, %reduce_sum3A_2892 [0] : vector<81x128xf32> to vector<128xf32>
    %broadcast_in_dim3A_2894 = vector.shape_cast %reduce_sum3A_2893 : vector<128xf32> to vector<1x128xf32>
    %log3A_2895 = math.log %broadcast_in_dim3A_2884 : vector<1x128xf32>
    %add3A_2896 = arith.addf %broadcast_in_dim3A_2878, %log3A_2895 : vector<1x128xf32>
    %sub3A_2897 = arith.subf %add3A_2896, %broadcast_in_dim3A_2894 : vector<1x128xf32>
    %get3A_2898 = arith.constant 0 : index
    %get3A_2899 = arith.constant 2560 : index
    %get3A_2900 = arith.constant 0 : index
    %get3A_2901 = vector.load %arg5[%get3A_2898, %get3A_2899, %get3A_2900] : memref<1x4366x162xf32, #tpu.memory_space<vmem>>, vector<1x64x162xf32>
    %get3A_2902 = vector.shape_cast %get3A_2901 : vector<1x64x162xf32> to vector<64x162xf32>
    %slice3A_2903 = vector.extract_strided_slice %get3A_2902 {offsets = [0, 0], sizes = [64, 81], strides = [1, 1]} : vector<64x162xf32> to vector<64x81xf32>
    %slice3A_2904 = vector.extract_strided_slice %get3A_2902 {offsets = [0, 81], sizes = [64, 81], strides = [1, 1]} : vector<64x162xf32> to vector<64x81xf32>
    %concatenate3A_2905 = tpu.concatenate %slice3A_2903, %slice3A_2904 in 0 : vector<64x81xf32>, vector<64x81xf32> -> vector<128x81xf32>
    %transpose3A_2906 = tpu.transpose %concatenate3A_2905, [1, 0] : vector<128x81xf32> -> vector<81x128xf32>
    %reduce_max3A_2907 = arith.constant dense<0xFF800000> : vector<128xf32>
    %reduce_max3A_2908 = vector.multi_reduction <maximumf>, %transpose3A_2906, %reduce_max3A_2907 [0] : vector<81x128xf32> to vector<128xf32>
    %broadcast_in_dim3A_2909 = vector.shape_cast %reduce_max3A_2908 : vector<128xf32> to vector<1x128xf32>
    %sub3A_2910 = vector.broadcast %broadcast_in_dim3A_2909 : vector<1x128xf32> to vector<81x128xf32>
    %sub3A_2911 = arith.subf %transpose3A_2906, %sub3A_2910 : vector<81x128xf32>
    %exp3A_2912 = math.exp %sub3A_2911 : vector<81x128xf32>
    %reduce_sum3A_2913 = arith.constant dense<0.000000e+00> : vector<128xf32>
    %reduce_sum3A_2914 = vector.multi_reduction <add>, %exp3A_2912, %reduce_sum3A_2913 [0] : vector<81x128xf32> to vector<128xf32>
    %broadcast_in_dim3A_2915 = vector.shape_cast %reduce_sum3A_2914 : vector<128xf32> to vector<1x128xf32>
    %slice3A_2916 = vector.extract_strided_slice %select_n3A_1575 {offsets = [40, 0], sizes = [1, 128], strides = [1, 1]} : vector<72x128xf32> to vector<1x128xf32>
    %convert_element_type3A_2917 = arith.fptosi %slice3A_2916 : vector<1x128xf32> to vector<1x128xi32>
    %eq3A_2918 = vector.broadcast %convert_element_type3A_2917 : vector<1x128xi32> to vector<81x128xi32>
    %eq3A_2919 = arith.cmpi eq, %iota3A_1661, %eq3A_2918 : vector<81x128xi32>
    %jit3A_2920 = arith.constant 0.000000e+00 : f32
    %broadcast_in_dim3A_2921 = vector.broadcast %jit3A_2920 : f32 to vector<81x128xf32>
    %select_n3A_2922 = arith.select %eq3A_2919, %transpose3A_2906, %broadcast_in_dim3A_2921 : vector<81x128xi1>, vector<81x128xf32>
    %reduce_sum3A_2923 = arith.constant dense<0.000000e+00> : vector<128xf32>
    %reduce_sum3A_2924 = vector.multi_reduction <add>, %select_n3A_2922, %reduce_sum3A_2923 [0] : vector<81x128xf32> to vector<128xf32>
    %broadcast_in_dim3A_2925 = vector.shape_cast %reduce_sum3A_2924 : vector<128xf32> to vector<1x128xf32>
    %log3A_2926 = math.log %broadcast_in_dim3A_2915 : vector<1x128xf32>
    %add3A_2927 = arith.addf %broadcast_in_dim3A_2909, %log3A_2926 : vector<1x128xf32>
    %sub3A_2928 = arith.subf %add3A_2927, %broadcast_in_dim3A_2925 : vector<1x128xf32>
    %get3A_2929 = arith.constant 0 : index
    %get3A_2930 = arith.constant 2624 : index
    %get3A_2931 = arith.constant 0 : index
    %get3A_2932 = vector.load %arg5[%get3A_2929, %get3A_2930, %get3A_2931] : memref<1x4366x162xf32, #tpu.memory_space<vmem>>, vector<1x64x162xf32>
    %get3A_2933 = vector.shape_cast %get3A_2932 : vector<1x64x162xf32> to vector<64x162xf32>
    %slice3A_2934 = vector.extract_strided_slice %get3A_2933 {offsets = [0, 0], sizes = [64, 81], strides = [1, 1]} : vector<64x162xf32> to vector<64x81xf32>
    %slice3A_2935 = vector.extract_strided_slice %get3A_2933 {offsets = [0, 81], sizes = [64, 81], strides = [1, 1]} : vector<64x162xf32> to vector<64x81xf32>
    %concatenate3A_2936 = tpu.concatenate %slice3A_2934, %slice3A_2935 in 0 : vector<64x81xf32>, vector<64x81xf32> -> vector<128x81xf32>
    %transpose3A_2937 = tpu.transpose %concatenate3A_2936, [1, 0] : vector<128x81xf32> -> vector<81x128xf32>
    %reduce_max3A_2938 = arith.constant dense<0xFF800000> : vector<128xf32>
    %reduce_max3A_2939 = vector.multi_reduction <maximumf>, %transpose3A_2937, %reduce_max3A_2938 [0] : vector<81x128xf32> to vector<128xf32>
    %broadcast_in_dim3A_2940 = vector.shape_cast %reduce_max3A_2939 : vector<128xf32> to vector<1x128xf32>
    %sub3A_2941 = vector.broadcast %broadcast_in_dim3A_2940 : vector<1x128xf32> to vector<81x128xf32>
    %sub3A_2942 = arith.subf %transpose3A_2937, %sub3A_2941 : vector<81x128xf32>
    %exp3A_2943 = math.exp %sub3A_2942 : vector<81x128xf32>
    %reduce_sum3A_2944 = arith.constant dense<0.000000e+00> : vector<128xf32>
    %reduce_sum3A_2945 = vector.multi_reduction <add>, %exp3A_2943, %reduce_sum3A_2944 [0] : vector<81x128xf32> to vector<128xf32>
    %broadcast_in_dim3A_2946 = vector.shape_cast %reduce_sum3A_2945 : vector<128xf32> to vector<1x128xf32>
    %slice3A_2947 = vector.extract_strided_slice %select_n3A_1575 {offsets = [41, 0], sizes = [1, 128], strides = [1, 1]} : vector<72x128xf32> to vector<1x128xf32>
    %convert_element_type3A_2948 = arith.fptosi %slice3A_2947 : vector<1x128xf32> to vector<1x128xi32>
    %eq3A_2949 = vector.broadcast %convert_element_type3A_2948 : vector<1x128xi32> to vector<81x128xi32>
    %eq3A_2950 = arith.cmpi eq, %iota3A_1661, %eq3A_2949 : vector<81x128xi32>
    %jit3A_2951 = arith.constant 0.000000e+00 : f32
    %broadcast_in_dim3A_2952 = vector.broadcast %jit3A_2951 : f32 to vector<81x128xf32>
    %select_n3A_2953 = arith.select %eq3A_2950, %transpose3A_2937, %broadcast_in_dim3A_2952 : vector<81x128xi1>, vector<81x128xf32>
    %reduce_sum3A_2954 = arith.constant dense<0.000000e+00> : vector<128xf32>
    %reduce_sum3A_2955 = vector.multi_reduction <add>, %select_n3A_2953, %reduce_sum3A_2954 [0] : vector<81x128xf32> to vector<128xf32>
    %broadcast_in_dim3A_2956 = vector.shape_cast %reduce_sum3A_2955 : vector<128xf32> to vector<1x128xf32>
    %log3A_2957 = math.log %broadcast_in_dim3A_2946 : vector<1x128xf32>
    %add3A_2958 = arith.addf %broadcast_in_dim3A_2940, %log3A_2957 : vector<1x128xf32>
    %sub3A_2959 = arith.subf %add3A_2958, %broadcast_in_dim3A_2956 : vector<1x128xf32>
    %get3A_2960 = arith.constant 0 : index
    %get3A_2961 = arith.constant 2688 : index
    %get3A_2962 = arith.constant 0 : index
    %get3A_2963 = vector.load %arg5[%get3A_2960, %get3A_2961, %get3A_2962] : memref<1x4366x162xf32, #tpu.memory_space<vmem>>, vector<1x64x162xf32>
    %get3A_2964 = vector.shape_cast %get3A_2963 : vector<1x64x162xf32> to vector<64x162xf32>
    %slice3A_2965 = vector.extract_strided_slice %get3A_2964 {offsets = [0, 0], sizes = [64, 81], strides = [1, 1]} : vector<64x162xf32> to vector<64x81xf32>
    %slice3A_2966 = vector.extract_strided_slice %get3A_2964 {offsets = [0, 81], sizes = [64, 81], strides = [1, 1]} : vector<64x162xf32> to vector<64x81xf32>
    %concatenate3A_2967 = tpu.concatenate %slice3A_2965, %slice3A_2966 in 0 : vector<64x81xf32>, vector<64x81xf32> -> vector<128x81xf32>
    %transpose3A_2968 = tpu.transpose %concatenate3A_2967, [1, 0] : vector<128x81xf32> -> vector<81x128xf32>
    %reduce_max3A_2969 = arith.constant dense<0xFF800000> : vector<128xf32>
    %reduce_max3A_2970 = vector.multi_reduction <maximumf>, %transpose3A_2968, %reduce_max3A_2969 [0] : vector<81x128xf32> to vector<128xf32>
    %broadcast_in_dim3A_2971 = vector.shape_cast %reduce_max3A_2970 : vector<128xf32> to vector<1x128xf32>
    %sub3A_2972 = vector.broadcast %broadcast_in_dim3A_2971 : vector<1x128xf32> to vector<81x128xf32>
    %sub3A_2973 = arith.subf %transpose3A_2968, %sub3A_2972 : vector<81x128xf32>
    %exp3A_2974 = math.exp %sub3A_2973 : vector<81x128xf32>
    %reduce_sum3A_2975 = arith.constant dense<0.000000e+00> : vector<128xf32>
    %reduce_sum3A_2976 = vector.multi_reduction <add>, %exp3A_2974, %reduce_sum3A_2975 [0] : vector<81x128xf32> to vector<128xf32>
    %broadcast_in_dim3A_2977 = vector.shape_cast %reduce_sum3A_2976 : vector<128xf32> to vector<1x128xf32>
    %slice3A_2978 = vector.extract_strided_slice %select_n3A_1575 {offsets = [42, 0], sizes = [1, 128], strides = [1, 1]} : vector<72x128xf32> to vector<1x128xf32>
    %convert_element_type3A_2979 = arith.fptosi %slice3A_2978 : vector<1x128xf32> to vector<1x128xi32>
    %eq3A_2980 = vector.broadcast %convert_element_type3A_2979 : vector<1x128xi32> to vector<81x128xi32>
    %eq3A_2981 = arith.cmpi eq, %iota3A_1661, %eq3A_2980 : vector<81x128xi32>
    %jit3A_2982 = arith.constant 0.000000e+00 : f32
    %broadcast_in_dim3A_2983 = vector.broadcast %jit3A_2982 : f32 to vector<81x128xf32>
    %select_n3A_2984 = arith.select %eq3A_2981, %transpose3A_2968, %broadcast_in_dim3A_2983 : vector<81x128xi1>, vector<81x128xf32>
    %reduce_sum3A_2985 = arith.constant dense<0.000000e+00> : vector<128xf32>
    %reduce_sum3A_2986 = vector.multi_reduction <add>, %select_n3A_2984, %reduce_sum3A_2985 [0] : vector<81x128xf32> to vector<128xf32>
    %broadcast_in_dim3A_2987 = vector.shape_cast %reduce_sum3A_2986 : vector<128xf32> to vector<1x128xf32>
    %log3A_2988 = math.log %broadcast_in_dim3A_2977 : vector<1x128xf32>
    %add3A_2989 = arith.addf %broadcast_in_dim3A_2971, %log3A_2988 : vector<1x128xf32>
    %sub3A_2990 = arith.subf %add3A_2989, %broadcast_in_dim3A_2987 : vector<1x128xf32>
    %get3A_2991 = arith.constant 0 : index
    %get3A_2992 = arith.constant 2752 : index
    %get3A_2993 = arith.constant 0 : index
    %get3A_2994 = vector.load %arg5[%get3A_2991, %get3A_2992, %get3A_2993] : memref<1x4366x162xf32, #tpu.memory_space<vmem>>, vector<1x64x162xf32>
    %get3A_2995 = vector.shape_cast %get3A_2994 : vector<1x64x162xf32> to vector<64x162xf32>
    %slice3A_2996 = vector.extract_strided_slice %get3A_2995 {offsets = [0, 0], sizes = [64, 81], strides = [1, 1]} : vector<64x162xf32> to vector<64x81xf32>
    %slice3A_2997 = vector.extract_strided_slice %get3A_2995 {offsets = [0, 81], sizes = [64, 81], strides = [1, 1]} : vector<64x162xf32> to vector<64x81xf32>
    %concatenate3A_2998 = tpu.concatenate %slice3A_2996, %slice3A_2997 in 0 : vector<64x81xf32>, vector<64x81xf32> -> vector<128x81xf32>
    %transpose3A_2999 = tpu.transpose %concatenate3A_2998, [1, 0] : vector<128x81xf32> -> vector<81x128xf32>
    %reduce_max3A_3000 = arith.constant dense<0xFF800000> : vector<128xf32>
    %reduce_max3A_3001 = vector.multi_reduction <maximumf>, %transpose3A_2999, %reduce_max3A_3000 [0] : vector<81x128xf32> to vector<128xf32>
    %broadcast_in_dim3A_3002 = vector.shape_cast %reduce_max3A_3001 : vector<128xf32> to vector<1x128xf32>
    %sub3A_3003 = vector.broadcast %broadcast_in_dim3A_3002 : vector<1x128xf32> to vector<81x128xf32>
    %sub3A_3004 = arith.subf %transpose3A_2999, %sub3A_3003 : vector<81x128xf32>
    %exp3A_3005 = math.exp %sub3A_3004 : vector<81x128xf32>
    %reduce_sum3A_3006 = arith.constant dense<0.000000e+00> : vector<128xf32>
    %reduce_sum3A_3007 = vector.multi_reduction <add>, %exp3A_3005, %reduce_sum3A_3006 [0] : vector<81x128xf32> to vector<128xf32>
    %broadcast_in_dim3A_3008 = vector.shape_cast %reduce_sum3A_3007 : vector<128xf32> to vector<1x128xf32>
    %slice3A_3009 = vector.extract_strided_slice %select_n3A_1575 {offsets = [43, 0], sizes = [1, 128], strides = [1, 1]} : vector<72x128xf32> to vector<1x128xf32>
    %convert_element_type3A_3010 = arith.fptosi %slice3A_3009 : vector<1x128xf32> to vector<1x128xi32>
    %eq3A_3011 = vector.broadcast %convert_element_type3A_3010 : vector<1x128xi32> to vector<81x128xi32>
    %eq3A_3012 = arith.cmpi eq, %iota3A_1661, %eq3A_3011 : vector<81x128xi32>
    %jit3A_3013 = arith.constant 0.000000e+00 : f32
    %broadcast_in_dim3A_3014 = vector.broadcast %jit3A_3013 : f32 to vector<81x128xf32>
    %select_n3A_3015 = arith.select %eq3A_3012, %transpose3A_2999, %broadcast_in_dim3A_3014 : vector<81x128xi1>, vector<81x128xf32>
    %reduce_sum3A_3016 = arith.constant dense<0.000000e+00> : vector<128xf32>
    %reduce_sum3A_3017 = vector.multi_reduction <add>, %select_n3A_3015, %reduce_sum3A_3016 [0] : vector<81x128xf32> to vector<128xf32>
    %broadcast_in_dim3A_3018 = vector.shape_cast %reduce_sum3A_3017 : vector<128xf32> to vector<1x128xf32>
    %log3A_3019 = math.log %broadcast_in_dim3A_3008 : vector<1x128xf32>
    %add3A_3020 = arith.addf %broadcast_in_dim3A_3002, %log3A_3019 : vector<1x128xf32>
    %sub3A_3021 = arith.subf %add3A_3020, %broadcast_in_dim3A_3018 : vector<1x128xf32>
    %get3A_3022 = arith.constant 0 : index
    %get3A_3023 = arith.constant 2816 : index
    %get3A_3024 = arith.constant 0 : index
    %get3A_3025 = vector.load %arg5[%get3A_3022, %get3A_3023, %get3A_3024] : memref<1x4366x162xf32, #tpu.memory_space<vmem>>, vector<1x64x162xf32>
    %get3A_3026 = vector.shape_cast %get3A_3025 : vector<1x64x162xf32> to vector<64x162xf32>
    %slice3A_3027 = vector.extract_strided_slice %get3A_3026 {offsets = [0, 0], sizes = [64, 81], strides = [1, 1]} : vector<64x162xf32> to vector<64x81xf32>
    %slice3A_3028 = vector.extract_strided_slice %get3A_3026 {offsets = [0, 81], sizes = [64, 81], strides = [1, 1]} : vector<64x162xf32> to vector<64x81xf32>
    %concatenate3A_3029 = tpu.concatenate %slice3A_3027, %slice3A_3028 in 0 : vector<64x81xf32>, vector<64x81xf32> -> vector<128x81xf32>
    %transpose3A_3030 = tpu.transpose %concatenate3A_3029, [1, 0] : vector<128x81xf32> -> vector<81x128xf32>
    %reduce_max3A_3031 = arith.constant dense<0xFF800000> : vector<128xf32>
    %reduce_max3A_3032 = vector.multi_reduction <maximumf>, %transpose3A_3030, %reduce_max3A_3031 [0] : vector<81x128xf32> to vector<128xf32>
    %broadcast_in_dim3A_3033 = vector.shape_cast %reduce_max3A_3032 : vector<128xf32> to vector<1x128xf32>
    %sub3A_3034 = vector.broadcast %broadcast_in_dim3A_3033 : vector<1x128xf32> to vector<81x128xf32>
    %sub3A_3035 = arith.subf %transpose3A_3030, %sub3A_3034 : vector<81x128xf32>
    %exp3A_3036 = math.exp %sub3A_3035 : vector<81x128xf32>
    %reduce_sum3A_3037 = arith.constant dense<0.000000e+00> : vector<128xf32>
    %reduce_sum3A_3038 = vector.multi_reduction <add>, %exp3A_3036, %reduce_sum3A_3037 [0] : vector<81x128xf32> to vector<128xf32>
    %broadcast_in_dim3A_3039 = vector.shape_cast %reduce_sum3A_3038 : vector<128xf32> to vector<1x128xf32>
    %slice3A_3040 = vector.extract_strided_slice %select_n3A_1575 {offsets = [44, 0], sizes = [1, 128], strides = [1, 1]} : vector<72x128xf32> to vector<1x128xf32>
    %convert_element_type3A_3041 = arith.fptosi %slice3A_3040 : vector<1x128xf32> to vector<1x128xi32>
    %eq3A_3042 = vector.broadcast %convert_element_type3A_3041 : vector<1x128xi32> to vector<81x128xi32>
    %eq3A_3043 = arith.cmpi eq, %iota3A_1661, %eq3A_3042 : vector<81x128xi32>
    %jit3A_3044 = arith.constant 0.000000e+00 : f32
    %broadcast_in_dim3A_3045 = vector.broadcast %jit3A_3044 : f32 to vector<81x128xf32>
    %select_n3A_3046 = arith.select %eq3A_3043, %transpose3A_3030, %broadcast_in_dim3A_3045 : vector<81x128xi1>, vector<81x128xf32>
    %reduce_sum3A_3047 = arith.constant dense<0.000000e+00> : vector<128xf32>
    %reduce_sum3A_3048 = vector.multi_reduction <add>, %select_n3A_3046, %reduce_sum3A_3047 [0] : vector<81x128xf32> to vector<128xf32>
    %broadcast_in_dim3A_3049 = vector.shape_cast %reduce_sum3A_3048 : vector<128xf32> to vector<1x128xf32>
    %log3A_3050 = math.log %broadcast_in_dim3A_3039 : vector<1x128xf32>
    %add3A_3051 = arith.addf %broadcast_in_dim3A_3033, %log3A_3050 : vector<1x128xf32>
    %sub3A_3052 = arith.subf %add3A_3051, %broadcast_in_dim3A_3049 : vector<1x128xf32>
    %get3A_3053 = arith.constant 0 : index
    %get3A_3054 = arith.constant 2880 : index
    %get3A_3055 = arith.constant 0 : index
    %get3A_3056 = vector.load %arg5[%get3A_3053, %get3A_3054, %get3A_3055] : memref<1x4366x162xf32, #tpu.memory_space<vmem>>, vector<1x64x162xf32>
    %get3A_3057 = vector.shape_cast %get3A_3056 : vector<1x64x162xf32> to vector<64x162xf32>
    %slice3A_3058 = vector.extract_strided_slice %get3A_3057 {offsets = [0, 0], sizes = [64, 81], strides = [1, 1]} : vector<64x162xf32> to vector<64x81xf32>
    %slice3A_3059 = vector.extract_strided_slice %get3A_3057 {offsets = [0, 81], sizes = [64, 81], strides = [1, 1]} : vector<64x162xf32> to vector<64x81xf32>
    %concatenate3A_3060 = tpu.concatenate %slice3A_3058, %slice3A_3059 in 0 : vector<64x81xf32>, vector<64x81xf32> -> vector<128x81xf32>
    %transpose3A_3061 = tpu.transpose %concatenate3A_3060, [1, 0] : vector<128x81xf32> -> vector<81x128xf32>
    %reduce_max3A_3062 = arith.constant dense<0xFF800000> : vector<128xf32>
    %reduce_max3A_3063 = vector.multi_reduction <maximumf>, %transpose3A_3061, %reduce_max3A_3062 [0] : vector<81x128xf32> to vector<128xf32>
    %broadcast_in_dim3A_3064 = vector.shape_cast %reduce_max3A_3063 : vector<128xf32> to vector<1x128xf32>
    %sub3A_3065 = vector.broadcast %broadcast_in_dim3A_3064 : vector<1x128xf32> to vector<81x128xf32>
    %sub3A_3066 = arith.subf %transpose3A_3061, %sub3A_3065 : vector<81x128xf32>
    %exp3A_3067 = math.exp %sub3A_3066 : vector<81x128xf32>
    %reduce_sum3A_3068 = arith.constant dense<0.000000e+00> : vector<128xf32>
    %reduce_sum3A_3069 = vector.multi_reduction <add>, %exp3A_3067, %reduce_sum3A_3068 [0] : vector<81x128xf32> to vector<128xf32>
    %broadcast_in_dim3A_3070 = vector.shape_cast %reduce_sum3A_3069 : vector<128xf32> to vector<1x128xf32>
    %slice3A_3071 = vector.extract_strided_slice %select_n3A_1575 {offsets = [45, 0], sizes = [1, 128], strides = [1, 1]} : vector<72x128xf32> to vector<1x128xf32>
    %convert_element_type3A_3072 = arith.fptosi %slice3A_3071 : vector<1x128xf32> to vector<1x128xi32>
    %eq3A_3073 = vector.broadcast %convert_element_type3A_3072 : vector<1x128xi32> to vector<81x128xi32>
    %eq3A_3074 = arith.cmpi eq, %iota3A_1661, %eq3A_3073 : vector<81x128xi32>
    %jit3A_3075 = arith.constant 0.000000e+00 : f32
    %broadcast_in_dim3A_3076 = vector.broadcast %jit3A_3075 : f32 to vector<81x128xf32>
    %select_n3A_3077 = arith.select %eq3A_3074, %transpose3A_3061, %broadcast_in_dim3A_3076 : vector<81x128xi1>, vector<81x128xf32>
    %reduce_sum3A_3078 = arith.constant dense<0.000000e+00> : vector<128xf32>
    %reduce_sum3A_3079 = vector.multi_reduction <add>, %select_n3A_3077, %reduce_sum3A_3078 [0] : vector<81x128xf32> to vector<128xf32>
    %broadcast_in_dim3A_3080 = vector.shape_cast %reduce_sum3A_3079 : vector<128xf32> to vector<1x128xf32>
    %log3A_3081 = math.log %broadcast_in_dim3A_3070 : vector<1x128xf32>
    %add3A_3082 = arith.addf %broadcast_in_dim3A_3064, %log3A_3081 : vector<1x128xf32>
    %sub3A_3083 = arith.subf %add3A_3082, %broadcast_in_dim3A_3080 : vector<1x128xf32>
    %get3A_3084 = arith.constant 0 : index
    %get3A_3085 = arith.constant 2944 : index
    %get3A_3086 = arith.constant 0 : index
    %get3A_3087 = vector.load %arg5[%get3A_3084, %get3A_3085, %get3A_3086] : memref<1x4366x162xf32, #tpu.memory_space<vmem>>, vector<1x64x162xf32>
    %get3A_3088 = vector.shape_cast %get3A_3087 : vector<1x64x162xf32> to vector<64x162xf32>
    %slice3A_3089 = vector.extract_strided_slice %get3A_3088 {offsets = [0, 0], sizes = [64, 81], strides = [1, 1]} : vector<64x162xf32> to vector<64x81xf32>
    %slice3A_3090 = vector.extract_strided_slice %get3A_3088 {offsets = [0, 81], sizes = [64, 81], strides = [1, 1]} : vector<64x162xf32> to vector<64x81xf32>
    %concatenate3A_3091 = tpu.concatenate %slice3A_3089, %slice3A_3090 in 0 : vector<64x81xf32>, vector<64x81xf32> -> vector<128x81xf32>
    %transpose3A_3092 = tpu.transpose %concatenate3A_3091, [1, 0] : vector<128x81xf32> -> vector<81x128xf32>
    %reduce_max3A_3093 = arith.constant dense<0xFF800000> : vector<128xf32>
    %reduce_max3A_3094 = vector.multi_reduction <maximumf>, %transpose3A_3092, %reduce_max3A_3093 [0] : vector<81x128xf32> to vector<128xf32>
    %broadcast_in_dim3A_3095 = vector.shape_cast %reduce_max3A_3094 : vector<128xf32> to vector<1x128xf32>
    %sub3A_3096 = vector.broadcast %broadcast_in_dim3A_3095 : vector<1x128xf32> to vector<81x128xf32>
    %sub3A_3097 = arith.subf %transpose3A_3092, %sub3A_3096 : vector<81x128xf32>
    %exp3A_3098 = math.exp %sub3A_3097 : vector<81x128xf32>
    %reduce_sum3A_3099 = arith.constant dense<0.000000e+00> : vector<128xf32>
    %reduce_sum3A_3100 = vector.multi_reduction <add>, %exp3A_3098, %reduce_sum3A_3099 [0] : vector<81x128xf32> to vector<128xf32>
    %broadcast_in_dim3A_3101 = vector.shape_cast %reduce_sum3A_3100 : vector<128xf32> to vector<1x128xf32>
    %slice3A_3102 = vector.extract_strided_slice %select_n3A_1575 {offsets = [46, 0], sizes = [1, 128], strides = [1, 1]} : vector<72x128xf32> to vector<1x128xf32>
    %convert_element_type3A_3103 = arith.fptosi %slice3A_3102 : vector<1x128xf32> to vector<1x128xi32>
    %eq3A_3104 = vector.broadcast %convert_element_type3A_3103 : vector<1x128xi32> to vector<81x128xi32>
    %eq3A_3105 = arith.cmpi eq, %iota3A_1661, %eq3A_3104 : vector<81x128xi32>
    %jit3A_3106 = arith.constant 0.000000e+00 : f32
    %broadcast_in_dim3A_3107 = vector.broadcast %jit3A_3106 : f32 to vector<81x128xf32>
    %select_n3A_3108 = arith.select %eq3A_3105, %transpose3A_3092, %broadcast_in_dim3A_3107 : vector<81x128xi1>, vector<81x128xf32>
    %reduce_sum3A_3109 = arith.constant dense<0.000000e+00> : vector<128xf32>
    %reduce_sum3A_3110 = vector.multi_reduction <add>, %select_n3A_3108, %reduce_sum3A_3109 [0] : vector<81x128xf32> to vector<128xf32>
    %broadcast_in_dim3A_3111 = vector.shape_cast %reduce_sum3A_3110 : vector<128xf32> to vector<1x128xf32>
    %log3A_3112 = math.log %broadcast_in_dim3A_3101 : vector<1x128xf32>
    %add3A_3113 = arith.addf %broadcast_in_dim3A_3095, %log3A_3112 : vector<1x128xf32>
    %sub3A_3114 = arith.subf %add3A_3113, %broadcast_in_dim3A_3111 : vector<1x128xf32>
    %get3A_3115 = arith.constant 0 : index
    %get3A_3116 = arith.constant 3008 : index
    %get3A_3117 = arith.constant 0 : index
    %get3A_3118 = vector.load %arg5[%get3A_3115, %get3A_3116, %get3A_3117] : memref<1x4366x162xf32, #tpu.memory_space<vmem>>, vector<1x64x162xf32>
    %get3A_3119 = vector.shape_cast %get3A_3118 : vector<1x64x162xf32> to vector<64x162xf32>
    %slice3A_3120 = vector.extract_strided_slice %get3A_3119 {offsets = [0, 0], sizes = [64, 81], strides = [1, 1]} : vector<64x162xf32> to vector<64x81xf32>
    %slice3A_3121 = vector.extract_strided_slice %get3A_3119 {offsets = [0, 81], sizes = [64, 81], strides = [1, 1]} : vector<64x162xf32> to vector<64x81xf32>
    %concatenate3A_3122 = tpu.concatenate %slice3A_3120, %slice3A_3121 in 0 : vector<64x81xf32>, vector<64x81xf32> -> vector<128x81xf32>
    %transpose3A_3123 = tpu.transpose %concatenate3A_3122, [1, 0] : vector<128x81xf32> -> vector<81x128xf32>
    %reduce_max3A_3124 = arith.constant dense<0xFF800000> : vector<128xf32>
    %reduce_max3A_3125 = vector.multi_reduction <maximumf>, %transpose3A_3123, %reduce_max3A_3124 [0] : vector<81x128xf32> to vector<128xf32>
    %broadcast_in_dim3A_3126 = vector.shape_cast %reduce_max3A_3125 : vector<128xf32> to vector<1x128xf32>
    %sub3A_3127 = vector.broadcast %broadcast_in_dim3A_3126 : vector<1x128xf32> to vector<81x128xf32>
    %sub3A_3128 = arith.subf %transpose3A_3123, %sub3A_3127 : vector<81x128xf32>
    %exp3A_3129 = math.exp %sub3A_3128 : vector<81x128xf32>
    %reduce_sum3A_3130 = arith.constant dense<0.000000e+00> : vector<128xf32>
    %reduce_sum3A_3131 = vector.multi_reduction <add>, %exp3A_3129, %reduce_sum3A_3130 [0] : vector<81x128xf32> to vector<128xf32>
    %broadcast_in_dim3A_3132 = vector.shape_cast %reduce_sum3A_3131 : vector<128xf32> to vector<1x128xf32>
    %slice3A_3133 = vector.extract_strided_slice %select_n3A_1575 {offsets = [47, 0], sizes = [1, 128], strides = [1, 1]} : vector<72x128xf32> to vector<1x128xf32>
    %convert_element_type3A_3134 = arith.fptosi %slice3A_3133 : vector<1x128xf32> to vector<1x128xi32>
    %eq3A_3135 = vector.broadcast %convert_element_type3A_3134 : vector<1x128xi32> to vector<81x128xi32>
    %eq3A_3136 = arith.cmpi eq, %iota3A_1661, %eq3A_3135 : vector<81x128xi32>
    %jit3A_3137 = arith.constant 0.000000e+00 : f32
    %broadcast_in_dim3A_3138 = vector.broadcast %jit3A_3137 : f32 to vector<81x128xf32>
    %select_n3A_3139 = arith.select %eq3A_3136, %transpose3A_3123, %broadcast_in_dim3A_3138 : vector<81x128xi1>, vector<81x128xf32>
    %reduce_sum3A_3140 = arith.constant dense<0.000000e+00> : vector<128xf32>
    %reduce_sum3A_3141 = vector.multi_reduction <add>, %select_n3A_3139, %reduce_sum3A_3140 [0] : vector<81x128xf32> to vector<128xf32>
    %broadcast_in_dim3A_3142 = vector.shape_cast %reduce_sum3A_3141 : vector<128xf32> to vector<1x128xf32>
    %log3A_3143 = math.log %broadcast_in_dim3A_3132 : vector<1x128xf32>
    %add3A_3144 = arith.addf %broadcast_in_dim3A_3126, %log3A_3143 : vector<1x128xf32>
    %sub3A_3145 = arith.subf %add3A_3144, %broadcast_in_dim3A_3142 : vector<1x128xf32>
    %get3A_3146 = arith.constant 0 : index
    %get3A_3147 = arith.constant 3072 : index
    %get3A_3148 = arith.constant 0 : index
    %get3A_3149 = vector.load %arg5[%get3A_3146, %get3A_3147, %get3A_3148] : memref<1x4366x162xf32, #tpu.memory_space<vmem>>, vector<1x64x162xf32>
    %get3A_3150 = vector.shape_cast %get3A_3149 : vector<1x64x162xf32> to vector<64x162xf32>
    %slice3A_3151 = vector.extract_strided_slice %get3A_3150 {offsets = [0, 0], sizes = [64, 81], strides = [1, 1]} : vector<64x162xf32> to vector<64x81xf32>
    %slice3A_3152 = vector.extract_strided_slice %get3A_3150 {offsets = [0, 81], sizes = [64, 81], strides = [1, 1]} : vector<64x162xf32> to vector<64x81xf32>
    %concatenate3A_3153 = tpu.concatenate %slice3A_3151, %slice3A_3152 in 0 : vector<64x81xf32>, vector<64x81xf32> -> vector<128x81xf32>
    %transpose3A_3154 = tpu.transpose %concatenate3A_3153, [1, 0] : vector<128x81xf32> -> vector<81x128xf32>
    %reduce_max3A_3155 = arith.constant dense<0xFF800000> : vector<128xf32>
    %reduce_max3A_3156 = vector.multi_reduction <maximumf>, %transpose3A_3154, %reduce_max3A_3155 [0] : vector<81x128xf32> to vector<128xf32>
    %broadcast_in_dim3A_3157 = vector.shape_cast %reduce_max3A_3156 : vector<128xf32> to vector<1x128xf32>
    %sub3A_3158 = vector.broadcast %broadcast_in_dim3A_3157 : vector<1x128xf32> to vector<81x128xf32>
    %sub3A_3159 = arith.subf %transpose3A_3154, %sub3A_3158 : vector<81x128xf32>
    %exp3A_3160 = math.exp %sub3A_3159 : vector<81x128xf32>
    %reduce_sum3A_3161 = arith.constant dense<0.000000e+00> : vector<128xf32>
    %reduce_sum3A_3162 = vector.multi_reduction <add>, %exp3A_3160, %reduce_sum3A_3161 [0] : vector<81x128xf32> to vector<128xf32>
    %broadcast_in_dim3A_3163 = vector.shape_cast %reduce_sum3A_3162 : vector<128xf32> to vector<1x128xf32>
    %slice3A_3164 = vector.extract_strided_slice %select_n3A_1575 {offsets = [48, 0], sizes = [1, 128], strides = [1, 1]} : vector<72x128xf32> to vector<1x128xf32>
    %convert_element_type3A_3165 = arith.fptosi %slice3A_3164 : vector<1x128xf32> to vector<1x128xi32>
    %eq3A_3166 = vector.broadcast %convert_element_type3A_3165 : vector<1x128xi32> to vector<81x128xi32>
    %eq3A_3167 = arith.cmpi eq, %iota3A_1661, %eq3A_3166 : vector<81x128xi32>
    %jit3A_3168 = arith.constant 0.000000e+00 : f32
    %broadcast_in_dim3A_3169 = vector.broadcast %jit3A_3168 : f32 to vector<81x128xf32>
    %select_n3A_3170 = arith.select %eq3A_3167, %transpose3A_3154, %broadcast_in_dim3A_3169 : vector<81x128xi1>, vector<81x128xf32>
    %reduce_sum3A_3171 = arith.constant dense<0.000000e+00> : vector<128xf32>
    %reduce_sum3A_3172 = vector.multi_reduction <add>, %select_n3A_3170, %reduce_sum3A_3171 [0] : vector<81x128xf32> to vector<128xf32>
    %broadcast_in_dim3A_3173 = vector.shape_cast %reduce_sum3A_3172 : vector<128xf32> to vector<1x128xf32>
    %log3A_3174 = math.log %broadcast_in_dim3A_3163 : vector<1x128xf32>
    %add3A_3175 = arith.addf %broadcast_in_dim3A_3157, %log3A_3174 : vector<1x128xf32>
    %sub3A_3176 = arith.subf %add3A_3175, %broadcast_in_dim3A_3173 : vector<1x128xf32>
    %get3A_3177 = arith.constant 0 : index
    %get3A_3178 = arith.constant 3136 : index
    %get3A_3179 = arith.constant 0 : index
    %get3A_3180 = vector.load %arg5[%get3A_3177, %get3A_3178, %get3A_3179] : memref<1x4366x162xf32, #tpu.memory_space<vmem>>, vector<1x64x162xf32>
    %get3A_3181 = vector.shape_cast %get3A_3180 : vector<1x64x162xf32> to vector<64x162xf32>
    %slice3A_3182 = vector.extract_strided_slice %get3A_3181 {offsets = [0, 0], sizes = [64, 81], strides = [1, 1]} : vector<64x162xf32> to vector<64x81xf32>
    %slice3A_3183 = vector.extract_strided_slice %get3A_3181 {offsets = [0, 81], sizes = [64, 81], strides = [1, 1]} : vector<64x162xf32> to vector<64x81xf32>
    %concatenate3A_3184 = tpu.concatenate %slice3A_3182, %slice3A_3183 in 0 : vector<64x81xf32>, vector<64x81xf32> -> vector<128x81xf32>
    %transpose3A_3185 = tpu.transpose %concatenate3A_3184, [1, 0] : vector<128x81xf32> -> vector<81x128xf32>
    %reduce_max3A_3186 = arith.constant dense<0xFF800000> : vector<128xf32>
    %reduce_max3A_3187 = vector.multi_reduction <maximumf>, %transpose3A_3185, %reduce_max3A_3186 [0] : vector<81x128xf32> to vector<128xf32>
    %broadcast_in_dim3A_3188 = vector.shape_cast %reduce_max3A_3187 : vector<128xf32> to vector<1x128xf32>
    %sub3A_3189 = vector.broadcast %broadcast_in_dim3A_3188 : vector<1x128xf32> to vector<81x128xf32>
    %sub3A_3190 = arith.subf %transpose3A_3185, %sub3A_3189 : vector<81x128xf32>
    %exp3A_3191 = math.exp %sub3A_3190 : vector<81x128xf32>
    %reduce_sum3A_3192 = arith.constant dense<0.000000e+00> : vector<128xf32>
    %reduce_sum3A_3193 = vector.multi_reduction <add>, %exp3A_3191, %reduce_sum3A_3192 [0] : vector<81x128xf32> to vector<128xf32>
    %broadcast_in_dim3A_3194 = vector.shape_cast %reduce_sum3A_3193 : vector<128xf32> to vector<1x128xf32>
    %slice3A_3195 = vector.extract_strided_slice %select_n3A_1575 {offsets = [49, 0], sizes = [1, 128], strides = [1, 1]} : vector<72x128xf32> to vector<1x128xf32>
    %convert_element_type3A_3196 = arith.fptosi %slice3A_3195 : vector<1x128xf32> to vector<1x128xi32>
    %eq3A_3197 = vector.broadcast %convert_element_type3A_3196 : vector<1x128xi32> to vector<81x128xi32>
    %eq3A_3198 = arith.cmpi eq, %iota3A_1661, %eq3A_3197 : vector<81x128xi32>
    %jit3A_3199 = arith.constant 0.000000e+00 : f32
    %broadcast_in_dim3A_3200 = vector.broadcast %jit3A_3199 : f32 to vector<81x128xf32>
    %select_n3A_3201 = arith.select %eq3A_3198, %transpose3A_3185, %broadcast_in_dim3A_3200 : vector<81x128xi1>, vector<81x128xf32>
    %reduce_sum3A_3202 = arith.constant dense<0.000000e+00> : vector<128xf32>
    %reduce_sum3A_3203 = vector.multi_reduction <add>, %select_n3A_3201, %reduce_sum3A_3202 [0] : vector<81x128xf32> to vector<128xf32>
    %broadcast_in_dim3A_3204 = vector.shape_cast %reduce_sum3A_3203 : vector<128xf32> to vector<1x128xf32>
    %log3A_3205 = math.log %broadcast_in_dim3A_3194 : vector<1x128xf32>
    %add3A_3206 = arith.addf %broadcast_in_dim3A_3188, %log3A_3205 : vector<1x128xf32>
    %sub3A_3207 = arith.subf %add3A_3206, %broadcast_in_dim3A_3204 : vector<1x128xf32>
    %get3A_3208 = arith.constant 0 : index
    %get3A_3209 = arith.constant 3200 : index
    %get3A_3210 = arith.constant 0 : index
    %get3A_3211 = vector.load %arg5[%get3A_3208, %get3A_3209, %get3A_3210] : memref<1x4366x162xf32, #tpu.memory_space<vmem>>, vector<1x64x162xf32>
    %get3A_3212 = vector.shape_cast %get3A_3211 : vector<1x64x162xf32> to vector<64x162xf32>
    %slice3A_3213 = vector.extract_strided_slice %get3A_3212 {offsets = [0, 0], sizes = [64, 81], strides = [1, 1]} : vector<64x162xf32> to vector<64x81xf32>
    %slice3A_3214 = vector.extract_strided_slice %get3A_3212 {offsets = [0, 81], sizes = [64, 81], strides = [1, 1]} : vector<64x162xf32> to vector<64x81xf32>
    %concatenate3A_3215 = tpu.concatenate %slice3A_3213, %slice3A_3214 in 0 : vector<64x81xf32>, vector<64x81xf32> -> vector<128x81xf32>
    %transpose3A_3216 = tpu.transpose %concatenate3A_3215, [1, 0] : vector<128x81xf32> -> vector<81x128xf32>
    %reduce_max3A_3217 = arith.constant dense<0xFF800000> : vector<128xf32>
    %reduce_max3A_3218 = vector.multi_reduction <maximumf>, %transpose3A_3216, %reduce_max3A_3217 [0] : vector<81x128xf32> to vector<128xf32>
    %broadcast_in_dim3A_3219 = vector.shape_cast %reduce_max3A_3218 : vector<128xf32> to vector<1x128xf32>
    %sub3A_3220 = vector.broadcast %broadcast_in_dim3A_3219 : vector<1x128xf32> to vector<81x128xf32>
    %sub3A_3221 = arith.subf %transpose3A_3216, %sub3A_3220 : vector<81x128xf32>
    %exp3A_3222 = math.exp %sub3A_3221 : vector<81x128xf32>
    %reduce_sum3A_3223 = arith.constant dense<0.000000e+00> : vector<128xf32>
    %reduce_sum3A_3224 = vector.multi_reduction <add>, %exp3A_3222, %reduce_sum3A_3223 [0] : vector<81x128xf32> to vector<128xf32>
    %broadcast_in_dim3A_3225 = vector.shape_cast %reduce_sum3A_3224 : vector<128xf32> to vector<1x128xf32>
    %slice3A_3226 = vector.extract_strided_slice %select_n3A_1575 {offsets = [50, 0], sizes = [1, 128], strides = [1, 1]} : vector<72x128xf32> to vector<1x128xf32>
    %convert_element_type3A_3227 = arith.fptosi %slice3A_3226 : vector<1x128xf32> to vector<1x128xi32>
    %eq3A_3228 = vector.broadcast %convert_element_type3A_3227 : vector<1x128xi32> to vector<81x128xi32>
    %eq3A_3229 = arith.cmpi eq, %iota3A_1661, %eq3A_3228 : vector<81x128xi32>
    %jit3A_3230 = arith.constant 0.000000e+00 : f32
    %broadcast_in_dim3A_3231 = vector.broadcast %jit3A_3230 : f32 to vector<81x128xf32>
    %select_n3A_3232 = arith.select %eq3A_3229, %transpose3A_3216, %broadcast_in_dim3A_3231 : vector<81x128xi1>, vector<81x128xf32>
    %reduce_sum3A_3233 = arith.constant dense<0.000000e+00> : vector<128xf32>
    %reduce_sum3A_3234 = vector.multi_reduction <add>, %select_n3A_3232, %reduce_sum3A_3233 [0] : vector<81x128xf32> to vector<128xf32>
    %broadcast_in_dim3A_3235 = vector.shape_cast %reduce_sum3A_3234 : vector<128xf32> to vector<1x128xf32>
    %log3A_3236 = math.log %broadcast_in_dim3A_3225 : vector<1x128xf32>
    %add3A_3237 = arith.addf %broadcast_in_dim3A_3219, %log3A_3236 : vector<1x128xf32>
    %sub3A_3238 = arith.subf %add3A_3237, %broadcast_in_dim3A_3235 : vector<1x128xf32>
    %get3A_3239 = arith.constant 0 : index
    %get3A_3240 = arith.constant 3264 : index
    %get3A_3241 = arith.constant 0 : index
    %get3A_3242 = vector.load %arg5[%get3A_3239, %get3A_3240, %get3A_3241] : memref<1x4366x162xf32, #tpu.memory_space<vmem>>, vector<1x64x162xf32>
    %get3A_3243 = vector.shape_cast %get3A_3242 : vector<1x64x162xf32> to vector<64x162xf32>
    %slice3A_3244 = vector.extract_strided_slice %get3A_3243 {offsets = [0, 0], sizes = [64, 81], strides = [1, 1]} : vector<64x162xf32> to vector<64x81xf32>
    %slice3A_3245 = vector.extract_strided_slice %get3A_3243 {offsets = [0, 81], sizes = [64, 81], strides = [1, 1]} : vector<64x162xf32> to vector<64x81xf32>
    %concatenate3A_3246 = tpu.concatenate %slice3A_3244, %slice3A_3245 in 0 : vector<64x81xf32>, vector<64x81xf32> -> vector<128x81xf32>
    %transpose3A_3247 = tpu.transpose %concatenate3A_3246, [1, 0] : vector<128x81xf32> -> vector<81x128xf32>
    %reduce_max3A_3248 = arith.constant dense<0xFF800000> : vector<128xf32>
    %reduce_max3A_3249 = vector.multi_reduction <maximumf>, %transpose3A_3247, %reduce_max3A_3248 [0] : vector<81x128xf32> to vector<128xf32>
    %broadcast_in_dim3A_3250 = vector.shape_cast %reduce_max3A_3249 : vector<128xf32> to vector<1x128xf32>
    %sub3A_3251 = vector.broadcast %broadcast_in_dim3A_3250 : vector<1x128xf32> to vector<81x128xf32>
    %sub3A_3252 = arith.subf %transpose3A_3247, %sub3A_3251 : vector<81x128xf32>
    %exp3A_3253 = math.exp %sub3A_3252 : vector<81x128xf32>
    %reduce_sum3A_3254 = arith.constant dense<0.000000e+00> : vector<128xf32>
    %reduce_sum3A_3255 = vector.multi_reduction <add>, %exp3A_3253, %reduce_sum3A_3254 [0] : vector<81x128xf32> to vector<128xf32>
    %broadcast_in_dim3A_3256 = vector.shape_cast %reduce_sum3A_3255 : vector<128xf32> to vector<1x128xf32>
    %slice3A_3257 = vector.extract_strided_slice %select_n3A_1575 {offsets = [51, 0], sizes = [1, 128], strides = [1, 1]} : vector<72x128xf32> to vector<1x128xf32>
    %convert_element_type3A_3258 = arith.fptosi %slice3A_3257 : vector<1x128xf32> to vector<1x128xi32>
    %eq3A_3259 = vector.broadcast %convert_element_type3A_3258 : vector<1x128xi32> to vector<81x128xi32>
    %eq3A_3260 = arith.cmpi eq, %iota3A_1661, %eq3A_3259 : vector<81x128xi32>
    %jit3A_3261 = arith.constant 0.000000e+00 : f32
    %broadcast_in_dim3A_3262 = vector.broadcast %jit3A_3261 : f32 to vector<81x128xf32>
    %select_n3A_3263 = arith.select %eq3A_3260, %transpose3A_3247, %broadcast_in_dim3A_3262 : vector<81x128xi1>, vector<81x128xf32>
    %reduce_sum3A_3264 = arith.constant dense<0.000000e+00> : vector<128xf32>
    %reduce_sum3A_3265 = vector.multi_reduction <add>, %select_n3A_3263, %reduce_sum3A_3264 [0] : vector<81x128xf32> to vector<128xf32>
    %broadcast_in_dim3A_3266 = vector.shape_cast %reduce_sum3A_3265 : vector<128xf32> to vector<1x128xf32>
    %log3A_3267 = math.log %broadcast_in_dim3A_3256 : vector<1x128xf32>
    %add3A_3268 = arith.addf %broadcast_in_dim3A_3250, %log3A_3267 : vector<1x128xf32>
    %sub3A_3269 = arith.subf %add3A_3268, %broadcast_in_dim3A_3266 : vector<1x128xf32>
    %get3A_3270 = arith.constant 0 : index
    %get3A_3271 = arith.constant 3328 : index
    %get3A_3272 = arith.constant 0 : index
    %get3A_3273 = vector.load %arg5[%get3A_3270, %get3A_3271, %get3A_3272] : memref<1x4366x162xf32, #tpu.memory_space<vmem>>, vector<1x64x162xf32>
    %get3A_3274 = vector.shape_cast %get3A_3273 : vector<1x64x162xf32> to vector<64x162xf32>
    %slice3A_3275 = vector.extract_strided_slice %get3A_3274 {offsets = [0, 0], sizes = [64, 81], strides = [1, 1]} : vector<64x162xf32> to vector<64x81xf32>
    %slice3A_3276 = vector.extract_strided_slice %get3A_3274 {offsets = [0, 81], sizes = [64, 81], strides = [1, 1]} : vector<64x162xf32> to vector<64x81xf32>
    %concatenate3A_3277 = tpu.concatenate %slice3A_3275, %slice3A_3276 in 0 : vector<64x81xf32>, vector<64x81xf32> -> vector<128x81xf32>
    %transpose3A_3278 = tpu.transpose %concatenate3A_3277, [1, 0] : vector<128x81xf32> -> vector<81x128xf32>
    %reduce_max3A_3279 = arith.constant dense<0xFF800000> : vector<128xf32>
    %reduce_max3A_3280 = vector.multi_reduction <maximumf>, %transpose3A_3278, %reduce_max3A_3279 [0] : vector<81x128xf32> to vector<128xf32>
    %broadcast_in_dim3A_3281 = vector.shape_cast %reduce_max3A_3280 : vector<128xf32> to vector<1x128xf32>
    %sub3A_3282 = vector.broadcast %broadcast_in_dim3A_3281 : vector<1x128xf32> to vector<81x128xf32>
    %sub3A_3283 = arith.subf %transpose3A_3278, %sub3A_3282 : vector<81x128xf32>
    %exp3A_3284 = math.exp %sub3A_3283 : vector<81x128xf32>
    %reduce_sum3A_3285 = arith.constant dense<0.000000e+00> : vector<128xf32>
    %reduce_sum3A_3286 = vector.multi_reduction <add>, %exp3A_3284, %reduce_sum3A_3285 [0] : vector<81x128xf32> to vector<128xf32>
    %broadcast_in_dim3A_3287 = vector.shape_cast %reduce_sum3A_3286 : vector<128xf32> to vector<1x128xf32>
    %slice3A_3288 = vector.extract_strided_slice %select_n3A_1575 {offsets = [52, 0], sizes = [1, 128], strides = [1, 1]} : vector<72x128xf32> to vector<1x128xf32>
    %convert_element_type3A_3289 = arith.fptosi %slice3A_3288 : vector<1x128xf32> to vector<1x128xi32>
    %eq3A_3290 = vector.broadcast %convert_element_type3A_3289 : vector<1x128xi32> to vector<81x128xi32>
    %eq3A_3291 = arith.cmpi eq, %iota3A_1661, %eq3A_3290 : vector<81x128xi32>
    %jit3A_3292 = arith.constant 0.000000e+00 : f32
    %broadcast_in_dim3A_3293 = vector.broadcast %jit3A_3292 : f32 to vector<81x128xf32>
    %select_n3A_3294 = arith.select %eq3A_3291, %transpose3A_3278, %broadcast_in_dim3A_3293 : vector<81x128xi1>, vector<81x128xf32>
    %reduce_sum3A_3295 = arith.constant dense<0.000000e+00> : vector<128xf32>
    %reduce_sum3A_3296 = vector.multi_reduction <add>, %select_n3A_3294, %reduce_sum3A_3295 [0] : vector<81x128xf32> to vector<128xf32>
    %broadcast_in_dim3A_3297 = vector.shape_cast %reduce_sum3A_3296 : vector<128xf32> to vector<1x128xf32>
    %log3A_3298 = math.log %broadcast_in_dim3A_3287 : vector<1x128xf32>
    %add3A_3299 = arith.addf %broadcast_in_dim3A_3281, %log3A_3298 : vector<1x128xf32>
    %sub3A_3300 = arith.subf %add3A_3299, %broadcast_in_dim3A_3297 : vector<1x128xf32>
    %get3A_3301 = arith.constant 0 : index
    %get3A_3302 = arith.constant 3392 : index
    %get3A_3303 = arith.constant 0 : index
    %get3A_3304 = vector.load %arg5[%get3A_3301, %get3A_3302, %get3A_3303] : memref<1x4366x162xf32, #tpu.memory_space<vmem>>, vector<1x64x162xf32>
    %get3A_3305 = vector.shape_cast %get3A_3304 : vector<1x64x162xf32> to vector<64x162xf32>
    %slice3A_3306 = vector.extract_strided_slice %get3A_3305 {offsets = [0, 0], sizes = [64, 81], strides = [1, 1]} : vector<64x162xf32> to vector<64x81xf32>
    %slice3A_3307 = vector.extract_strided_slice %get3A_3305 {offsets = [0, 81], sizes = [64, 81], strides = [1, 1]} : vector<64x162xf32> to vector<64x81xf32>
    %concatenate3A_3308 = tpu.concatenate %slice3A_3306, %slice3A_3307 in 0 : vector<64x81xf32>, vector<64x81xf32> -> vector<128x81xf32>
    %transpose3A_3309 = tpu.transpose %concatenate3A_3308, [1, 0] : vector<128x81xf32> -> vector<81x128xf32>
    %reduce_max3A_3310 = arith.constant dense<0xFF800000> : vector<128xf32>
    %reduce_max3A_3311 = vector.multi_reduction <maximumf>, %transpose3A_3309, %reduce_max3A_3310 [0] : vector<81x128xf32> to vector<128xf32>
    %broadcast_in_dim3A_3312 = vector.shape_cast %reduce_max3A_3311 : vector<128xf32> to vector<1x128xf32>
    %sub3A_3313 = vector.broadcast %broadcast_in_dim3A_3312 : vector<1x128xf32> to vector<81x128xf32>
    %sub3A_3314 = arith.subf %transpose3A_3309, %sub3A_3313 : vector<81x128xf32>
    %exp3A_3315 = math.exp %sub3A_3314 : vector<81x128xf32>
    %reduce_sum3A_3316 = arith.constant dense<0.000000e+00> : vector<128xf32>
    %reduce_sum3A_3317 = vector.multi_reduction <add>, %exp3A_3315, %reduce_sum3A_3316 [0] : vector<81x128xf32> to vector<128xf32>
    %broadcast_in_dim3A_3318 = vector.shape_cast %reduce_sum3A_3317 : vector<128xf32> to vector<1x128xf32>
    %slice3A_3319 = vector.extract_strided_slice %select_n3A_1575 {offsets = [53, 0], sizes = [1, 128], strides = [1, 1]} : vector<72x128xf32> to vector<1x128xf32>
    %convert_element_type3A_3320 = arith.fptosi %slice3A_3319 : vector<1x128xf32> to vector<1x128xi32>
    %eq3A_3321 = vector.broadcast %convert_element_type3A_3320 : vector<1x128xi32> to vector<81x128xi32>
    %eq3A_3322 = arith.cmpi eq, %iota3A_1661, %eq3A_3321 : vector<81x128xi32>
    %jit3A_3323 = arith.constant 0.000000e+00 : f32
    %broadcast_in_dim3A_3324 = vector.broadcast %jit3A_3323 : f32 to vector<81x128xf32>
    %select_n3A_3325 = arith.select %eq3A_3322, %transpose3A_3309, %broadcast_in_dim3A_3324 : vector<81x128xi1>, vector<81x128xf32>
    %reduce_sum3A_3326 = arith.constant dense<0.000000e+00> : vector<128xf32>
    %reduce_sum3A_3327 = vector.multi_reduction <add>, %select_n3A_3325, %reduce_sum3A_3326 [0] : vector<81x128xf32> to vector<128xf32>
    %broadcast_in_dim3A_3328 = vector.shape_cast %reduce_sum3A_3327 : vector<128xf32> to vector<1x128xf32>
    %log3A_3329 = math.log %broadcast_in_dim3A_3318 : vector<1x128xf32>
    %add3A_3330 = arith.addf %broadcast_in_dim3A_3312, %log3A_3329 : vector<1x128xf32>
    %sub3A_3331 = arith.subf %add3A_3330, %broadcast_in_dim3A_3328 : vector<1x128xf32>
    %get3A_3332 = arith.constant 0 : index
    %get3A_3333 = arith.constant 3456 : index
    %get3A_3334 = arith.constant 0 : index
    %get3A_3335 = vector.load %arg5[%get3A_3332, %get3A_3333, %get3A_3334] : memref<1x4366x162xf32, #tpu.memory_space<vmem>>, vector<1x64x162xf32>
    %get3A_3336 = vector.shape_cast %get3A_3335 : vector<1x64x162xf32> to vector<64x162xf32>
    %slice3A_3337 = vector.extract_strided_slice %get3A_3336 {offsets = [0, 0], sizes = [64, 81], strides = [1, 1]} : vector<64x162xf32> to vector<64x81xf32>
    %slice3A_3338 = vector.extract_strided_slice %get3A_3336 {offsets = [0, 81], sizes = [64, 81], strides = [1, 1]} : vector<64x162xf32> to vector<64x81xf32>
    %concatenate3A_3339 = tpu.concatenate %slice3A_3337, %slice3A_3338 in 0 : vector<64x81xf32>, vector<64x81xf32> -> vector<128x81xf32>
    %transpose3A_3340 = tpu.transpose %concatenate3A_3339, [1, 0] : vector<128x81xf32> -> vector<81x128xf32>
    %reduce_max3A_3341 = arith.constant dense<0xFF800000> : vector<128xf32>
    %reduce_max3A_3342 = vector.multi_reduction <maximumf>, %transpose3A_3340, %reduce_max3A_3341 [0] : vector<81x128xf32> to vector<128xf32>
    %broadcast_in_dim3A_3343 = vector.shape_cast %reduce_max3A_3342 : vector<128xf32> to vector<1x128xf32>
    %sub3A_3344 = vector.broadcast %broadcast_in_dim3A_3343 : vector<1x128xf32> to vector<81x128xf32>
    %sub3A_3345 = arith.subf %transpose3A_3340, %sub3A_3344 : vector<81x128xf32>
    %exp3A_3346 = math.exp %sub3A_3345 : vector<81x128xf32>
    %reduce_sum3A_3347 = arith.constant dense<0.000000e+00> : vector<128xf32>
    %reduce_sum3A_3348 = vector.multi_reduction <add>, %exp3A_3346, %reduce_sum3A_3347 [0] : vector<81x128xf32> to vector<128xf32>
    %broadcast_in_dim3A_3349 = vector.shape_cast %reduce_sum3A_3348 : vector<128xf32> to vector<1x128xf32>
    %slice3A_3350 = vector.extract_strided_slice %select_n3A_1575 {offsets = [54, 0], sizes = [1, 128], strides = [1, 1]} : vector<72x128xf32> to vector<1x128xf32>
    %convert_element_type3A_3351 = arith.fptosi %slice3A_3350 : vector<1x128xf32> to vector<1x128xi32>
    %eq3A_3352 = vector.broadcast %convert_element_type3A_3351 : vector<1x128xi32> to vector<81x128xi32>
    %eq3A_3353 = arith.cmpi eq, %iota3A_1661, %eq3A_3352 : vector<81x128xi32>
    %jit3A_3354 = arith.constant 0.000000e+00 : f32
    %broadcast_in_dim3A_3355 = vector.broadcast %jit3A_3354 : f32 to vector<81x128xf32>
    %select_n3A_3356 = arith.select %eq3A_3353, %transpose3A_3340, %broadcast_in_dim3A_3355 : vector<81x128xi1>, vector<81x128xf32>
    %reduce_sum3A_3357 = arith.constant dense<0.000000e+00> : vector<128xf32>
    %reduce_sum3A_3358 = vector.multi_reduction <add>, %select_n3A_3356, %reduce_sum3A_3357 [0] : vector<81x128xf32> to vector<128xf32>
    %broadcast_in_dim3A_3359 = vector.shape_cast %reduce_sum3A_3358 : vector<128xf32> to vector<1x128xf32>
    %log3A_3360 = math.log %broadcast_in_dim3A_3349 : vector<1x128xf32>
    %add3A_3361 = arith.addf %broadcast_in_dim3A_3343, %log3A_3360 : vector<1x128xf32>
    %sub3A_3362 = arith.subf %add3A_3361, %broadcast_in_dim3A_3359 : vector<1x128xf32>
    %get3A_3363 = arith.constant 0 : index
    %get3A_3364 = arith.constant 3520 : index
    %get3A_3365 = arith.constant 0 : index
    %get3A_3366 = vector.load %arg5[%get3A_3363, %get3A_3364, %get3A_3365] : memref<1x4366x162xf32, #tpu.memory_space<vmem>>, vector<1x64x162xf32>
    %get3A_3367 = vector.shape_cast %get3A_3366 : vector<1x64x162xf32> to vector<64x162xf32>
    %slice3A_3368 = vector.extract_strided_slice %get3A_3367 {offsets = [0, 0], sizes = [64, 81], strides = [1, 1]} : vector<64x162xf32> to vector<64x81xf32>
    %slice3A_3369 = vector.extract_strided_slice %get3A_3367 {offsets = [0, 81], sizes = [64, 81], strides = [1, 1]} : vector<64x162xf32> to vector<64x81xf32>
    %concatenate3A_3370 = tpu.concatenate %slice3A_3368, %slice3A_3369 in 0 : vector<64x81xf32>, vector<64x81xf32> -> vector<128x81xf32>
    %transpose3A_3371 = tpu.transpose %concatenate3A_3370, [1, 0] : vector<128x81xf32> -> vector<81x128xf32>
    %reduce_max3A_3372 = arith.constant dense<0xFF800000> : vector<128xf32>
    %reduce_max3A_3373 = vector.multi_reduction <maximumf>, %transpose3A_3371, %reduce_max3A_3372 [0] : vector<81x128xf32> to vector<128xf32>
    %broadcast_in_dim3A_3374 = vector.shape_cast %reduce_max3A_3373 : vector<128xf32> to vector<1x128xf32>
    %sub3A_3375 = vector.broadcast %broadcast_in_dim3A_3374 : vector<1x128xf32> to vector<81x128xf32>
    %sub3A_3376 = arith.subf %transpose3A_3371, %sub3A_3375 : vector<81x128xf32>
    %exp3A_3377 = math.exp %sub3A_3376 : vector<81x128xf32>
    %reduce_sum3A_3378 = arith.constant dense<0.000000e+00> : vector<128xf32>
    %reduce_sum3A_3379 = vector.multi_reduction <add>, %exp3A_3377, %reduce_sum3A_3378 [0] : vector<81x128xf32> to vector<128xf32>
    %broadcast_in_dim3A_3380 = vector.shape_cast %reduce_sum3A_3379 : vector<128xf32> to vector<1x128xf32>
    %slice3A_3381 = vector.extract_strided_slice %select_n3A_1575 {offsets = [55, 0], sizes = [1, 128], strides = [1, 1]} : vector<72x128xf32> to vector<1x128xf32>
    %convert_element_type3A_3382 = arith.fptosi %slice3A_3381 : vector<1x128xf32> to vector<1x128xi32>
    %eq3A_3383 = vector.broadcast %convert_element_type3A_3382 : vector<1x128xi32> to vector<81x128xi32>
    %eq3A_3384 = arith.cmpi eq, %iota3A_1661, %eq3A_3383 : vector<81x128xi32>
    %jit3A_3385 = arith.constant 0.000000e+00 : f32
    %broadcast_in_dim3A_3386 = vector.broadcast %jit3A_3385 : f32 to vector<81x128xf32>
    %select_n3A_3387 = arith.select %eq3A_3384, %transpose3A_3371, %broadcast_in_dim3A_3386 : vector<81x128xi1>, vector<81x128xf32>
    %reduce_sum3A_3388 = arith.constant dense<0.000000e+00> : vector<128xf32>
    %reduce_sum3A_3389 = vector.multi_reduction <add>, %select_n3A_3387, %reduce_sum3A_3388 [0] : vector<81x128xf32> to vector<128xf32>
    %broadcast_in_dim3A_3390 = vector.shape_cast %reduce_sum3A_3389 : vector<128xf32> to vector<1x128xf32>
    %log3A_3391 = math.log %broadcast_in_dim3A_3380 : vector<1x128xf32>
    %add3A_3392 = arith.addf %broadcast_in_dim3A_3374, %log3A_3391 : vector<1x128xf32>
    %sub3A_3393 = arith.subf %add3A_3392, %broadcast_in_dim3A_3390 : vector<1x128xf32>
    %get3A_3394 = arith.constant 0 : index
    %get3A_3395 = arith.constant 3584 : index
    %get3A_3396 = arith.constant 0 : index
    %get3A_3397 = vector.load %arg5[%get3A_3394, %get3A_3395, %get3A_3396] : memref<1x4366x162xf32, #tpu.memory_space<vmem>>, vector<1x64x162xf32>
    %get3A_3398 = vector.shape_cast %get3A_3397 : vector<1x64x162xf32> to vector<64x162xf32>
    %slice3A_3399 = vector.extract_strided_slice %get3A_3398 {offsets = [0, 0], sizes = [64, 81], strides = [1, 1]} : vector<64x162xf32> to vector<64x81xf32>
    %slice3A_3400 = vector.extract_strided_slice %get3A_3398 {offsets = [0, 81], sizes = [64, 81], strides = [1, 1]} : vector<64x162xf32> to vector<64x81xf32>
    %concatenate3A_3401 = tpu.concatenate %slice3A_3399, %slice3A_3400 in 0 : vector<64x81xf32>, vector<64x81xf32> -> vector<128x81xf32>
    %transpose3A_3402 = tpu.transpose %concatenate3A_3401, [1, 0] : vector<128x81xf32> -> vector<81x128xf32>
    %reduce_max3A_3403 = arith.constant dense<0xFF800000> : vector<128xf32>
    %reduce_max3A_3404 = vector.multi_reduction <maximumf>, %transpose3A_3402, %reduce_max3A_3403 [0] : vector<81x128xf32> to vector<128xf32>
    %broadcast_in_dim3A_3405 = vector.shape_cast %reduce_max3A_3404 : vector<128xf32> to vector<1x128xf32>
    %sub3A_3406 = vector.broadcast %broadcast_in_dim3A_3405 : vector<1x128xf32> to vector<81x128xf32>
    %sub3A_3407 = arith.subf %transpose3A_3402, %sub3A_3406 : vector<81x128xf32>
    %exp3A_3408 = math.exp %sub3A_3407 : vector<81x128xf32>
    %reduce_sum3A_3409 = arith.constant dense<0.000000e+00> : vector<128xf32>
    %reduce_sum3A_3410 = vector.multi_reduction <add>, %exp3A_3408, %reduce_sum3A_3409 [0] : vector<81x128xf32> to vector<128xf32>
    %broadcast_in_dim3A_3411 = vector.shape_cast %reduce_sum3A_3410 : vector<128xf32> to vector<1x128xf32>
    %slice3A_3412 = vector.extract_strided_slice %select_n3A_1575 {offsets = [56, 0], sizes = [1, 128], strides = [1, 1]} : vector<72x128xf32> to vector<1x128xf32>
    %convert_element_type3A_3413 = arith.fptosi %slice3A_3412 : vector<1x128xf32> to vector<1x128xi32>
    %eq3A_3414 = vector.broadcast %convert_element_type3A_3413 : vector<1x128xi32> to vector<81x128xi32>
    %eq3A_3415 = arith.cmpi eq, %iota3A_1661, %eq3A_3414 : vector<81x128xi32>
    %jit3A_3416 = arith.constant 0.000000e+00 : f32
    %broadcast_in_dim3A_3417 = vector.broadcast %jit3A_3416 : f32 to vector<81x128xf32>
    %select_n3A_3418 = arith.select %eq3A_3415, %transpose3A_3402, %broadcast_in_dim3A_3417 : vector<81x128xi1>, vector<81x128xf32>
    %reduce_sum3A_3419 = arith.constant dense<0.000000e+00> : vector<128xf32>
    %reduce_sum3A_3420 = vector.multi_reduction <add>, %select_n3A_3418, %reduce_sum3A_3419 [0] : vector<81x128xf32> to vector<128xf32>
    %broadcast_in_dim3A_3421 = vector.shape_cast %reduce_sum3A_3420 : vector<128xf32> to vector<1x128xf32>
    %log3A_3422 = math.log %broadcast_in_dim3A_3411 : vector<1x128xf32>
    %add3A_3423 = arith.addf %broadcast_in_dim3A_3405, %log3A_3422 : vector<1x128xf32>
    %sub3A_3424 = arith.subf %add3A_3423, %broadcast_in_dim3A_3421 : vector<1x128xf32>
    %get3A_3425 = arith.constant 0 : index
    %get3A_3426 = arith.constant 3648 : index
    %get3A_3427 = arith.constant 0 : index
    %get3A_3428 = vector.load %arg5[%get3A_3425, %get3A_3426, %get3A_3427] : memref<1x4366x162xf32, #tpu.memory_space<vmem>>, vector<1x64x162xf32>
    %get3A_3429 = vector.shape_cast %get3A_3428 : vector<1x64x162xf32> to vector<64x162xf32>
    %slice3A_3430 = vector.extract_strided_slice %get3A_3429 {offsets = [0, 0], sizes = [64, 81], strides = [1, 1]} : vector<64x162xf32> to vector<64x81xf32>
    %slice3A_3431 = vector.extract_strided_slice %get3A_3429 {offsets = [0, 81], sizes = [64, 81], strides = [1, 1]} : vector<64x162xf32> to vector<64x81xf32>
    %concatenate3A_3432 = tpu.concatenate %slice3A_3430, %slice3A_3431 in 0 : vector<64x81xf32>, vector<64x81xf32> -> vector<128x81xf32>
    %transpose3A_3433 = tpu.transpose %concatenate3A_3432, [1, 0] : vector<128x81xf32> -> vector<81x128xf32>
    %reduce_max3A_3434 = arith.constant dense<0xFF800000> : vector<128xf32>
    %reduce_max3A_3435 = vector.multi_reduction <maximumf>, %transpose3A_3433, %reduce_max3A_3434 [0] : vector<81x128xf32> to vector<128xf32>
    %broadcast_in_dim3A_3436 = vector.shape_cast %reduce_max3A_3435 : vector<128xf32> to vector<1x128xf32>
    %sub3A_3437 = vector.broadcast %broadcast_in_dim3A_3436 : vector<1x128xf32> to vector<81x128xf32>
    %sub3A_3438 = arith.subf %transpose3A_3433, %sub3A_3437 : vector<81x128xf32>
    %exp3A_3439 = math.exp %sub3A_3438 : vector<81x128xf32>
    %reduce_sum3A_3440 = arith.constant dense<0.000000e+00> : vector<128xf32>
    %reduce_sum3A_3441 = vector.multi_reduction <add>, %exp3A_3439, %reduce_sum3A_3440 [0] : vector<81x128xf32> to vector<128xf32>
    %broadcast_in_dim3A_3442 = vector.shape_cast %reduce_sum3A_3441 : vector<128xf32> to vector<1x128xf32>
    %slice3A_3443 = vector.extract_strided_slice %select_n3A_1575 {offsets = [57, 0], sizes = [1, 128], strides = [1, 1]} : vector<72x128xf32> to vector<1x128xf32>
    %convert_element_type3A_3444 = arith.fptosi %slice3A_3443 : vector<1x128xf32> to vector<1x128xi32>
    %eq3A_3445 = vector.broadcast %convert_element_type3A_3444 : vector<1x128xi32> to vector<81x128xi32>
    %eq3A_3446 = arith.cmpi eq, %iota3A_1661, %eq3A_3445 : vector<81x128xi32>
    %jit3A_3447 = arith.constant 0.000000e+00 : f32
    %broadcast_in_dim3A_3448 = vector.broadcast %jit3A_3447 : f32 to vector<81x128xf32>
    %select_n3A_3449 = arith.select %eq3A_3446, %transpose3A_3433, %broadcast_in_dim3A_3448 : vector<81x128xi1>, vector<81x128xf32>
    %reduce_sum3A_3450 = arith.constant dense<0.000000e+00> : vector<128xf32>
    %reduce_sum3A_3451 = vector.multi_reduction <add>, %select_n3A_3449, %reduce_sum3A_3450 [0] : vector<81x128xf32> to vector<128xf32>
    %broadcast_in_dim3A_3452 = vector.shape_cast %reduce_sum3A_3451 : vector<128xf32> to vector<1x128xf32>
    %log3A_3453 = math.log %broadcast_in_dim3A_3442 : vector<1x128xf32>
    %add3A_3454 = arith.addf %broadcast_in_dim3A_3436, %log3A_3453 : vector<1x128xf32>
    %sub3A_3455 = arith.subf %add3A_3454, %broadcast_in_dim3A_3452 : vector<1x128xf32>
    %get3A_3456 = arith.constant 0 : index
    %get3A_3457 = arith.constant 3712 : index
    %get3A_3458 = arith.constant 0 : index
    %get3A_3459 = vector.load %arg5[%get3A_3456, %get3A_3457, %get3A_3458] : memref<1x4366x162xf32, #tpu.memory_space<vmem>>, vector<1x64x162xf32>
    %get3A_3460 = vector.shape_cast %get3A_3459 : vector<1x64x162xf32> to vector<64x162xf32>
    %slice3A_3461 = vector.extract_strided_slice %get3A_3460 {offsets = [0, 0], sizes = [64, 81], strides = [1, 1]} : vector<64x162xf32> to vector<64x81xf32>
    %slice3A_3462 = vector.extract_strided_slice %get3A_3460 {offsets = [0, 81], sizes = [64, 81], strides = [1, 1]} : vector<64x162xf32> to vector<64x81xf32>
    %concatenate3A_3463 = tpu.concatenate %slice3A_3461, %slice3A_3462 in 0 : vector<64x81xf32>, vector<64x81xf32> -> vector<128x81xf32>
    %transpose3A_3464 = tpu.transpose %concatenate3A_3463, [1, 0] : vector<128x81xf32> -> vector<81x128xf32>
    %reduce_max3A_3465 = arith.constant dense<0xFF800000> : vector<128xf32>
    %reduce_max3A_3466 = vector.multi_reduction <maximumf>, %transpose3A_3464, %reduce_max3A_3465 [0] : vector<81x128xf32> to vector<128xf32>
    %broadcast_in_dim3A_3467 = vector.shape_cast %reduce_max3A_3466 : vector<128xf32> to vector<1x128xf32>
    %sub3A_3468 = vector.broadcast %broadcast_in_dim3A_3467 : vector<1x128xf32> to vector<81x128xf32>
    %sub3A_3469 = arith.subf %transpose3A_3464, %sub3A_3468 : vector<81x128xf32>
    %exp3A_3470 = math.exp %sub3A_3469 : vector<81x128xf32>
    %reduce_sum3A_3471 = arith.constant dense<0.000000e+00> : vector<128xf32>
    %reduce_sum3A_3472 = vector.multi_reduction <add>, %exp3A_3470, %reduce_sum3A_3471 [0] : vector<81x128xf32> to vector<128xf32>
    %broadcast_in_dim3A_3473 = vector.shape_cast %reduce_sum3A_3472 : vector<128xf32> to vector<1x128xf32>
    %slice3A_3474 = vector.extract_strided_slice %select_n3A_1575 {offsets = [58, 0], sizes = [1, 128], strides = [1, 1]} : vector<72x128xf32> to vector<1x128xf32>
    %convert_element_type3A_3475 = arith.fptosi %slice3A_3474 : vector<1x128xf32> to vector<1x128xi32>
    %eq3A_3476 = vector.broadcast %convert_element_type3A_3475 : vector<1x128xi32> to vector<81x128xi32>
    %eq3A_3477 = arith.cmpi eq, %iota3A_1661, %eq3A_3476 : vector<81x128xi32>
    %jit3A_3478 = arith.constant 0.000000e+00 : f32
    %broadcast_in_dim3A_3479 = vector.broadcast %jit3A_3478 : f32 to vector<81x128xf32>
    %select_n3A_3480 = arith.select %eq3A_3477, %transpose3A_3464, %broadcast_in_dim3A_3479 : vector<81x128xi1>, vector<81x128xf32>
    %reduce_sum3A_3481 = arith.constant dense<0.000000e+00> : vector<128xf32>
    %reduce_sum3A_3482 = vector.multi_reduction <add>, %select_n3A_3480, %reduce_sum3A_3481 [0] : vector<81x128xf32> to vector<128xf32>
    %broadcast_in_dim3A_3483 = vector.shape_cast %reduce_sum3A_3482 : vector<128xf32> to vector<1x128xf32>
    %log3A_3484 = math.log %broadcast_in_dim3A_3473 : vector<1x128xf32>
    %add3A_3485 = arith.addf %broadcast_in_dim3A_3467, %log3A_3484 : vector<1x128xf32>
    %sub3A_3486 = arith.subf %add3A_3485, %broadcast_in_dim3A_3483 : vector<1x128xf32>
    %get3A_3487 = arith.constant 0 : index
    %get3A_3488 = arith.constant 3776 : index
    %get3A_3489 = arith.constant 0 : index
    %get3A_3490 = vector.load %arg5[%get3A_3487, %get3A_3488, %get3A_3489] : memref<1x4366x162xf32, #tpu.memory_space<vmem>>, vector<1x64x162xf32>
    %get3A_3491 = vector.shape_cast %get3A_3490 : vector<1x64x162xf32> to vector<64x162xf32>
    %slice3A_3492 = vector.extract_strided_slice %get3A_3491 {offsets = [0, 0], sizes = [64, 81], strides = [1, 1]} : vector<64x162xf32> to vector<64x81xf32>
    %slice3A_3493 = vector.extract_strided_slice %get3A_3491 {offsets = [0, 81], sizes = [64, 81], strides = [1, 1]} : vector<64x162xf32> to vector<64x81xf32>
    %concatenate3A_3494 = tpu.concatenate %slice3A_3492, %slice3A_3493 in 0 : vector<64x81xf32>, vector<64x81xf32> -> vector<128x81xf32>
    %transpose3A_3495 = tpu.transpose %concatenate3A_3494, [1, 0] : vector<128x81xf32> -> vector<81x128xf32>
    %reduce_max3A_3496 = arith.constant dense<0xFF800000> : vector<128xf32>
    %reduce_max3A_3497 = vector.multi_reduction <maximumf>, %transpose3A_3495, %reduce_max3A_3496 [0] : vector<81x128xf32> to vector<128xf32>
    %broadcast_in_dim3A_3498 = vector.shape_cast %reduce_max3A_3497 : vector<128xf32> to vector<1x128xf32>
    %sub3A_3499 = vector.broadcast %broadcast_in_dim3A_3498 : vector<1x128xf32> to vector<81x128xf32>
    %sub3A_3500 = arith.subf %transpose3A_3495, %sub3A_3499 : vector<81x128xf32>
    %exp3A_3501 = math.exp %sub3A_3500 : vector<81x128xf32>
    %reduce_sum3A_3502 = arith.constant dense<0.000000e+00> : vector<128xf32>
    %reduce_sum3A_3503 = vector.multi_reduction <add>, %exp3A_3501, %reduce_sum3A_3502 [0] : vector<81x128xf32> to vector<128xf32>
    %broadcast_in_dim3A_3504 = vector.shape_cast %reduce_sum3A_3503 : vector<128xf32> to vector<1x128xf32>
    %slice3A_3505 = vector.extract_strided_slice %select_n3A_1575 {offsets = [59, 0], sizes = [1, 128], strides = [1, 1]} : vector<72x128xf32> to vector<1x128xf32>
    %convert_element_type3A_3506 = arith.fptosi %slice3A_3505 : vector<1x128xf32> to vector<1x128xi32>
    %eq3A_3507 = vector.broadcast %convert_element_type3A_3506 : vector<1x128xi32> to vector<81x128xi32>
    %eq3A_3508 = arith.cmpi eq, %iota3A_1661, %eq3A_3507 : vector<81x128xi32>
    %jit3A_3509 = arith.constant 0.000000e+00 : f32
    %broadcast_in_dim3A_3510 = vector.broadcast %jit3A_3509 : f32 to vector<81x128xf32>
    %select_n3A_3511 = arith.select %eq3A_3508, %transpose3A_3495, %broadcast_in_dim3A_3510 : vector<81x128xi1>, vector<81x128xf32>
    %reduce_sum3A_3512 = arith.constant dense<0.000000e+00> : vector<128xf32>
    %reduce_sum3A_3513 = vector.multi_reduction <add>, %select_n3A_3511, %reduce_sum3A_3512 [0] : vector<81x128xf32> to vector<128xf32>
    %broadcast_in_dim3A_3514 = vector.shape_cast %reduce_sum3A_3513 : vector<128xf32> to vector<1x128xf32>
    %log3A_3515 = math.log %broadcast_in_dim3A_3504 : vector<1x128xf32>
    %add3A_3516 = arith.addf %broadcast_in_dim3A_3498, %log3A_3515 : vector<1x128xf32>
    %sub3A_3517 = arith.subf %add3A_3516, %broadcast_in_dim3A_3514 : vector<1x128xf32>
    %get3A_3518 = arith.constant 0 : index
    %get3A_3519 = arith.constant 3840 : index
    %get3A_3520 = arith.constant 0 : index
    %get3A_3521 = vector.load %arg5[%get3A_3518, %get3A_3519, %get3A_3520] : memref<1x4366x162xf32, #tpu.memory_space<vmem>>, vector<1x64x162xf32>
    %get3A_3522 = vector.shape_cast %get3A_3521 : vector<1x64x162xf32> to vector<64x162xf32>
    %slice3A_3523 = vector.extract_strided_slice %get3A_3522 {offsets = [0, 0], sizes = [64, 81], strides = [1, 1]} : vector<64x162xf32> to vector<64x81xf32>
    %slice3A_3524 = vector.extract_strided_slice %get3A_3522 {offsets = [0, 81], sizes = [64, 81], strides = [1, 1]} : vector<64x162xf32> to vector<64x81xf32>
    %concatenate3A_3525 = tpu.concatenate %slice3A_3523, %slice3A_3524 in 0 : vector<64x81xf32>, vector<64x81xf32> -> vector<128x81xf32>
    %transpose3A_3526 = tpu.transpose %concatenate3A_3525, [1, 0] : vector<128x81xf32> -> vector<81x128xf32>
    %reduce_max3A_3527 = arith.constant dense<0xFF800000> : vector<128xf32>
    %reduce_max3A_3528 = vector.multi_reduction <maximumf>, %transpose3A_3526, %reduce_max3A_3527 [0] : vector<81x128xf32> to vector<128xf32>
    %broadcast_in_dim3A_3529 = vector.shape_cast %reduce_max3A_3528 : vector<128xf32> to vector<1x128xf32>
    %sub3A_3530 = vector.broadcast %broadcast_in_dim3A_3529 : vector<1x128xf32> to vector<81x128xf32>
    %sub3A_3531 = arith.subf %transpose3A_3526, %sub3A_3530 : vector<81x128xf32>
    %exp3A_3532 = math.exp %sub3A_3531 : vector<81x128xf32>
    %reduce_sum3A_3533 = arith.constant dense<0.000000e+00> : vector<128xf32>
    %reduce_sum3A_3534 = vector.multi_reduction <add>, %exp3A_3532, %reduce_sum3A_3533 [0] : vector<81x128xf32> to vector<128xf32>
    %broadcast_in_dim3A_3535 = vector.shape_cast %reduce_sum3A_3534 : vector<128xf32> to vector<1x128xf32>
    %slice3A_3536 = vector.extract_strided_slice %select_n3A_1575 {offsets = [60, 0], sizes = [1, 128], strides = [1, 1]} : vector<72x128xf32> to vector<1x128xf32>
    %convert_element_type3A_3537 = arith.fptosi %slice3A_3536 : vector<1x128xf32> to vector<1x128xi32>
    %eq3A_3538 = vector.broadcast %convert_element_type3A_3537 : vector<1x128xi32> to vector<81x128xi32>
    %eq3A_3539 = arith.cmpi eq, %iota3A_1661, %eq3A_3538 : vector<81x128xi32>
    %jit3A_3540 = arith.constant 0.000000e+00 : f32
    %broadcast_in_dim3A_3541 = vector.broadcast %jit3A_3540 : f32 to vector<81x128xf32>
    %select_n3A_3542 = arith.select %eq3A_3539, %transpose3A_3526, %broadcast_in_dim3A_3541 : vector<81x128xi1>, vector<81x128xf32>
    %reduce_sum3A_3543 = arith.constant dense<0.000000e+00> : vector<128xf32>
    %reduce_sum3A_3544 = vector.multi_reduction <add>, %select_n3A_3542, %reduce_sum3A_3543 [0] : vector<81x128xf32> to vector<128xf32>
    %broadcast_in_dim3A_3545 = vector.shape_cast %reduce_sum3A_3544 : vector<128xf32> to vector<1x128xf32>
    %log3A_3546 = math.log %broadcast_in_dim3A_3535 : vector<1x128xf32>
    %add3A_3547 = arith.addf %broadcast_in_dim3A_3529, %log3A_3546 : vector<1x128xf32>
    %sub3A_3548 = arith.subf %add3A_3547, %broadcast_in_dim3A_3545 : vector<1x128xf32>
    %get3A_3549 = arith.constant 0 : index
    %get3A_3550 = arith.constant 3904 : index
    %get3A_3551 = arith.constant 0 : index
    %get3A_3552 = vector.load %arg5[%get3A_3549, %get3A_3550, %get3A_3551] : memref<1x4366x162xf32, #tpu.memory_space<vmem>>, vector<1x64x162xf32>
    %get3A_3553 = vector.shape_cast %get3A_3552 : vector<1x64x162xf32> to vector<64x162xf32>
    %slice3A_3554 = vector.extract_strided_slice %get3A_3553 {offsets = [0, 0], sizes = [64, 81], strides = [1, 1]} : vector<64x162xf32> to vector<64x81xf32>
    %slice3A_3555 = vector.extract_strided_slice %get3A_3553 {offsets = [0, 81], sizes = [64, 81], strides = [1, 1]} : vector<64x162xf32> to vector<64x81xf32>
    %concatenate3A_3556 = tpu.concatenate %slice3A_3554, %slice3A_3555 in 0 : vector<64x81xf32>, vector<64x81xf32> -> vector<128x81xf32>
    %transpose3A_3557 = tpu.transpose %concatenate3A_3556, [1, 0] : vector<128x81xf32> -> vector<81x128xf32>
    %reduce_max3A_3558 = arith.constant dense<0xFF800000> : vector<128xf32>
    %reduce_max3A_3559 = vector.multi_reduction <maximumf>, %transpose3A_3557, %reduce_max3A_3558 [0] : vector<81x128xf32> to vector<128xf32>
    %broadcast_in_dim3A_3560 = vector.shape_cast %reduce_max3A_3559 : vector<128xf32> to vector<1x128xf32>
    %sub3A_3561 = vector.broadcast %broadcast_in_dim3A_3560 : vector<1x128xf32> to vector<81x128xf32>
    %sub3A_3562 = arith.subf %transpose3A_3557, %sub3A_3561 : vector<81x128xf32>
    %exp3A_3563 = math.exp %sub3A_3562 : vector<81x128xf32>
    %reduce_sum3A_3564 = arith.constant dense<0.000000e+00> : vector<128xf32>
    %reduce_sum3A_3565 = vector.multi_reduction <add>, %exp3A_3563, %reduce_sum3A_3564 [0] : vector<81x128xf32> to vector<128xf32>
    %broadcast_in_dim3A_3566 = vector.shape_cast %reduce_sum3A_3565 : vector<128xf32> to vector<1x128xf32>
    %slice3A_3567 = vector.extract_strided_slice %select_n3A_1575 {offsets = [61, 0], sizes = [1, 128], strides = [1, 1]} : vector<72x128xf32> to vector<1x128xf32>
    %convert_element_type3A_3568 = arith.fptosi %slice3A_3567 : vector<1x128xf32> to vector<1x128xi32>
    %eq3A_3569 = vector.broadcast %convert_element_type3A_3568 : vector<1x128xi32> to vector<81x128xi32>
    %eq3A_3570 = arith.cmpi eq, %iota3A_1661, %eq3A_3569 : vector<81x128xi32>
    %jit3A_3571 = arith.constant 0.000000e+00 : f32
    %broadcast_in_dim3A_3572 = vector.broadcast %jit3A_3571 : f32 to vector<81x128xf32>
    %select_n3A_3573 = arith.select %eq3A_3570, %transpose3A_3557, %broadcast_in_dim3A_3572 : vector<81x128xi1>, vector<81x128xf32>
    %reduce_sum3A_3574 = arith.constant dense<0.000000e+00> : vector<128xf32>
    %reduce_sum3A_3575 = vector.multi_reduction <add>, %select_n3A_3573, %reduce_sum3A_3574 [0] : vector<81x128xf32> to vector<128xf32>
    %broadcast_in_dim3A_3576 = vector.shape_cast %reduce_sum3A_3575 : vector<128xf32> to vector<1x128xf32>
    %log3A_3577 = math.log %broadcast_in_dim3A_3566 : vector<1x128xf32>
    %add3A_3578 = arith.addf %broadcast_in_dim3A_3560, %log3A_3577 : vector<1x128xf32>
    %sub3A_3579 = arith.subf %add3A_3578, %broadcast_in_dim3A_3576 : vector<1x128xf32>
    %get3A_3580 = arith.constant 0 : index
    %get3A_3581 = arith.constant 3968 : index
    %get3A_3582 = arith.constant 0 : index
    %get3A_3583 = vector.load %arg5[%get3A_3580, %get3A_3581, %get3A_3582] : memref<1x4366x162xf32, #tpu.memory_space<vmem>>, vector<1x64x162xf32>
    %get3A_3584 = vector.shape_cast %get3A_3583 : vector<1x64x162xf32> to vector<64x162xf32>
    %slice3A_3585 = vector.extract_strided_slice %get3A_3584 {offsets = [0, 0], sizes = [64, 81], strides = [1, 1]} : vector<64x162xf32> to vector<64x81xf32>
    %slice3A_3586 = vector.extract_strided_slice %get3A_3584 {offsets = [0, 81], sizes = [64, 81], strides = [1, 1]} : vector<64x162xf32> to vector<64x81xf32>
    %concatenate3A_3587 = tpu.concatenate %slice3A_3585, %slice3A_3586 in 0 : vector<64x81xf32>, vector<64x81xf32> -> vector<128x81xf32>
    %transpose3A_3588 = tpu.transpose %concatenate3A_3587, [1, 0] : vector<128x81xf32> -> vector<81x128xf32>
    %reduce_max3A_3589 = arith.constant dense<0xFF800000> : vector<128xf32>
    %reduce_max3A_3590 = vector.multi_reduction <maximumf>, %transpose3A_3588, %reduce_max3A_3589 [0] : vector<81x128xf32> to vector<128xf32>
    %broadcast_in_dim3A_3591 = vector.shape_cast %reduce_max3A_3590 : vector<128xf32> to vector<1x128xf32>
    %sub3A_3592 = vector.broadcast %broadcast_in_dim3A_3591 : vector<1x128xf32> to vector<81x128xf32>
    %sub3A_3593 = arith.subf %transpose3A_3588, %sub3A_3592 : vector<81x128xf32>
    %exp3A_3594 = math.exp %sub3A_3593 : vector<81x128xf32>
    %reduce_sum3A_3595 = arith.constant dense<0.000000e+00> : vector<128xf32>
    %reduce_sum3A_3596 = vector.multi_reduction <add>, %exp3A_3594, %reduce_sum3A_3595 [0] : vector<81x128xf32> to vector<128xf32>
    %broadcast_in_dim3A_3597 = vector.shape_cast %reduce_sum3A_3596 : vector<128xf32> to vector<1x128xf32>
    %slice3A_3598 = vector.extract_strided_slice %select_n3A_1575 {offsets = [62, 0], sizes = [1, 128], strides = [1, 1]} : vector<72x128xf32> to vector<1x128xf32>
    %convert_element_type3A_3599 = arith.fptosi %slice3A_3598 : vector<1x128xf32> to vector<1x128xi32>
    %eq3A_3600 = vector.broadcast %convert_element_type3A_3599 : vector<1x128xi32> to vector<81x128xi32>
    %eq3A_3601 = arith.cmpi eq, %iota3A_1661, %eq3A_3600 : vector<81x128xi32>
    %jit3A_3602 = arith.constant 0.000000e+00 : f32
    %broadcast_in_dim3A_3603 = vector.broadcast %jit3A_3602 : f32 to vector<81x128xf32>
    %select_n3A_3604 = arith.select %eq3A_3601, %transpose3A_3588, %broadcast_in_dim3A_3603 : vector<81x128xi1>, vector<81x128xf32>
    %reduce_sum3A_3605 = arith.constant dense<0.000000e+00> : vector<128xf32>
    %reduce_sum3A_3606 = vector.multi_reduction <add>, %select_n3A_3604, %reduce_sum3A_3605 [0] : vector<81x128xf32> to vector<128xf32>
    %broadcast_in_dim3A_3607 = vector.shape_cast %reduce_sum3A_3606 : vector<128xf32> to vector<1x128xf32>
    %log3A_3608 = math.log %broadcast_in_dim3A_3597 : vector<1x128xf32>
    %add3A_3609 = arith.addf %broadcast_in_dim3A_3591, %log3A_3608 : vector<1x128xf32>
    %sub3A_3610 = arith.subf %add3A_3609, %broadcast_in_dim3A_3607 : vector<1x128xf32>
    %get3A_3611 = arith.constant 0 : index
    %get3A_3612 = arith.constant 4032 : index
    %get3A_3613 = arith.constant 0 : index
    %get3A_3614 = vector.load %arg5[%get3A_3611, %get3A_3612, %get3A_3613] : memref<1x4366x162xf32, #tpu.memory_space<vmem>>, vector<1x64x162xf32>
    %get3A_3615 = vector.shape_cast %get3A_3614 : vector<1x64x162xf32> to vector<64x162xf32>
    %slice3A_3616 = vector.extract_strided_slice %get3A_3615 {offsets = [0, 0], sizes = [64, 81], strides = [1, 1]} : vector<64x162xf32> to vector<64x81xf32>
    %slice3A_3617 = vector.extract_strided_slice %get3A_3615 {offsets = [0, 81], sizes = [64, 81], strides = [1, 1]} : vector<64x162xf32> to vector<64x81xf32>
    %concatenate3A_3618 = tpu.concatenate %slice3A_3616, %slice3A_3617 in 0 : vector<64x81xf32>, vector<64x81xf32> -> vector<128x81xf32>
    %transpose3A_3619 = tpu.transpose %concatenate3A_3618, [1, 0] : vector<128x81xf32> -> vector<81x128xf32>
    %reduce_max3A_3620 = arith.constant dense<0xFF800000> : vector<128xf32>
    %reduce_max3A_3621 = vector.multi_reduction <maximumf>, %transpose3A_3619, %reduce_max3A_3620 [0] : vector<81x128xf32> to vector<128xf32>
    %broadcast_in_dim3A_3622 = vector.shape_cast %reduce_max3A_3621 : vector<128xf32> to vector<1x128xf32>
    %sub3A_3623 = vector.broadcast %broadcast_in_dim3A_3622 : vector<1x128xf32> to vector<81x128xf32>
    %sub3A_3624 = arith.subf %transpose3A_3619, %sub3A_3623 : vector<81x128xf32>
    %exp3A_3625 = math.exp %sub3A_3624 : vector<81x128xf32>
    %reduce_sum3A_3626 = arith.constant dense<0.000000e+00> : vector<128xf32>
    %reduce_sum3A_3627 = vector.multi_reduction <add>, %exp3A_3625, %reduce_sum3A_3626 [0] : vector<81x128xf32> to vector<128xf32>
    %broadcast_in_dim3A_3628 = vector.shape_cast %reduce_sum3A_3627 : vector<128xf32> to vector<1x128xf32>
    %slice3A_3629 = vector.extract_strided_slice %select_n3A_1575 {offsets = [63, 0], sizes = [1, 128], strides = [1, 1]} : vector<72x128xf32> to vector<1x128xf32>
    %convert_element_type3A_3630 = arith.fptosi %slice3A_3629 : vector<1x128xf32> to vector<1x128xi32>
    %eq3A_3631 = vector.broadcast %convert_element_type3A_3630 : vector<1x128xi32> to vector<81x128xi32>
    %eq3A_3632 = arith.cmpi eq, %iota3A_1661, %eq3A_3631 : vector<81x128xi32>
    %jit3A_3633 = arith.constant 0.000000e+00 : f32
    %broadcast_in_dim3A_3634 = vector.broadcast %jit3A_3633 : f32 to vector<81x128xf32>
    %select_n3A_3635 = arith.select %eq3A_3632, %transpose3A_3619, %broadcast_in_dim3A_3634 : vector<81x128xi1>, vector<81x128xf32>
    %reduce_sum3A_3636 = arith.constant dense<0.000000e+00> : vector<128xf32>
    %reduce_sum3A_3637 = vector.multi_reduction <add>, %select_n3A_3635, %reduce_sum3A_3636 [0] : vector<81x128xf32> to vector<128xf32>
    %broadcast_in_dim3A_3638 = vector.shape_cast %reduce_sum3A_3637 : vector<128xf32> to vector<1x128xf32>
    %log3A_3639 = math.log %broadcast_in_dim3A_3628 : vector<1x128xf32>
    %add3A_3640 = arith.addf %broadcast_in_dim3A_3622, %log3A_3639 : vector<1x128xf32>
    %sub3A_3641 = arith.subf %add3A_3640, %broadcast_in_dim3A_3638 : vector<1x128xf32>
    %get3A_3642 = arith.constant 0 : index
    %get3A_3643 = arith.constant 4096 : index
    %get3A_3644 = arith.constant 0 : index
    %get3A_3645 = vector.load %arg5[%get3A_3642, %get3A_3643, %get3A_3644] : memref<1x4366x162xf32, #tpu.memory_space<vmem>>, vector<1x64x162xf32>
    %get3A_3646 = vector.shape_cast %get3A_3645 : vector<1x64x162xf32> to vector<64x162xf32>
    %slice3A_3647 = vector.extract_strided_slice %get3A_3646 {offsets = [0, 0], sizes = [64, 81], strides = [1, 1]} : vector<64x162xf32> to vector<64x81xf32>
    %slice3A_3648 = vector.extract_strided_slice %get3A_3646 {offsets = [0, 81], sizes = [64, 81], strides = [1, 1]} : vector<64x162xf32> to vector<64x81xf32>
    %concatenate3A_3649 = tpu.concatenate %slice3A_3647, %slice3A_3648 in 0 : vector<64x81xf32>, vector<64x81xf32> -> vector<128x81xf32>
    %transpose3A_3650 = tpu.transpose %concatenate3A_3649, [1, 0] : vector<128x81xf32> -> vector<81x128xf32>
    %reduce_max3A_3651 = arith.constant dense<0xFF800000> : vector<128xf32>
    %reduce_max3A_3652 = vector.multi_reduction <maximumf>, %transpose3A_3650, %reduce_max3A_3651 [0] : vector<81x128xf32> to vector<128xf32>
    %broadcast_in_dim3A_3653 = vector.shape_cast %reduce_max3A_3652 : vector<128xf32> to vector<1x128xf32>
    %sub3A_3654 = vector.broadcast %broadcast_in_dim3A_3653 : vector<1x128xf32> to vector<81x128xf32>
    %sub3A_3655 = arith.subf %transpose3A_3650, %sub3A_3654 : vector<81x128xf32>
    %exp3A_3656 = math.exp %sub3A_3655 : vector<81x128xf32>
    %reduce_sum3A_3657 = arith.constant dense<0.000000e+00> : vector<128xf32>
    %reduce_sum3A_3658 = vector.multi_reduction <add>, %exp3A_3656, %reduce_sum3A_3657 [0] : vector<81x128xf32> to vector<128xf32>
    %broadcast_in_dim3A_3659 = vector.shape_cast %reduce_sum3A_3658 : vector<128xf32> to vector<1x128xf32>
    %slice3A_3660 = vector.extract_strided_slice %select_n3A_1575 {offsets = [64, 0], sizes = [1, 128], strides = [1, 1]} : vector<72x128xf32> to vector<1x128xf32>
    %convert_element_type3A_3661 = arith.fptosi %slice3A_3660 : vector<1x128xf32> to vector<1x128xi32>
    %eq3A_3662 = vector.broadcast %convert_element_type3A_3661 : vector<1x128xi32> to vector<81x128xi32>
    %eq3A_3663 = arith.cmpi eq, %iota3A_1661, %eq3A_3662 : vector<81x128xi32>
    %jit3A_3664 = arith.constant 0.000000e+00 : f32
    %broadcast_in_dim3A_3665 = vector.broadcast %jit3A_3664 : f32 to vector<81x128xf32>
    %select_n3A_3666 = arith.select %eq3A_3663, %transpose3A_3650, %broadcast_in_dim3A_3665 : vector<81x128xi1>, vector<81x128xf32>
    %reduce_sum3A_3667 = arith.constant dense<0.000000e+00> : vector<128xf32>
    %reduce_sum3A_3668 = vector.multi_reduction <add>, %select_n3A_3666, %reduce_sum3A_3667 [0] : vector<81x128xf32> to vector<128xf32>
    %broadcast_in_dim3A_3669 = vector.shape_cast %reduce_sum3A_3668 : vector<128xf32> to vector<1x128xf32>
    %log3A_3670 = math.log %broadcast_in_dim3A_3659 : vector<1x128xf32>
    %add3A_3671 = arith.addf %broadcast_in_dim3A_3653, %log3A_3670 : vector<1x128xf32>
    %sub3A_3672 = arith.subf %add3A_3671, %broadcast_in_dim3A_3669 : vector<1x128xf32>
    %get3A_3673 = arith.constant 0 : index
    %get3A_3674 = arith.constant 4160 : index
    %get3A_3675 = arith.constant 0 : index
    %get3A_3676 = vector.load %arg5[%get3A_3673, %get3A_3674, %get3A_3675] : memref<1x4366x162xf32, #tpu.memory_space<vmem>>, vector<1x64x162xf32>
    %get3A_3677 = vector.shape_cast %get3A_3676 : vector<1x64x162xf32> to vector<64x162xf32>
    %slice3A_3678 = vector.extract_strided_slice %get3A_3677 {offsets = [0, 0], sizes = [64, 81], strides = [1, 1]} : vector<64x162xf32> to vector<64x81xf32>
    %slice3A_3679 = vector.extract_strided_slice %get3A_3677 {offsets = [0, 81], sizes = [64, 81], strides = [1, 1]} : vector<64x162xf32> to vector<64x81xf32>
    %concatenate3A_3680 = tpu.concatenate %slice3A_3678, %slice3A_3679 in 0 : vector<64x81xf32>, vector<64x81xf32> -> vector<128x81xf32>
    %transpose3A_3681 = tpu.transpose %concatenate3A_3680, [1, 0] : vector<128x81xf32> -> vector<81x128xf32>
    %reduce_max3A_3682 = arith.constant dense<0xFF800000> : vector<128xf32>
    %reduce_max3A_3683 = vector.multi_reduction <maximumf>, %transpose3A_3681, %reduce_max3A_3682 [0] : vector<81x128xf32> to vector<128xf32>
    %broadcast_in_dim3A_3684 = vector.shape_cast %reduce_max3A_3683 : vector<128xf32> to vector<1x128xf32>
    %sub3A_3685 = vector.broadcast %broadcast_in_dim3A_3684 : vector<1x128xf32> to vector<81x128xf32>
    %sub3A_3686 = arith.subf %transpose3A_3681, %sub3A_3685 : vector<81x128xf32>
    %exp3A_3687 = math.exp %sub3A_3686 : vector<81x128xf32>
    %reduce_sum3A_3688 = arith.constant dense<0.000000e+00> : vector<128xf32>
    %reduce_sum3A_3689 = vector.multi_reduction <add>, %exp3A_3687, %reduce_sum3A_3688 [0] : vector<81x128xf32> to vector<128xf32>
    %broadcast_in_dim3A_3690 = vector.shape_cast %reduce_sum3A_3689 : vector<128xf32> to vector<1x128xf32>
    %slice3A_3691 = vector.extract_strided_slice %select_n3A_1575 {offsets = [65, 0], sizes = [1, 128], strides = [1, 1]} : vector<72x128xf32> to vector<1x128xf32>
    %convert_element_type3A_3692 = arith.fptosi %slice3A_3691 : vector<1x128xf32> to vector<1x128xi32>
    %eq3A_3693 = vector.broadcast %convert_element_type3A_3692 : vector<1x128xi32> to vector<81x128xi32>
    %eq3A_3694 = arith.cmpi eq, %iota3A_1661, %eq3A_3693 : vector<81x128xi32>
    %jit3A_3695 = arith.constant 0.000000e+00 : f32
    %broadcast_in_dim3A_3696 = vector.broadcast %jit3A_3695 : f32 to vector<81x128xf32>
    %select_n3A_3697 = arith.select %eq3A_3694, %transpose3A_3681, %broadcast_in_dim3A_3696 : vector<81x128xi1>, vector<81x128xf32>
    %reduce_sum3A_3698 = arith.constant dense<0.000000e+00> : vector<128xf32>
    %reduce_sum3A_3699 = vector.multi_reduction <add>, %select_n3A_3697, %reduce_sum3A_3698 [0] : vector<81x128xf32> to vector<128xf32>
    %broadcast_in_dim3A_3700 = vector.shape_cast %reduce_sum3A_3699 : vector<128xf32> to vector<1x128xf32>
    %log3A_3701 = math.log %broadcast_in_dim3A_3690 : vector<1x128xf32>
    %add3A_3702 = arith.addf %broadcast_in_dim3A_3684, %log3A_3701 : vector<1x128xf32>
    %sub3A_3703 = arith.subf %add3A_3702, %broadcast_in_dim3A_3700 : vector<1x128xf32>
    %get3A_3704 = arith.constant 0 : index
    %get3A_3705 = arith.constant 4224 : index
    %get3A_3706 = arith.constant 0 : index
    %get3A_3707 = vector.load %arg5[%get3A_3704, %get3A_3705, %get3A_3706] : memref<1x4366x162xf32, #tpu.memory_space<vmem>>, vector<1x64x162xf32>
    %get3A_3708 = vector.shape_cast %get3A_3707 : vector<1x64x162xf32> to vector<64x162xf32>
    %slice3A_3709 = vector.extract_strided_slice %get3A_3708 {offsets = [0, 0], sizes = [64, 81], strides = [1, 1]} : vector<64x162xf32> to vector<64x81xf32>
    %slice3A_3710 = vector.extract_strided_slice %get3A_3708 {offsets = [0, 81], sizes = [64, 81], strides = [1, 1]} : vector<64x162xf32> to vector<64x81xf32>
    %concatenate3A_3711 = tpu.concatenate %slice3A_3709, %slice3A_3710 in 0 : vector<64x81xf32>, vector<64x81xf32> -> vector<128x81xf32>
    %transpose3A_3712 = tpu.transpose %concatenate3A_3711, [1, 0] : vector<128x81xf32> -> vector<81x128xf32>
    %reduce_max3A_3713 = arith.constant dense<0xFF800000> : vector<128xf32>
    %reduce_max3A_3714 = vector.multi_reduction <maximumf>, %transpose3A_3712, %reduce_max3A_3713 [0] : vector<81x128xf32> to vector<128xf32>
    %broadcast_in_dim3A_3715 = vector.shape_cast %reduce_max3A_3714 : vector<128xf32> to vector<1x128xf32>
    %sub3A_3716 = vector.broadcast %broadcast_in_dim3A_3715 : vector<1x128xf32> to vector<81x128xf32>
    %sub3A_3717 = arith.subf %transpose3A_3712, %sub3A_3716 : vector<81x128xf32>
    %exp3A_3718 = math.exp %sub3A_3717 : vector<81x128xf32>
    %reduce_sum3A_3719 = arith.constant dense<0.000000e+00> : vector<128xf32>
    %reduce_sum3A_3720 = vector.multi_reduction <add>, %exp3A_3718, %reduce_sum3A_3719 [0] : vector<81x128xf32> to vector<128xf32>
    %broadcast_in_dim3A_3721 = vector.shape_cast %reduce_sum3A_3720 : vector<128xf32> to vector<1x128xf32>
    %slice3A_3722 = vector.extract_strided_slice %select_n3A_1575 {offsets = [66, 0], sizes = [1, 128], strides = [1, 1]} : vector<72x128xf32> to vector<1x128xf32>
    %convert_element_type3A_3723 = arith.fptosi %slice3A_3722 : vector<1x128xf32> to vector<1x128xi32>
    %eq3A_3724 = vector.broadcast %convert_element_type3A_3723 : vector<1x128xi32> to vector<81x128xi32>
    %eq3A_3725 = arith.cmpi eq, %iota3A_1661, %eq3A_3724 : vector<81x128xi32>
    %jit3A_3726 = arith.constant 0.000000e+00 : f32
    %broadcast_in_dim3A_3727 = vector.broadcast %jit3A_3726 : f32 to vector<81x128xf32>
    %select_n3A_3728 = arith.select %eq3A_3725, %transpose3A_3712, %broadcast_in_dim3A_3727 : vector<81x128xi1>, vector<81x128xf32>
    %reduce_sum3A_3729 = arith.constant dense<0.000000e+00> : vector<128xf32>
    %reduce_sum3A_3730 = vector.multi_reduction <add>, %select_n3A_3728, %reduce_sum3A_3729 [0] : vector<81x128xf32> to vector<128xf32>
    %broadcast_in_dim3A_3731 = vector.shape_cast %reduce_sum3A_3730 : vector<128xf32> to vector<1x128xf32>
    %log3A_3732 = math.log %broadcast_in_dim3A_3721 : vector<1x128xf32>
    %add3A_3733 = arith.addf %broadcast_in_dim3A_3715, %log3A_3732 : vector<1x128xf32>
    %sub3A_3734 = arith.subf %add3A_3733, %broadcast_in_dim3A_3731 : vector<1x128xf32>
    %get3A_3735 = arith.constant 0 : index
    %get3A_3736 = arith.constant 4288 : index
    %get3A_3737 = arith.constant 0 : index
    %get3A_3738 = vector.load %arg5[%get3A_3735, %get3A_3736, %get3A_3737] : memref<1x4366x162xf32, #tpu.memory_space<vmem>>, vector<1x64x162xf32>
    %get3A_3739 = vector.shape_cast %get3A_3738 : vector<1x64x162xf32> to vector<64x162xf32>
    %slice3A_3740 = vector.extract_strided_slice %get3A_3739 {offsets = [0, 0], sizes = [64, 81], strides = [1, 1]} : vector<64x162xf32> to vector<64x81xf32>
    %slice3A_3741 = vector.extract_strided_slice %get3A_3739 {offsets = [0, 81], sizes = [64, 81], strides = [1, 1]} : vector<64x162xf32> to vector<64x81xf32>
    %concatenate3A_3742 = tpu.concatenate %slice3A_3740, %slice3A_3741 in 0 : vector<64x81xf32>, vector<64x81xf32> -> vector<128x81xf32>
    %transpose3A_3743 = tpu.transpose %concatenate3A_3742, [1, 0] : vector<128x81xf32> -> vector<81x128xf32>
    %reduce_max3A_3744 = arith.constant dense<0xFF800000> : vector<128xf32>
    %reduce_max3A_3745 = vector.multi_reduction <maximumf>, %transpose3A_3743, %reduce_max3A_3744 [0] : vector<81x128xf32> to vector<128xf32>
    %broadcast_in_dim3A_3746 = vector.shape_cast %reduce_max3A_3745 : vector<128xf32> to vector<1x128xf32>
    %sub3A_3747 = vector.broadcast %broadcast_in_dim3A_3746 : vector<1x128xf32> to vector<81x128xf32>
    %sub3A_3748 = arith.subf %transpose3A_3743, %sub3A_3747 : vector<81x128xf32>
    %exp3A_3749 = math.exp %sub3A_3748 : vector<81x128xf32>
    %reduce_sum3A_3750 = arith.constant dense<0.000000e+00> : vector<128xf32>
    %reduce_sum3A_3751 = vector.multi_reduction <add>, %exp3A_3749, %reduce_sum3A_3750 [0] : vector<81x128xf32> to vector<128xf32>
    %broadcast_in_dim3A_3752 = vector.shape_cast %reduce_sum3A_3751 : vector<128xf32> to vector<1x128xf32>
    %slice3A_3753 = vector.extract_strided_slice %select_n3A_1575 {offsets = [67, 0], sizes = [1, 128], strides = [1, 1]} : vector<72x128xf32> to vector<1x128xf32>
    %convert_element_type3A_3754 = arith.fptosi %slice3A_3753 : vector<1x128xf32> to vector<1x128xi32>
    %eq3A_3755 = vector.broadcast %convert_element_type3A_3754 : vector<1x128xi32> to vector<81x128xi32>
    %eq3A_3756 = arith.cmpi eq, %iota3A_1661, %eq3A_3755 : vector<81x128xi32>
    %jit3A_3757 = arith.constant 0.000000e+00 : f32
    %broadcast_in_dim3A_3758 = vector.broadcast %jit3A_3757 : f32 to vector<81x128xf32>
    %select_n3A_3759 = arith.select %eq3A_3756, %transpose3A_3743, %broadcast_in_dim3A_3758 : vector<81x128xi1>, vector<81x128xf32>
    %reduce_sum3A_3760 = arith.constant dense<0.000000e+00> : vector<128xf32>
    %reduce_sum3A_3761 = vector.multi_reduction <add>, %select_n3A_3759, %reduce_sum3A_3760 [0] : vector<81x128xf32> to vector<128xf32>
    %broadcast_in_dim3A_3762 = vector.shape_cast %reduce_sum3A_3761 : vector<128xf32> to vector<1x128xf32>
    %log3A_3763 = math.log %broadcast_in_dim3A_3752 : vector<1x128xf32>
    %add3A_3764 = arith.addf %broadcast_in_dim3A_3746, %log3A_3763 : vector<1x128xf32>
    %sub3A_3765 = arith.subf %add3A_3764, %broadcast_in_dim3A_3762 : vector<1x128xf32>
    %get3A_3766 = arith.constant 0 : index
    %get3A_3767 = arith.constant 4302 : index
    %get3A_3768 = arith.constant 0 : index
    %get3A_3769 = vector.load %arg5[%get3A_3766, %get3A_3767, %get3A_3768] : memref<1x4366x162xf32, #tpu.memory_space<vmem>>, vector<1x64x162xf32>
    %get3A_3770 = vector.shape_cast %get3A_3769 : vector<1x64x162xf32> to vector<64x162xf32>
    %slice3A_3771 = vector.extract_strided_slice %get3A_3770 {offsets = [0, 0], sizes = [64, 81], strides = [1, 1]} : vector<64x162xf32> to vector<64x81xf32>
    %slice3A_3772 = vector.extract_strided_slice %get3A_3770 {offsets = [0, 81], sizes = [64, 81], strides = [1, 1]} : vector<64x162xf32> to vector<64x81xf32>
    %concatenate3A_3773 = tpu.concatenate %slice3A_3771, %slice3A_3772 in 0 : vector<64x81xf32>, vector<64x81xf32> -> vector<128x81xf32>
    %transpose3A_3774 = tpu.transpose %concatenate3A_3773, [1, 0] : vector<128x81xf32> -> vector<81x128xf32>
    %reduce_max3A_3775 = arith.constant dense<0xFF800000> : vector<128xf32>
    %reduce_max3A_3776 = vector.multi_reduction <maximumf>, %transpose3A_3774, %reduce_max3A_3775 [0] : vector<81x128xf32> to vector<128xf32>
    %broadcast_in_dim3A_3777 = vector.shape_cast %reduce_max3A_3776 : vector<128xf32> to vector<1x128xf32>
    %sub3A_3778 = vector.broadcast %broadcast_in_dim3A_3777 : vector<1x128xf32> to vector<81x128xf32>
    %sub3A_3779 = arith.subf %transpose3A_3774, %sub3A_3778 : vector<81x128xf32>
    %exp3A_3780 = math.exp %sub3A_3779 : vector<81x128xf32>
    %reduce_sum3A_3781 = arith.constant dense<0.000000e+00> : vector<128xf32>
    %reduce_sum3A_3782 = vector.multi_reduction <add>, %exp3A_3780, %reduce_sum3A_3781 [0] : vector<81x128xf32> to vector<128xf32>
    %broadcast_in_dim3A_3783 = vector.shape_cast %reduce_sum3A_3782 : vector<128xf32> to vector<1x128xf32>
    %slice3A_3784 = vector.extract_strided_slice %select_n3A_1575 {offsets = [68, 0], sizes = [1, 128], strides = [1, 1]} : vector<72x128xf32> to vector<1x128xf32>
    %convert_element_type3A_3785 = arith.fptosi %slice3A_3784 : vector<1x128xf32> to vector<1x128xi32>
    %roll3A = arith.constant 50 : i32
    %roll3A_3786 = tpu.dynamic_rotate %convert_element_type3A_3785 by %roll3A dim 1 : vector<1x128xi32>, i32 -> vector<1x128xi32>
    %eq3A_3787 = vector.broadcast %roll3A_3786 : vector<1x128xi32> to vector<81x128xi32>
    %eq3A_3788 = arith.cmpi eq, %iota3A_1661, %eq3A_3787 : vector<81x128xi32>
    %jit3A_3789 = arith.constant 0.000000e+00 : f32
    %broadcast_in_dim3A_3790 = vector.broadcast %jit3A_3789 : f32 to vector<81x128xf32>
    %select_n3A_3791 = arith.select %eq3A_3788, %transpose3A_3774, %broadcast_in_dim3A_3790 : vector<81x128xi1>, vector<81x128xf32>
    %reduce_sum3A_3792 = arith.constant dense<0.000000e+00> : vector<128xf32>
    %reduce_sum3A_3793 = vector.multi_reduction <add>, %select_n3A_3791, %reduce_sum3A_3792 [0] : vector<81x128xf32> to vector<128xf32>
    %broadcast_in_dim3A_3794 = vector.shape_cast %reduce_sum3A_3793 : vector<128xf32> to vector<1x128xf32>
    %log3A_3795 = math.log %broadcast_in_dim3A_3783 : vector<1x128xf32>
    %add3A_3796 = arith.addf %broadcast_in_dim3A_3777, %log3A_3795 : vector<1x128xf32>
    %sub3A_3797 = arith.subf %add3A_3796, %broadcast_in_dim3A_3794 : vector<1x128xf32>
    %roll3A_3798 = arith.constant 78 : i32
    %roll3A_3799 = tpu.dynamic_rotate %sub3A_3797 by %roll3A_3798 dim 1 : vector<1x128xf32>, i32 -> vector<1x128xf32>
    %broadcast_in_dim3A_3800 = arith.constant 0.000000e+00 : f32
    %broadcast_in_dim3A_3801 = vector.broadcast %broadcast_in_dim3A_3800 : f32 to vector<3x128xf32>
    %concatenate3A_3802 = tpu.concatenate %sub3A_1688, %sub3A_1719, %sub3A_1750, %sub3A_1781, %sub3A_1812, %sub3A_1843, %sub3A_1874, %sub3A_1905, %sub3A_1936, %sub3A_1967, %sub3A_1998, %sub3A_2029, %sub3A_2060, %sub3A_2091, %sub3A_2122, %sub3A_2153, %sub3A_2184, %sub3A_2215, %sub3A_2246, %sub3A_2277, %sub3A_2308, %sub3A_2339, %sub3A_2370, %sub3A_2401, %sub3A_2432, %sub3A_2463, %sub3A_2494, %sub3A_2525, %sub3A_2556, %sub3A_2587, %sub3A_2618, %sub3A_2649, %sub3A_2680, %sub3A_2711, %sub3A_2742, %sub3A_2773, %sub3A_2804, %sub3A_2835, %sub3A_2866, %sub3A_2897, %sub3A_2928, %sub3A_2959, %sub3A_2990, %sub3A_3021, %sub3A_3052, %sub3A_3083, %sub3A_3114, %sub3A_3145, %sub3A_3176, %sub3A_3207, %sub3A_3238, %sub3A_3269, %sub3A_3300, %sub3A_3331, %sub3A_3362, %sub3A_3393, %sub3A_3424, %sub3A_3455, %sub3A_3486, %sub3A_3517, %sub3A_3548, %sub3A_3579, %sub3A_3610, %sub3A_3641, %sub3A_3672, %sub3A_3703, %sub3A_3734, %sub3A_3765, %roll3A_3799, %broadcast_in_dim3A_3801 in 0 : vector<1x128xf32>, vector<1x128xf32>, vector<1x128xf32>, vector<1x128xf32>, vector<1x128xf32>, vector<1x128xf32>, vector<1x128xf32>, vector<1x128xf32>, vector<1x128xf32>, vector<1x128xf32>, vector<1x128xf32>, vector<1x128xf32>, vector<1x128xf32>, vector<1x128xf32>, vector<1x128xf32>, vector<1x128xf32>, vector<1x128xf32>, vector<1x128xf32>, vector<1x128xf32>, vector<1x128xf32>, vector<1x128xf32>, vector<1x128xf32>, vector<1x128xf32>, vector<1x128xf32>, vector<1x128xf32>, vector<1x128xf32>, vector<1x128xf32>, vector<1x128xf32>, vector<1x128xf32>, vector<1x128xf32>, vector<1x128xf32>, vector<1x128xf32>, vector<1x128xf32>, vector<1x128xf32>, vector<1x128xf32>, vector<1x128xf32>, vector<1x128xf32>, vector<1x128xf32>, vector<1x128xf32>, vector<1x128xf32>, vector<1x128xf32>, vector<1x128xf32>, vector<1x128xf32>, vector<1x128xf32>, vector<1x128xf32>, vector<1x128xf32>, vector<1x128xf32>, vector<1x128xf32>, vector<1x128xf32>, vector<1x128xf32>, vector<1x128xf32>, vector<1x128xf32>, vector<1x128xf32>, vector<1x128xf32>, vector<1x128xf32>, vector<1x128xf32>, vector<1x128xf32>, vector<1x128xf32>, vector<1x128xf32>, vector<1x128xf32>, vector<1x128xf32>, vector<1x128xf32>, vector<1x128xf32>, vector<1x128xf32>, vector<1x128xf32>, vector<1x128xf32>, vector<1x128xf32>, vector<1x128xf32>, vector<1x128xf32>, vector<3x128xf32> -> vector<72x128xf32>
    %jit3A_3803 = arith.constant 0.000000e+00 : f32
    %broadcast_in_dim3A_3804 = vector.broadcast %jit3A_3803 : f32 to vector<72x128xf32>
    %select_n3A_3805 = arith.select %gt3A_1578, %concatenate3A_3802, %broadcast_in_dim3A_3804 : vector<72x128xi1>, vector<72x128xf32>
    %reduce_sum3A_3806 = arith.constant dense<0.000000e+00> : vector<72xf32>
    %reduce_sum3A_3807 = vector.multi_reduction <add>, %select_n3A_3805, %reduce_sum3A_3806 [1] : vector<72x128xf32> to vector<72xf32>
    %broadcast_in_dim3A_3808 = vector.shape_cast %reduce_sum3A_3807 : vector<72xf32> to vector<72x1xf32>
    %reduce_sum3A_3809 = arith.constant dense<0.000000e+00> : vector<1xf32>
    %reduce_sum3A_3810 = vector.multi_reduction <add>, %broadcast_in_dim3A_3808, %reduce_sum3A_3809 [0] : vector<72x1xf32> to vector<1xf32>
    %broadcast_in_dim3A_3811 = vector.shape_cast %reduce_sum3A_3810 : vector<1xf32> to vector<1x1xf32>
    %not3A = arith.constant dense<true> : vector<72x128xi1>
    %not3A_3812 = arith.xori %gt3A_1578, %not3A : vector<72x128xi1>
    %and3A_3813 = arith.andi %lt3A_52, %not3A_3812 : vector<72x128xi1>
    %select_n3A_3814 = arith.select %and3A_3813, %concatenate3A_3802, %broadcast_in_dim3A_89 : vector<72x128xi1>, vector<72x128xf32>
    %max3A_3815 = arith.constant 0.000000e+00 : f32
    %max3A_3816 = vector.broadcast %max3A_3815 : f32 to vector<72x128xf32>
    %max3A_3817 = arith.maximumf %select_n3A_3814, %max3A_3816 : vector<72x128xf32>
    %bitcast_convert_type3A = tpu.bitcast %max3A_3817 : vector<72x128xf32> -> vector<72x128xi32>
    %mul3A_3818 = arith.constant 3.000000e+00 : f32
    %mul3A_3819 = vector.broadcast %mul3A_3818 : f32 to vector<1x1xf32>
    %mul3A_3820 = arith.mulf %mul3A_3819, %broadcast_in_dim3A_1660 : vector<1x1xf32>
    %min3A_3821 = arith.constant 8.732000e+03 : f32
    %min3A_3822 = vector.broadcast %min3A_3821 : f32 to vector<1x1xf32>
    %min3A_3823 = arith.minimumf %mul3A_3820, %min3A_3822 : vector<1x1xf32>
    %broadcast_in_dim3A_3824 = arith.constant 0 : i32
    %broadcast_in_dim3A_3825 = vector.broadcast %broadcast_in_dim3A_3824 : i32 to vector<1x1xi32>
    %or3A = arith.constant 536870912 : i32
    %or3A_3826 = vector.broadcast %or3A : i32 to vector<1x1xi32>
    %or3A_3827 = arith.ori %broadcast_in_dim3A_3825, %or3A_3826 : vector<1x1xi32>
    %or3A_3828 = arith.constant 1073741824 : i32
    %or3A_3829 = vector.broadcast %or3A_3828 : i32 to vector<1x1xi32>
    %or3A_3830 = arith.ori %broadcast_in_dim3A_3825, %or3A_3829 : vector<1x1xi32>
    %or3A_3831 = arith.constant 1610612736 : i32
    %or3A_3832 = vector.broadcast %or3A_3831 : i32 to vector<1x1xi32>
    %or3A_3833 = arith.ori %broadcast_in_dim3A_3825, %or3A_3832 : vector<1x1xi32>
    %ge3A = vector.broadcast %or3A_3827 : vector<1x1xi32> to vector<72x128xi32>
    %ge3A_3834 = arith.cmpi sge, %bitcast_convert_type3A, %ge3A : vector<72x128xi32>
    %jit3A_3835 = arith.constant 1.000000e+00 : f32
    %jit3A_3836 = arith.constant 0.000000e+00 : f32
    %broadcast_in_dim3A_3837 = vector.broadcast %jit3A_3835 : f32 to vector<72x128xf32>
    %broadcast_in_dim3A_3838 = vector.broadcast %jit3A_3836 : f32 to vector<72x128xf32>
    %select_n3A_3839 = arith.select %ge3A_3834, %broadcast_in_dim3A_3837, %broadcast_in_dim3A_3838 : vector<72x128xi1>, vector<72x128xf32>
    %reduce_sum3A_3840 = arith.constant dense<0.000000e+00> : vector<72xf32>
    %reduce_sum3A_3841 = vector.multi_reduction <add>, %select_n3A_3839, %reduce_sum3A_3840 [1] : vector<72x128xf32> to vector<72xf32>
    %broadcast_in_dim3A_3842 = vector.shape_cast %reduce_sum3A_3841 : vector<72xf32> to vector<72x1xf32>
    %reduce_sum3A_3843 = arith.constant dense<0.000000e+00> : vector<1xf32>
    %reduce_sum3A_3844 = vector.multi_reduction <add>, %broadcast_in_dim3A_3842, %reduce_sum3A_3843 [0] : vector<72x1xf32> to vector<1xf32>
    %broadcast_in_dim3A_3845 = vector.shape_cast %reduce_sum3A_3844 : vector<1xf32> to vector<1x1xf32>
    %ge3A_3846 = vector.broadcast %or3A_3830 : vector<1x1xi32> to vector<72x128xi32>
    %ge3A_3847 = arith.cmpi sge, %bitcast_convert_type3A, %ge3A_3846 : vector<72x128xi32>
    %jit3A_3848 = arith.constant 1.000000e+00 : f32
    %jit3A_3849 = arith.constant 0.000000e+00 : f32
    %broadcast_in_dim3A_3850 = vector.broadcast %jit3A_3848 : f32 to vector<72x128xf32>
    %broadcast_in_dim3A_3851 = vector.broadcast %jit3A_3849 : f32 to vector<72x128xf32>
    %select_n3A_3852 = arith.select %ge3A_3847, %broadcast_in_dim3A_3850, %broadcast_in_dim3A_3851 : vector<72x128xi1>, vector<72x128xf32>
    %reduce_sum3A_3853 = arith.constant dense<0.000000e+00> : vector<72xf32>
    %reduce_sum3A_3854 = vector.multi_reduction <add>, %select_n3A_3852, %reduce_sum3A_3853 [1] : vector<72x128xf32> to vector<72xf32>
    %broadcast_in_dim3A_3855 = vector.shape_cast %reduce_sum3A_3854 : vector<72xf32> to vector<72x1xf32>
    %reduce_sum3A_3856 = arith.constant dense<0.000000e+00> : vector<1xf32>
    %reduce_sum3A_3857 = vector.multi_reduction <add>, %broadcast_in_dim3A_3855, %reduce_sum3A_3856 [0] : vector<72x1xf32> to vector<1xf32>
    %broadcast_in_dim3A_3858 = vector.shape_cast %reduce_sum3A_3857 : vector<1xf32> to vector<1x1xf32>
    %ge3A_3859 = vector.broadcast %or3A_3833 : vector<1x1xi32> to vector<72x128xi32>
    %ge3A_3860 = arith.cmpi sge, %bitcast_convert_type3A, %ge3A_3859 : vector<72x128xi32>
    %jit3A_3861 = arith.constant 1.000000e+00 : f32
    %jit3A_3862 = arith.constant 0.000000e+00 : f32
    %broadcast_in_dim3A_3863 = vector.broadcast %jit3A_3861 : f32 to vector<72x128xf32>
    %broadcast_in_dim3A_3864 = vector.broadcast %jit3A_3862 : f32 to vector<72x128xf32>
    %select_n3A_3865 = arith.select %ge3A_3860, %broadcast_in_dim3A_3863, %broadcast_in_dim3A_3864 : vector<72x128xi1>, vector<72x128xf32>
    %reduce_sum3A_3866 = arith.constant dense<0.000000e+00> : vector<72xf32>
    %reduce_sum3A_3867 = vector.multi_reduction <add>, %select_n3A_3865, %reduce_sum3A_3866 [1] : vector<72x128xf32> to vector<72xf32>
    %broadcast_in_dim3A_3868 = vector.shape_cast %reduce_sum3A_3867 : vector<72xf32> to vector<72x1xf32>
    %reduce_sum3A_3869 = arith.constant dense<0.000000e+00> : vector<1xf32>
    %reduce_sum3A_3870 = vector.multi_reduction <add>, %broadcast_in_dim3A_3868, %reduce_sum3A_3869 [0] : vector<72x1xf32> to vector<1xf32>
    %broadcast_in_dim3A_3871 = vector.shape_cast %reduce_sum3A_3870 : vector<1xf32> to vector<1x1xf32>
    %ge3A_3872 = arith.cmpf oge, %broadcast_in_dim3A_3871, %min3A_3823 : vector<1x1xf32>
    %ge3A_3873 = arith.cmpf oge, %broadcast_in_dim3A_3858, %min3A_3823 : vector<1x1xf32>
    %ge3A_3874 = arith.cmpf oge, %broadcast_in_dim3A_3845, %min3A_3823 : vector<1x1xf32>
    %select_n3A_3875 = arith.select %ge3A_3874, %or3A_3827, %broadcast_in_dim3A_3825 : vector<1x1xi1>, vector<1x1xi32>
    %select_n3A_3876 = arith.select %ge3A_3873, %or3A_3830, %select_n3A_3875 : vector<1x1xi1>, vector<1x1xi32>
    %select_n3A_3877 = arith.select %ge3A_3872, %or3A_3833, %select_n3A_3876 : vector<1x1xi1>, vector<1x1xi32>
    %or3A_3878 = arith.constant 134217728 : i32
    %or3A_3879 = vector.broadcast %or3A_3878 : i32 to vector<1x1xi32>
    %or3A_3880 = arith.ori %select_n3A_3877, %or3A_3879 : vector<1x1xi32>
    %or3A_3881 = arith.constant 268435456 : i32
    %or3A_3882 = vector.broadcast %or3A_3881 : i32 to vector<1x1xi32>
    %or3A_3883 = arith.ori %select_n3A_3877, %or3A_3882 : vector<1x1xi32>
    %or3A_3884 = arith.constant 402653184 : i32
    %or3A_3885 = vector.broadcast %or3A_3884 : i32 to vector<1x1xi32>
    %or3A_3886 = arith.ori %select_n3A_3877, %or3A_3885 : vector<1x1xi32>
    %ge3A_3887 = vector.broadcast %or3A_3880 : vector<1x1xi32> to vector<72x128xi32>
    %ge3A_3888 = arith.cmpi sge, %bitcast_convert_type3A, %ge3A_3887 : vector<72x128xi32>
    %jit3A_3889 = arith.constant 1.000000e+00 : f32
    %jit3A_3890 = arith.constant 0.000000e+00 : f32
    %broadcast_in_dim3A_3891 = vector.broadcast %jit3A_3889 : f32 to vector<72x128xf32>
    %broadcast_in_dim3A_3892 = vector.broadcast %jit3A_3890 : f32 to vector<72x128xf32>
    %select_n3A_3893 = arith.select %ge3A_3888, %broadcast_in_dim3A_3891, %broadcast_in_dim3A_3892 : vector<72x128xi1>, vector<72x128xf32>
    %reduce_sum3A_3894 = arith.constant dense<0.000000e+00> : vector<72xf32>
    %reduce_sum3A_3895 = vector.multi_reduction <add>, %select_n3A_3893, %reduce_sum3A_3894 [1] : vector<72x128xf32> to vector<72xf32>
    %broadcast_in_dim3A_3896 = vector.shape_cast %reduce_sum3A_3895 : vector<72xf32> to vector<72x1xf32>
    %reduce_sum3A_3897 = arith.constant dense<0.000000e+00> : vector<1xf32>
    %reduce_sum3A_3898 = vector.multi_reduction <add>, %broadcast_in_dim3A_3896, %reduce_sum3A_3897 [0] : vector<72x1xf32> to vector<1xf32>
    %broadcast_in_dim3A_3899 = vector.shape_cast %reduce_sum3A_3898 : vector<1xf32> to vector<1x1xf32>
    %ge3A_3900 = vector.broadcast %or3A_3883 : vector<1x1xi32> to vector<72x128xi32>
    %ge3A_3901 = arith.cmpi sge, %bitcast_convert_type3A, %ge3A_3900 : vector<72x128xi32>
    %jit3A_3902 = arith.constant 1.000000e+00 : f32
    %jit3A_3903 = arith.constant 0.000000e+00 : f32
    %broadcast_in_dim3A_3904 = vector.broadcast %jit3A_3902 : f32 to vector<72x128xf32>
    %broadcast_in_dim3A_3905 = vector.broadcast %jit3A_3903 : f32 to vector<72x128xf32>
    %select_n3A_3906 = arith.select %ge3A_3901, %broadcast_in_dim3A_3904, %broadcast_in_dim3A_3905 : vector<72x128xi1>, vector<72x128xf32>
    %reduce_sum3A_3907 = arith.constant dense<0.000000e+00> : vector<72xf32>
    %reduce_sum3A_3908 = vector.multi_reduction <add>, %select_n3A_3906, %reduce_sum3A_3907 [1] : vector<72x128xf32> to vector<72xf32>
    %broadcast_in_dim3A_3909 = vector.shape_cast %reduce_sum3A_3908 : vector<72xf32> to vector<72x1xf32>
    %reduce_sum3A_3910 = arith.constant dense<0.000000e+00> : vector<1xf32>
    %reduce_sum3A_3911 = vector.multi_reduction <add>, %broadcast_in_dim3A_3909, %reduce_sum3A_3910 [0] : vector<72x1xf32> to vector<1xf32>
    %broadcast_in_dim3A_3912 = vector.shape_cast %reduce_sum3A_3911 : vector<1xf32> to vector<1x1xf32>
    %ge3A_3913 = vector.broadcast %or3A_3886 : vector<1x1xi32> to vector<72x128xi32>
    %ge3A_3914 = arith.cmpi sge, %bitcast_convert_type3A, %ge3A_3913 : vector<72x128xi32>
    %jit3A_3915 = arith.constant 1.000000e+00 : f32
    %jit3A_3916 = arith.constant 0.000000e+00 : f32
    %broadcast_in_dim3A_3917 = vector.broadcast %jit3A_3915 : f32 to vector<72x128xf32>
    %broadcast_in_dim3A_3918 = vector.broadcast %jit3A_3916 : f32 to vector<72x128xf32>
    %select_n3A_3919 = arith.select %ge3A_3914, %broadcast_in_dim3A_3917, %broadcast_in_dim3A_3918 : vector<72x128xi1>, vector<72x128xf32>
    %reduce_sum3A_3920 = arith.constant dense<0.000000e+00> : vector<72xf32>
    %reduce_sum3A_3921 = vector.multi_reduction <add>, %select_n3A_3919, %reduce_sum3A_3920 [1] : vector<72x128xf32> to vector<72xf32>
    %broadcast_in_dim3A_3922 = vector.shape_cast %reduce_sum3A_3921 : vector<72xf32> to vector<72x1xf32>
    %reduce_sum3A_3923 = arith.constant dense<0.000000e+00> : vector<1xf32>
    %reduce_sum3A_3924 = vector.multi_reduction <add>, %broadcast_in_dim3A_3922, %reduce_sum3A_3923 [0] : vector<72x1xf32> to vector<1xf32>
    %broadcast_in_dim3A_3925 = vector.shape_cast %reduce_sum3A_3924 : vector<1xf32> to vector<1x1xf32>
    %ge3A_3926 = arith.cmpf oge, %broadcast_in_dim3A_3925, %min3A_3823 : vector<1x1xf32>
    %ge3A_3927 = arith.cmpf oge, %broadcast_in_dim3A_3912, %min3A_3823 : vector<1x1xf32>
    %ge3A_3928 = arith.cmpf oge, %broadcast_in_dim3A_3899, %min3A_3823 : vector<1x1xf32>
    %select_n3A_3929 = arith.select %ge3A_3928, %or3A_3880, %select_n3A_3877 : vector<1x1xi1>, vector<1x1xi32>
    %select_n3A_3930 = arith.select %ge3A_3927, %or3A_3883, %select_n3A_3929 : vector<1x1xi1>, vector<1x1xi32>
    %select_n3A_3931 = arith.select %ge3A_3926, %or3A_3886, %select_n3A_3930 : vector<1x1xi1>, vector<1x1xi32>
    %or3A_3932 = arith.constant 33554432 : i32
    %or3A_3933 = vector.broadcast %or3A_3932 : i32 to vector<1x1xi32>
    %or3A_3934 = arith.ori %select_n3A_3931, %or3A_3933 : vector<1x1xi32>
    %or3A_3935 = arith.constant 67108864 : i32
    %or3A_3936 = vector.broadcast %or3A_3935 : i32 to vector<1x1xi32>
    %or3A_3937 = arith.ori %select_n3A_3931, %or3A_3936 : vector<1x1xi32>
    %or3A_3938 = arith.constant 100663296 : i32
    %or3A_3939 = vector.broadcast %or3A_3938 : i32 to vector<1x1xi32>
    %or3A_3940 = arith.ori %select_n3A_3931, %or3A_3939 : vector<1x1xi32>
    %ge3A_3941 = vector.broadcast %or3A_3934 : vector<1x1xi32> to vector<72x128xi32>
    %ge3A_3942 = arith.cmpi sge, %bitcast_convert_type3A, %ge3A_3941 : vector<72x128xi32>
    %jit3A_3943 = arith.constant 1.000000e+00 : f32
    %jit3A_3944 = arith.constant 0.000000e+00 : f32
    %broadcast_in_dim3A_3945 = vector.broadcast %jit3A_3943 : f32 to vector<72x128xf32>
    %broadcast_in_dim3A_3946 = vector.broadcast %jit3A_3944 : f32 to vector<72x128xf32>
    %select_n3A_3947 = arith.select %ge3A_3942, %broadcast_in_dim3A_3945, %broadcast_in_dim3A_3946 : vector<72x128xi1>, vector<72x128xf32>
    %reduce_sum3A_3948 = arith.constant dense<0.000000e+00> : vector<72xf32>
    %reduce_sum3A_3949 = vector.multi_reduction <add>, %select_n3A_3947, %reduce_sum3A_3948 [1] : vector<72x128xf32> to vector<72xf32>
    %broadcast_in_dim3A_3950 = vector.shape_cast %reduce_sum3A_3949 : vector<72xf32> to vector<72x1xf32>
    %reduce_sum3A_3951 = arith.constant dense<0.000000e+00> : vector<1xf32>
    %reduce_sum3A_3952 = vector.multi_reduction <add>, %broadcast_in_dim3A_3950, %reduce_sum3A_3951 [0] : vector<72x1xf32> to vector<1xf32>
    %broadcast_in_dim3A_3953 = vector.shape_cast %reduce_sum3A_3952 : vector<1xf32> to vector<1x1xf32>
    %ge3A_3954 = vector.broadcast %or3A_3937 : vector<1x1xi32> to vector<72x128xi32>
    %ge3A_3955 = arith.cmpi sge, %bitcast_convert_type3A, %ge3A_3954 : vector<72x128xi32>
    %jit3A_3956 = arith.constant 1.000000e+00 : f32
    %jit3A_3957 = arith.constant 0.000000e+00 : f32
    %broadcast_in_dim3A_3958 = vector.broadcast %jit3A_3956 : f32 to vector<72x128xf32>
    %broadcast_in_dim3A_3959 = vector.broadcast %jit3A_3957 : f32 to vector<72x128xf32>
    %select_n3A_3960 = arith.select %ge3A_3955, %broadcast_in_dim3A_3958, %broadcast_in_dim3A_3959 : vector<72x128xi1>, vector<72x128xf32>
    %reduce_sum3A_3961 = arith.constant dense<0.000000e+00> : vector<72xf32>
    %reduce_sum3A_3962 = vector.multi_reduction <add>, %select_n3A_3960, %reduce_sum3A_3961 [1] : vector<72x128xf32> to vector<72xf32>
    %broadcast_in_dim3A_3963 = vector.shape_cast %reduce_sum3A_3962 : vector<72xf32> to vector<72x1xf32>
    %reduce_sum3A_3964 = arith.constant dense<0.000000e+00> : vector<1xf32>
    %reduce_sum3A_3965 = vector.multi_reduction <add>, %broadcast_in_dim3A_3963, %reduce_sum3A_3964 [0] : vector<72x1xf32> to vector<1xf32>
    %broadcast_in_dim3A_3966 = vector.shape_cast %reduce_sum3A_3965 : vector<1xf32> to vector<1x1xf32>
    %ge3A_3967 = vector.broadcast %or3A_3940 : vector<1x1xi32> to vector<72x128xi32>
    %ge3A_3968 = arith.cmpi sge, %bitcast_convert_type3A, %ge3A_3967 : vector<72x128xi32>
    %jit3A_3969 = arith.constant 1.000000e+00 : f32
    %jit3A_3970 = arith.constant 0.000000e+00 : f32
    %broadcast_in_dim3A_3971 = vector.broadcast %jit3A_3969 : f32 to vector<72x128xf32>
    %broadcast_in_dim3A_3972 = vector.broadcast %jit3A_3970 : f32 to vector<72x128xf32>
    %select_n3A_3973 = arith.select %ge3A_3968, %broadcast_in_dim3A_3971, %broadcast_in_dim3A_3972 : vector<72x128xi1>, vector<72x128xf32>
    %reduce_sum3A_3974 = arith.constant dense<0.000000e+00> : vector<72xf32>
    %reduce_sum3A_3975 = vector.multi_reduction <add>, %select_n3A_3973, %reduce_sum3A_3974 [1] : vector<72x128xf32> to vector<72xf32>
    %broadcast_in_dim3A_3976 = vector.shape_cast %reduce_sum3A_3975 : vector<72xf32> to vector<72x1xf32>
    %reduce_sum3A_3977 = arith.constant dense<0.000000e+00> : vector<1xf32>
    %reduce_sum3A_3978 = vector.multi_reduction <add>, %broadcast_in_dim3A_3976, %reduce_sum3A_3977 [0] : vector<72x1xf32> to vector<1xf32>
    %broadcast_in_dim3A_3979 = vector.shape_cast %reduce_sum3A_3978 : vector<1xf32> to vector<1x1xf32>
    %ge3A_3980 = arith.cmpf oge, %broadcast_in_dim3A_3979, %min3A_3823 : vector<1x1xf32>
    %ge3A_3981 = arith.cmpf oge, %broadcast_in_dim3A_3966, %min3A_3823 : vector<1x1xf32>
    %ge3A_3982 = arith.cmpf oge, %broadcast_in_dim3A_3953, %min3A_3823 : vector<1x1xf32>
    %select_n3A_3983 = arith.select %ge3A_3982, %or3A_3934, %select_n3A_3931 : vector<1x1xi1>, vector<1x1xi32>
    %select_n3A_3984 = arith.select %ge3A_3981, %or3A_3937, %select_n3A_3983 : vector<1x1xi1>, vector<1x1xi32>
    %select_n3A_3985 = arith.select %ge3A_3980, %or3A_3940, %select_n3A_3984 : vector<1x1xi1>, vector<1x1xi32>
    %or3A_3986 = arith.constant 8388608 : i32
    %or3A_3987 = vector.broadcast %or3A_3986 : i32 to vector<1x1xi32>
    %or3A_3988 = arith.ori %select_n3A_3985, %or3A_3987 : vector<1x1xi32>
    %or3A_3989 = arith.constant 16777216 : i32
    %or3A_3990 = vector.broadcast %or3A_3989 : i32 to vector<1x1xi32>
    %or3A_3991 = arith.ori %select_n3A_3985, %or3A_3990 : vector<1x1xi32>
    %or3A_3992 = arith.constant 25165824 : i32
    %or3A_3993 = vector.broadcast %or3A_3992 : i32 to vector<1x1xi32>
    %or3A_3994 = arith.ori %select_n3A_3985, %or3A_3993 : vector<1x1xi32>
    %ge3A_3995 = vector.broadcast %or3A_3988 : vector<1x1xi32> to vector<72x128xi32>
    %ge3A_3996 = arith.cmpi sge, %bitcast_convert_type3A, %ge3A_3995 : vector<72x128xi32>
    %jit3A_3997 = arith.constant 1.000000e+00 : f32
    %jit3A_3998 = arith.constant 0.000000e+00 : f32
    %broadcast_in_dim3A_3999 = vector.broadcast %jit3A_3997 : f32 to vector<72x128xf32>
    %broadcast_in_dim3A_4000 = vector.broadcast %jit3A_3998 : f32 to vector<72x128xf32>
    %select_n3A_4001 = arith.select %ge3A_3996, %broadcast_in_dim3A_3999, %broadcast_in_dim3A_4000 : vector<72x128xi1>, vector<72x128xf32>
    %reduce_sum3A_4002 = arith.constant dense<0.000000e+00> : vector<72xf32>
    %reduce_sum3A_4003 = vector.multi_reduction <add>, %select_n3A_4001, %reduce_sum3A_4002 [1] : vector<72x128xf32> to vector<72xf32>
    %broadcast_in_dim3A_4004 = vector.shape_cast %reduce_sum3A_4003 : vector<72xf32> to vector<72x1xf32>
    %reduce_sum3A_4005 = arith.constant dense<0.000000e+00> : vector<1xf32>
    %reduce_sum3A_4006 = vector.multi_reduction <add>, %broadcast_in_dim3A_4004, %reduce_sum3A_4005 [0] : vector<72x1xf32> to vector<1xf32>
    %broadcast_in_dim3A_4007 = vector.shape_cast %reduce_sum3A_4006 : vector<1xf32> to vector<1x1xf32>
    %ge3A_4008 = vector.broadcast %or3A_3991 : vector<1x1xi32> to vector<72x128xi32>
    %ge3A_4009 = arith.cmpi sge, %bitcast_convert_type3A, %ge3A_4008 : vector<72x128xi32>
    %jit3A_4010 = arith.constant 1.000000e+00 : f32
    %jit3A_4011 = arith.constant 0.000000e+00 : f32
    %broadcast_in_dim3A_4012 = vector.broadcast %jit3A_4010 : f32 to vector<72x128xf32>
    %broadcast_in_dim3A_4013 = vector.broadcast %jit3A_4011 : f32 to vector<72x128xf32>
    %select_n3A_4014 = arith.select %ge3A_4009, %broadcast_in_dim3A_4012, %broadcast_in_dim3A_4013 : vector<72x128xi1>, vector<72x128xf32>
    %reduce_sum3A_4015 = arith.constant dense<0.000000e+00> : vector<72xf32>
    %reduce_sum3A_4016 = vector.multi_reduction <add>, %select_n3A_4014, %reduce_sum3A_4015 [1] : vector<72x128xf32> to vector<72xf32>
    %broadcast_in_dim3A_4017 = vector.shape_cast %reduce_sum3A_4016 : vector<72xf32> to vector<72x1xf32>
    %reduce_sum3A_4018 = arith.constant dense<0.000000e+00> : vector<1xf32>
    %reduce_sum3A_4019 = vector.multi_reduction <add>, %broadcast_in_dim3A_4017, %reduce_sum3A_4018 [0] : vector<72x1xf32> to vector<1xf32>
    %broadcast_in_dim3A_4020 = vector.shape_cast %reduce_sum3A_4019 : vector<1xf32> to vector<1x1xf32>
    %ge3A_4021 = vector.broadcast %or3A_3994 : vector<1x1xi32> to vector<72x128xi32>
    %ge3A_4022 = arith.cmpi sge, %bitcast_convert_type3A, %ge3A_4021 : vector<72x128xi32>
    %jit3A_4023 = arith.constant 1.000000e+00 : f32
    %jit3A_4024 = arith.constant 0.000000e+00 : f32
    %broadcast_in_dim3A_4025 = vector.broadcast %jit3A_4023 : f32 to vector<72x128xf32>
    %broadcast_in_dim3A_4026 = vector.broadcast %jit3A_4024 : f32 to vector<72x128xf32>
    %select_n3A_4027 = arith.select %ge3A_4022, %broadcast_in_dim3A_4025, %broadcast_in_dim3A_4026 : vector<72x128xi1>, vector<72x128xf32>
    %reduce_sum3A_4028 = arith.constant dense<0.000000e+00> : vector<72xf32>
    %reduce_sum3A_4029 = vector.multi_reduction <add>, %select_n3A_4027, %reduce_sum3A_4028 [1] : vector<72x128xf32> to vector<72xf32>
    %broadcast_in_dim3A_4030 = vector.shape_cast %reduce_sum3A_4029 : vector<72xf32> to vector<72x1xf32>
    %reduce_sum3A_4031 = arith.constant dense<0.000000e+00> : vector<1xf32>
    %reduce_sum3A_4032 = vector.multi_reduction <add>, %broadcast_in_dim3A_4030, %reduce_sum3A_4031 [0] : vector<72x1xf32> to vector<1xf32>
    %broadcast_in_dim3A_4033 = vector.shape_cast %reduce_sum3A_4032 : vector<1xf32> to vector<1x1xf32>
    %ge3A_4034 = arith.cmpf oge, %broadcast_in_dim3A_4033, %min3A_3823 : vector<1x1xf32>
    %ge3A_4035 = arith.cmpf oge, %broadcast_in_dim3A_4020, %min3A_3823 : vector<1x1xf32>
    %ge3A_4036 = arith.cmpf oge, %broadcast_in_dim3A_4007, %min3A_3823 : vector<1x1xf32>
    %select_n3A_4037 = arith.select %ge3A_4036, %or3A_3988, %select_n3A_3985 : vector<1x1xi1>, vector<1x1xi32>
    %select_n3A_4038 = arith.select %ge3A_4035, %or3A_3991, %select_n3A_4037 : vector<1x1xi1>, vector<1x1xi32>
    %select_n3A_4039 = arith.select %ge3A_4034, %or3A_3994, %select_n3A_4038 : vector<1x1xi1>, vector<1x1xi32>
    %or3A_4040 = arith.constant 2097152 : i32
    %or3A_4041 = vector.broadcast %or3A_4040 : i32 to vector<1x1xi32>
    %or3A_4042 = arith.ori %select_n3A_4039, %or3A_4041 : vector<1x1xi32>
    %or3A_4043 = arith.constant 4194304 : i32
    %or3A_4044 = vector.broadcast %or3A_4043 : i32 to vector<1x1xi32>
    %or3A_4045 = arith.ori %select_n3A_4039, %or3A_4044 : vector<1x1xi32>
    %or3A_4046 = arith.constant 6291456 : i32
    %or3A_4047 = vector.broadcast %or3A_4046 : i32 to vector<1x1xi32>
    %or3A_4048 = arith.ori %select_n3A_4039, %or3A_4047 : vector<1x1xi32>
    %ge3A_4049 = vector.broadcast %or3A_4042 : vector<1x1xi32> to vector<72x128xi32>
    %ge3A_4050 = arith.cmpi sge, %bitcast_convert_type3A, %ge3A_4049 : vector<72x128xi32>
    %jit3A_4051 = arith.constant 1.000000e+00 : f32
    %jit3A_4052 = arith.constant 0.000000e+00 : f32
    %broadcast_in_dim3A_4053 = vector.broadcast %jit3A_4051 : f32 to vector<72x128xf32>
    %broadcast_in_dim3A_4054 = vector.broadcast %jit3A_4052 : f32 to vector<72x128xf32>
    %select_n3A_4055 = arith.select %ge3A_4050, %broadcast_in_dim3A_4053, %broadcast_in_dim3A_4054 : vector<72x128xi1>, vector<72x128xf32>
    %reduce_sum3A_4056 = arith.constant dense<0.000000e+00> : vector<72xf32>
    %reduce_sum3A_4057 = vector.multi_reduction <add>, %select_n3A_4055, %reduce_sum3A_4056 [1] : vector<72x128xf32> to vector<72xf32>
    %broadcast_in_dim3A_4058 = vector.shape_cast %reduce_sum3A_4057 : vector<72xf32> to vector<72x1xf32>
    %reduce_sum3A_4059 = arith.constant dense<0.000000e+00> : vector<1xf32>
    %reduce_sum3A_4060 = vector.multi_reduction <add>, %broadcast_in_dim3A_4058, %reduce_sum3A_4059 [0] : vector<72x1xf32> to vector<1xf32>
    %broadcast_in_dim3A_4061 = vector.shape_cast %reduce_sum3A_4060 : vector<1xf32> to vector<1x1xf32>
    %ge3A_4062 = vector.broadcast %or3A_4045 : vector<1x1xi32> to vector<72x128xi32>
    %ge3A_4063 = arith.cmpi sge, %bitcast_convert_type3A, %ge3A_4062 : vector<72x128xi32>
    %jit3A_4064 = arith.constant 1.000000e+00 : f32
    %jit3A_4065 = arith.constant 0.000000e+00 : f32
    %broadcast_in_dim3A_4066 = vector.broadcast %jit3A_4064 : f32 to vector<72x128xf32>
    %broadcast_in_dim3A_4067 = vector.broadcast %jit3A_4065 : f32 to vector<72x128xf32>
    %select_n3A_4068 = arith.select %ge3A_4063, %broadcast_in_dim3A_4066, %broadcast_in_dim3A_4067 : vector<72x128xi1>, vector<72x128xf32>
    %reduce_sum3A_4069 = arith.constant dense<0.000000e+00> : vector<72xf32>
    %reduce_sum3A_4070 = vector.multi_reduction <add>, %select_n3A_4068, %reduce_sum3A_4069 [1] : vector<72x128xf32> to vector<72xf32>
    %broadcast_in_dim3A_4071 = vector.shape_cast %reduce_sum3A_4070 : vector<72xf32> to vector<72x1xf32>
    %reduce_sum3A_4072 = arith.constant dense<0.000000e+00> : vector<1xf32>
    %reduce_sum3A_4073 = vector.multi_reduction <add>, %broadcast_in_dim3A_4071, %reduce_sum3A_4072 [0] : vector<72x1xf32> to vector<1xf32>
    %broadcast_in_dim3A_4074 = vector.shape_cast %reduce_sum3A_4073 : vector<1xf32> to vector<1x1xf32>
    %ge3A_4075 = vector.broadcast %or3A_4048 : vector<1x1xi32> to vector<72x128xi32>
    %ge3A_4076 = arith.cmpi sge, %bitcast_convert_type3A, %ge3A_4075 : vector<72x128xi32>
    %jit3A_4077 = arith.constant 1.000000e+00 : f32
    %jit3A_4078 = arith.constant 0.000000e+00 : f32
    %broadcast_in_dim3A_4079 = vector.broadcast %jit3A_4077 : f32 to vector<72x128xf32>
    %broadcast_in_dim3A_4080 = vector.broadcast %jit3A_4078 : f32 to vector<72x128xf32>
    %select_n3A_4081 = arith.select %ge3A_4076, %broadcast_in_dim3A_4079, %broadcast_in_dim3A_4080 : vector<72x128xi1>, vector<72x128xf32>
    %reduce_sum3A_4082 = arith.constant dense<0.000000e+00> : vector<72xf32>
    %reduce_sum3A_4083 = vector.multi_reduction <add>, %select_n3A_4081, %reduce_sum3A_4082 [1] : vector<72x128xf32> to vector<72xf32>
    %broadcast_in_dim3A_4084 = vector.shape_cast %reduce_sum3A_4083 : vector<72xf32> to vector<72x1xf32>
    %reduce_sum3A_4085 = arith.constant dense<0.000000e+00> : vector<1xf32>
    %reduce_sum3A_4086 = vector.multi_reduction <add>, %broadcast_in_dim3A_4084, %reduce_sum3A_4085 [0] : vector<72x1xf32> to vector<1xf32>
    %broadcast_in_dim3A_4087 = vector.shape_cast %reduce_sum3A_4086 : vector<1xf32> to vector<1x1xf32>
    %ge3A_4088 = arith.cmpf oge, %broadcast_in_dim3A_4087, %min3A_3823 : vector<1x1xf32>
    %ge3A_4089 = arith.cmpf oge, %broadcast_in_dim3A_4074, %min3A_3823 : vector<1x1xf32>
    %ge3A_4090 = arith.cmpf oge, %broadcast_in_dim3A_4061, %min3A_3823 : vector<1x1xf32>
    %select_n3A_4091 = arith.select %ge3A_4090, %or3A_4042, %select_n3A_4039 : vector<1x1xi1>, vector<1x1xi32>
    %select_n3A_4092 = arith.select %ge3A_4089, %or3A_4045, %select_n3A_4091 : vector<1x1xi1>, vector<1x1xi32>
    %select_n3A_4093 = arith.select %ge3A_4088, %or3A_4048, %select_n3A_4092 : vector<1x1xi1>, vector<1x1xi32>
    %or3A_4094 = arith.constant 524288 : i32
    %or3A_4095 = vector.broadcast %or3A_4094 : i32 to vector<1x1xi32>
    %or3A_4096 = arith.ori %select_n3A_4093, %or3A_4095 : vector<1x1xi32>
    %or3A_4097 = arith.constant 1048576 : i32
    %or3A_4098 = vector.broadcast %or3A_4097 : i32 to vector<1x1xi32>
    %or3A_4099 = arith.ori %select_n3A_4093, %or3A_4098 : vector<1x1xi32>
    %or3A_4100 = arith.constant 1572864 : i32
    %or3A_4101 = vector.broadcast %or3A_4100 : i32 to vector<1x1xi32>
    %or3A_4102 = arith.ori %select_n3A_4093, %or3A_4101 : vector<1x1xi32>
    %ge3A_4103 = vector.broadcast %or3A_4096 : vector<1x1xi32> to vector<72x128xi32>
    %ge3A_4104 = arith.cmpi sge, %bitcast_convert_type3A, %ge3A_4103 : vector<72x128xi32>
    %jit3A_4105 = arith.constant 1.000000e+00 : f32
    %jit3A_4106 = arith.constant 0.000000e+00 : f32
    %broadcast_in_dim3A_4107 = vector.broadcast %jit3A_4105 : f32 to vector<72x128xf32>
    %broadcast_in_dim3A_4108 = vector.broadcast %jit3A_4106 : f32 to vector<72x128xf32>
    %select_n3A_4109 = arith.select %ge3A_4104, %broadcast_in_dim3A_4107, %broadcast_in_dim3A_4108 : vector<72x128xi1>, vector<72x128xf32>
    %reduce_sum3A_4110 = arith.constant dense<0.000000e+00> : vector<72xf32>
    %reduce_sum3A_4111 = vector.multi_reduction <add>, %select_n3A_4109, %reduce_sum3A_4110 [1] : vector<72x128xf32> to vector<72xf32>
    %broadcast_in_dim3A_4112 = vector.shape_cast %reduce_sum3A_4111 : vector<72xf32> to vector<72x1xf32>
    %reduce_sum3A_4113 = arith.constant dense<0.000000e+00> : vector<1xf32>
    %reduce_sum3A_4114 = vector.multi_reduction <add>, %broadcast_in_dim3A_4112, %reduce_sum3A_4113 [0] : vector<72x1xf32> to vector<1xf32>
    %broadcast_in_dim3A_4115 = vector.shape_cast %reduce_sum3A_4114 : vector<1xf32> to vector<1x1xf32>
    %ge3A_4116 = vector.broadcast %or3A_4099 : vector<1x1xi32> to vector<72x128xi32>
    %ge3A_4117 = arith.cmpi sge, %bitcast_convert_type3A, %ge3A_4116 : vector<72x128xi32>
    %jit3A_4118 = arith.constant 1.000000e+00 : f32
    %jit3A_4119 = arith.constant 0.000000e+00 : f32
    %broadcast_in_dim3A_4120 = vector.broadcast %jit3A_4118 : f32 to vector<72x128xf32>
    %broadcast_in_dim3A_4121 = vector.broadcast %jit3A_4119 : f32 to vector<72x128xf32>
    %select_n3A_4122 = arith.select %ge3A_4117, %broadcast_in_dim3A_4120, %broadcast_in_dim3A_4121 : vector<72x128xi1>, vector<72x128xf32>
    %reduce_sum3A_4123 = arith.constant dense<0.000000e+00> : vector<72xf32>
    %reduce_sum3A_4124 = vector.multi_reduction <add>, %select_n3A_4122, %reduce_sum3A_4123 [1] : vector<72x128xf32> to vector<72xf32>
    %broadcast_in_dim3A_4125 = vector.shape_cast %reduce_sum3A_4124 : vector<72xf32> to vector<72x1xf32>
    %reduce_sum3A_4126 = arith.constant dense<0.000000e+00> : vector<1xf32>
    %reduce_sum3A_4127 = vector.multi_reduction <add>, %broadcast_in_dim3A_4125, %reduce_sum3A_4126 [0] : vector<72x1xf32> to vector<1xf32>
    %broadcast_in_dim3A_4128 = vector.shape_cast %reduce_sum3A_4127 : vector<1xf32> to vector<1x1xf32>
    %ge3A_4129 = vector.broadcast %or3A_4102 : vector<1x1xi32> to vector<72x128xi32>
    %ge3A_4130 = arith.cmpi sge, %bitcast_convert_type3A, %ge3A_4129 : vector<72x128xi32>
    %jit3A_4131 = arith.constant 1.000000e+00 : f32
    %jit3A_4132 = arith.constant 0.000000e+00 : f32
    %broadcast_in_dim3A_4133 = vector.broadcast %jit3A_4131 : f32 to vector<72x128xf32>
    %broadcast_in_dim3A_4134 = vector.broadcast %jit3A_4132 : f32 to vector<72x128xf32>
    %select_n3A_4135 = arith.select %ge3A_4130, %broadcast_in_dim3A_4133, %broadcast_in_dim3A_4134 : vector<72x128xi1>, vector<72x128xf32>
    %reduce_sum3A_4136 = arith.constant dense<0.000000e+00> : vector<72xf32>
    %reduce_sum3A_4137 = vector.multi_reduction <add>, %select_n3A_4135, %reduce_sum3A_4136 [1] : vector<72x128xf32> to vector<72xf32>
    %broadcast_in_dim3A_4138 = vector.shape_cast %reduce_sum3A_4137 : vector<72xf32> to vector<72x1xf32>
    %reduce_sum3A_4139 = arith.constant dense<0.000000e+00> : vector<1xf32>
    %reduce_sum3A_4140 = vector.multi_reduction <add>, %broadcast_in_dim3A_4138, %reduce_sum3A_4139 [0] : vector<72x1xf32> to vector<1xf32>
    %broadcast_in_dim3A_4141 = vector.shape_cast %reduce_sum3A_4140 : vector<1xf32> to vector<1x1xf32>
    %ge3A_4142 = arith.cmpf oge, %broadcast_in_dim3A_4141, %min3A_3823 : vector<1x1xf32>
    %ge3A_4143 = arith.cmpf oge, %broadcast_in_dim3A_4128, %min3A_3823 : vector<1x1xf32>
    %ge3A_4144 = arith.cmpf oge, %broadcast_in_dim3A_4115, %min3A_3823 : vector<1x1xf32>
    %select_n3A_4145 = arith.select %ge3A_4144, %or3A_4096, %select_n3A_4093 : vector<1x1xi1>, vector<1x1xi32>
    %select_n3A_4146 = arith.select %ge3A_4143, %or3A_4099, %select_n3A_4145 : vector<1x1xi1>, vector<1x1xi32>
    %select_n3A_4147 = arith.select %ge3A_4142, %or3A_4102, %select_n3A_4146 : vector<1x1xi1>, vector<1x1xi32>
    %or3A_4148 = arith.constant 131072 : i32
    %or3A_4149 = vector.broadcast %or3A_4148 : i32 to vector<1x1xi32>
    %or3A_4150 = arith.ori %select_n3A_4147, %or3A_4149 : vector<1x1xi32>
    %or3A_4151 = arith.constant 262144 : i32
    %or3A_4152 = vector.broadcast %or3A_4151 : i32 to vector<1x1xi32>
    %or3A_4153 = arith.ori %select_n3A_4147, %or3A_4152 : vector<1x1xi32>
    %or3A_4154 = arith.constant 393216 : i32
    %or3A_4155 = vector.broadcast %or3A_4154 : i32 to vector<1x1xi32>
    %or3A_4156 = arith.ori %select_n3A_4147, %or3A_4155 : vector<1x1xi32>
    %ge3A_4157 = vector.broadcast %or3A_4150 : vector<1x1xi32> to vector<72x128xi32>
    %ge3A_4158 = arith.cmpi sge, %bitcast_convert_type3A, %ge3A_4157 : vector<72x128xi32>
    %jit3A_4159 = arith.constant 1.000000e+00 : f32
    %jit3A_4160 = arith.constant 0.000000e+00 : f32
    %broadcast_in_dim3A_4161 = vector.broadcast %jit3A_4159 : f32 to vector<72x128xf32>
    %broadcast_in_dim3A_4162 = vector.broadcast %jit3A_4160 : f32 to vector<72x128xf32>
    %select_n3A_4163 = arith.select %ge3A_4158, %broadcast_in_dim3A_4161, %broadcast_in_dim3A_4162 : vector<72x128xi1>, vector<72x128xf32>
    %reduce_sum3A_4164 = arith.constant dense<0.000000e+00> : vector<72xf32>
    %reduce_sum3A_4165 = vector.multi_reduction <add>, %select_n3A_4163, %reduce_sum3A_4164 [1] : vector<72x128xf32> to vector<72xf32>
    %broadcast_in_dim3A_4166 = vector.shape_cast %reduce_sum3A_4165 : vector<72xf32> to vector<72x1xf32>
    %reduce_sum3A_4167 = arith.constant dense<0.000000e+00> : vector<1xf32>
    %reduce_sum3A_4168 = vector.multi_reduction <add>, %broadcast_in_dim3A_4166, %reduce_sum3A_4167 [0] : vector<72x1xf32> to vector<1xf32>
    %broadcast_in_dim3A_4169 = vector.shape_cast %reduce_sum3A_4168 : vector<1xf32> to vector<1x1xf32>
    %ge3A_4170 = vector.broadcast %or3A_4153 : vector<1x1xi32> to vector<72x128xi32>
    %ge3A_4171 = arith.cmpi sge, %bitcast_convert_type3A, %ge3A_4170 : vector<72x128xi32>
    %jit3A_4172 = arith.constant 1.000000e+00 : f32
    %jit3A_4173 = arith.constant 0.000000e+00 : f32
    %broadcast_in_dim3A_4174 = vector.broadcast %jit3A_4172 : f32 to vector<72x128xf32>
    %broadcast_in_dim3A_4175 = vector.broadcast %jit3A_4173 : f32 to vector<72x128xf32>
    %select_n3A_4176 = arith.select %ge3A_4171, %broadcast_in_dim3A_4174, %broadcast_in_dim3A_4175 : vector<72x128xi1>, vector<72x128xf32>
    %reduce_sum3A_4177 = arith.constant dense<0.000000e+00> : vector<72xf32>
    %reduce_sum3A_4178 = vector.multi_reduction <add>, %select_n3A_4176, %reduce_sum3A_4177 [1] : vector<72x128xf32> to vector<72xf32>
    %broadcast_in_dim3A_4179 = vector.shape_cast %reduce_sum3A_4178 : vector<72xf32> to vector<72x1xf32>
    %reduce_sum3A_4180 = arith.constant dense<0.000000e+00> : vector<1xf32>
    %reduce_sum3A_4181 = vector.multi_reduction <add>, %broadcast_in_dim3A_4179, %reduce_sum3A_4180 [0] : vector<72x1xf32> to vector<1xf32>
    %broadcast_in_dim3A_4182 = vector.shape_cast %reduce_sum3A_4181 : vector<1xf32> to vector<1x1xf32>
    %ge3A_4183 = vector.broadcast %or3A_4156 : vector<1x1xi32> to vector<72x128xi32>
    %ge3A_4184 = arith.cmpi sge, %bitcast_convert_type3A, %ge3A_4183 : vector<72x128xi32>
    %jit3A_4185 = arith.constant 1.000000e+00 : f32
    %jit3A_4186 = arith.constant 0.000000e+00 : f32
    %broadcast_in_dim3A_4187 = vector.broadcast %jit3A_4185 : f32 to vector<72x128xf32>
    %broadcast_in_dim3A_4188 = vector.broadcast %jit3A_4186 : f32 to vector<72x128xf32>
    %select_n3A_4189 = arith.select %ge3A_4184, %broadcast_in_dim3A_4187, %broadcast_in_dim3A_4188 : vector<72x128xi1>, vector<72x128xf32>
    %reduce_sum3A_4190 = arith.constant dense<0.000000e+00> : vector<72xf32>
    %reduce_sum3A_4191 = vector.multi_reduction <add>, %select_n3A_4189, %reduce_sum3A_4190 [1] : vector<72x128xf32> to vector<72xf32>
    %broadcast_in_dim3A_4192 = vector.shape_cast %reduce_sum3A_4191 : vector<72xf32> to vector<72x1xf32>
    %reduce_sum3A_4193 = arith.constant dense<0.000000e+00> : vector<1xf32>
    %reduce_sum3A_4194 = vector.multi_reduction <add>, %broadcast_in_dim3A_4192, %reduce_sum3A_4193 [0] : vector<72x1xf32> to vector<1xf32>
    %broadcast_in_dim3A_4195 = vector.shape_cast %reduce_sum3A_4194 : vector<1xf32> to vector<1x1xf32>
    %ge3A_4196 = arith.cmpf oge, %broadcast_in_dim3A_4195, %min3A_3823 : vector<1x1xf32>
    %ge3A_4197 = arith.cmpf oge, %broadcast_in_dim3A_4182, %min3A_3823 : vector<1x1xf32>
    %ge3A_4198 = arith.cmpf oge, %broadcast_in_dim3A_4169, %min3A_3823 : vector<1x1xf32>
    %select_n3A_4199 = arith.select %ge3A_4198, %or3A_4150, %select_n3A_4147 : vector<1x1xi1>, vector<1x1xi32>
    %select_n3A_4200 = arith.select %ge3A_4197, %or3A_4153, %select_n3A_4199 : vector<1x1xi1>, vector<1x1xi32>
    %select_n3A_4201 = arith.select %ge3A_4196, %or3A_4156, %select_n3A_4200 : vector<1x1xi1>, vector<1x1xi32>
    %or3A_4202 = arith.constant 32768 : i32
    %or3A_4203 = vector.broadcast %or3A_4202 : i32 to vector<1x1xi32>
    %or3A_4204 = arith.ori %select_n3A_4201, %or3A_4203 : vector<1x1xi32>
    %or3A_4205 = arith.constant 65536 : i32
    %or3A_4206 = vector.broadcast %or3A_4205 : i32 to vector<1x1xi32>
    %or3A_4207 = arith.ori %select_n3A_4201, %or3A_4206 : vector<1x1xi32>
    %or3A_4208 = arith.constant 98304 : i32
    %or3A_4209 = vector.broadcast %or3A_4208 : i32 to vector<1x1xi32>
    %or3A_4210 = arith.ori %select_n3A_4201, %or3A_4209 : vector<1x1xi32>
    %ge3A_4211 = vector.broadcast %or3A_4204 : vector<1x1xi32> to vector<72x128xi32>
    %ge3A_4212 = arith.cmpi sge, %bitcast_convert_type3A, %ge3A_4211 : vector<72x128xi32>
    %jit3A_4213 = arith.constant 1.000000e+00 : f32
    %jit3A_4214 = arith.constant 0.000000e+00 : f32
    %broadcast_in_dim3A_4215 = vector.broadcast %jit3A_4213 : f32 to vector<72x128xf32>
    %broadcast_in_dim3A_4216 = vector.broadcast %jit3A_4214 : f32 to vector<72x128xf32>
    %select_n3A_4217 = arith.select %ge3A_4212, %broadcast_in_dim3A_4215, %broadcast_in_dim3A_4216 : vector<72x128xi1>, vector<72x128xf32>
    %reduce_sum3A_4218 = arith.constant dense<0.000000e+00> : vector<72xf32>
    %reduce_sum3A_4219 = vector.multi_reduction <add>, %select_n3A_4217, %reduce_sum3A_4218 [1] : vector<72x128xf32> to vector<72xf32>
    %broadcast_in_dim3A_4220 = vector.shape_cast %reduce_sum3A_4219 : vector<72xf32> to vector<72x1xf32>
    %reduce_sum3A_4221 = arith.constant dense<0.000000e+00> : vector<1xf32>
    %reduce_sum3A_4222 = vector.multi_reduction <add>, %broadcast_in_dim3A_4220, %reduce_sum3A_4221 [0] : vector<72x1xf32> to vector<1xf32>
    %broadcast_in_dim3A_4223 = vector.shape_cast %reduce_sum3A_4222 : vector<1xf32> to vector<1x1xf32>
    %ge3A_4224 = vector.broadcast %or3A_4207 : vector<1x1xi32> to vector<72x128xi32>
    %ge3A_4225 = arith.cmpi sge, %bitcast_convert_type3A, %ge3A_4224 : vector<72x128xi32>
    %jit3A_4226 = arith.constant 1.000000e+00 : f32
    %jit3A_4227 = arith.constant 0.000000e+00 : f32
    %broadcast_in_dim3A_4228 = vector.broadcast %jit3A_4226 : f32 to vector<72x128xf32>
    %broadcast_in_dim3A_4229 = vector.broadcast %jit3A_4227 : f32 to vector<72x128xf32>
    %select_n3A_4230 = arith.select %ge3A_4225, %broadcast_in_dim3A_4228, %broadcast_in_dim3A_4229 : vector<72x128xi1>, vector<72x128xf32>
    %reduce_sum3A_4231 = arith.constant dense<0.000000e+00> : vector<72xf32>
    %reduce_sum3A_4232 = vector.multi_reduction <add>, %select_n3A_4230, %reduce_sum3A_4231 [1] : vector<72x128xf32> to vector<72xf32>
    %broadcast_in_dim3A_4233 = vector.shape_cast %reduce_sum3A_4232 : vector<72xf32> to vector<72x1xf32>
    %reduce_sum3A_4234 = arith.constant dense<0.000000e+00> : vector<1xf32>
    %reduce_sum3A_4235 = vector.multi_reduction <add>, %broadcast_in_dim3A_4233, %reduce_sum3A_4234 [0] : vector<72x1xf32> to vector<1xf32>
    %broadcast_in_dim3A_4236 = vector.shape_cast %reduce_sum3A_4235 : vector<1xf32> to vector<1x1xf32>
    %ge3A_4237 = vector.broadcast %or3A_4210 : vector<1x1xi32> to vector<72x128xi32>
    %ge3A_4238 = arith.cmpi sge, %bitcast_convert_type3A, %ge3A_4237 : vector<72x128xi32>
    %jit3A_4239 = arith.constant 1.000000e+00 : f32
    %jit3A_4240 = arith.constant 0.000000e+00 : f32
    %broadcast_in_dim3A_4241 = vector.broadcast %jit3A_4239 : f32 to vector<72x128xf32>
    %broadcast_in_dim3A_4242 = vector.broadcast %jit3A_4240 : f32 to vector<72x128xf32>
    %select_n3A_4243 = arith.select %ge3A_4238, %broadcast_in_dim3A_4241, %broadcast_in_dim3A_4242 : vector<72x128xi1>, vector<72x128xf32>
    %reduce_sum3A_4244 = arith.constant dense<0.000000e+00> : vector<72xf32>
    %reduce_sum3A_4245 = vector.multi_reduction <add>, %select_n3A_4243, %reduce_sum3A_4244 [1] : vector<72x128xf32> to vector<72xf32>
    %broadcast_in_dim3A_4246 = vector.shape_cast %reduce_sum3A_4245 : vector<72xf32> to vector<72x1xf32>
    %reduce_sum3A_4247 = arith.constant dense<0.000000e+00> : vector<1xf32>
    %reduce_sum3A_4248 = vector.multi_reduction <add>, %broadcast_in_dim3A_4246, %reduce_sum3A_4247 [0] : vector<72x1xf32> to vector<1xf32>
    %broadcast_in_dim3A_4249 = vector.shape_cast %reduce_sum3A_4248 : vector<1xf32> to vector<1x1xf32>
    %ge3A_4250 = arith.cmpf oge, %broadcast_in_dim3A_4249, %min3A_3823 : vector<1x1xf32>
    %ge3A_4251 = arith.cmpf oge, %broadcast_in_dim3A_4236, %min3A_3823 : vector<1x1xf32>
    %ge3A_4252 = arith.cmpf oge, %broadcast_in_dim3A_4223, %min3A_3823 : vector<1x1xf32>
    %select_n3A_4253 = arith.select %ge3A_4252, %or3A_4204, %select_n3A_4201 : vector<1x1xi1>, vector<1x1xi32>
    %select_n3A_4254 = arith.select %ge3A_4251, %or3A_4207, %select_n3A_4253 : vector<1x1xi1>, vector<1x1xi32>
    %select_n3A_4255 = arith.select %ge3A_4250, %or3A_4210, %select_n3A_4254 : vector<1x1xi1>, vector<1x1xi32>
    %or3A_4256 = arith.constant 8192 : i32
    %or3A_4257 = vector.broadcast %or3A_4256 : i32 to vector<1x1xi32>
    %or3A_4258 = arith.ori %select_n3A_4255, %or3A_4257 : vector<1x1xi32>
    %or3A_4259 = arith.constant 16384 : i32
    %or3A_4260 = vector.broadcast %or3A_4259 : i32 to vector<1x1xi32>
    %or3A_4261 = arith.ori %select_n3A_4255, %or3A_4260 : vector<1x1xi32>
    %or3A_4262 = arith.constant 24576 : i32
    %or3A_4263 = vector.broadcast %or3A_4262 : i32 to vector<1x1xi32>
    %or3A_4264 = arith.ori %select_n3A_4255, %or3A_4263 : vector<1x1xi32>
    %ge3A_4265 = vector.broadcast %or3A_4258 : vector<1x1xi32> to vector<72x128xi32>
    %ge3A_4266 = arith.cmpi sge, %bitcast_convert_type3A, %ge3A_4265 : vector<72x128xi32>
    %jit3A_4267 = arith.constant 1.000000e+00 : f32
    %jit3A_4268 = arith.constant 0.000000e+00 : f32
    %broadcast_in_dim3A_4269 = vector.broadcast %jit3A_4267 : f32 to vector<72x128xf32>
    %broadcast_in_dim3A_4270 = vector.broadcast %jit3A_4268 : f32 to vector<72x128xf32>
    %select_n3A_4271 = arith.select %ge3A_4266, %broadcast_in_dim3A_4269, %broadcast_in_dim3A_4270 : vector<72x128xi1>, vector<72x128xf32>
    %reduce_sum3A_4272 = arith.constant dense<0.000000e+00> : vector<72xf32>
    %reduce_sum3A_4273 = vector.multi_reduction <add>, %select_n3A_4271, %reduce_sum3A_4272 [1] : vector<72x128xf32> to vector<72xf32>
    %broadcast_in_dim3A_4274 = vector.shape_cast %reduce_sum3A_4273 : vector<72xf32> to vector<72x1xf32>
    %reduce_sum3A_4275 = arith.constant dense<0.000000e+00> : vector<1xf32>
    %reduce_sum3A_4276 = vector.multi_reduction <add>, %broadcast_in_dim3A_4274, %reduce_sum3A_4275 [0] : vector<72x1xf32> to vector<1xf32>
    %broadcast_in_dim3A_4277 = vector.shape_cast %reduce_sum3A_4276 : vector<1xf32> to vector<1x1xf32>
    %ge3A_4278 = vector.broadcast %or3A_4261 : vector<1x1xi32> to vector<72x128xi32>
    %ge3A_4279 = arith.cmpi sge, %bitcast_convert_type3A, %ge3A_4278 : vector<72x128xi32>
    %jit3A_4280 = arith.constant 1.000000e+00 : f32
    %jit3A_4281 = arith.constant 0.000000e+00 : f32
    %broadcast_in_dim3A_4282 = vector.broadcast %jit3A_4280 : f32 to vector<72x128xf32>
    %broadcast_in_dim3A_4283 = vector.broadcast %jit3A_4281 : f32 to vector<72x128xf32>
    %select_n3A_4284 = arith.select %ge3A_4279, %broadcast_in_dim3A_4282, %broadcast_in_dim3A_4283 : vector<72x128xi1>, vector<72x128xf32>
    %reduce_sum3A_4285 = arith.constant dense<0.000000e+00> : vector<72xf32>
    %reduce_sum3A_4286 = vector.multi_reduction <add>, %select_n3A_4284, %reduce_sum3A_4285 [1] : vector<72x128xf32> to vector<72xf32>
    %broadcast_in_dim3A_4287 = vector.shape_cast %reduce_sum3A_4286 : vector<72xf32> to vector<72x1xf32>
    %reduce_sum3A_4288 = arith.constant dense<0.000000e+00> : vector<1xf32>
    %reduce_sum3A_4289 = vector.multi_reduction <add>, %broadcast_in_dim3A_4287, %reduce_sum3A_4288 [0] : vector<72x1xf32> to vector<1xf32>
    %broadcast_in_dim3A_4290 = vector.shape_cast %reduce_sum3A_4289 : vector<1xf32> to vector<1x1xf32>
    %ge3A_4291 = vector.broadcast %or3A_4264 : vector<1x1xi32> to vector<72x128xi32>
    %ge3A_4292 = arith.cmpi sge, %bitcast_convert_type3A, %ge3A_4291 : vector<72x128xi32>
    %jit3A_4293 = arith.constant 1.000000e+00 : f32
    %jit3A_4294 = arith.constant 0.000000e+00 : f32
    %broadcast_in_dim3A_4295 = vector.broadcast %jit3A_4293 : f32 to vector<72x128xf32>
    %broadcast_in_dim3A_4296 = vector.broadcast %jit3A_4294 : f32 to vector<72x128xf32>
    %select_n3A_4297 = arith.select %ge3A_4292, %broadcast_in_dim3A_4295, %broadcast_in_dim3A_4296 : vector<72x128xi1>, vector<72x128xf32>
    %reduce_sum3A_4298 = arith.constant dense<0.000000e+00> : vector<72xf32>
    %reduce_sum3A_4299 = vector.multi_reduction <add>, %select_n3A_4297, %reduce_sum3A_4298 [1] : vector<72x128xf32> to vector<72xf32>
    %broadcast_in_dim3A_4300 = vector.shape_cast %reduce_sum3A_4299 : vector<72xf32> to vector<72x1xf32>
    %reduce_sum3A_4301 = arith.constant dense<0.000000e+00> : vector<1xf32>
    %reduce_sum3A_4302 = vector.multi_reduction <add>, %broadcast_in_dim3A_4300, %reduce_sum3A_4301 [0] : vector<72x1xf32> to vector<1xf32>
    %broadcast_in_dim3A_4303 = vector.shape_cast %reduce_sum3A_4302 : vector<1xf32> to vector<1x1xf32>
    %ge3A_4304 = arith.cmpf oge, %broadcast_in_dim3A_4303, %min3A_3823 : vector<1x1xf32>
    %ge3A_4305 = arith.cmpf oge, %broadcast_in_dim3A_4290, %min3A_3823 : vector<1x1xf32>
    %ge3A_4306 = arith.cmpf oge, %broadcast_in_dim3A_4277, %min3A_3823 : vector<1x1xf32>
    %select_n3A_4307 = arith.select %ge3A_4306, %or3A_4258, %select_n3A_4255 : vector<1x1xi1>, vector<1x1xi32>
    %select_n3A_4308 = arith.select %ge3A_4305, %or3A_4261, %select_n3A_4307 : vector<1x1xi1>, vector<1x1xi32>
    %select_n3A_4309 = arith.select %ge3A_4304, %or3A_4264, %select_n3A_4308 : vector<1x1xi1>, vector<1x1xi32>
    %or3A_4310 = arith.constant 2048 : i32
    %or3A_4311 = vector.broadcast %or3A_4310 : i32 to vector<1x1xi32>
    %or3A_4312 = arith.ori %select_n3A_4309, %or3A_4311 : vector<1x1xi32>
    %or3A_4313 = arith.constant 4096 : i32
    %or3A_4314 = vector.broadcast %or3A_4313 : i32 to vector<1x1xi32>
    %or3A_4315 = arith.ori %select_n3A_4309, %or3A_4314 : vector<1x1xi32>
    %or3A_4316 = arith.constant 6144 : i32
    %or3A_4317 = vector.broadcast %or3A_4316 : i32 to vector<1x1xi32>
    %or3A_4318 = arith.ori %select_n3A_4309, %or3A_4317 : vector<1x1xi32>
    %ge3A_4319 = vector.broadcast %or3A_4312 : vector<1x1xi32> to vector<72x128xi32>
    %ge3A_4320 = arith.cmpi sge, %bitcast_convert_type3A, %ge3A_4319 : vector<72x128xi32>
    %jit3A_4321 = arith.constant 1.000000e+00 : f32
    %jit3A_4322 = arith.constant 0.000000e+00 : f32
    %broadcast_in_dim3A_4323 = vector.broadcast %jit3A_4321 : f32 to vector<72x128xf32>
    %broadcast_in_dim3A_4324 = vector.broadcast %jit3A_4322 : f32 to vector<72x128xf32>
    %select_n3A_4325 = arith.select %ge3A_4320, %broadcast_in_dim3A_4323, %broadcast_in_dim3A_4324 : vector<72x128xi1>, vector<72x128xf32>
    %reduce_sum3A_4326 = arith.constant dense<0.000000e+00> : vector<72xf32>
    %reduce_sum3A_4327 = vector.multi_reduction <add>, %select_n3A_4325, %reduce_sum3A_4326 [1] : vector<72x128xf32> to vector<72xf32>
    %broadcast_in_dim3A_4328 = vector.shape_cast %reduce_sum3A_4327 : vector<72xf32> to vector<72x1xf32>
    %reduce_sum3A_4329 = arith.constant dense<0.000000e+00> : vector<1xf32>
    %reduce_sum3A_4330 = vector.multi_reduction <add>, %broadcast_in_dim3A_4328, %reduce_sum3A_4329 [0] : vector<72x1xf32> to vector<1xf32>
    %broadcast_in_dim3A_4331 = vector.shape_cast %reduce_sum3A_4330 : vector<1xf32> to vector<1x1xf32>
    %ge3A_4332 = vector.broadcast %or3A_4315 : vector<1x1xi32> to vector<72x128xi32>
    %ge3A_4333 = arith.cmpi sge, %bitcast_convert_type3A, %ge3A_4332 : vector<72x128xi32>
    %jit3A_4334 = arith.constant 1.000000e+00 : f32
    %jit3A_4335 = arith.constant 0.000000e+00 : f32
    %broadcast_in_dim3A_4336 = vector.broadcast %jit3A_4334 : f32 to vector<72x128xf32>
    %broadcast_in_dim3A_4337 = vector.broadcast %jit3A_4335 : f32 to vector<72x128xf32>
    %select_n3A_4338 = arith.select %ge3A_4333, %broadcast_in_dim3A_4336, %broadcast_in_dim3A_4337 : vector<72x128xi1>, vector<72x128xf32>
    %reduce_sum3A_4339 = arith.constant dense<0.000000e+00> : vector<72xf32>
    %reduce_sum3A_4340 = vector.multi_reduction <add>, %select_n3A_4338, %reduce_sum3A_4339 [1] : vector<72x128xf32> to vector<72xf32>
    %broadcast_in_dim3A_4341 = vector.shape_cast %reduce_sum3A_4340 : vector<72xf32> to vector<72x1xf32>
    %reduce_sum3A_4342 = arith.constant dense<0.000000e+00> : vector<1xf32>
    %reduce_sum3A_4343 = vector.multi_reduction <add>, %broadcast_in_dim3A_4341, %reduce_sum3A_4342 [0] : vector<72x1xf32> to vector<1xf32>
    %broadcast_in_dim3A_4344 = vector.shape_cast %reduce_sum3A_4343 : vector<1xf32> to vector<1x1xf32>
    %ge3A_4345 = vector.broadcast %or3A_4318 : vector<1x1xi32> to vector<72x128xi32>
    %ge3A_4346 = arith.cmpi sge, %bitcast_convert_type3A, %ge3A_4345 : vector<72x128xi32>
    %jit3A_4347 = arith.constant 1.000000e+00 : f32
    %jit3A_4348 = arith.constant 0.000000e+00 : f32
    %broadcast_in_dim3A_4349 = vector.broadcast %jit3A_4347 : f32 to vector<72x128xf32>
    %broadcast_in_dim3A_4350 = vector.broadcast %jit3A_4348 : f32 to vector<72x128xf32>
    %select_n3A_4351 = arith.select %ge3A_4346, %broadcast_in_dim3A_4349, %broadcast_in_dim3A_4350 : vector<72x128xi1>, vector<72x128xf32>
    %reduce_sum3A_4352 = arith.constant dense<0.000000e+00> : vector<72xf32>
    %reduce_sum3A_4353 = vector.multi_reduction <add>, %select_n3A_4351, %reduce_sum3A_4352 [1] : vector<72x128xf32> to vector<72xf32>
    %broadcast_in_dim3A_4354 = vector.shape_cast %reduce_sum3A_4353 : vector<72xf32> to vector<72x1xf32>
    %reduce_sum3A_4355 = arith.constant dense<0.000000e+00> : vector<1xf32>
    %reduce_sum3A_4356 = vector.multi_reduction <add>, %broadcast_in_dim3A_4354, %reduce_sum3A_4355 [0] : vector<72x1xf32> to vector<1xf32>
    %broadcast_in_dim3A_4357 = vector.shape_cast %reduce_sum3A_4356 : vector<1xf32> to vector<1x1xf32>
    %ge3A_4358 = arith.cmpf oge, %broadcast_in_dim3A_4357, %min3A_3823 : vector<1x1xf32>
    %ge3A_4359 = arith.cmpf oge, %broadcast_in_dim3A_4344, %min3A_3823 : vector<1x1xf32>
    %ge3A_4360 = arith.cmpf oge, %broadcast_in_dim3A_4331, %min3A_3823 : vector<1x1xf32>
    %select_n3A_4361 = arith.select %ge3A_4360, %or3A_4312, %select_n3A_4309 : vector<1x1xi1>, vector<1x1xi32>
    %select_n3A_4362 = arith.select %ge3A_4359, %or3A_4315, %select_n3A_4361 : vector<1x1xi1>, vector<1x1xi32>
    %select_n3A_4363 = arith.select %ge3A_4358, %or3A_4318, %select_n3A_4362 : vector<1x1xi1>, vector<1x1xi32>
    %or3A_4364 = arith.constant 512 : i32
    %or3A_4365 = vector.broadcast %or3A_4364 : i32 to vector<1x1xi32>
    %or3A_4366 = arith.ori %select_n3A_4363, %or3A_4365 : vector<1x1xi32>
    %or3A_4367 = arith.constant 1024 : i32
    %or3A_4368 = vector.broadcast %or3A_4367 : i32 to vector<1x1xi32>
    %or3A_4369 = arith.ori %select_n3A_4363, %or3A_4368 : vector<1x1xi32>
    %or3A_4370 = arith.constant 1536 : i32
    %or3A_4371 = vector.broadcast %or3A_4370 : i32 to vector<1x1xi32>
    %or3A_4372 = arith.ori %select_n3A_4363, %or3A_4371 : vector<1x1xi32>
    %ge3A_4373 = vector.broadcast %or3A_4366 : vector<1x1xi32> to vector<72x128xi32>
    %ge3A_4374 = arith.cmpi sge, %bitcast_convert_type3A, %ge3A_4373 : vector<72x128xi32>
    %jit3A_4375 = arith.constant 1.000000e+00 : f32
    %jit3A_4376 = arith.constant 0.000000e+00 : f32
    %broadcast_in_dim3A_4377 = vector.broadcast %jit3A_4375 : f32 to vector<72x128xf32>
    %broadcast_in_dim3A_4378 = vector.broadcast %jit3A_4376 : f32 to vector<72x128xf32>
    %select_n3A_4379 = arith.select %ge3A_4374, %broadcast_in_dim3A_4377, %broadcast_in_dim3A_4378 : vector<72x128xi1>, vector<72x128xf32>
    %reduce_sum3A_4380 = arith.constant dense<0.000000e+00> : vector<72xf32>
    %reduce_sum3A_4381 = vector.multi_reduction <add>, %select_n3A_4379, %reduce_sum3A_4380 [1] : vector<72x128xf32> to vector<72xf32>
    %broadcast_in_dim3A_4382 = vector.shape_cast %reduce_sum3A_4381 : vector<72xf32> to vector<72x1xf32>
    %reduce_sum3A_4383 = arith.constant dense<0.000000e+00> : vector<1xf32>
    %reduce_sum3A_4384 = vector.multi_reduction <add>, %broadcast_in_dim3A_4382, %reduce_sum3A_4383 [0] : vector<72x1xf32> to vector<1xf32>
    %broadcast_in_dim3A_4385 = vector.shape_cast %reduce_sum3A_4384 : vector<1xf32> to vector<1x1xf32>
    %ge3A_4386 = vector.broadcast %or3A_4369 : vector<1x1xi32> to vector<72x128xi32>
    %ge3A_4387 = arith.cmpi sge, %bitcast_convert_type3A, %ge3A_4386 : vector<72x128xi32>
    %jit3A_4388 = arith.constant 1.000000e+00 : f32
    %jit3A_4389 = arith.constant 0.000000e+00 : f32
    %broadcast_in_dim3A_4390 = vector.broadcast %jit3A_4388 : f32 to vector<72x128xf32>
    %broadcast_in_dim3A_4391 = vector.broadcast %jit3A_4389 : f32 to vector<72x128xf32>
    %select_n3A_4392 = arith.select %ge3A_4387, %broadcast_in_dim3A_4390, %broadcast_in_dim3A_4391 : vector<72x128xi1>, vector<72x128xf32>
    %reduce_sum3A_4393 = arith.constant dense<0.000000e+00> : vector<72xf32>
    %reduce_sum3A_4394 = vector.multi_reduction <add>, %select_n3A_4392, %reduce_sum3A_4393 [1] : vector<72x128xf32> to vector<72xf32>
    %broadcast_in_dim3A_4395 = vector.shape_cast %reduce_sum3A_4394 : vector<72xf32> to vector<72x1xf32>
    %reduce_sum3A_4396 = arith.constant dense<0.000000e+00> : vector<1xf32>
    %reduce_sum3A_4397 = vector.multi_reduction <add>, %broadcast_in_dim3A_4395, %reduce_sum3A_4396 [0] : vector<72x1xf32> to vector<1xf32>
    %broadcast_in_dim3A_4398 = vector.shape_cast %reduce_sum3A_4397 : vector<1xf32> to vector<1x1xf32>
    %ge3A_4399 = vector.broadcast %or3A_4372 : vector<1x1xi32> to vector<72x128xi32>
    %ge3A_4400 = arith.cmpi sge, %bitcast_convert_type3A, %ge3A_4399 : vector<72x128xi32>
    %jit3A_4401 = arith.constant 1.000000e+00 : f32
    %jit3A_4402 = arith.constant 0.000000e+00 : f32
    %broadcast_in_dim3A_4403 = vector.broadcast %jit3A_4401 : f32 to vector<72x128xf32>
    %broadcast_in_dim3A_4404 = vector.broadcast %jit3A_4402 : f32 to vector<72x128xf32>
    %select_n3A_4405 = arith.select %ge3A_4400, %broadcast_in_dim3A_4403, %broadcast_in_dim3A_4404 : vector<72x128xi1>, vector<72x128xf32>
    %reduce_sum3A_4406 = arith.constant dense<0.000000e+00> : vector<72xf32>
    %reduce_sum3A_4407 = vector.multi_reduction <add>, %select_n3A_4405, %reduce_sum3A_4406 [1] : vector<72x128xf32> to vector<72xf32>
    %broadcast_in_dim3A_4408 = vector.shape_cast %reduce_sum3A_4407 : vector<72xf32> to vector<72x1xf32>
    %reduce_sum3A_4409 = arith.constant dense<0.000000e+00> : vector<1xf32>
    %reduce_sum3A_4410 = vector.multi_reduction <add>, %broadcast_in_dim3A_4408, %reduce_sum3A_4409 [0] : vector<72x1xf32> to vector<1xf32>
    %broadcast_in_dim3A_4411 = vector.shape_cast %reduce_sum3A_4410 : vector<1xf32> to vector<1x1xf32>
    %ge3A_4412 = arith.cmpf oge, %broadcast_in_dim3A_4411, %min3A_3823 : vector<1x1xf32>
    %ge3A_4413 = arith.cmpf oge, %broadcast_in_dim3A_4398, %min3A_3823 : vector<1x1xf32>
    %ge3A_4414 = arith.cmpf oge, %broadcast_in_dim3A_4385, %min3A_3823 : vector<1x1xf32>
    %select_n3A_4415 = arith.select %ge3A_4414, %or3A_4366, %select_n3A_4363 : vector<1x1xi1>, vector<1x1xi32>
    %select_n3A_4416 = arith.select %ge3A_4413, %or3A_4369, %select_n3A_4415 : vector<1x1xi1>, vector<1x1xi32>
    %select_n3A_4417 = arith.select %ge3A_4412, %or3A_4372, %select_n3A_4416 : vector<1x1xi1>, vector<1x1xi32>
    %or3A_4418 = arith.constant 128 : i32
    %or3A_4419 = vector.broadcast %or3A_4418 : i32 to vector<1x1xi32>
    %or3A_4420 = arith.ori %select_n3A_4417, %or3A_4419 : vector<1x1xi32>
    %or3A_4421 = arith.constant 256 : i32
    %or3A_4422 = vector.broadcast %or3A_4421 : i32 to vector<1x1xi32>
    %or3A_4423 = arith.ori %select_n3A_4417, %or3A_4422 : vector<1x1xi32>
    %or3A_4424 = arith.constant 384 : i32
    %or3A_4425 = vector.broadcast %or3A_4424 : i32 to vector<1x1xi32>
    %or3A_4426 = arith.ori %select_n3A_4417, %or3A_4425 : vector<1x1xi32>
    %ge3A_4427 = vector.broadcast %or3A_4420 : vector<1x1xi32> to vector<72x128xi32>
    %ge3A_4428 = arith.cmpi sge, %bitcast_convert_type3A, %ge3A_4427 : vector<72x128xi32>
    %jit3A_4429 = arith.constant 1.000000e+00 : f32
    %jit3A_4430 = arith.constant 0.000000e+00 : f32
    %broadcast_in_dim3A_4431 = vector.broadcast %jit3A_4429 : f32 to vector<72x128xf32>
    %broadcast_in_dim3A_4432 = vector.broadcast %jit3A_4430 : f32 to vector<72x128xf32>
    %select_n3A_4433 = arith.select %ge3A_4428, %broadcast_in_dim3A_4431, %broadcast_in_dim3A_4432 : vector<72x128xi1>, vector<72x128xf32>
    %reduce_sum3A_4434 = arith.constant dense<0.000000e+00> : vector<72xf32>
    %reduce_sum3A_4435 = vector.multi_reduction <add>, %select_n3A_4433, %reduce_sum3A_4434 [1] : vector<72x128xf32> to vector<72xf32>
    %broadcast_in_dim3A_4436 = vector.shape_cast %reduce_sum3A_4435 : vector<72xf32> to vector<72x1xf32>
    %reduce_sum3A_4437 = arith.constant dense<0.000000e+00> : vector<1xf32>
    %reduce_sum3A_4438 = vector.multi_reduction <add>, %broadcast_in_dim3A_4436, %reduce_sum3A_4437 [0] : vector<72x1xf32> to vector<1xf32>
    %broadcast_in_dim3A_4439 = vector.shape_cast %reduce_sum3A_4438 : vector<1xf32> to vector<1x1xf32>
    %ge3A_4440 = vector.broadcast %or3A_4423 : vector<1x1xi32> to vector<72x128xi32>
    %ge3A_4441 = arith.cmpi sge, %bitcast_convert_type3A, %ge3A_4440 : vector<72x128xi32>
    %jit3A_4442 = arith.constant 1.000000e+00 : f32
    %jit3A_4443 = arith.constant 0.000000e+00 : f32
    %broadcast_in_dim3A_4444 = vector.broadcast %jit3A_4442 : f32 to vector<72x128xf32>
    %broadcast_in_dim3A_4445 = vector.broadcast %jit3A_4443 : f32 to vector<72x128xf32>
    %select_n3A_4446 = arith.select %ge3A_4441, %broadcast_in_dim3A_4444, %broadcast_in_dim3A_4445 : vector<72x128xi1>, vector<72x128xf32>
    %reduce_sum3A_4447 = arith.constant dense<0.000000e+00> : vector<72xf32>
    %reduce_sum3A_4448 = vector.multi_reduction <add>, %select_n3A_4446, %reduce_sum3A_4447 [1] : vector<72x128xf32> to vector<72xf32>
    %broadcast_in_dim3A_4449 = vector.shape_cast %reduce_sum3A_4448 : vector<72xf32> to vector<72x1xf32>
    %reduce_sum3A_4450 = arith.constant dense<0.000000e+00> : vector<1xf32>
    %reduce_sum3A_4451 = vector.multi_reduction <add>, %broadcast_in_dim3A_4449, %reduce_sum3A_4450 [0] : vector<72x1xf32> to vector<1xf32>
    %broadcast_in_dim3A_4452 = vector.shape_cast %reduce_sum3A_4451 : vector<1xf32> to vector<1x1xf32>
    %ge3A_4453 = vector.broadcast %or3A_4426 : vector<1x1xi32> to vector<72x128xi32>
    %ge3A_4454 = arith.cmpi sge, %bitcast_convert_type3A, %ge3A_4453 : vector<72x128xi32>
    %jit3A_4455 = arith.constant 1.000000e+00 : f32
    %jit3A_4456 = arith.constant 0.000000e+00 : f32
    %broadcast_in_dim3A_4457 = vector.broadcast %jit3A_4455 : f32 to vector<72x128xf32>
    %broadcast_in_dim3A_4458 = vector.broadcast %jit3A_4456 : f32 to vector<72x128xf32>
    %select_n3A_4459 = arith.select %ge3A_4454, %broadcast_in_dim3A_4457, %broadcast_in_dim3A_4458 : vector<72x128xi1>, vector<72x128xf32>
    %reduce_sum3A_4460 = arith.constant dense<0.000000e+00> : vector<72xf32>
    %reduce_sum3A_4461 = vector.multi_reduction <add>, %select_n3A_4459, %reduce_sum3A_4460 [1] : vector<72x128xf32> to vector<72xf32>
    %broadcast_in_dim3A_4462 = vector.shape_cast %reduce_sum3A_4461 : vector<72xf32> to vector<72x1xf32>
    %reduce_sum3A_4463 = arith.constant dense<0.000000e+00> : vector<1xf32>
    %reduce_sum3A_4464 = vector.multi_reduction <add>, %broadcast_in_dim3A_4462, %reduce_sum3A_4463 [0] : vector<72x1xf32> to vector<1xf32>
    %broadcast_in_dim3A_4465 = vector.shape_cast %reduce_sum3A_4464 : vector<1xf32> to vector<1x1xf32>
    %ge3A_4466 = arith.cmpf oge, %broadcast_in_dim3A_4465, %min3A_3823 : vector<1x1xf32>
    %ge3A_4467 = arith.cmpf oge, %broadcast_in_dim3A_4452, %min3A_3823 : vector<1x1xf32>
    %ge3A_4468 = arith.cmpf oge, %broadcast_in_dim3A_4439, %min3A_3823 : vector<1x1xf32>
    %select_n3A_4469 = arith.select %ge3A_4468, %or3A_4420, %select_n3A_4417 : vector<1x1xi1>, vector<1x1xi32>
    %select_n3A_4470 = arith.select %ge3A_4467, %or3A_4423, %select_n3A_4469 : vector<1x1xi1>, vector<1x1xi32>
    %select_n3A_4471 = arith.select %ge3A_4466, %or3A_4426, %select_n3A_4470 : vector<1x1xi1>, vector<1x1xi32>
    %or3A_4472 = arith.constant 32 : i32
    %or3A_4473 = vector.broadcast %or3A_4472 : i32 to vector<1x1xi32>
    %or3A_4474 = arith.ori %select_n3A_4471, %or3A_4473 : vector<1x1xi32>
    %or3A_4475 = arith.constant 64 : i32
    %or3A_4476 = vector.broadcast %or3A_4475 : i32 to vector<1x1xi32>
    %or3A_4477 = arith.ori %select_n3A_4471, %or3A_4476 : vector<1x1xi32>
    %or3A_4478 = arith.constant 96 : i32
    %or3A_4479 = vector.broadcast %or3A_4478 : i32 to vector<1x1xi32>
    %or3A_4480 = arith.ori %select_n3A_4471, %or3A_4479 : vector<1x1xi32>
    %ge3A_4481 = vector.broadcast %or3A_4474 : vector<1x1xi32> to vector<72x128xi32>
    %ge3A_4482 = arith.cmpi sge, %bitcast_convert_type3A, %ge3A_4481 : vector<72x128xi32>
    %jit3A_4483 = arith.constant 1.000000e+00 : f32
    %jit3A_4484 = arith.constant 0.000000e+00 : f32
    %broadcast_in_dim3A_4485 = vector.broadcast %jit3A_4483 : f32 to vector<72x128xf32>
    %broadcast_in_dim3A_4486 = vector.broadcast %jit3A_4484 : f32 to vector<72x128xf32>
    %select_n3A_4487 = arith.select %ge3A_4482, %broadcast_in_dim3A_4485, %broadcast_in_dim3A_4486 : vector<72x128xi1>, vector<72x128xf32>
    %reduce_sum3A_4488 = arith.constant dense<0.000000e+00> : vector<72xf32>
    %reduce_sum3A_4489 = vector.multi_reduction <add>, %select_n3A_4487, %reduce_sum3A_4488 [1] : vector<72x128xf32> to vector<72xf32>
    %broadcast_in_dim3A_4490 = vector.shape_cast %reduce_sum3A_4489 : vector<72xf32> to vector<72x1xf32>
    %reduce_sum3A_4491 = arith.constant dense<0.000000e+00> : vector<1xf32>
    %reduce_sum3A_4492 = vector.multi_reduction <add>, %broadcast_in_dim3A_4490, %reduce_sum3A_4491 [0] : vector<72x1xf32> to vector<1xf32>
    %broadcast_in_dim3A_4493 = vector.shape_cast %reduce_sum3A_4492 : vector<1xf32> to vector<1x1xf32>
    %ge3A_4494 = vector.broadcast %or3A_4477 : vector<1x1xi32> to vector<72x128xi32>
    %ge3A_4495 = arith.cmpi sge, %bitcast_convert_type3A, %ge3A_4494 : vector<72x128xi32>
    %jit3A_4496 = arith.constant 1.000000e+00 : f32
    %jit3A_4497 = arith.constant 0.000000e+00 : f32
    %broadcast_in_dim3A_4498 = vector.broadcast %jit3A_4496 : f32 to vector<72x128xf32>
    %broadcast_in_dim3A_4499 = vector.broadcast %jit3A_4497 : f32 to vector<72x128xf32>
    %select_n3A_4500 = arith.select %ge3A_4495, %broadcast_in_dim3A_4498, %broadcast_in_dim3A_4499 : vector<72x128xi1>, vector<72x128xf32>
    %reduce_sum3A_4501 = arith.constant dense<0.000000e+00> : vector<72xf32>
    %reduce_sum3A_4502 = vector.multi_reduction <add>, %select_n3A_4500, %reduce_sum3A_4501 [1] : vector<72x128xf32> to vector<72xf32>
    %broadcast_in_dim3A_4503 = vector.shape_cast %reduce_sum3A_4502 : vector<72xf32> to vector<72x1xf32>
    %reduce_sum3A_4504 = arith.constant dense<0.000000e+00> : vector<1xf32>
    %reduce_sum3A_4505 = vector.multi_reduction <add>, %broadcast_in_dim3A_4503, %reduce_sum3A_4504 [0] : vector<72x1xf32> to vector<1xf32>
    %broadcast_in_dim3A_4506 = vector.shape_cast %reduce_sum3A_4505 : vector<1xf32> to vector<1x1xf32>
    %ge3A_4507 = vector.broadcast %or3A_4480 : vector<1x1xi32> to vector<72x128xi32>
    %ge3A_4508 = arith.cmpi sge, %bitcast_convert_type3A, %ge3A_4507 : vector<72x128xi32>
    %jit3A_4509 = arith.constant 1.000000e+00 : f32
    %jit3A_4510 = arith.constant 0.000000e+00 : f32
    %broadcast_in_dim3A_4511 = vector.broadcast %jit3A_4509 : f32 to vector<72x128xf32>
    %broadcast_in_dim3A_4512 = vector.broadcast %jit3A_4510 : f32 to vector<72x128xf32>
    %select_n3A_4513 = arith.select %ge3A_4508, %broadcast_in_dim3A_4511, %broadcast_in_dim3A_4512 : vector<72x128xi1>, vector<72x128xf32>
    %reduce_sum3A_4514 = arith.constant dense<0.000000e+00> : vector<72xf32>
    %reduce_sum3A_4515 = vector.multi_reduction <add>, %select_n3A_4513, %reduce_sum3A_4514 [1] : vector<72x128xf32> to vector<72xf32>
    %broadcast_in_dim3A_4516 = vector.shape_cast %reduce_sum3A_4515 : vector<72xf32> to vector<72x1xf32>
    %reduce_sum3A_4517 = arith.constant dense<0.000000e+00> : vector<1xf32>
    %reduce_sum3A_4518 = vector.multi_reduction <add>, %broadcast_in_dim3A_4516, %reduce_sum3A_4517 [0] : vector<72x1xf32> to vector<1xf32>
    %broadcast_in_dim3A_4519 = vector.shape_cast %reduce_sum3A_4518 : vector<1xf32> to vector<1x1xf32>
    %ge3A_4520 = arith.cmpf oge, %broadcast_in_dim3A_4519, %min3A_3823 : vector<1x1xf32>
    %ge3A_4521 = arith.cmpf oge, %broadcast_in_dim3A_4506, %min3A_3823 : vector<1x1xf32>
    %ge3A_4522 = arith.cmpf oge, %broadcast_in_dim3A_4493, %min3A_3823 : vector<1x1xf32>
    %select_n3A_4523 = arith.select %ge3A_4522, %or3A_4474, %select_n3A_4471 : vector<1x1xi1>, vector<1x1xi32>
    %select_n3A_4524 = arith.select %ge3A_4521, %or3A_4477, %select_n3A_4523 : vector<1x1xi1>, vector<1x1xi32>
    %select_n3A_4525 = arith.select %ge3A_4520, %or3A_4480, %select_n3A_4524 : vector<1x1xi1>, vector<1x1xi32>
    %or3A_4526 = arith.constant 8 : i32
    %or3A_4527 = vector.broadcast %or3A_4526 : i32 to vector<1x1xi32>
    %or3A_4528 = arith.ori %select_n3A_4525, %or3A_4527 : vector<1x1xi32>
    %or3A_4529 = arith.constant 16 : i32
    %or3A_4530 = vector.broadcast %or3A_4529 : i32 to vector<1x1xi32>
    %or3A_4531 = arith.ori %select_n3A_4525, %or3A_4530 : vector<1x1xi32>
    %or3A_4532 = arith.constant 24 : i32
    %or3A_4533 = vector.broadcast %or3A_4532 : i32 to vector<1x1xi32>
    %or3A_4534 = arith.ori %select_n3A_4525, %or3A_4533 : vector<1x1xi32>
    %ge3A_4535 = vector.broadcast %or3A_4528 : vector<1x1xi32> to vector<72x128xi32>
    %ge3A_4536 = arith.cmpi sge, %bitcast_convert_type3A, %ge3A_4535 : vector<72x128xi32>
    %jit3A_4537 = arith.constant 1.000000e+00 : f32
    %jit3A_4538 = arith.constant 0.000000e+00 : f32
    %broadcast_in_dim3A_4539 = vector.broadcast %jit3A_4537 : f32 to vector<72x128xf32>
    %broadcast_in_dim3A_4540 = vector.broadcast %jit3A_4538 : f32 to vector<72x128xf32>
    %select_n3A_4541 = arith.select %ge3A_4536, %broadcast_in_dim3A_4539, %broadcast_in_dim3A_4540 : vector<72x128xi1>, vector<72x128xf32>
    %reduce_sum3A_4542 = arith.constant dense<0.000000e+00> : vector<72xf32>
    %reduce_sum3A_4543 = vector.multi_reduction <add>, %select_n3A_4541, %reduce_sum3A_4542 [1] : vector<72x128xf32> to vector<72xf32>
    %broadcast_in_dim3A_4544 = vector.shape_cast %reduce_sum3A_4543 : vector<72xf32> to vector<72x1xf32>
    %reduce_sum3A_4545 = arith.constant dense<0.000000e+00> : vector<1xf32>
    %reduce_sum3A_4546 = vector.multi_reduction <add>, %broadcast_in_dim3A_4544, %reduce_sum3A_4545 [0] : vector<72x1xf32> to vector<1xf32>
    %broadcast_in_dim3A_4547 = vector.shape_cast %reduce_sum3A_4546 : vector<1xf32> to vector<1x1xf32>
    %ge3A_4548 = vector.broadcast %or3A_4531 : vector<1x1xi32> to vector<72x128xi32>
    %ge3A_4549 = arith.cmpi sge, %bitcast_convert_type3A, %ge3A_4548 : vector<72x128xi32>
    %jit3A_4550 = arith.constant 1.000000e+00 : f32
    %jit3A_4551 = arith.constant 0.000000e+00 : f32
    %broadcast_in_dim3A_4552 = vector.broadcast %jit3A_4550 : f32 to vector<72x128xf32>
    %broadcast_in_dim3A_4553 = vector.broadcast %jit3A_4551 : f32 to vector<72x128xf32>
    %select_n3A_4554 = arith.select %ge3A_4549, %broadcast_in_dim3A_4552, %broadcast_in_dim3A_4553 : vector<72x128xi1>, vector<72x128xf32>
    %reduce_sum3A_4555 = arith.constant dense<0.000000e+00> : vector<72xf32>
    %reduce_sum3A_4556 = vector.multi_reduction <add>, %select_n3A_4554, %reduce_sum3A_4555 [1] : vector<72x128xf32> to vector<72xf32>
    %broadcast_in_dim3A_4557 = vector.shape_cast %reduce_sum3A_4556 : vector<72xf32> to vector<72x1xf32>
    %reduce_sum3A_4558 = arith.constant dense<0.000000e+00> : vector<1xf32>
    %reduce_sum3A_4559 = vector.multi_reduction <add>, %broadcast_in_dim3A_4557, %reduce_sum3A_4558 [0] : vector<72x1xf32> to vector<1xf32>
    %broadcast_in_dim3A_4560 = vector.shape_cast %reduce_sum3A_4559 : vector<1xf32> to vector<1x1xf32>
    %ge3A_4561 = vector.broadcast %or3A_4534 : vector<1x1xi32> to vector<72x128xi32>
    %ge3A_4562 = arith.cmpi sge, %bitcast_convert_type3A, %ge3A_4561 : vector<72x128xi32>
    %jit3A_4563 = arith.constant 1.000000e+00 : f32
    %jit3A_4564 = arith.constant 0.000000e+00 : f32
    %broadcast_in_dim3A_4565 = vector.broadcast %jit3A_4563 : f32 to vector<72x128xf32>
    %broadcast_in_dim3A_4566 = vector.broadcast %jit3A_4564 : f32 to vector<72x128xf32>
    %select_n3A_4567 = arith.select %ge3A_4562, %broadcast_in_dim3A_4565, %broadcast_in_dim3A_4566 : vector<72x128xi1>, vector<72x128xf32>
    %reduce_sum3A_4568 = arith.constant dense<0.000000e+00> : vector<72xf32>
    %reduce_sum3A_4569 = vector.multi_reduction <add>, %select_n3A_4567, %reduce_sum3A_4568 [1] : vector<72x128xf32> to vector<72xf32>
    %broadcast_in_dim3A_4570 = vector.shape_cast %reduce_sum3A_4569 : vector<72xf32> to vector<72x1xf32>
    %reduce_sum3A_4571 = arith.constant dense<0.000000e+00> : vector<1xf32>
    %reduce_sum3A_4572 = vector.multi_reduction <add>, %broadcast_in_dim3A_4570, %reduce_sum3A_4571 [0] : vector<72x1xf32> to vector<1xf32>
    %broadcast_in_dim3A_4573 = vector.shape_cast %reduce_sum3A_4572 : vector<1xf32> to vector<1x1xf32>
    %ge3A_4574 = arith.cmpf oge, %broadcast_in_dim3A_4573, %min3A_3823 : vector<1x1xf32>
    %ge3A_4575 = arith.cmpf oge, %broadcast_in_dim3A_4560, %min3A_3823 : vector<1x1xf32>
    %ge3A_4576 = arith.cmpf oge, %broadcast_in_dim3A_4547, %min3A_3823 : vector<1x1xf32>
    %select_n3A_4577 = arith.select %ge3A_4576, %or3A_4528, %select_n3A_4525 : vector<1x1xi1>, vector<1x1xi32>
    %select_n3A_4578 = arith.select %ge3A_4575, %or3A_4531, %select_n3A_4577 : vector<1x1xi1>, vector<1x1xi32>
    %select_n3A_4579 = arith.select %ge3A_4574, %or3A_4534, %select_n3A_4578 : vector<1x1xi1>, vector<1x1xi32>
    %or3A_4580 = arith.constant 2 : i32
    %or3A_4581 = vector.broadcast %or3A_4580 : i32 to vector<1x1xi32>
    %or3A_4582 = arith.ori %select_n3A_4579, %or3A_4581 : vector<1x1xi32>
    %or3A_4583 = arith.constant 4 : i32
    %or3A_4584 = vector.broadcast %or3A_4583 : i32 to vector<1x1xi32>
    %or3A_4585 = arith.ori %select_n3A_4579, %or3A_4584 : vector<1x1xi32>
    %or3A_4586 = arith.constant 6 : i32
    %or3A_4587 = vector.broadcast %or3A_4586 : i32 to vector<1x1xi32>
    %or3A_4588 = arith.ori %select_n3A_4579, %or3A_4587 : vector<1x1xi32>
    %ge3A_4589 = vector.broadcast %or3A_4582 : vector<1x1xi32> to vector<72x128xi32>
    %ge3A_4590 = arith.cmpi sge, %bitcast_convert_type3A, %ge3A_4589 : vector<72x128xi32>
    %jit3A_4591 = arith.constant 1.000000e+00 : f32
    %jit3A_4592 = arith.constant 0.000000e+00 : f32
    %broadcast_in_dim3A_4593 = vector.broadcast %jit3A_4591 : f32 to vector<72x128xf32>
    %broadcast_in_dim3A_4594 = vector.broadcast %jit3A_4592 : f32 to vector<72x128xf32>
    %select_n3A_4595 = arith.select %ge3A_4590, %broadcast_in_dim3A_4593, %broadcast_in_dim3A_4594 : vector<72x128xi1>, vector<72x128xf32>
    %reduce_sum3A_4596 = arith.constant dense<0.000000e+00> : vector<72xf32>
    %reduce_sum3A_4597 = vector.multi_reduction <add>, %select_n3A_4595, %reduce_sum3A_4596 [1] : vector<72x128xf32> to vector<72xf32>
    %broadcast_in_dim3A_4598 = vector.shape_cast %reduce_sum3A_4597 : vector<72xf32> to vector<72x1xf32>
    %reduce_sum3A_4599 = arith.constant dense<0.000000e+00> : vector<1xf32>
    %reduce_sum3A_4600 = vector.multi_reduction <add>, %broadcast_in_dim3A_4598, %reduce_sum3A_4599 [0] : vector<72x1xf32> to vector<1xf32>
    %broadcast_in_dim3A_4601 = vector.shape_cast %reduce_sum3A_4600 : vector<1xf32> to vector<1x1xf32>
    %ge3A_4602 = vector.broadcast %or3A_4585 : vector<1x1xi32> to vector<72x128xi32>
    %ge3A_4603 = arith.cmpi sge, %bitcast_convert_type3A, %ge3A_4602 : vector<72x128xi32>
    %jit3A_4604 = arith.constant 1.000000e+00 : f32
    %jit3A_4605 = arith.constant 0.000000e+00 : f32
    %broadcast_in_dim3A_4606 = vector.broadcast %jit3A_4604 : f32 to vector<72x128xf32>
    %broadcast_in_dim3A_4607 = vector.broadcast %jit3A_4605 : f32 to vector<72x128xf32>
    %select_n3A_4608 = arith.select %ge3A_4603, %broadcast_in_dim3A_4606, %broadcast_in_dim3A_4607 : vector<72x128xi1>, vector<72x128xf32>
    %reduce_sum3A_4609 = arith.constant dense<0.000000e+00> : vector<72xf32>
    %reduce_sum3A_4610 = vector.multi_reduction <add>, %select_n3A_4608, %reduce_sum3A_4609 [1] : vector<72x128xf32> to vector<72xf32>
    %broadcast_in_dim3A_4611 = vector.shape_cast %reduce_sum3A_4610 : vector<72xf32> to vector<72x1xf32>
    %reduce_sum3A_4612 = arith.constant dense<0.000000e+00> : vector<1xf32>
    %reduce_sum3A_4613 = vector.multi_reduction <add>, %broadcast_in_dim3A_4611, %reduce_sum3A_4612 [0] : vector<72x1xf32> to vector<1xf32>
    %broadcast_in_dim3A_4614 = vector.shape_cast %reduce_sum3A_4613 : vector<1xf32> to vector<1x1xf32>
    %ge3A_4615 = vector.broadcast %or3A_4588 : vector<1x1xi32> to vector<72x128xi32>
    %ge3A_4616 = arith.cmpi sge, %bitcast_convert_type3A, %ge3A_4615 : vector<72x128xi32>
    %jit3A_4617 = arith.constant 1.000000e+00 : f32
    %jit3A_4618 = arith.constant 0.000000e+00 : f32
    %broadcast_in_dim3A_4619 = vector.broadcast %jit3A_4617 : f32 to vector<72x128xf32>
    %broadcast_in_dim3A_4620 = vector.broadcast %jit3A_4618 : f32 to vector<72x128xf32>
    %select_n3A_4621 = arith.select %ge3A_4616, %broadcast_in_dim3A_4619, %broadcast_in_dim3A_4620 : vector<72x128xi1>, vector<72x128xf32>
    %reduce_sum3A_4622 = arith.constant dense<0.000000e+00> : vector<72xf32>
    %reduce_sum3A_4623 = vector.multi_reduction <add>, %select_n3A_4621, %reduce_sum3A_4622 [1] : vector<72x128xf32> to vector<72xf32>
    %broadcast_in_dim3A_4624 = vector.shape_cast %reduce_sum3A_4623 : vector<72xf32> to vector<72x1xf32>
    %reduce_sum3A_4625 = arith.constant dense<0.000000e+00> : vector<1xf32>
    %reduce_sum3A_4626 = vector.multi_reduction <add>, %broadcast_in_dim3A_4624, %reduce_sum3A_4625 [0] : vector<72x1xf32> to vector<1xf32>
    %broadcast_in_dim3A_4627 = vector.shape_cast %reduce_sum3A_4626 : vector<1xf32> to vector<1x1xf32>
    %ge3A_4628 = arith.cmpf oge, %broadcast_in_dim3A_4627, %min3A_3823 : vector<1x1xf32>
    %ge3A_4629 = arith.cmpf oge, %broadcast_in_dim3A_4614, %min3A_3823 : vector<1x1xf32>
    %ge3A_4630 = arith.cmpf oge, %broadcast_in_dim3A_4601, %min3A_3823 : vector<1x1xf32>
    %select_n3A_4631 = arith.select %ge3A_4630, %or3A_4582, %select_n3A_4579 : vector<1x1xi1>, vector<1x1xi32>
    %select_n3A_4632 = arith.select %ge3A_4629, %or3A_4585, %select_n3A_4631 : vector<1x1xi1>, vector<1x1xi32>
    %select_n3A_4633 = arith.select %ge3A_4628, %or3A_4588, %select_n3A_4632 : vector<1x1xi1>, vector<1x1xi32>
    %or3A_4634 = arith.constant 1 : i32
    %or3A_4635 = vector.broadcast %or3A_4634 : i32 to vector<1x1xi32>
    %or3A_4636 = arith.ori %select_n3A_4633, %or3A_4635 : vector<1x1xi32>
    %ge3A_4637 = vector.broadcast %or3A_4636 : vector<1x1xi32> to vector<72x128xi32>
    %ge3A_4638 = arith.cmpi sge, %bitcast_convert_type3A, %ge3A_4637 : vector<72x128xi32>
    %jit3A_4639 = arith.constant 1.000000e+00 : f32
    %jit3A_4640 = arith.constant 0.000000e+00 : f32
    %broadcast_in_dim3A_4641 = vector.broadcast %jit3A_4639 : f32 to vector<72x128xf32>
    %broadcast_in_dim3A_4642 = vector.broadcast %jit3A_4640 : f32 to vector<72x128xf32>
    %select_n3A_4643 = arith.select %ge3A_4638, %broadcast_in_dim3A_4641, %broadcast_in_dim3A_4642 : vector<72x128xi1>, vector<72x128xf32>
    %reduce_sum3A_4644 = arith.constant dense<0.000000e+00> : vector<72xf32>
    %reduce_sum3A_4645 = vector.multi_reduction <add>, %select_n3A_4643, %reduce_sum3A_4644 [1] : vector<72x128xf32> to vector<72xf32>
    %broadcast_in_dim3A_4646 = vector.shape_cast %reduce_sum3A_4645 : vector<72xf32> to vector<72x1xf32>
    %reduce_sum3A_4647 = arith.constant dense<0.000000e+00> : vector<1xf32>
    %reduce_sum3A_4648 = vector.multi_reduction <add>, %broadcast_in_dim3A_4646, %reduce_sum3A_4647 [0] : vector<72x1xf32> to vector<1xf32>
    %broadcast_in_dim3A_4649 = vector.shape_cast %reduce_sum3A_4648 : vector<1xf32> to vector<1x1xf32>
    %ge3A_4650 = arith.cmpf oge, %broadcast_in_dim3A_4649, %min3A_3823 : vector<1x1xf32>
    %select_n3A_4651 = arith.select %ge3A_4650, %or3A_4636, %select_n3A_4633 : vector<1x1xi1>, vector<1x1xi32>
    %bitcast_convert_type3A_4652 = tpu.bitcast %select_n3A_4651 : vector<1x1xi32> -> vector<1x1xf32>
    %gt3A_4653 = vector.broadcast %select_n3A_4651 : vector<1x1xi32> to vector<72x128xi32>
    %gt3A_4654 = arith.cmpi sgt, %bitcast_convert_type3A, %gt3A_4653 : vector<72x128xi32>
    %jit3A_4655 = arith.constant 1.000000e+00 : f32
    %jit3A_4656 = arith.constant 0.000000e+00 : f32
    %broadcast_in_dim3A_4657 = vector.broadcast %jit3A_4655 : f32 to vector<72x128xf32>
    %broadcast_in_dim3A_4658 = vector.broadcast %jit3A_4656 : f32 to vector<72x128xf32>
    %select_n3A_4659 = arith.select %gt3A_4654, %broadcast_in_dim3A_4657, %broadcast_in_dim3A_4658 : vector<72x128xi1>, vector<72x128xf32>
    %reduce_sum3A_4660 = arith.constant dense<0.000000e+00> : vector<72xf32>
    %reduce_sum3A_4661 = vector.multi_reduction <add>, %select_n3A_4659, %reduce_sum3A_4660 [1] : vector<72x128xf32> to vector<72xf32>
    %broadcast_in_dim3A_4662 = vector.shape_cast %reduce_sum3A_4661 : vector<72xf32> to vector<72x1xf32>
    %reduce_sum3A_4663 = arith.constant dense<0.000000e+00> : vector<1xf32>
    %reduce_sum3A_4664 = vector.multi_reduction <add>, %broadcast_in_dim3A_4662, %reduce_sum3A_4663 [0] : vector<72x1xf32> to vector<1xf32>
    %broadcast_in_dim3A_4665 = vector.shape_cast %reduce_sum3A_4664 : vector<1xf32> to vector<1x1xf32>
    %jit3A_4666 = arith.constant 0.000000e+00 : f32
    %broadcast_in_dim3A_4667 = vector.broadcast %jit3A_4666 : f32 to vector<72x128xf32>
    %select_n3A_4668 = arith.select %gt3A_4654, %max3A_3817, %broadcast_in_dim3A_4667 : vector<72x128xi1>, vector<72x128xf32>
    %reduce_sum3A_4669 = arith.constant dense<0.000000e+00> : vector<72xf32>
    %reduce_sum3A_4670 = vector.multi_reduction <add>, %select_n3A_4668, %reduce_sum3A_4669 [1] : vector<72x128xf32> to vector<72xf32>
    %broadcast_in_dim3A_4671 = vector.shape_cast %reduce_sum3A_4670 : vector<72xf32> to vector<72x1xf32>
    %reduce_sum3A_4672 = arith.constant dense<0.000000e+00> : vector<1xf32>
    %reduce_sum3A_4673 = vector.multi_reduction <add>, %broadcast_in_dim3A_4671, %reduce_sum3A_4672 [0] : vector<72x1xf32> to vector<1xf32>
    %broadcast_in_dim3A_4674 = vector.shape_cast %reduce_sum3A_4673 : vector<1xf32> to vector<1x1xf32>
    %sub3A_4675 = arith.subf %min3A_3823, %broadcast_in_dim3A_4665 : vector<1x1xf32>
    %mul3A_4676 = arith.mulf %sub3A_4675, %bitcast_convert_type3A_4652 : vector<1x1xf32>
    %add3A_4677 = arith.addf %broadcast_in_dim3A_4674, %mul3A_4676 : vector<1x1xf32>
    %add3A_4678 = arith.addf %add3A_4677, %broadcast_in_dim3A_3811 : vector<1x1xf32>
    %div3A_4679 = arith.divf %add3A_4678, %broadcast_in_dim3A_1660 : vector<1x1xf32>
    %mul3A_4680 = arith.constant 4.000000e+00 : f32
    %mul3A_4681 = vector.broadcast %mul3A_4680 : f32 to vector<1x1xf32>
    %mul3A_4682 = arith.mulf %broadcast_in_dim3A_1660, %mul3A_4681 : vector<1x1xf32>
    %div3A_4683 = arith.divf %broadcast_in_dim3A_1649, %mul3A_4682 : vector<1x1xf32>
    %add3A_4684 = arith.addf %div3A_4679, %div3A_4683 : vector<1x1xf32>
    %broadcast_in_dim3A_4685 = vector.shape_cast %add3A_4684 : vector<1x1xf32> to vector<1x1xf32>
    %broadcast_in_dim3A_4686 = vector.broadcast %broadcast_in_dim3A_4685 : vector<1x1xf32> to vector<8x128xf32>
    %swap3A = arith.constant 0 : index
    %swap3A_4687 = arith.constant 0 : index
    %swap3A_4688 = arith.constant 0 : index
    %swap3A_4689 = vector.load %arg6[%swap3A, %swap3A_4687, %swap3A_4688] : memref<1x8x128xf32, #tpu.memory_space<vmem>>, vector<1x8x128xf32>
    %swap3A_4690 = vector.shape_cast %swap3A_4689 : vector<1x8x128xf32> to vector<8x128xf32>
    %swap3A_4691 = vector.shape_cast %broadcast_in_dim3A_4686 : vector<8x128xf32> to vector<1x8x128xf32>
    tpu.vector_store %arg6[%swap3A, %swap3A_4687, %swap3A_4688], %swap3A_4691 {strides = array<i32>} : memref<1x8x128xf32, #tpu.memory_space<vmem>>, vector<1x8x128xf32>,
    return
  }
  func.func @transform_0(%arg0: i32) -> (i32, i32, i32) {
    %c0_i32 = arith.constant 0 : i32
    %c0_i32_0 = arith.constant 0 : i32
    %c0_i32_1 = arith.constant 0 : i32
    return %arg0, %c0_i32, %c0_i32_0 : i32, i32, i32
  }
  func.func @transform_1(%arg0: i32) -> (i32, i32, i32) {
    %c0_i32 = arith.constant 0 : i32
    %c0_i32_0 = arith.constant 0 : i32
    %c0_i32_1 = arith.constant 0 : i32
    return %arg0, %c0_i32, %c0_i32_0 : i32, i32, i32
  }
  func.func @transform_2(%arg0: i32) -> (i32, i32, i32) {
    %c0_i32 = arith.constant 0 : i32
    %c0_i32_0 = arith.constant 0 : i32
    %c0_i32_1 = arith.constant 0 : i32
    %c0_i32_2 = arith.constant 0 : i32
    return %c0_i32, %c0_i32_0, %c0_i32_1 : i32, i32, i32
  }
  func.func @transform_3(%arg0: i32) -> (i32, i32, i32, i32) {
    %c0_i32 = arith.constant 0 : i32
    %c0_i32_0 = arith.constant 0 : i32
    %c0_i32_1 = arith.constant 0 : i32
    %c0_i32_2 = arith.constant 0 : i32
    return %arg0, %c0_i32, %c0_i32_0, %c0_i32_1 : i32, i32, i32, i32
  }
  func.func @transform_4(%arg0: i32) -> (i32, i32, i32) {
    %c0_i32 = arith.constant 0 : i32
    %c0_i32_0 = arith.constant 0 : i32
    %c0_i32_1 = arith.constant 0 : i32
    return %arg0, %c0_i32, %c0_i32_0 : i32, i32, i32
  }
  func.func @transform_5(%arg0: i32) -> (i32, i32, i32) {
    %c0_i32 = arith.constant 0 : i32
    %c0_i32_0 = arith.constant 0 : i32
    %c0_i32_1 = arith.constant 0 : i32
    return %arg0, %c0_i32, %c0_i32_0 : i32, i32, i32
  }
}

</mosaic_0001>

<sc_bundles>
// kernel: gather_offload_async_start.1
scs
__scs_entry_jumppad:
0x0: {  	(pc) =	sbr.rel $0x88, $3  }
0x1: {  	(tag) =	ssettag $0x0;
	lr =	simm.s32 $0x1  }
0x2: {  	[smem:$0x3F9C] =	sst lr;
	_ =	strace $0xD0000000  }
0x3: {  	_ = 	snop  }
0x4: {  	_ = 	snop  }
0x5: {  	_ = 	snop  }
0x6: {  	_ = 	snop  }
0x7: {  	_ = 	snop  }
__scs_overlays_trampoline_lowered:
0x8: {  	[smem:$0x3FAB] =	sst s0  }
0x9: {  	[smem:$0x3FAC] =	sst s1  }
0xa: {  	[smem:$0x3FAD] =	sst s2  }
0xb: {  	[smem:$0x3FAE] =	sst s3  }
0xc: {  	[smem:$0x3FAF] =	sst s4  }
0xd: {  	[smem:$0x3FB0] =	sst s5  }
0xe: {  	[smem:$0x3FB1] =	sst s6  }
0xf: {  	[smem:$0x3FB2] =	sst s7  }
0x10: {  	[smem:$0x3FB3] =	sst s8  }
0x11: {  	[smem:$0x3FB4] =	sst s9;
	s0 =	simm.s32 @!p0 $0x0  }
0x12: {  	s1 =	sld [smem:$0x3F9A];
	s0 =	simm.s32 @p0 $0x1  }
0x13: {  	[smem:$0x3FB5] =	sst s0;
	s0 =	simm.s32 @!p1 $0x0  }
0x14: {  	s2 =	sld [smem:$0x3F99];
	s0 =	simm.s32 @p1 $0x1  }
0x15: {  	[smem:$0x3FB6] =	sst s0;
	s0 =	simm.s32 @!p2 $0x0  }
0x16: {  	s3 =	sld [smem:$0x3FDB];
	s0 =	simm.s32 @p2 $0x1  }
0x17: {  	s4 =	simm.s32 $0x1BF5;
	[smem:$0x3FB8] =	sst s0  }
0x18: {  	s0 =	sld [smem:$0x3F9B];
	_ =	swait.ge [sflag:s4], $0x0  }
0x19: {  	s7 =	sld [smem:$0x3F9C]  }
0x1a: {  	s8 =	sadd.s32 $0xFFFFE003, lr  }
0x1b: {  	s9 =	sadd.s32 $0xFFFFFEF7, lr;
	s5 =	simm.s32 $0xFFFFFFFF;
	p2 =	slt.u32 s8, $0xFFFFF086  }
0x1c: {  	p1 =	slt.u32 s9, $0xF7A;
	s5 =	simm.s32 @!p2 $0x0  }
0x1d: {  	s5 =	simm.s32 @p1 $0x1;
	p0 =	seq.s32 s7, s2  }
0x1e: {  	s7 =	smul.u32 @!p0 $0xF7A, s2;
	p2 =	seq.s32 @!p0 s5, $0x0  }
0x1f: {  	s9 =	smul.u32 $0xF7A, s1;
	s8 =	simm.s32 @!p0 $0x1BF5;
	p2 =	por !p2, p0  }
0x20: {  	[sflag:s8] =	ssyncset.s32 @!p0 $0xFFFFF086;
	s6 =	sadd.s32 @!p0 s3, s7;
	s7 =	simm.s32 @!p0 $0x108  }
0x21: {  	s3 =	sadd.s32 s3, s9;
	s6 =	sadd.s32 @!p0 $0x88, s6;
	s7 =	simm.s32 @p2 $0x1082  }
0x22: {  	[simem:s7], [sflag:s8] =	dma.local @!p0 [hbm:s6], $0xF7A  }
0x23: {  	s9 =	sor.u32 $0xD0000000, s2;
	s6 =	simm.s32 $0x108;
	_ =	swait.ge @!p0 [sflag:s8], $0x0  }
0x24: {  	s3 =	sadd.s32 $0x88, s3;
	s6 =	simm.s32 @!p1 $0x1082;
	[sflag:s4] =	ssyncset.s32 $0xFFFFF086  }
0x25: {  	[simem:s6], [sflag:s4] =	dma.local [hbm:s3], $0xF7A  }
0x26: {  	[smem:$0x3F9C] =	sst s1;
	(tag) =	ssettag s2;
	_ =	strace s9  }
0x27: {  	s1 =	sld [smem:$0x3FAC]  }
0x28: {  	s2 =	sld [smem:$0x3FAD]  }
0x29: {  	s4 =	sld [smem:$0x3FAF]  }
0x2a: {  	p0 =	seq.s32 s5, $0x0;
	s5 =	sld [smem:$0x3FB0]  }
0x2b: {  	s6 =	sld [smem:$0x3FB1]  }
0x2c: {  	s7 =	sld [smem:$0x3FB2]  }
0x2d: {  	s3 =	simm.s32 $0x108;
	s8 =	sld [smem:$0x3FB3]  }
0x2e: {  	s3 =	simm.s32 @!p0 $0x1082;
	s9 =	sld [smem:$0x3FB4]  }
0x2f: {  	lr =	sadd.s32 s0, s3;
	s0 =	sld [smem:$0x3FAB]  }
0x30: {  	s3 =	sld [smem:$0x3FAE]  }
0x31: {  	[smem:$0x3FB7] =	sst s10  }
0x32: {  	s10 =	sld [smem:$0x3FB5];
	_ =	sdelay $0x3  }
0x33: {  	p0 =	seq.s32 s10, $0x1;
	s10 =	sld [smem:$0x3FB7];
	_ =	sdelay $0x3  }
0x34: {  	[smem:$0x3FB7] =	sst s10  }
0x35: {  	s10 =	sld [smem:$0x3FB6];
	_ =	sdelay $0x3  }
0x36: {  	p1 =	seq.s32 s10, $0x1;
	s10 =	sld [smem:$0x3FB7];
	_ =	sdelay $0x3  }
0x37: {  	[smem:$0x3FB7] =	sst s10  }
0x38: {  	s10 =	sld [smem:$0x3FB8]  }
0x39: {  	_ = 	snop;
	(pc) =	sbr.ind lr, $3  }
0x3a: {  	_ = 	snop  }
0x3b: {  	_ = 	snop  }
0x3c: {  	p2 =	seq.s32 s10, $0x1;
	s10 =	sld [smem:$0x3FB7]  }
0x3d: {  	_ =	shalt  }
0x3e: {  	_ =	shalt  }
0x3f: {  	_ =	shalt  }
0x40: {  	_ =	shalt  }
0x41: {  	_ =	shalt  }
0x42: {  	_ =	shalt  }
0x43: {  	_ =	shalt  }
0x44: {  	_ =	shalt  }
0x45: {  	_ =	shalt  }
0x46: {  	_ =	shalt  }
0x47: {  	_ =	shalt  }
0x48: {  	_ =	shalt  }
0x49: {  	_ =	shalt  }
0x4a: {  	_ =	shalt  }
0x4b: {  	_ =	shalt  }
0x4c: {  	_ =	shalt  }
0x4d: {  	_ =	shalt  }
0x4e: {  	_ =	shalt  }
0x4f: {  	_ =	shalt  }
0x50: {  	_ =	shalt  }
0x51: {  	_ =	shalt  }
0x52: {  	_ =	shalt  }
0x53: {  	_ =	shalt  }
0x54: {  	_ =	shalt  }
0x55: {  	_ =	shalt  }
0x56: {  	_ =	shalt  }
0x57: {  	_ =	shalt  }
0x58: {  	_ =	shalt  }
0x59: {  	_ =	shalt  }
0x5a: {  	_ =	shalt  }
0x5b: {  	_ =	shalt  }
0x5c: {  	_ =	shalt  }
0x5d: {  	_ =	shalt  }
0x5e: {  	_ =	shalt  }
0x5f: {  	_ =	shalt  }
0x60: {  	_ =	shalt  }
0x61: {  	_ =	shalt  }
0x62: {  	_ =	shalt  }
0x63: {  	_ =	shalt  }
0x64: {  	_ =	shalt  }
0x65: {  	_ =	shalt  }
0x66: {  	_ =	shalt  }
0x67: {  	_ =	shalt  }
0x68: {  	_ =	shalt  }
0x69: {  	_ =	shalt  }
0x6a: {  	_ =	shalt  }
0x6b: {  	_ =	shalt  }
0x6c: {  	_ =	shalt  }
0x6d: {  	_ =	shalt  }
0x6e: {  	_ =	shalt  }
0x6f: {  	_ =	shalt  }
0x70: {  	_ =	shalt  }
0x71: {  	_ =	shalt  }
0x72: {  	_ =	shalt  }
0x73: {  	_ =	shalt  }
0x74: {  	_ =	shalt  }
0x75: {  	_ =	shalt  }
0x76: {  	_ =	shalt  }
0x77: {  	_ =	shalt  }
0x78: {  	_ =	shalt  }
0x79: {  	_ =	shalt  }
0x7a: {  	_ =	shalt  }
0x7b: {  	_ =	shalt  }
0x7c: {  	_ =	shalt  }
0x7d: {  	_ =	shalt  }
0x7e: {  	_ =	shalt  }
0x7f: {  	_ =	shalt  }
0x80: {  	_ =	shalt  }
0x81: {  	_ =	shalt  }
0x82: {  	_ =	shalt  }
0x83: {  	_ =	shalt  }
0x84: {  	_ =	shalt  }
0x85: {  	_ =	shalt  }
0x86: {  	_ =	shalt  }
0x87: {  	_ =	shalt  }
.Lfunc_end0:
.L_simem_size_0:
called_computation.1_lowered:
.L_overlay_start_0:
0x88: {  	s2 =	sld [smem:$0x3FD9]  }
0x89: {  	s3 =	sld [smem:$0x3FFE];
	_ =	sdelay $0x1  }
0x8a: {  	s1 =	srdreg.scid  }
0x8b: {  	s0 =	sand.u32 $0x1, s1  }
0x8c: {  	s16 =	sshll.u32 s0, $0xA;
	s2 =	sadd.s32 s3, s2  }
0x8d: {  	s2 =	sadd.s32 s2, s16  }
0x8e: {  	[smem:$0x3FC3] =	sst s2  }
0x8f: {  	_ = 	snop  }
0x90: {  	(tm) =	ssettm $0x1  }
0x91: {  	s17 =	sld [smem:$0x3FFB];
	_ =	sdelay $0x3  }
0x92: {  	_ =	strace s17  }
0x93: {  	s2 =	sld [smem:$0x3FFC];
	_ =	sdelay $0x3  }
0x94: {  	_ =	strace s2  }
0x95: {  	s2 =	sld [smem:$0x3FFD];
	_ =	sdelay $0x3  }
0x96: {  	_ =	strace s2  }
0x97: {  	_ =	strace $0x8FFFFFFF  }
0x98: {  	s18 =	sld [smem:$0x3FDB];
	_ =	sdelay $0x1  }
0x99: {  	s19 =	simm.s32 $_scs_section_size  }
0x9a: {  	s4 =	simm.s32 $_size__tile_overlayer_lowered;
	s5 =	simm.s32 $_tile_overlayer_lowered  }
0x9b: {  	s22 =	simm.s32 $0x1BFF;
	s21 =	sshll.u32 s5, $0x1;
	s2 =	sadd.s32 s19, s18  }
0x9c: {  	s6 =	simm.s32 $0x0;
	s20 =	sshll.u32 s4, $0x1;
	s4 =	sadd.s32 s21, s2  }
0x9d: {  	[timem:s6], [sflag:s22] =	dma.local [hbm:s4], s20  }
0x9e: {  	_ =	swait.ge [sflag:s22], s20  }
0x9f: {  	s3 =	ssub.s32 $0x0, s20;
	[sflag:s22] =	ssyncset.done $0x0  }
0xa0: {  	[sflag:s22] =	ssyncadd.s32 s3;
	_ =	sdelay $0x1  }
0xa1: {  	s23 =	simm.s32 $0x1B8B  }
0xa2: {  	_ =	swait.ge [sflag:s23], $0x1  }
0xa3: {  	[sflag:s23] =	ssyncset.done $0x0  }
0xa4: {  	s25 =	simm.s32 $0x1B8E;
	s24 =	sld [smem:$0x3FFE];
	[sflag:s23] =	ssyncadd.s32 $0xFFFFFFFF  }
0xa5: {  	s26 =	simm.s32 $execute0_lowered;
	[smem:$0x3FD2] =	sst s25  }
0xa6: {  	s4 =	sshll.u32 s26, $0x1;
	_ =	strace $0x80000046;
	[dreg:$0x1] =	wrdreg $0xFFFFFFFF  }
0xa7: {  	s28 =	simm.s32 $_size_execute0_lowered;
	s2 =	sadd.s32 s2, s4;
	[dreg:$0x0] =	wrdreg $0x0  }
0xa8: {  	s4 =	sshll.u32 s28, $0x1;
	[dreg:$0x2] =	wrdreg s2  }
0xa9: {  	[dreg:$0x3] =	wrdreg s4  }
0xaa: {  	[dreg:$0x4] =	wrdreg $0xC0  }
0xab: {  	_ =	task [dreg:s6], $0x5FFFF  }
0xac: {  	[dreg:$0x1] =	wrdreg $0xFFFFFFFF  }
0xad: {  	[dreg:$0x0] =	wrdreg $0x60  }
0xae: {  	[dreg:$0x2] =	wrdreg s24  }
0xaf: {  	[dreg:$0x3] =	wrdreg $0x9  }
0xb0: {  	_ =	task.clear_ibuf [dreg:s6], $0x4FFFF;
	_ =	strace $0x90000046  }
0xb1: {  	s29 =	simm.s32 $0x9;
	_ =	strace $0x80000048  }
0xb2: {  	_ =	swait.ge [sflag:s29], $0x1  }
0xb3: {  	[sflag:s29] =	ssyncadd.s32 $0xFFFFFFFF  }
0xb4: {  	_ =	strace $0x90000048  }
0xb5: {  	_ =	sfence  }
0xb6: {  	s30 =	sld [smem:$0x0];
	_ =	sdelay $0x2  }
0xb7: {  	s31 =	sshll.u32 s1, $0xD;
	s1 =	sshrl.u32 s1, $0x2  }
0xb8: {  	s3 =	sand.u32 $0x4000, s31;
	s1 =	sadd.s32 s1, s30  }
0xb9: {  	s0 =	sor.u32 s3, s0;
	s1 =	sshll.u32 s1, $0x11  }
0xba: {  	s0 =	sor.u32 s1, s0  }
0xbb: {  	s0 =	sadd.s32 $0x8F2B, s0  }
0xbc: {  	[sflag:s0] =	ssyncadd.remote.s32 $0x1  }
0xbd: {  	_ =	sfence.sel $0xFFFF  }
0xbe: {  	[dreg:$0x0] =	wrdreg $0xFFFFFFFF;
	(pc) =	sbr.abs _section_cstart, $3  }
0xbf: {  	[dreg:$0x1] =	wrdreg $0xFFFFFFFF  }
0xc0: {  	_ =	task.clear_ibuf [dreg:s6], $0x2FFFF;
	_ =	strace $0x9FFFFFFF  }
0xc1: {  	(tm) =	ssettm $0x7FFFFFFF  }
tec
execute0_lowered:
.L_overlay_start_1:
0x0: {  	(tag) =	ssettag $0x1  }
0x1: {  	s7 =	rddreg [dreg:$0x0]  }
0x2: {  	s1 =	srdreg.scid;
	s0 =	rddreg [dreg:$0x1]  }
0x3: {  	_ =	strace $0x80000047;
	s3 =	simm.s32 $0x1;
	s5 =	simm.s32 $0x2  }
0x4: {  	s9 =	simm.s32 $0x3;
	s11 =	simm.s32 $0x0;
	s2 =	sshll.u32 s1, $0x4  }
.Ltmp0:
0x5: {  	s1 =	stileid.u32;
	s4 =	sand.u32 $0x10, s2;
	(pc) =	sbr.rel .LBB2_1-.Ltmp0, $4  }
0x6: {  	p0 =	por $0x0, $0x0;
	[sflag:s3] =	ssyncpa.u1 $0x0;
	s4 =	sor.u32 s1, s4  }
0x7: {  	s6 =	sadd.s32 $0xE00, s7;
	[sflag:s5] =	ssyncpa.u1 $0x0;
	s4 =	smul.u32 $0x120, s4  }
0x8: {  	s2 =	sadd.s32 $0x1400, s7;
	s7 =	sadd.s32 $0xABE00, s7;
	[sflag:s9] =	ssyncpa.u1 $0x0  }
0x9: {  	vm0 =	vmmov $0xffff;
	s9 =	simm.s32 $0x0;
	s8 =	sadd.s32 $0x120, s4;
	s10 =	smov.u32 s4  }
.LBB2_6:
0xa: {  	[hbm:s15] =	stream.linear.scatter [tilespmem:s12], [sflag:$0x3], $0x200, $0x38;
	[tilespmem:$0x180C0] =	vst v63  }
.LBB2_7:
0xb: {  	p1 =	slt.u32 s9, $0x2;
	s11 =	sadd.s32 $0x60, s10  }
0xc: {  	s13 =	smov.u32 s4;
	s9 =	sadd.s32 $0x1, s9;
	p2 =	slt.s32 s11, s8  }
0xd: {  	s13 =	smov.u32 @p2 s11;
	p2 =	sne.s32 s9, $0x5  }
.Ltmp1:
0xe: {  	_ = 	snop;
	(pc) =	sbr.rel @!p2 .LBB2_8-.Ltmp1, $4  }
0xf: {  	s12 =	simm.s32 @!p1 $0x3  }
0x10: {  	_ =	swait.ge @!p1 [sflag:s12], $0xC000  }
0x11: {  	p0 =	por !p0, !p0;
	[sflag:s12] =	ssyncset.done @!p1 $0x0  }
0x12: {  	s11 =	smov.u32 s10;
	s10 =	smov.u32 s13;
	[sflag:s12] =	ssyncadd.s32 @!p1 $0xFFFF4000  }
.LBB2_1:
0x13: {  	p1 =	sgt.u32 s9, $0x2  }
0x14: {  	s12 =	sxor.u32 @!p1 $0xFFFFFFFF, s9  }
0x15: {  	s12 =	sand.u32 @!p1 $0x1, s12  }
0x16: {  	s12 =	smul.u32 @!p1 $0x180, s12  }
0x17: {  	s31 =	sadd.s32 $0xFFFFFFFF, s9;
	s13 =	sshrl.u32 @!p1 s10, $0x3  }
0x18: {  	s14 =	sand.u32 @!p1 $0x7, s10;
	s13 =	sadd.s32 @!p1 s6, s13;
	s12 =	sshrl.u32 @!p1 s12, $0x2  }
0x19: {  	[tilespmem:s12], [sflag:$0x2] =	stream.linear.gather @!p1 [hbm4b:s13+s14], $0x60, $0x38;
	[tilespmem:$0x180C0] =	vst v63  }
0x1a: {  	p1 =	sgt.u32 s31, $0x2  }
.Ltmp2:
0x1b: {  	_ = 	snop;
	(pc) =	sbr.rel @p1 .LBB2_7-.Ltmp2, $1  }
0x1c: {  	_ =	sdelay $0x3  }
0x1d: {  	s12 =	simm.s32 $0x1  }
0x1e: {  	s12 =	simm.s32 @!p0 $0x0  }
0x1f: {  	s13 =	smul.u32 $0x180, s12  }
0x20: {  	_ =	swait.ge [sflag:s5], $0x60  }
0x21: {  	[sflag:s5] =	ssyncset.done $0x0;
	s13 =	sshrl.u32 s13, $0x2  }
0x22: {  	[sflag:s5] =	ssyncadd.s32 $0xFFFFFFA0;
	s14 =	sadd.s32 $0x0, s13  }
0x23: {  	v0 =	vld.msk [tilespmem:s14+$0x0 ss:$0x1], $0xffff;
	_ =	sdelay $0x4  }
0x24: {  	vm1 =	vgt.s32 v0, $0x0  }
0x25: {  	v0 =	vnsel vm1, $0x0, v0  }
0x26: {  	v0 =	vmin.u32 v0, $0x221B  }
0x27: {  	v0 =	vshll.u32 v0, $0x6  }
0x28: {  	s12 =	smul.u32 $0x30000, s12;
	_ =	sdelay $0x1  }
0x29: {  	s12 =	sshrl.u32 s12, $0x2  }
0x2a: {  	s12 =	sor.u32 $0xC0, s12;
	s31 =	sadd.s32 $0x10, s13  }
0x2b: {  	[tilespmem:s12], [sflag:$0x1] =	stream.indirect_vreg.gather [hbm:s2], $0x200, v0, vm0, $0x38;
	[tilespmem:$0x180C0] =	vst v63  }
0x2c: {  	s15 =	simm.s32 $0x80;
	s14 =	smov.u32 s12;
	v0 =	vld.msk [tilespmem:s31+$0x0 ss:$0x1], $0xffff  }
.LBB2_3:
0x2d: {  	p1 =	sne.s32 s15, $0x140;
	_ =	sdelay $0x4  }
0x2e: {  	vm1 =	vgt.s32 v0, $0x0  }
0x2f: {  	v0 =	vnsel vm1, $0x0, v0  }
0x30: {  	v0 =	vmin.u32 v0, $0x221B  }
0x31: {  	v0 =	vshll.u32 v0, $0x6;
	_ =	sdelay $0x1  }
.Ltmp3:
0x32: {  	(pc) =	sbr.rel @p1 .LBB2_3-.Ltmp3, $4  }
0x33: {  	s16 =	sshra.s32 s15, $0x2  }
0x34: {  	s14 =	sadd.s32 $0x2000, s14;
	s16 =	sadd.s32 s16, s13  }
0x35: {  	[tilespmem:s14], [sflag:$0x1] =	stream.indirect_vreg.gather [hbm:s2], $0x200, v0, vm0, $0x38;
	[tilespmem:$0x180C0] =	vst v63  }
0x36: {  	s15 =	sadd.s32 $0x40, s15;
	v0 =	vld.msk [tilespmem:s16+$0x0 ss:$0x1], $0xffff  }
0x37: {  	_ =	sdelay $0x3  }
0x38: {  	vm1 =	vgt.s32 v0, $0x0  }
0x39: {  	v0 =	vnsel vm1, $0x0, v0  }
0x3a: {  	v0 =	vmin.u32 v0, $0x221B  }
0x3b: {  	v0 =	vshll.u32 v0, $0x6;
	_ =	sdelay $0x3  }
0x3c: {  	s13 =	sadd.s32 $0x2000, s14  }
0x3d: {  	[tilespmem:s13], [sflag:$0x1] =	stream.indirect_vreg.gather [hbm:s2], $0x200, v0, vm0, $0x38;
	[tilespmem:$0x180C0] =	vst v63  }
0x3e: {  	s11 =	sshll.u32 s11, $0x6;
	_ =	swait.ge [sflag:s3], $0xC000  }
0x3f: {  	s14 =	sadd.s32 $0x200, s12;
	s11 =	sadd.s32 s11, s7;
	[sflag:s3] =	ssyncset.done $0x0  }
0x40: {  	s15 =	sadd.s32 $0x0, s11;
	s13 =	simm.s32 $0x40;
	[sflag:s3] =	ssyncadd.s32 $0xFFFF4000  }
.LBB2_5:
0x41: {  	[hbm:s15] =	stream.linear.scatter [tilespmem:s12], [sflag:$0x3], $0x200, $0x38;
	[tilespmem:$0x180C0] =	vst v63  }
0x42: {  	s15 =	smov.u32 s13;
	s12 =	smov.u32 s14;
	p1 =	sne.s32 s13, $0x17C0  }
.Ltmp4:
0x43: {  	s13 =	sadd.s32 $0x40, s13;
	(pc) =	sbr.rel @p1 .LBB2_5-.Ltmp4, $2  }
0x44: {  	_ =	sdelay $0x2  }
0x45: {  	s14 =	sadd.s32 $0x200, s14;
	s15 =	sadd.s32 s15, s11  }
.Ltmp5:
0x46: {  	_ = 	snop;
	(pc) =	sbr.rel .LBB2_6-.Ltmp5, $1  }
0x47: {  	_ =	sdelay $0x3  }
.LBB2_8:
0x48: {  	_ =	sfence.sel $0x180000  }
0x49: {  	s2 =	simm.s32 $0x2;
	[bflag:$0x0] =	sbarrier.arrive $0xFFFF  }
0x4a: {  	s30 =	simm.s32 $0x3;
	[sflag:s2] =	ssyncpa.u1 $0x1  }
0x4b: {  	s31 =	simm.s32 $0x1;
	[sflag:s30] =	ssyncpa.u1 $0x1  }
0x4c: {  	[sflag:s31] =	ssyncpa.u1 $0x1  }
0x4d: {  	p0 =	sne.s32 s1, $0x0;
	_ =	strace $0x90000047  }
0x4e: {  	s0 =	sadd.s32 @!p0 $0x100000, s0;
	[bflag:$0x2] =	sbarrier.arrive $0xFFFF  }
0x4f: {  	[sflag:s0] =	ssyncadd.tile.s32 @!p0 $0x1;
	_ =	shalt  }
.Lfunc_end2:
_tile_overlayer_lowered:
.L_overlay_start_2:
0x50: {  	(tag) =	ssettag $0x2  }
0x51: {  	s0 =	rddreg [dreg:$0x0];
	s2 =	stileid.u32  }
0x52: {  	s1 =	rddreg [dreg:$0x1];
	p0 =	sne.s32 s2, $0x0  }
0x53: {  	s3 =	rddreg [dreg:$0x2];
	[bflag:$0x3] =	sbarrier.arrive $0xFFFF;
	s2 =	simm.s32 @!p0 $0x1C01  }
0x54: {  	[timem:s3], [sflag:s2] =	dma.local @!p0 [hbm:s0], s1  }
0x55: {  	s0 =	simm.s32 @!p0 $0x1  }
0x56: {  	_ =	swait.ge @!p0 [sflag:s0], s1  }
0x57: {  	s1 =	ssub.s32 @!p0 $0x0, s1;
	[sflag:s0] =	ssyncset.done @!p0 $0x0  }
0x58: {  	[sflag:s0] =	ssyncadd.s32 @!p0 s1  }
0x59: {  	[bflag:$0x3] =	sbarrier.arrive $0xFFFF  }
0x5a: {  	_ =	shalt  }

// kernel: gather_offload_async_start
scs
__scs_entry_jumppad:
0x0: {  	(pc) =	sbr.rel $0x88, $3  }
0x1: {  	(tag) =	ssettag $0x0;
	lr =	simm.s32 $0x1  }
0x2: {  	[smem:$0x3F9C] =	sst lr;
	_ =	strace $0xD0000000  }
0x3: {  	_ = 	snop  }
0x4: {  	_ = 	snop  }
0x5: {  	_ = 	snop  }
0x6: {  	_ = 	snop  }
0x7: {  	_ = 	snop  }
__scs_overlays_trampoline_lowered:
0x8: {  	[smem:$0x3FAB] =	sst s0  }
0x9: {  	[smem:$0x3FAC] =	sst s1  }
0xa: {  	[smem:$0x3FAD] =	sst s2  }
0xb: {  	[smem:$0x3FAE] =	sst s3  }
0xc: {  	[smem:$0x3FAF] =	sst s4  }
0xd: {  	[smem:$0x3FB0] =	sst s5  }
0xe: {  	[smem:$0x3FB1] =	sst s6  }
0xf: {  	[smem:$0x3FB2] =	sst s7  }
0x10: {  	[smem:$0x3FB3] =	sst s8  }
0x11: {  	[smem:$0x3FB4] =	sst s9;
	s0 =	simm.s32 @!p0 $0x0  }
0x12: {  	s1 =	sld [smem:$0x3F9A];
	s0 =	simm.s32 @p0 $0x1  }
0x13: {  	[smem:$0x3FB5] =	sst s0;
	s0 =	simm.s32 @!p1 $0x0  }
0x14: {  	s2 =	sld [smem:$0x3F99];
	s0 =	simm.s32 @p1 $0x1  }
0x15: {  	[smem:$0x3FB6] =	sst s0;
	s0 =	simm.s32 @!p2 $0x0  }
0x16: {  	s3 =	sld [smem:$0x3FDB];
	s0 =	simm.s32 @p2 $0x1  }
0x17: {  	s4 =	simm.s32 $0x1BF5;
	[smem:$0x3FB8] =	sst s0  }
0x18: {  	s0 =	sld [smem:$0x3F9B];
	_ =	swait.ge [sflag:s4], $0x0  }
0x19: {  	s7 =	sld [smem:$0x3F9C]  }
0x1a: {  	s8 =	sadd.s32 $0xFFFFE003, lr  }
0x1b: {  	s9 =	sadd.s32 $0xFFFFFEF7, lr;
	s5 =	simm.s32 $0xFFFFFFFF;
	p2 =	slt.u32 s8, $0xFFFFF086  }
0x1c: {  	p1 =	slt.u32 s9, $0xF7A;
	s5 =	simm.s32 @!p2 $0x0  }
0x1d: {  	s5 =	simm.s32 @p1 $0x1;
	p0 =	seq.s32 s7, s2  }
0x1e: {  	s7 =	smul.u32 @!p0 $0xF7A, s2;
	p2 =	seq.s32 @!p0 s5, $0x0  }
0x1f: {  	s9 =	smul.u32 $0xF7A, s1;
	s8 =	simm.s32 @!p0 $0x1BF5;
	p2 =	por !p2, p0  }
0x20: {  	[sflag:s8] =	ssyncset.s32 @!p0 $0xFFFFF086;
	s6 =	sadd.s32 @!p0 s3, s7;
	s7 =	simm.s32 @!p0 $0x108  }
0x21: {  	s3 =	sadd.s32 s3, s9;
	s6 =	sadd.s32 @!p0 $0x88, s6;
	s7 =	simm.s32 @p2 $0x1082  }
0x22: {  	[simem:s7], [sflag:s8] =	dma.local @!p0 [hbm:s6], $0xF7A  }
0x23: {  	s9 =	sor.u32 $0xD0000000, s2;
	s6 =	simm.s32 $0x108;
	_ =	swait.ge @!p0 [sflag:s8], $0x0  }
0x24: {  	s3 =	sadd.s32 $0x88, s3;
	s6 =	simm.s32 @!p1 $0x1082;
	[sflag:s4] =	ssyncset.s32 $0xFFFFF086  }
0x25: {  	[simem:s6], [sflag:s4] =	dma.local [hbm:s3], $0xF7A  }
0x26: {  	[smem:$0x3F9C] =	sst s1;
	(tag) =	ssettag s2;
	_ =	strace s9  }
0x27: {  	s1 =	sld [smem:$0x3FAC]  }
0x28: {  	s2 =	sld [smem:$0x3FAD]  }
0x29: {  	s4 =	sld [smem:$0x3FAF]  }
0x2a: {  	p0 =	seq.s32 s5, $0x0;
	s5 =	sld [smem:$0x3FB0]  }
0x2b: {  	s6 =	sld [smem:$0x3FB1]  }
0x2c: {  	s7 =	sld [smem:$0x3FB2]  }
0x2d: {  	s3 =	simm.s32 $0x108;
	s8 =	sld [smem:$0x3FB3]  }
0x2e: {  	s3 =	simm.s32 @!p0 $0x1082;
	s9 =	sld [smem:$0x3FB4]  }
0x2f: {  	lr =	sadd.s32 s0, s3;
	s0 =	sld [smem:$0x3FAB]  }
0x30: {  	s3 =	sld [smem:$0x3FAE]  }
0x31: {  	[smem:$0x3FB7] =	sst s10  }
0x32: {  	s10 =	sld [smem:$0x3FB5];
	_ =	sdelay $0x3  }
0x33: {  	p0 =	seq.s32 s10, $0x1;
	s10 =	sld [smem:$0x3FB7];
	_ =	sdelay $0x3  }
0x34: {  	[smem:$0x3FB7] =	sst s10  }
0x35: {  	s10 =	sld [smem:$0x3FB6];
	_ =	sdelay $0x3  }
0x36: {  	p1 =	seq.s32 s10, $0x1;
	s10 =	sld [smem:$0x3FB7];
	_ =	sdelay $0x3  }
0x37: {  	[smem:$0x3FB7] =	sst s10  }
0x38: {  	s10 =	sld [smem:$0x3FB8]  }
0x39: {  	_ = 	snop;
	(pc) =	sbr.ind lr, $3  }
0x3a: {  	_ = 	snop  }
0x3b: {  	_ = 	snop  }
0x3c: {  	p2 =	seq.s32 s10, $0x1;
	s10 =	sld [smem:$0x3FB7]  }
0x3d: {  	_ =	shalt  }
0x3e: {  	_ =	shalt  }
0x3f: {  	_ =	shalt  }
0x40: {  	_ =	shalt  }
0x41: {  	_ =	shalt  }
0x42: {  	_ =	shalt  }
0x43: {  	_ =	shalt  }
0x44: {  	_ =	shalt  }
0x45: {  	_ =	shalt  }
0x46: {  	_ =	shalt  }
0x47: {  	_ =	shalt  }
0x48: {  	_ =	shalt  }
0x49: {  	_ =	shalt  }
0x4a: {  	_ =	shalt  }
0x4b: {  	_ =	shalt  }
0x4c: {  	_ =	shalt  }
0x4d: {  	_ =	shalt  }
0x4e: {  	_ =	shalt  }
0x4f: {  	_ =	shalt  }
0x50: {  	_ =	shalt  }
0x51: {  	_ =	shalt  }
0x52: {  	_ =	shalt  }
0x53: {  	_ =	shalt  }
0x54: {  	_ =	shalt  }
0x55: {  	_ =	shalt  }
0x56: {  	_ =	shalt  }
0x57: {  	_ =	shalt  }
0x58: {  	_ =	shalt  }
0x59: {  	_ =	shalt  }
0x5a: {  	_ =	shalt  }
0x5b: {  	_ =	shalt  }
0x5c: {  	_ =	shalt  }
0x5d: {  	_ =	shalt  }
0x5e: {  	_ =	shalt  }
0x5f: {  	_ =	shalt  }
0x60: {  	_ =	shalt  }
0x61: {  	_ =	shalt  }
0x62: {  	_ =	shalt  }
0x63: {  	_ =	shalt  }
0x64: {  	_ =	shalt  }
0x65: {  	_ =	shalt  }
0x66: {  	_ =	shalt  }
0x67: {  	_ =	shalt  }
0x68: {  	_ =	shalt  }
0x69: {  	_ =	shalt  }
0x6a: {  	_ =	shalt  }
0x6b: {  	_ =	shalt  }
0x6c: {  	_ =	shalt  }
0x6d: {  	_ =	shalt  }
0x6e: {  	_ =	shalt  }
0x6f: {  	_ =	shalt  }
0x70: {  	_ =	shalt  }
0x71: {  	_ =	shalt  }
0x72: {  	_ =	shalt  }
0x73: {  	_ =	shalt  }
0x74: {  	_ =	shalt  }
0x75: {  	_ =	shalt  }
0x76: {  	_ =	shalt  }
0x77: {  	_ =	shalt  }
0x78: {  	_ =	shalt  }
0x79: {  	_ =	shalt  }
0x7a: {  	_ =	shalt  }
0x7b: {  	_ =	shalt  }
0x7c: {  	_ =	shalt  }
0x7d: {  	_ =	shalt  }
0x7e: {  	_ =	shalt  }
0x7f: {  	_ =	shalt  }
0x80: {  	_ =	shalt  }
0x81: {  	_ =	shalt  }
0x82: {  	_ =	shalt  }
0x83: {  	_ =	shalt  }
0x84: {  	_ =	shalt  }
0x85: {  	_ =	shalt  }
0x86: {  	_ =	shalt  }
0x87: {  	_ =	shalt  }
.Lfunc_end0:
.L_simem_size_0:
called_computation_lowered:
.L_overlay_start_0:
0x88: {  	s2 =	sld [smem:$0x3FD9]  }
0x89: {  	s3 =	sld [smem:$0x3FFE];
	_ =	sdelay $0x1  }
0x8a: {  	s1 =	srdreg.scid  }
0x8b: {  	s0 =	sand.u32 $0x1, s1  }
0x8c: {  	s16 =	sshll.u32 s0, $0xA;
	s2 =	sadd.s32 s3, s2  }
0x8d: {  	s2 =	sadd.s32 s2, s16  }
0x8e: {  	[smem:$0x3FC3] =	sst s2  }
0x8f: {  	_ = 	snop  }
0x90: {  	(tm) =	ssettm $0x1  }
0x91: {  	s17 =	sld [smem:$0x3FFB];
	_ =	sdelay $0x3  }
0x92: {  	_ =	strace s17  }
0x93: {  	s2 =	sld [smem:$0x3FFC];
	_ =	sdelay $0x3  }
0x94: {  	_ =	strace s2  }
0x95: {  	s2 =	sld [smem:$0x3FFD];
	_ =	sdelay $0x3  }
0x96: {  	_ =	strace s2  }
0x97: {  	_ =	strace $0x8FFFFFFF  }
0x98: {  	s18 =	sld [smem:$0x3FDB];
	_ =	sdelay $0x1  }
0x99: {  	s19 =	simm.s32 $_scs_section_size  }
0x9a: {  	s4 =	simm.s32 $_size__tile_overlayer_lowered;
	s5 =	simm.s32 $_tile_overlayer_lowered  }
0x9b: {  	s22 =	simm.s32 $0x1BFF;
	s21 =	sshll.u32 s5, $0x1;
	s2 =	sadd.s32 s19, s18  }
0x9c: {  	s6 =	simm.s32 $0x0;
	s20 =	sshll.u32 s4, $0x1;
	s4 =	sadd.s32 s21, s2  }
0x9d: {  	[timem:s6], [sflag:s22] =	dma.local [hbm:s4], s20  }
0x9e: {  	_ =	swait.ge [sflag:s22], s20  }
0x9f: {  	s3 =	ssub.s32 $0x0, s20;
	[sflag:s22] =	ssyncset.done $0x0  }
0xa0: {  	[sflag:s22] =	ssyncadd.s32 s3;
	_ =	sdelay $0x1  }
0xa1: {  	s23 =	simm.s32 $0x1B8B  }
0xa2: {  	_ =	swait.ge [sflag:s23], $0x1  }
0xa3: {  	[sflag:s23] =	ssyncset.done $0x0  }
0xa4: {  	s25 =	simm.s32 $0x1B8E;
	s24 =	sld [smem:$0x3FFE];
	[sflag:s23] =	ssyncadd.s32 $0xFFFFFFFF  }
0xa5: {  	s26 =	simm.s32 $execute0_lowered;
	[smem:$0x3FD2] =	sst s25  }
0xa6: {  	s4 =	sshll.u32 s26, $0x1;
	_ =	strace $0x80000049;
	[dreg:$0x1] =	wrdreg $0xFFFFFFFF  }
0xa7: {  	s28 =	simm.s32 $_size_execute0_lowered;
	s2 =	sadd.s32 s2, s4;
	[dreg:$0x0] =	wrdreg $0x0  }
0xa8: {  	s4 =	sshll.u32 s28, $0x1;
	[dreg:$0x2] =	wrdreg s2  }
0xa9: {  	[dreg:$0x3] =	wrdreg s4  }
0xaa: {  	[dreg:$0x4] =	wrdreg $0xC0  }
0xab: {  	_ =	task [dreg:s6], $0x5FFFF  }
0xac: {  	[dreg:$0x1] =	wrdreg $0xFFFFFFFF  }
0xad: {  	[dreg:$0x0] =	wrdreg $0x60  }
0xae: {  	[dreg:$0x2] =	wrdreg s24  }
0xaf: {  	[dreg:$0x3] =	wrdreg $0x9  }
0xb0: {  	_ =	task.clear_ibuf [dreg:s6], $0x4FFFF;
	_ =	strace $0x90000049  }
0xb1: {  	s29 =	simm.s32 $0x9;
	_ =	strace $0x8000004B  }
0xb2: {  	_ =	swait.ge [sflag:s29], $0x1  }
0xb3: {  	[sflag:s29] =	ssyncadd.s32 $0xFFFFFFFF  }
0xb4: {  	_ =	strace $0x9000004B  }
0xb5: {  	_ =	sfence  }
0xb6: {  	s30 =	sld [smem:$0x0];
	_ =	sdelay $0x2  }
0xb7: {  	s31 =	sshll.u32 s1, $0xD;
	s1 =	sshrl.u32 s1, $0x2  }
0xb8: {  	s3 =	sand.u32 $0x4000, s31;
	s1 =	sadd.s32 s1, s30  }
0xb9: {  	s0 =	sor.u32 s3, s0;
	s1 =	sshll.u32 s1, $0x11  }
0xba: {  	s0 =	sor.u32 s1, s0  }
0xbb: {  	s0 =	sadd.s32 $0x8F2B, s0  }
0xbc: {  	[sflag:s0] =	ssyncadd.remote.s32 $0x1  }
0xbd: {  	_ =	sfence.sel $0xFFFF  }
0xbe: {  	[dreg:$0x0] =	wrdreg $0xFFFFFFFF;
	(pc) =	sbr.abs _section_cstart, $3  }
0xbf: {  	[dreg:$0x1] =	wrdreg $0xFFFFFFFF  }
0xc0: {  	_ =	task.clear_ibuf [dreg:s6], $0x2FFFF;
	_ =	strace $0x9FFFFFFF  }
0xc1: {  	(tm) =	ssettm $0x7FFFFFFF  }
tec
execute0_lowered:
.L_overlay_start_1:
0x0: {  	(tag) =	ssettag $0x1  }
0x1: {  	s0 =	srdreg.scid  }
0x2: {  	s1 =	sshll.u32 s0, $0x4  }
0x3: {  	s0 =	stileid.u32;
	s1 =	sand.u32 $0x10, s1  }
0x4: {  	s1 =	sor.u32 s0, s1  }
0x5: {  	s9 =	rddreg [dreg:$0x0];
	s6 =	simm.s32 $0x1;
	s2 =	smin.u32 s1, $0x4  }
0x6: {  	p0 =	slt.u32 s1, $0x4;
	s2 =	sadd.s32 s1, s2;
	s1 =	simm.s32 $0x200  }
0x7: {  	s7 =	simm.s32 $0x2;
	s2 =	sshll.u32 s2, $0x8;
	s1 =	simm.s32 @!p0 $0x100  }
0x8: {  	s10 =	simm.s32 $0x3;
	s13 =	simm.s32 $0x0;
	s3 =	sadd.s32 s1, s2  }
0x9: {  	s12 =	simm.s32 $0x0;
	s4 =	sadd.s32 $0x89C00, s9;
	s3 =	smin.u32 s3, $0x2400  }
.Ltmp0:
0xa: {  	s5 =	sadd.s32 $0xE00, s9;
	s8 =	ssub.s32 s3, s2;
	(pc) =	sbr.rel .LBB2_1-.Ltmp0, $4  }
0xb: {  	s1 =	rddreg [dreg:$0x1];
	_ =	strace $0x8000004A;
	p0 =	sgt.s32 s8, $0x0  }
0xc: {  	s9 =	sadd.s32 $0x1400, s9;
	[sflag:s6] =	ssyncpa.u1 $0x0;
	s8 =	simm.s32 @!p0 $0x0  }
0xd: {  	s11 =	smov.u32 s2;
	[sflag:s7] =	ssyncpa.u1 $0x0;
	s8 =	sshrl.u32 s8, $0x8  }
0xe: {  	vm0 =	vmmov $0xff;
	vm1 =	vcmask $0x3F20;
	[sflag:s10] =	ssyncpa.u1 $0x0;
	p0 =	por $0x0, $0x0;
	s10 =	sadd.s32 $0x1, s8  }
.LBB2_6:
0xf: {  	[hbm:s17] =	stream.linear.scatter [tilespmem:s14], [sflag:$0x3], $0x400, $0x38;
	[tilespmem:$0x10200] =	vst v63  }
.LBB2_7:
0x10: {  	s13 =	sadd.s32 $0x100, s11  }
0x11: {  	s15 =	smov.u32 s2;
	p2 =	slt.s32 s13, s3  }
0x12: {  	s15 =	smov.u32 @p2 s13;
	p2 =	sne.s32 s12, s10  }
.Ltmp1:
0x13: {  	p1 =	slt.u32 s12, $0x2;
	(pc) =	sbr.rel @!p2 .LBB2_8-.Ltmp1, $4  }
0x14: {  	s14 =	simm.s32 @!p1 $0x3  }
0x15: {  	s16 =	sadd.s32 $0x1, s12;
	_ =	swait.ge @!p1 [sflag:s14], $0x8000  }
0x16: {  	p0 =	por !p0, !p0;
	s13 =	smov.u32 s11;
	[sflag:s14] =	ssyncset.done @!p1 $0x0  }
0x17: {  	s12 =	smov.u32 s16;
	s11 =	smov.u32 s15;
	[sflag:s14] =	ssyncadd.s32 @!p1 $0xFFFF8000  }
.LBB2_1:
0x18: {  	p1 =	sge.u32 s12, s8  }
0x19: {  	s14 =	sxor.u32 @!p1 $0xFFFFFFFF, s12  }
0x1a: {  	s31 =	sadd.s32 $0xFFFFFFFF, s12;
	s15 =	sshrl.u32 @!p1 s11, $0x3;
	s14 =	sshll.u32 @!p1 s14, $0x8  }
0x1b: {  	s16 =	sand.u32 @!p1 $0x7, s11;
	s15 =	sadd.s32 @!p1 s5, s15;
	s14 =	sand.u32 @!p1 $0x100, s14  }
0x1c: {  	[tilespmem:s14], [sflag:$0x2] =	stream.linear.gather @!p1 [hbm4b:s15+s16], $0x100, $0x38;
	[tilespmem:$0x10200] =	vst v63  }
0x1d: {  	p1 =	sge.u32 s31, s8  }
.Ltmp2:
0x1e: {  	_ = 	snop;
	(pc) =	sbr.rel @p1 .LBB2_7-.Ltmp2, $1  }
0x1f: {  	_ =	sdelay $0x3  }
0x20: {  	s14 =	simm.s32 $0x1  }
0x21: {  	_ =	swait.ge [sflag:s7], $0x100;
	s14 =	simm.s32 @!p0 $0x0  }
0x22: {  	[sflag:s7] =	ssyncset.done $0x0;
	s16 =	sshll.u32 s14, $0x8  }
0x23: {  	[sflag:s7] =	ssyncadd.s32 $0xFFFFFF00;
	s15 =	sadd.s32 $0x0, s16  }
0x24: {  	v0 =	vld.msk [tilespmem:s15+$0x0 ss:$0x1], $0xffff;
	_ =	sdelay $0x4  }
0x25: {  	vm2 =	vgt.s32 v0, $0x0  }
0x26: {  	v0 =	vnsel vm2, $0x0, v0  }
0x27: {  	v0 =	vmin.u32 v0, $0x221B  }
0x28: {  	v0 =	vshll.u32 v0, $0x4;
	_ =	sdelay $0x2  }
0x29: {  	s14 =	sshll.u32 s14, $0xF  }
0x2a: {  	s14 =	sor.u32 $0x200, s14  }
0x2b: {  	[tilespmem:s14], [sflag:$0x1] =	stream.indirect_vreg.gather [hbm:s4], $0x80, v0, vm0, $0x38;
	[tilespmem:$0x10200] =	vst v63  }
0x2c: {  	s17 =	sadd.s32 $0x10, s16;
	s15 =	sadd.s32 $0x400, s14  }
0x2d: {  	[tilespmem:s15], [sflag:$0x1] =	stream.indirect_vreg.gather [hbm:s4], $0x80, v0, vm1, $0x38;
	[tilespmem:$0x10200] =	vst v63  }
0x2e: {  	s18 =	simm.s32 $0x80;
	v0 =	vld.msk [tilespmem:s17+$0x0 ss:$0x1], $0xffff;
	s17 =	smov.u32 s14  }
.LBB2_3:
0x2f: {  	p1 =	sne.s32 s18, $0x3C0;
	_ =	sdelay $0x4  }
0x30: {  	vm2 =	vgt.s32 v0, $0x0  }
0x31: {  	v0 =	vnsel vm2, $0x0, v0  }
0x32: {  	v0 =	vmin.u32 v0, $0x221B  }
0x33: {  	v0 =	vshll.u32 v0, $0x4;
	_ =	sdelay $0x3  }
.Ltmp3:
0x34: {  	s19 =	sshra.s32 s18, $0x2;
	s17 =	sadd.s32 $0x800, s17;
	(pc) =	sbr.rel @p1 .LBB2_3-.Ltmp3, $4  }
0x35: {  	[tilespmem:s17], [sflag:$0x1] =	stream.indirect_vreg.gather [hbm:s4], $0x80, v0, vm0, $0x38;
	[tilespmem:$0x10200] =	vst v63  }
0x36: {  	s19 =	sadd.s32 s19, s16;
	s20 =	sadd.s32 $0x400, s17  }
0x37: {  	[tilespmem:s20], [sflag:$0x1] =	stream.indirect_vreg.gather [hbm:s4], $0x80, v0, vm1, $0x38;
	[tilespmem:$0x10200] =	vst v63  }
0x38: {  	s18 =	sadd.s32 $0x40, s18;
	v0 =	vld.msk [tilespmem:s19+$0x0 ss:$0x1], $0xffff  }
0x39: {  	_ =	sdelay $0x3  }
0x3a: {  	vm2 =	vgt.s32 v0, $0x0  }
0x3b: {  	v0 =	vnsel vm2, $0x0, v0  }
0x3c: {  	v0 =	vmin.u32 v0, $0x221B  }
0x3d: {  	v0 =	vshll.u32 v0, $0x4;
	_ =	sdelay $0x3  }
0x3e: {  	s16 =	sadd.s32 $0x800, s17  }
0x3f: {  	[tilespmem:s16], [sflag:$0x1] =	stream.indirect_vreg.gather [hbm:s4], $0x80, v0, vm0, $0x38;
	[tilespmem:$0x10200] =	vst v63  }
0x40: {  	s16 =	sadd.s32 $0x400, s16  }
0x41: {  	[tilespmem:s16], [sflag:$0x1] =	stream.indirect_vreg.gather [hbm:s4], $0x80, v0, vm1, $0x38;
	[tilespmem:$0x10200] =	vst v63  }
0x42: {  	s13 =	sshll.u32 s13, $0x4;
	_ =	swait.ge [sflag:s6], $0x8000  }
0x43: {  	s13 =	sadd.s32 s13, s9;
	[sflag:s6] =	ssyncset.done $0x0  }
0x44: {  	s17 =	sadd.s32 $0x0, s13;
	s16 =	simm.s32 $0x80;
	[sflag:s6] =	ssyncadd.s32 $0xFFFF8000  }
.LBB2_5:
0x45: {  	[hbm:s17] =	stream.linear.scatter [tilespmem:s14], [sflag:$0x3], $0x400, $0x38;
	[tilespmem:$0x10200] =	vst v63  }
0x46: {  	s17 =	smov.u32 s16;
	s14 =	smov.u32 s15;
	p1 =	sne.s32 s16, $0xF80  }
.Ltmp4:
0x47: {  	s16 =	sadd.s32 $0x80, s16;
	(pc) =	sbr.rel @p1 .LBB2_5-.Ltmp4, $2  }
0x48: {  	_ =	sdelay $0x2  }
0x49: {  	s15 =	sadd.s32 $0x400, s15;
	s17 =	sadd.s32 s17, s13  }
.Ltmp5:
0x4a: {  	_ = 	snop;
	(pc) =	sbr.rel .LBB2_6-.Ltmp5, $1  }
0x4b: {  	_ =	sdelay $0x3  }
.LBB2_8:
0x4c: {  	_ =	sfence.sel $0x180000  }
0x4d: {  	s2 =	simm.s32 $0x2;
	[bflag:$0x0] =	sbarrier.arrive $0xFFFF  }
0x4e: {  	s30 =	simm.s32 $0x3;
	[sflag:s2] =	ssyncpa.u1 $0x1  }
0x4f: {  	s31 =	simm.s32 $0x1;
	[sflag:s30] =	ssyncpa.u1 $0x1  }
0x50: {  	[sflag:s31] =	ssyncpa.u1 $0x1  }
0x51: {  	p0 =	sne.s32 s0, $0x0;
	_ =	strace $0x9000004A  }
0x52: {  	s0 =	sadd.s32 @!p0 $0x100000, s1;
	[bflag:$0x2] =	sbarrier.arrive $0xFFFF  }
0x53: {  	[sflag:s0] =	ssyncadd.tile.s32 @!p0 $0x1;
	_ =	shalt  }
.Lfunc_end2:
_tile_overlayer_lowered:
.L_overlay_start_2:
0x54: {  	(tag) =	ssettag $0x2  }
0x55: {  	s0 =	rddreg [dreg:$0x0];
	s2 =	stileid.u32  }
0x56: {  	s1 =	rddreg [dreg:$0x1];
	p0 =	sne.s32 s2, $0x0  }
0x57: {  	s3 =	rddreg [dreg:$0x2];
	[bflag:$0x3] =	sbarrier.arrive $0xFFFF;
	s2 =	simm.s32 @!p0 $0x1C01  }
0x58: {  	[timem:s3], [sflag:s2] =	dma.local @!p0 [hbm:s0], s1  }
0x59: {  	s0 =	simm.s32 @!p0 $0x1  }
0x5a: {  	_ =	swait.ge @!p0 [sflag:s0], s1  }
0x5b: {  	s1 =	ssub.s32 @!p0 $0x0, s1;
	[sflag:s0] =	ssyncset.done @!p0 $0x0  }
0x5c: {  	[sflag:s0] =	ssyncadd.s32 @!p0 s1  }
0x5d: {  	[bflag:$0x3] =	sbarrier.arrive $0xFFFF  }
0x5e: {  	_ =	shalt  }

</sc_bundles>
